<compile_context>
chip_gen: v7x
topology: tpu7x:2x2x1
jax: 0.10.2.dev20260603
libtpu: 0.0.44.dev20260713+nightly
codegen_flags: <defaults>
</compile_context>

<pallas_src>
import functools

import jax
import jax.numpy as jnp
from jax import lax
from jax.experimental import pallas as pl
from jax.experimental.pallas import tpu as pltpu
from jax.experimental.pallas import tpu_sc as plsc

D_ITEM = 64
D_GEO = 32
NC, NS = 2, 16
NW = NC * NS
CHUNK = 800

_mesh = plsc.VectorSubcoreMesh(core_axis_name="c", subcore_axis_name="s")


def _sc_a_body(n_total, ids_hbm, item_t, gr, g5, g7,
               item_o, rid_o, l5id_o, l7id_o,
               ids_v, rid_v, l5id_v, l7id_v, item_v, sem, rowsem):
    per_w = n_total // NW
    nch = per_w // CHUNK
    wid = lax.axis_index("s") * NC + lax.axis_index("c")
    base = wid * per_w

    def body(ch, carry):
        off = pl.multiple_of(base + ch * CHUNK, CHUNK)
        pltpu.sync_copy(ids_hbm.at[pl.ds(off, CHUNK)], ids_v)
        c1 = pltpu.async_copy(gr.at[ids_v], rid_v, sem)
        c2 = pltpu.async_copy(g5.at[ids_v], l5id_v, sem)
        c3 = pltpu.async_copy(g7.at[ids_v], l7id_v, sem)

        def item16(gi, carry2):
            g0 = gi * 16
            v = ids_v[pl.ds(g0, 16)]
            for j in range(16):
                pltpu.async_copy(item_t.at[v[j]],
                                 item_v.at[g0 + j, pl.ds(0, D_ITEM)], rowsem)
            return carry2

        lax.fori_loop(0, CHUNK // 16, item16, 0)
        c1.wait()
        c2.wait()
        c3.wait()
        zero = jnp.zeros((16,), jnp.int32)
        for i in range(CHUNK // 16):
            sl = pl.ds(i * 16, 16)
            m = ids_v[sl] != 0
            rid_v[sl] = jnp.where(m, rid_v[sl], zero)
            l5id_v[sl] = jnp.where(m, l5id_v[sl], zero)
            l7id_v[sl] = jnp.where(m, l7id_v[sl], zero)
        pltpu.sync_copy(rid_v, rid_o.at[pl.ds(off, CHUNK)])
        pltpu.sync_copy(l5id_v, l5id_o.at[pl.ds(off, CHUNK)])
        pltpu.sync_copy(l7id_v, l7id_o.at[pl.ds(off, CHUNK)])
        pltpu.make_async_copy(
            item_o.at[pl.ds(0, CHUNK // 2)], item_v.at[pl.ds(0, CHUNK // 2)],
            rowsem).wait()
        pltpu.sync_copy(item_v, item_o.at[pl.ds(off, CHUNK)])
        return carry

    lax.fori_loop(0, nch, body, 0)


def _sc_b_body(n_total, rid_hbm, l5id_hbm, l7id_hbm, reg_t, l5_t, l7_t,
               geo_o, rid_v, l5id_v, l7id_v, geo_v, rowsem):
    per_w = n_total // NW
    nch = per_w // CHUNK
    wid = lax.axis_index("s") * NC + lax.axis_index("c")
    base = wid * per_w

    def body(ch, carry):
        off = pl.multiple_of(base + ch * CHUNK, CHUNK)
        pltpu.sync_copy(rid_hbm.at[pl.ds(off, CHUNK)], rid_v)
        pltpu.sync_copy(l5id_hbm.at[pl.ds(off, CHUNK)], l5id_v)
        pltpu.sync_copy(l7id_hbm.at[pl.ds(off, CHUNK)], l7id_v)

        def geo16(gi, carry2):
            g0 = gi * 16
            vr = rid_v[pl.ds(g0, 16)]
            v5 = l5id_v[pl.ds(g0, 16)]
            v7 = l7id_v[pl.ds(g0, 16)]
            for j in range(16):
                g = g0 + j
                pltpu.async_copy(reg_t.at[vr[j]],
                                 geo_v.at[g, pl.ds(0, D_GEO)], rowsem)
                pltpu.async_copy(l5_t.at[v5[j]],
                                 geo_v.at[g, pl.ds(D_GEO, D_GEO)], rowsem)
                pltpu.async_copy(l7_t.at[v7[j]],
                                 geo_v.at[g, pl.ds(2 * D_GEO, D_GEO)], rowsem)
            return carry2

        lax.fori_loop(0, CHUNK // 16, geo16, 0)
        pltpu.make_async_copy(
            geo_o.at[pl.ds(0, 3 * CHUNK // 4)],
            geo_v.at[pl.ds(0, 3 * CHUNK // 4)], rowsem).wait()
        pltpu.sync_copy(geo_v, geo_o.at[pl.ds(off, CHUNK)])
        return carry

    lax.fori_loop(0, nch, body, 0)


def _tc_body(item_ref, geo_ref, w1_ref, w2_ref, w3_ref,
             gam_ref, bet_ref, out_ref):
    item = item_ref[:, 0:D_ITEM]
    geo = geo_ref[...]
    reg = geo[:, 0:D_GEO]
    l5 = geo[:, D_GEO:2 * D_GEO]
    l7 = geo[:, 2 * D_GEO:3 * D_GEO]
    h = jnp.dot(reg, w1_ref[...], preferred_element_type=jnp.float32)
    h = h + jnp.dot(l5, w2_ref[...], preferred_element_type=jnp.float32)
    h = h + jnp.dot(l7, w3_ref[...], preferred_element_type=jnp.float32)
    mu = jnp.mean(h, axis=-1, keepdims=True)
    d = h - mu
    var = jnp.mean(d * d, axis=-1, keepdims=True)
    y = d * lax.rsqrt(var + 1e-5) * gam_ref[...] + bet_ref[...]
    res = item + y
    out_ref[...] = res.reshape(out_ref.shape)


def kernel(item_ids, item_table, region_table, l5_table, l7_table,
           geo_region_ids, geo_l5_ids, geo_l7_ids, W, gamma, beta):
    b, l = item_ids.shape
    n = b * l
    ids_flat = item_ids.reshape(n).astype(jnp.int32)
    gr = geo_region_ids.astype(jnp.int32)
    g5 = geo_l5_ids.astype(jnp.int32)
    g7 = geo_l7_ids.astype(jnp.int32)

    sc_a = pl.kernel(
        functools.partial(_sc_a_body, n),
        out_type=(
            jax.ShapeDtypeStruct((n, 128), jnp.float32),
            jax.ShapeDtypeStruct((n,), jnp.int32),
            jax.ShapeDtypeStruct((n,), jnp.int32),
            jax.ShapeDtypeStruct((n,), jnp.int32),
        ),
        mesh=_mesh,
        scratch_types=(
            pltpu.VMEM((CHUNK,), jnp.int32),
            pltpu.VMEM((CHUNK,), jnp.int32),
            pltpu.VMEM((CHUNK,), jnp.int32),
            pltpu.VMEM((CHUNK,), jnp.int32),
            pltpu.VMEM((CHUNK, 128), jnp.float32),
            pltpu.SemaphoreType.DMA,
            pltpu.SemaphoreType.DMA,
        ),
    )
    item_e, rid_e, l5id_e, l7id_e = sc_a(ids_flat, item_table, gr, g5, g7)

    sc_b = pl.kernel(
        functools.partial(_sc_b_body, n),
        out_type=(jax.ShapeDtypeStruct((n, 128), jnp.float32),),
        mesh=_mesh,
        scratch_types=(
            pltpu.VMEM((CHUNK,), jnp.int32),
            pltpu.VMEM((CHUNK,), jnp.int32),
            pltpu.VMEM((CHUNK,), jnp.int32),
            pltpu.VMEM((CHUNK, 128), jnp.float32),
            pltpu.SemaphoreType.DMA,
        ),
    )
    (geo_e,) = sc_b(rid_e, l5id_e, l7id_e, region_table, l5_table, l7_table)

    w1t = W[:, 0:D_GEO].T
    w2t = W[:, D_GEO:2 * D_GEO].T
    w3t = W[:, 2 * D_GEO:3 * D_GEO].T
    gam2 = gamma.reshape(1, D_ITEM)
    bet2 = beta.reshape(1, D_ITEM)

    blk = 6400
    grid = (n // blk,)
    full_spec = lambda r, c: pl.BlockSpec((r, c), lambda i: (0, 0))
    out = pl.pallas_call(
        _tc_body,
        grid=grid,
        in_specs=[
            pl.BlockSpec((blk, 128), lambda i: (i, 0)),
            pl.BlockSpec((blk, 128), lambda i: (i, 0)),
            full_spec(D_GEO, D_ITEM),
            full_spec(D_GEO, D_ITEM),
            full_spec(D_GEO, D_ITEM),
            full_spec(1, D_ITEM),
            full_spec(1, D_ITEM),
        ],
        out_specs=pl.BlockSpec((blk // l, l, D_ITEM), lambda i: (i, 0, 0)),
        out_shape=jax.ShapeDtypeStruct((b, l, D_ITEM), jnp.float32),
    )(item_e, geo_e, w1t, w2t, w3t, gam2, bet2)
    return out

# --- scband reference (transcript-rebuilt; emitter-appended) ---
"""Pipeline reference for scband-geo-aware-embedding-module-77369540870473 (READ-ONLY COPY).

The authoritative reference and input builder live on the scoring server;
editing this copy changes nothing except your own understanding.
"""

import jax, jax.numpy as jnp
import numpy as np

NUM_ITEMS = 1000000
D_ITEM = 64
D_GEO = 32
N_REG = 1000
N_L5 = 100000
N_L7 = 1000000
B = 4096
L = 50


def setup_inputs(seed: int = 0) -> dict:
    key = jax.random.key(seed)
    ks = jax.random.split(key, 12)
    item_ids = jax.random.randint(ks[0], (B, L), 0, NUM_ITEMS + 1, dtype=jnp.int64 if jax.config.jax_enable_x64 else jnp.int32)
    item_table = (jax.random.normal(ks[1], (NUM_ITEMS + 1, D_ITEM), jnp.float32) * 0.02).at[0].set(0.0)
    region_table = (jax.random.normal(ks[2], (N_REG + 1, D_GEO), jnp.float32) * 0.02).at[0].set(0.0)
    l5_table = (jax.random.normal(ks[3], (N_L5 + 1, D_GEO), jnp.float32) * 0.02).at[0].set(0.0)
    l7_table = (jax.random.normal(ks[4], (N_L7 + 1, D_GEO), jnp.float32) * 0.02).at[0].set(0.0)
    geo_region_ids = jax.random.randint(ks[5], (NUM_ITEMS + 1,), 0, N_REG + 1)
    geo_l5_ids = jax.random.randint(ks[6], (NUM_ITEMS + 1,), 0, N_L5 + 1)
    geo_l7_ids = jax.random.randint(ks[7], (NUM_ITEMS + 1,), 0, N_L7 + 1)
    fan_in, fan_out = 3 * D_GEO, D_ITEM
    bound = float(np.sqrt(6.0 / (fan_in + fan_out)))
    W = jax.random.uniform(ks[8], (D_ITEM, 3 * D_GEO), jnp.float32, -bound, bound)  # torch Linear weight [out, in]
    gamma = jnp.ones((D_ITEM,), jnp.float32)
    beta = jnp.zeros((D_ITEM,), jnp.float32)
    return {
        "item_ids": item_ids,
        "item_table": item_table,
        "region_table": region_table,
        "l5_table": l5_table,
        "l7_table": l7_table,
        "geo_region_ids": geo_region_ids,
        "geo_l5_ids": geo_l5_ids,
        "geo_l7_ids": geo_l7_ids,
        "W": W,
        "gamma": gamma,
        "beta": beta,
    }


def reference(item_ids, item_table, region_table, l5_table, l7_table,
              geo_region_ids, geo_l5_ids, geo_l7_ids, W, gamma, beta):
    # item embedding lookup
    item_emb = jnp.take(item_table, item_ids, axis=0)
    # _safe_geo_lookup: clamp item_ids into buffer range, then gather geo ids
    n_buf = geo_region_ids.shape[0]
    safe_ids = jnp.clip(item_ids, 0, n_buf - 1)
    region_ids = jnp.take(geo_region_ids, safe_ids, axis=0)
    cell_l5_ids = jnp.take(geo_l5_ids, jnp.clip(item_ids, 0, geo_l5_ids.shape[0] - 1), axis=0)
    cell_l7_ids = jnp.take(geo_l7_ids, jnp.clip(item_ids, 0, geo_l7_ids.shape[0] - 1), axis=0)
    # clamp geo ids into their embedding-table ranges
    region_ids = jnp.clip(region_ids, 0, region_table.shape[0] - 1)
    cell_l5_ids = jnp.clip(cell_l5_ids, 0, l5_table.shape[0] - 1)
    cell_l7_ids = jnp.clip(cell_l7_ids, 0, l7_table.shape[0] - 1)
    region_emb = jnp.take(region_table, region_ids, axis=0)
    cell_l5_emb = jnp.take(l5_table, cell_l5_ids, axis=0)
    cell_l7_emb = jnp.take(l7_table, cell_l7_ids, axis=0)
    geo_emb = jnp.concatenate([region_emb, cell_l5_emb, cell_l7_emb], axis=-1)
    # Linear(96 -> 64, bias=False)
    h = geo_emb @ W.T
    # LayerNorm(64), eps=1e-5, biased variance (matches torch)
    mu = jnp.mean(h, axis=-1, keepdims=True)
    var = jnp.var(h, axis=-1, keepdims=True)
    geo_delta = (h - mu) / jnp.sqrt(var + 1e-5) * gamma + beta
    mask = (item_ids != 0).astype(geo_delta.dtype)[..., None]
    geo_delta = geo_delta * mask
    return item_emb + geo_delta


if False:  # reference __main__ guard neutralized (emitter)
    out = reference(**setup_inputs())
    print(out.shape, out.dtype)

if __name__ == "__main__":
    import jax
    _d = setup_inputs()
    print(jax.jit(kernel)(*tuple(_d.values())))

</pallas_src>

<mosaic_0001>
#map = affine_map<(d0, d1) -> (0)>
#map1 = affine_map<(d0, d1) -> (0, 0)>
module attributes {stable_mosaic.version = 14 : i64} {
  func.func @_sc_b_body(%arg0: i32, %arg1: i32, %arg2: memref<204800xi32, #tpu.memory_space<hbm>>, %arg3: memref<204800xi32, #tpu.memory_space<hbm>>, %arg4: memref<204800xi32, #tpu.memory_space<hbm>>, %arg5: memref<1001x32xf32, #tpu.memory_space<hbm>>, %arg6: memref<100001x32xf32, #tpu.memory_space<hbm>>, %arg7: memref<1000001x32xf32, #tpu.memory_space<hbm>>, %arg8: memref<204800x128xf32, #tpu.memory_space<hbm>>, %arg9: memref<800xi32, #tpu.memory_space<vmem>>, %arg10: memref<800xi32, #tpu.memory_space<vmem>>, %arg11: memref<800xi32, #tpu.memory_space<vmem>>, %arg12: memref<800x128xf32, #tpu.memory_space<vmem>>, %arg13: memref<!tpu.dma_semaphore, #tpu.memory_space<semaphore_mem>>) attributes {dimension_semantics = [#tpu.dimension_semantics<core_parallel>, #tpu.dimension_semantics<subcore_parallel>], iteration_bounds = array<i64: 2, 16>, scalar_prefetch = 0 : i64, scratch_operands = 5 : i64, tpu.core_type = #tpu.core_type<sc_vector_subcore>, window_params = [{transform_indices = #map}, {transform_indices = #map}, {transform_indices = #map}, {transform_indices = #map1}, {transform_indices = #map1}, {transform_indices = #map1}, {transform_indices = #map1}]} {
    %mul3A = arith.constant 2 : i32
    %mul3A_0 = arith.muli %arg1, %mul3A : i32
    %add3A = arith.addi %mul3A_0, %arg0 : i32
    %mul3A_1 = arith.constant 6400 : i32
    %mul3A_2 = arith.muli %add3A, %mul3A_1 : i32
    %scan3A = arith.constant 0 : i32
    %scan3A_3 = arith.constant 0 : i32
    %scan3A_4 = arith.constant 8 : i32
    %scan3A_5 = arith.addi %scan3A_3, %scan3A_4 : i32
    %scan3A_6 = arith.constant 1 : i32
    scf.for %scan3A_8 = %scan3A_3 to %scan3A_5 step %scan3A_6  : i32 {
      %mul3A_9 = arith.constant 800 : i32
      %mul3A_10 = arith.muli %scan3A_8, %mul3A_9 : i32
      %add3A_11 = arith.addi %mul3A_2, %mul3A_10 : i32
      %multiple_of3A = tpu.assume_multiple %add3A_11, 800 : i32
      "tpu.region"() ({
        %run_scoped3A = tpu.sem_alloc : memref<!tpu.dma_semaphore, #tpu.memory_space<semaphore_mem>>
        %dma_start3A = tpu.memref_slice %arg2[%multiple_of3A] : memref<204800xi32, #tpu.memory_space<hbm>> -> memref<800xi32, #tpu.memory_space<hbm>>
        %dma_start3A_29 = tpu.memref_slice %arg2[%multiple_of3A] : memref<204800xi32, #tpu.memory_space<hbm>> -> memref<800xi32, #tpu.memory_space<hbm>>
        tpu.enqueue_dma source(%dma_start3A_29 : memref<800xi32, #tpu.memory_space<hbm>>) target(%arg9 : memref<800xi32, #tpu.memory_space<vmem>>) target_semaphore(%run_scoped3A : memref<!tpu.dma_semaphore, #tpu.memory_space<semaphore_mem>>)
        %dma_wait3A_30 = tpu.memref_slice %arg2[%multiple_of3A] : memref<204800xi32, #tpu.memory_space<hbm>> -> memref<800xi32, #tpu.memory_space<hbm>>
        %dma_wait3A_31 = tpu.memref_slice %arg2[%multiple_of3A] : memref<204800xi32, #tpu.memory_space<hbm>> -> memref<800xi32, #tpu.memory_space<hbm>>
        tpu.wait_dma2 semaphore(%run_scoped3A : memref<!tpu.dma_semaphore, #tpu.memory_space<semaphore_mem>>) src(%dma_wait3A_31 : memref<800xi32, #tpu.memory_space<hbm>>) dst(%arg9 : memref<800xi32, #tpu.memory_space<vmem>>)
        tpu.yield
      }) : () -> ()
      "tpu.region"() ({
        %run_scoped3A = tpu.sem_alloc : memref<!tpu.dma_semaphore, #tpu.memory_space<semaphore_mem>>
        %dma_start3A = tpu.memref_slice %arg3[%multiple_of3A] : memref<204800xi32, #tpu.memory_space<hbm>> -> memref<800xi32, #tpu.memory_space<hbm>>
        %dma_start3A_29 = tpu.memref_slice %arg3[%multiple_of3A] : memref<204800xi32, #tpu.memory_space<hbm>> -> memref<800xi32, #tpu.memory_space<hbm>>
        tpu.enqueue_dma source(%dma_start3A_29 : memref<800xi32, #tpu.memory_space<hbm>>) target(%arg10 : memref<800xi32, #tpu.memory_space<vmem>>) target_semaphore(%run_scoped3A : memref<!tpu.dma_semaphore, #tpu.memory_space<semaphore_mem>>)
        %dma_wait3A_30 = tpu.memref_slice %arg3[%multiple_of3A] : memref<204800xi32, #tpu.memory_space<hbm>> -> memref<800xi32, #tpu.memory_space<hbm>>
        %dma_wait3A_31 = tpu.memref_slice %arg3[%multiple_of3A] : memref<204800xi32, #tpu.memory_space<hbm>> -> memref<800xi32, #tpu.memory_space<hbm>>
        tpu.wait_dma2 semaphore(%run_scoped3A : memref<!tpu.dma_semaphore, #tpu.memory_space<semaphore_mem>>) src(%dma_wait3A_31 : memref<800xi32, #tpu.memory_space<hbm>>) dst(%arg10 : memref<800xi32, #tpu.memory_space<vmem>>)
        tpu.yield
      }) : () -> ()
      "tpu.region"() ({
        %run_scoped3A = tpu.sem_alloc : memref<!tpu.dma_semaphore, #tpu.memory_space<semaphore_mem>>
        %dma_start3A = tpu.memref_slice %arg4[%multiple_of3A] : memref<204800xi32, #tpu.memory_space<hbm>> -> memref<800xi32, #tpu.memory_space<hbm>>
        %dma_start3A_29 = tpu.memref_slice %arg4[%multiple_of3A] : memref<204800xi32, #tpu.memory_space<hbm>> -> memref<800xi32, #tpu.memory_space<hbm>>
        tpu.enqueue_dma source(%dma_start3A_29 : memref<800xi32, #tpu.memory_space<hbm>>) target(%arg11 : memref<800xi32, #tpu.memory_space<vmem>>) target_semaphore(%run_scoped3A : memref<!tpu.dma_semaphore, #tpu.memory_space<semaphore_mem>>)
        %dma_wait3A_30 = tpu.memref_slice %arg4[%multiple_of3A] : memref<204800xi32, #tpu.memory_space<hbm>> -> memref<800xi32, #tpu.memory_space<hbm>>
        %dma_wait3A_31 = tpu.memref_slice %arg4[%multiple_of3A] : memref<204800xi32, #tpu.memory_space<hbm>> -> memref<800xi32, #tpu.memory_space<hbm>>
        tpu.wait_dma2 semaphore(%run_scoped3A : memref<!tpu.dma_semaphore, #tpu.memory_space<semaphore_mem>>) src(%dma_wait3A_31 : memref<800xi32, #tpu.memory_space<hbm>>) dst(%arg11 : memref<800xi32, #tpu.memory_space<vmem>>)
        tpu.yield
      }) : () -> ()
      %scan3A_12 = arith.constant 0 : i32
      %scan3A_13 = arith.constant 0 : i32
      %scan3A_14 = arith.constant 50 : i32
      %scan3A_15 = arith.addi %scan3A_13, %scan3A_14 : i32
      %scan3A_16 = arith.constant 1 : i32
      scf.for %scan3A_29 = %scan3A_13 to %scan3A_15 step %scan3A_16  : i32 {
        %mul3A_30 = arith.constant 16 : i32
        %mul3A_31 = arith.muli %scan3A_29, %mul3A_30 : i32
        %get3A = arith.index_cast %mul3A_31 : i32 to index
        %get3A_32 = tpu.vector_load %arg9[%get3A] {strides = array<i32>} : memref<800xi32, #tpu.memory_space<vmem>>, vector<16xi32>,
        %get3A_33 = vector.shape_cast %get3A_32 : vector<16xi32> to vector<16xi32>
        %get3A_34 = arith.index_cast %mul3A_31 : i32 to index
        %get3A_35 = tpu.vector_load %arg10[%get3A_34] {strides = array<i32>} : memref<800xi32, #tpu.memory_space<vmem>>, vector<16xi32>,
        %get3A_36 = vector.shape_cast %get3A_35 : vector<16xi32> to vector<16xi32>
        %get3A_37 = arith.index_cast %mul3A_31 : i32 to index
        %get3A_38 = tpu.vector_load %arg11[%get3A_37] {strides = array<i32>} : memref<800xi32, #tpu.memory_space<vmem>>, vector<16xi32>,
        %get3A_39 = vector.shape_cast %get3A_38 : vector<16xi32> to vector<16xi32>
        %add3A_40 = arith.constant 0 : i32
        %add3A_41 = arith.addi %mul3A_31, %add3A_40 : i32
        %slice3A = vector.extract_strided_slice %get3A_33 {offsets = [0], sizes = [1], strides = [1]} : vector<16xi32> to vector<1xi32>
        %squeeze3A = vector.extract %slice3A[0] : i32 from vector<1xi32>
        %dma_start3A = arith.constant 0 : i32
        %dma_start3A_42 = tpu.memref_slice %arg12[%add3A_41, %dma_start3A] : memref<800x128xf32, #tpu.memory_space<vmem>> -> memref<1x32xf32, #tpu.memory_space<vmem>>
        %dma_start3A_43 = tpu.memref_squeeze %dma_start3A_42 : memref<1x32xf32, #tpu.memory_space<vmem>> -> memref<32xf32, #tpu.memory_space<vmem>>
        %dma_start3A_44 = arith.constant 0 : i32
        %dma_start3A_45 = tpu.memref_slice %arg5[%squeeze3A, %dma_start3A_44] : memref<1001x32xf32, #tpu.memory_space<hbm>> -> memref<1x32xf32, #tpu.memory_space<hbm>>
        %dma_start3A_46 = tpu.memref_squeeze %dma_start3A_45 : memref<1x32xf32, #tpu.memory_space<hbm>> -> memref<32xf32, #tpu.memory_space<hbm>>
        %dma_start3A_47 = arith.constant 0 : i32
        %dma_start3A_48 = tpu.memref_slice %arg12[%add3A_41, %dma_start3A_47] : memref<800x128xf32, #tpu.memory_space<vmem>> -> memref<1x32xf32, #tpu.memory_space<vmem>>
        %dma_start3A_49 = tpu.memref_squeeze %dma_start3A_48 : memref<1x32xf32, #tpu.memory_space<vmem>> -> memref<32xf32, #tpu.memory_space<vmem>>
        %dma_start3A_50 = arith.constant 0 : i32
        %dma_start3A_51 = tpu.memref_slice %arg5[%squeeze3A, %dma_start3A_50] : memref<1001x32xf32, #tpu.memory_space<hbm>> -> memref<1x32xf32, #tpu.memory_space<hbm>>
        %dma_start3A_52 = tpu.memref_squeeze %dma_start3A_51 : memref<1x32xf32, #tpu.memory_space<hbm>> -> memref<32xf32, #tpu.memory_space<hbm>>
        tpu.enqueue_dma source(%dma_start3A_52 : memref<32xf32, #tpu.memory_space<hbm>>) target(%dma_start3A_49 : memref<32xf32, #tpu.memory_space<vmem>>) target_semaphore(%arg13 : memref<!tpu.dma_semaphore, #tpu.memory_space<semaphore_mem>>)
        %slice3A_53 = vector.extract_strided_slice %get3A_36 {offsets = [0], sizes = [1], strides = [1]} : vector<16xi32> to vector<1xi32>
        %squeeze3A_54 = vector.extract %slice3A_53[0] : i32 from vector<1xi32>
        %dma_start3A_55 = arith.constant 32 : i32
        %dma_start3A_56 = tpu.memref_slice %arg12[%add3A_41, %dma_start3A_55] : memref<800x128xf32, #tpu.memory_space<vmem>> -> memref<1x32xf32, #tpu.memory_space<vmem>>
        %dma_start3A_57 = tpu.memref_squeeze %dma_start3A_56 : memref<1x32xf32, #tpu.memory_space<vmem>> -> memref<32xf32, #tpu.memory_space<vmem>>
        %dma_start3A_58 = arith.constant 0 : i32
        %dma_start3A_59 = tpu.memref_slice %arg6[%squeeze3A_54, %dma_start3A_58] : memref<100001x32xf32, #tpu.memory_space<hbm>> -> memref<1x32xf32, #tpu.memory_space<hbm>>
        %dma_start3A_60 = tpu.memref_squeeze %dma_start3A_59 : memref<1x32xf32, #tpu.memory_space<hbm>> -> memref<32xf32, #tpu.memory_space<hbm>>
        %dma_start3A_61 = arith.constant 32 : i32
        %dma_start3A_62 = tpu.memref_slice %arg12[%add3A_41, %dma_start3A_61] : memref<800x128xf32, #tpu.memory_space<vmem>> -> memref<1x32xf32, #tpu.memory_space<vmem>>
        %dma_start3A_63 = tpu.memref_squeeze %dma_start3A_62 : memref<1x32xf32, #tpu.memory_space<vmem>> -> memref<32xf32, #tpu.memory_space<vmem>>
        %dma_start3A_64 = arith.constant 0 : i32
        %dma_start3A_65 = tpu.memref_slice %arg6[%squeeze3A_54, %dma_start3A_64] : memref<100001x32xf32, #tpu.memory_space<hbm>> -> memref<1x32xf32, #tpu.memory_space<hbm>>
        %dma_start3A_66 = tpu.memref_squeeze %dma_start3A_65 : memref<1x32xf32, #tpu.memory_space<hbm>> -> memref<32xf32, #tpu.memory_space<hbm>>
        tpu.enqueue_dma source(%dma_start3A_66 : memref<32xf32, #tpu.memory_space<hbm>>) target(%dma_start3A_63 : memref<32xf32, #tpu.memory_space<vmem>>) target_semaphore(%arg13 : memref<!tpu.dma_semaphore, #tpu.memory_space<semaphore_mem>>)
        %slice3A_67 = vector.extract_strided_slice %get3A_39 {offsets = [0], sizes = [1], strides = [1]} : vector<16xi32> to vector<1xi32>
        %squeeze3A_68 = vector.extract %slice3A_67[0] : i32 from vector<1xi32>
        %dma_start3A_69 = arith.constant 64 : i32
        %dma_start3A_70 = tpu.memref_slice %arg12[%add3A_41, %dma_start3A_69] : memref<800x128xf32, #tpu.memory_space<vmem>> -> memref<1x32xf32, #tpu.memory_space<vmem>>
        %dma_start3A_71 = tpu.memref_squeeze %dma_start3A_70 : memref<1x32xf32, #tpu.memory_space<vmem>> -> memref<32xf32, #tpu.memory_space<vmem>>
        %dma_start3A_72 = arith.constant 0 : i32
        %dma_start3A_73 = tpu.memref_slice %arg7[%squeeze3A_68, %dma_start3A_72] : memref<1000001x32xf32, #tpu.memory_space<hbm>> -> memref<1x32xf32, #tpu.memory_space<hbm>>
        %dma_start3A_74 = tpu.memref_squeeze %dma_start3A_73 : memref<1x32xf32, #tpu.memory_space<hbm>> -> memref<32xf32, #tpu.memory_space<hbm>>
        %dma_start3A_75 = arith.constant 64 : i32
        %dma_start3A_76 = tpu.memref_slice %arg12[%add3A_41, %dma_start3A_75] : memref<800x128xf32, #tpu.memory_space<vmem>> -> memref<1x32xf32, #tpu.memory_space<vmem>>
        %dma_start3A_77 = tpu.memref_squeeze %dma_start3A_76 : memref<1x32xf32, #tpu.memory_space<vmem>> -> memref<32xf32, #tpu.memory_space<vmem>>
        %dma_start3A_78 = arith.constant 0 : i32
        %dma_start3A_79 = tpu.memref_slice %arg7[%squeeze3A_68, %dma_start3A_78] : memref<1000001x32xf32, #tpu.memory_space<hbm>> -> memref<1x32xf32, #tpu.memory_space<hbm>>
        %dma_start3A_80 = tpu.memref_squeeze %dma_start3A_79 : memref<1x32xf32, #tpu.memory_space<hbm>> -> memref<32xf32, #tpu.memory_space<hbm>>
        tpu.enqueue_dma source(%dma_start3A_80 : memref<32xf32, #tpu.memory_space<hbm>>) target(%dma_start3A_77 : memref<32xf32, #tpu.memory_space<vmem>>) target_semaphore(%arg13 : memref<!tpu.dma_semaphore, #tpu.memory_space<semaphore_mem>>)
        %add3A_81 = arith.constant 1 : i32
        %add3A_82 = arith.addi %mul3A_31, %add3A_81 : i32
        %slice3A_83 = vector.extract_strided_slice %get3A_33 {offsets = [1], sizes = [1], strides = [1]} : vector<16xi32> to vector<1xi32>
        %squeeze3A_84 = vector.extract %slice3A_83[0] : i32 from vector<1xi32>
        %dma_start3A_85 = arith.constant 0 : i32
        %dma_start3A_86 = tpu.memref_slice %arg12[%add3A_82, %dma_start3A_85] : memref<800x128xf32, #tpu.memory_space<vmem>> -> memref<1x32xf32, #tpu.memory_space<vmem>>
        %dma_start3A_87 = tpu.memref_squeeze %dma_start3A_86 : memref<1x32xf32, #tpu.memory_space<vmem>> -> memref<32xf32, #tpu.memory_space<vmem>>
        %dma_start3A_88 = arith.constant 0 : i32
        %dma_start3A_89 = tpu.memref_slice %arg5[%squeeze3A_84, %dma_start3A_88] : memref<1001x32xf32, #tpu.memory_space<hbm>> -> memref<1x32xf32, #tpu.memory_space<hbm>>
        %dma_start3A_90 = tpu.memref_squeeze %dma_start3A_89 : memref<1x32xf32, #tpu.memory_space<hbm>> -> memref<32xf32, #tpu.memory_space<hbm>>
        %dma_start3A_91 = arith.constant 0 : i32
        %dma_start3A_92 = tpu.memref_slice %arg12[%add3A_82, %dma_start3A_91] : memref<800x128xf32, #tpu.memory_space<vmem>> -> memref<1x32xf32, #tpu.memory_space<vmem>>
        %dma_start3A_93 = tpu.memref_squeeze %dma_start3A_92 : memref<1x32xf32, #tpu.memory_space<vmem>> -> memref<32xf32, #tpu.memory_space<vmem>>
        %dma_start3A_94 = arith.constant 0 : i32
        %dma_start3A_95 = tpu.memref_slice %arg5[%squeeze3A_84, %dma_start3A_94] : memref<1001x32xf32, #tpu.memory_space<hbm>> -> memref<1x32xf32, #tpu.memory_space<hbm>>
        %dma_start3A_96 = tpu.memref_squeeze %dma_start3A_95 : memref<1x32xf32, #tpu.memory_space<hbm>> -> memref<32xf32, #tpu.memory_space<hbm>>
        tpu.enqueue_dma source(%dma_start3A_96 : memref<32xf32, #tpu.memory_space<hbm>>) target(%dma_start3A_93 : memref<32xf32, #tpu.memory_space<vmem>>) target_semaphore(%arg13 : memref<!tpu.dma_semaphore, #tpu.memory_space<semaphore_mem>>)
        %slice3A_97 = vector.extract_strided_slice %get3A_36 {offsets = [1], sizes = [1], strides = [1]} : vector<16xi32> to vector<1xi32>
        %squeeze3A_98 = vector.extract %slice3A_97[0] : i32 from vector<1xi32>
        %dma_start3A_99 = arith.constant 32 : i32
        %dma_start3A_100 = tpu.memref_slice %arg12[%add3A_82, %dma_start3A_99] : memref<800x128xf32, #tpu.memory_space<vmem>> -> memref<1x32xf32, #tpu.memory_space<vmem>>
        %dma_start3A_101 = tpu.memref_squeeze %dma_start3A_100 : memref<1x32xf32, #tpu.memory_space<vmem>> -> memref<32xf32, #tpu.memory_space<vmem>>
        %dma_start3A_102 = arith.constant 0 : i32
        %dma_start3A_103 = tpu.memref_slice %arg6[%squeeze3A_98, %dma_start3A_102] : memref<100001x32xf32, #tpu.memory_space<hbm>> -> memref<1x32xf32, #tpu.memory_space<hbm>>
        %dma_start3A_104 = tpu.memref_squeeze %dma_start3A_103 : memref<1x32xf32, #tpu.memory_space<hbm>> -> memref<32xf32, #tpu.memory_space<hbm>>
        %dma_start3A_105 = arith.constant 32 : i32
        %dma_start3A_106 = tpu.memref_slice %arg12[%add3A_82, %dma_start3A_105] : memref<800x128xf32, #tpu.memory_space<vmem>> -> memref<1x32xf32, #tpu.memory_space<vmem>>
        %dma_start3A_107 = tpu.memref_squeeze %dma_start3A_106 : memref<1x32xf32, #tpu.memory_space<vmem>> -> memref<32xf32, #tpu.memory_space<vmem>>
        %dma_start3A_108 = arith.constant 0 : i32
        %dma_start3A_109 = tpu.memref_slice %arg6[%squeeze3A_98, %dma_start3A_108] : memref<100001x32xf32, #tpu.memory_space<hbm>> -> memref<1x32xf32, #tpu.memory_space<hbm>>
        %dma_start3A_110 = tpu.memref_squeeze %dma_start3A_109 : memref<1x32xf32, #tpu.memory_space<hbm>> -> memref<32xf32, #tpu.memory_space<hbm>>
        tpu.enqueue_dma source(%dma_start3A_110 : memref<32xf32, #tpu.memory_space<hbm>>) target(%dma_start3A_107 : memref<32xf32, #tpu.memory_space<vmem>>) target_semaphore(%arg13 : memref<!tpu.dma_semaphore, #tpu.memory_space<semaphore_mem>>)
        %slice3A_111 = vector.extract_strided_slice %get3A_39 {offsets = [1], sizes = [1], strides = [1]} : vector<16xi32> to vector<1xi32>
        %squeeze3A_112 = vector.extract %slice3A_111[0] : i32 from vector<1xi32>
        %dma_start3A_113 = arith.constant 64 : i32
        %dma_start3A_114 = tpu.memref_slice %arg12[%add3A_82, %dma_start3A_113] : memref<800x128xf32, #tpu.memory_space<vmem>> -> memref<1x32xf32, #tpu.memory_space<vmem>>
        %dma_start3A_115 = tpu.memref_squeeze %dma_start3A_114 : memref<1x32xf32, #tpu.memory_space<vmem>> -> memref<32xf32, #tpu.memory_space<vmem>>
        %dma_start3A_116 = arith.constant 0 : i32
        %dma_start3A_117 = tpu.memref_slice %arg7[%squeeze3A_112, %dma_start3A_116] : memref<1000001x32xf32, #tpu.memory_space<hbm>> -> memref<1x32xf32, #tpu.memory_space<hbm>>
        %dma_start3A_118 = tpu.memref_squeeze %dma_start3A_117 : memref<1x32xf32, #tpu.memory_space<hbm>> -> memref<32xf32, #tpu.memory_space<hbm>>
        %dma_start3A_119 = arith.constant 64 : i32
        %dma_start3A_120 = tpu.memref_slice %arg12[%add3A_82, %dma_start3A_119] : memref<800x128xf32, #tpu.memory_space<vmem>> -> memref<1x32xf32, #tpu.memory_space<vmem>>
        %dma_start3A_121 = tpu.memref_squeeze %dma_start3A_120 : memref<1x32xf32, #tpu.memory_space<vmem>> -> memref<32xf32, #tpu.memory_space<vmem>>
        %dma_start3A_122 = arith.constant 0 : i32
        %dma_start3A_123 = tpu.memref_slice %arg7[%squeeze3A_112, %dma_start3A_122] : memref<1000001x32xf32, #tpu.memory_space<hbm>> -> memref<1x32xf32, #tpu.memory_space<hbm>>
        %dma_start3A_124 = tpu.memref_squeeze %dma_start3A_123 : memref<1x32xf32, #tpu.memory_space<hbm>> -> memref<32xf32, #tpu.memory_space<hbm>>
        tpu.enqueue_dma source(%dma_start3A_124 : memref<32xf32, #tpu.memory_space<hbm>>) target(%dma_start3A_121 : memref<32xf32, #tpu.memory_space<vmem>>) target_semaphore(%arg13 : memref<!tpu.dma_semaphore, #tpu.memory_space<semaphore_mem>>)
        %add3A_125 = arith.constant 2 : i32
        %add3A_126 = arith.addi %mul3A_31, %add3A_125 : i32
        %slice3A_127 = vector.extract_strided_slice %get3A_33 {offsets = [2], sizes = [1], strides = [1]} : vector<16xi32> to vector<1xi32>
        %squeeze3A_128 = vector.extract %slice3A_127[0] : i32 from vector<1xi32>
        %dma_start3A_129 = arith.constant 0 : i32
        %dma_start3A_130 = tpu.memref_slice %arg12[%add3A_126, %dma_start3A_129] : memref<800x128xf32, #tpu.memory_space<vmem>> -> memref<1x32xf32, #tpu.memory_space<vmem>>
        %dma_start3A_131 = tpu.memref_squeeze %dma_start3A_130 : memref<1x32xf32, #tpu.memory_space<vmem>> -> memref<32xf32, #tpu.memory_space<vmem>>
        %dma_start3A_132 = arith.constant 0 : i32
        %dma_start3A_133 = tpu.memref_slice %arg5[%squeeze3A_128, %dma_start3A_132] : memref<1001x32xf32, #tpu.memory_space<hbm>> -> memref<1x32xf32, #tpu.memory_space<hbm>>
        %dma_start3A_134 = tpu.memref_squeeze %dma_start3A_133 : memref<1x32xf32, #tpu.memory_space<hbm>> -> memref<32xf32, #tpu.memory_space<hbm>>
        %dma_start3A_135 = arith.constant 0 : i32
        %dma_start3A_136 = tpu.memref_slice %arg12[%add3A_126, %dma_start3A_135] : memref<800x128xf32, #tpu.memory_space<vmem>> -> memref<1x32xf32, #tpu.memory_space<vmem>>
        %dma_start3A_137 = tpu.memref_squeeze %dma_start3A_136 : memref<1x32xf32, #tpu.memory_space<vmem>> -> memref<32xf32, #tpu.memory_space<vmem>>
        %dma_start3A_138 = arith.constant 0 : i32
        %dma_start3A_139 = tpu.memref_slice %arg5[%squeeze3A_128, %dma_start3A_138] : memref<1001x32xf32, #tpu.memory_space<hbm>> -> memref<1x32xf32, #tpu.memory_space<hbm>>
        %dma_start3A_140 = tpu.memref_squeeze %dma_start3A_139 : memref<1x32xf32, #tpu.memory_space<hbm>> -> memref<32xf32, #tpu.memory_space<hbm>>
        tpu.enqueue_dma source(%dma_start3A_140 : memref<32xf32, #tpu.memory_space<hbm>>) target(%dma_start3A_137 : memref<32xf32, #tpu.memory_space<vmem>>) target_semaphore(%arg13 : memref<!tpu.dma_semaphore, #tpu.memory_space<semaphore_mem>>)
        %slice3A_141 = vector.extract_strided_slice %get3A_36 {offsets = [2], sizes = [1], strides = [1]} : vector<16xi32> to vector<1xi32>
        %squeeze3A_142 = vector.extract %slice3A_141[0] : i32 from vector<1xi32>
        %dma_start3A_143 = arith.constant 32 : i32
        %dma_start3A_144 = tpu.memref_slice %arg12[%add3A_126, %dma_start3A_143] : memref<800x128xf32, #tpu.memory_space<vmem>> -> memref<1x32xf32, #tpu.memory_space<vmem>>
        %dma_start3A_145 = tpu.memref_squeeze %dma_start3A_144 : memref<1x32xf32, #tpu.memory_space<vmem>> -> memref<32xf32, #tpu.memory_space<vmem>>
        %dma_start3A_146 = arith.constant 0 : i32
        %dma_start3A_147 = tpu.memref_slice %arg6[%squeeze3A_142, %dma_start3A_146] : memref<100001x32xf32, #tpu.memory_space<hbm>> -> memref<1x32xf32, #tpu.memory_space<hbm>>
        %dma_start3A_148 = tpu.memref_squeeze %dma_start3A_147 : memref<1x32xf32, #tpu.memory_space<hbm>> -> memref<32xf32, #tpu.memory_space<hbm>>
        %dma_start3A_149 = arith.constant 32 : i32
        %dma_start3A_150 = tpu.memref_slice %arg12[%add3A_126, %dma_start3A_149] : memref<800x128xf32, #tpu.memory_space<vmem>> -> memref<1x32xf32, #tpu.memory_space<vmem>>
        %dma_start3A_151 = tpu.memref_squeeze %dma_start3A_150 : memref<1x32xf32, #tpu.memory_space<vmem>> -> memref<32xf32, #tpu.memory_space<vmem>>
        %dma_start3A_152 = arith.constant 0 : i32
        %dma_start3A_153 = tpu.memref_slice %arg6[%squeeze3A_142, %dma_start3A_152] : memref<100001x32xf32, #tpu.memory_space<hbm>> -> memref<1x32xf32, #tpu.memory_space<hbm>>
        %dma_start3A_154 = tpu.memref_squeeze %dma_start3A_153 : memref<1x32xf32, #tpu.memory_space<hbm>> -> memref<32xf32, #tpu.memory_space<hbm>>
        tpu.enqueue_dma source(%dma_start3A_154 : memref<32xf32, #tpu.memory_space<hbm>>) target(%dma_start3A_151 : memref<32xf32, #tpu.memory_space<vmem>>) target_semaphore(%arg13 : memref<!tpu.dma_semaphore, #tpu.memory_space<semaphore_mem>>)
        %slice3A_155 = vector.extract_strided_slice %get3A_39 {offsets = [2], sizes = [1], strides = [1]} : vector<16xi32> to vector<1xi32>
        %squeeze3A_156 = vector.extract %slice3A_155[0] : i32 from vector<1xi32>
        %dma_start3A_157 = arith.constant 64 : i32
        %dma_start3A_158 = tpu.memref_slice %arg12[%add3A_126, %dma_start3A_157] : memref<800x128xf32, #tpu.memory_space<vmem>> -> memref<1x32xf32, #tpu.memory_space<vmem>>
        %dma_start3A_159 = tpu.memref_squeeze %dma_start3A_158 : memref<1x32xf32, #tpu.memory_space<vmem>> -> memref<32xf32, #tpu.memory_space<vmem>>
        %dma_start3A_160 = arith.constant 0 : i32
        %dma_start3A_161 = tpu.memref_slice %arg7[%squeeze3A_156, %dma_start3A_160] : memref<1000001x32xf32, #tpu.memory_space<hbm>> -> memref<1x32xf32, #tpu.memory_space<hbm>>
        %dma_start3A_162 = tpu.memref_squeeze %dma_start3A_161 : memref<1x32xf32, #tpu.memory_space<hbm>> -> memref<32xf32, #tpu.memory_space<hbm>>
        %dma_start3A_163 = arith.constant 64 : i32
        %dma_start3A_164 = tpu.memref_slice %arg12[%add3A_126, %dma_start3A_163] : memref<800x128xf32, #tpu.memory_space<vmem>> -> memref<1x32xf32, #tpu.memory_space<vmem>>
        %dma_start3A_165 = tpu.memref_squeeze %dma_start3A_164 : memref<1x32xf32, #tpu.memory_space<vmem>> -> memref<32xf32, #tpu.memory_space<vmem>>
        %dma_start3A_166 = arith.constant 0 : i32
        %dma_start3A_167 = tpu.memref_slice %arg7[%squeeze3A_156, %dma_start3A_166] : memref<1000001x32xf32, #tpu.memory_space<hbm>> -> memref<1x32xf32, #tpu.memory_space<hbm>>
        %dma_start3A_168 = tpu.memref_squeeze %dma_start3A_167 : memref<1x32xf32, #tpu.memory_space<hbm>> -> memref<32xf32, #tpu.memory_space<hbm>>
        tpu.enqueue_dma source(%dma_start3A_168 : memref<32xf32, #tpu.memory_space<hbm>>) target(%dma_start3A_165 : memref<32xf32, #tpu.memory_space<vmem>>) target_semaphore(%arg13 : memref<!tpu.dma_semaphore, #tpu.memory_space<semaphore_mem>>)
        %add3A_169 = arith.constant 3 : i32
        %add3A_170 = arith.addi %mul3A_31, %add3A_169 : i32
        %slice3A_171 = vector.extract_strided_slice %get3A_33 {offsets = [3], sizes = [1], strides = [1]} : vector<16xi32> to vector<1xi32>
        %squeeze3A_172 = vector.extract %slice3A_171[0] : i32 from vector<1xi32>
        %dma_start3A_173 = arith.constant 0 : i32
        %dma_start3A_174 = tpu.memref_slice %arg12[%add3A_170, %dma_start3A_173] : memref<800x128xf32, #tpu.memory_space<vmem>> -> memref<1x32xf32, #tpu.memory_space<vmem>>
        %dma_start3A_175 = tpu.memref_squeeze %dma_start3A_174 : memref<1x32xf32, #tpu.memory_space<vmem>> -> memref<32xf32, #tpu.memory_space<vmem>>
        %dma_start3A_176 = arith.constant 0 : i32
        %dma_start3A_177 = tpu.memref_slice %arg5[%squeeze3A_172, %dma_start3A_176] : memref<1001x32xf32, #tpu.memory_space<hbm>> -> memref<1x32xf32, #tpu.memory_space<hbm>>
        %dma_start3A_178 = tpu.memref_squeeze %dma_start3A_177 : memref<1x32xf32, #tpu.memory_space<hbm>> -> memref<32xf32, #tpu.memory_space<hbm>>
        %dma_start3A_179 = arith.constant 0 : i32
        %dma_start3A_180 = tpu.memref_slice %arg12[%add3A_170, %dma_start3A_179] : memref<800x128xf32, #tpu.memory_space<vmem>> -> memref<1x32xf32, #tpu.memory_space<vmem>>
        %dma_start3A_181 = tpu.memref_squeeze %dma_start3A_180 : memref<1x32xf32, #tpu.memory_space<vmem>> -> memref<32xf32, #tpu.memory_space<vmem>>
        %dma_start3A_182 = arith.constant 0 : i32
        %dma_start3A_183 = tpu.memref_slice %arg5[%squeeze3A_172, %dma_start3A_182] : memref<1001x32xf32, #tpu.memory_space<hbm>> -> memref<1x32xf32, #tpu.memory_space<hbm>>
        %dma_start3A_184 = tpu.memref_squeeze %dma_start3A_183 : memref<1x32xf32, #tpu.memory_space<hbm>> -> memref<32xf32, #tpu.memory_space<hbm>>
        tpu.enqueue_dma source(%dma_start3A_184 : memref<32xf32, #tpu.memory_space<hbm>>) target(%dma_start3A_181 : memref<32xf32, #tpu.memory_space<vmem>>) target_semaphore(%arg13 : memref<!tpu.dma_semaphore, #tpu.memory_space<semaphore_mem>>)
        %slice3A_185 = vector.extract_strided_slice %get3A_36 {offsets = [3], sizes = [1], strides = [1]} : vector<16xi32> to vector<1xi32>
        %squeeze3A_186 = vector.extract %slice3A_185[0] : i32 from vector<1xi32>
        %dma_start3A_187 = arith.constant 32 : i32
        %dma_start3A_188 = tpu.memref_slice %arg12[%add3A_170, %dma_start3A_187] : memref<800x128xf32, #tpu.memory_space<vmem>> -> memref<1x32xf32, #tpu.memory_space<vmem>>
        %dma_start3A_189 = tpu.memref_squeeze %dma_start3A_188 : memref<1x32xf32, #tpu.memory_space<vmem>> -> memref<32xf32, #tpu.memory_space<vmem>>
        %dma_start3A_190 = arith.constant 0 : i32
        %dma_start3A_191 = tpu.memref_slice %arg6[%squeeze3A_186, %dma_start3A_190] : memref<100001x32xf32, #tpu.memory_space<hbm>> -> memref<1x32xf32, #tpu.memory_space<hbm>>
        %dma_start3A_192 = tpu.memref_squeeze %dma_start3A_191 : memref<1x32xf32, #tpu.memory_space<hbm>> -> memref<32xf32, #tpu.memory_space<hbm>>
        %dma_start3A_193 = arith.constant 32 : i32
        %dma_start3A_194 = tpu.memref_slice %arg12[%add3A_170, %dma_start3A_193] : memref<800x128xf32, #tpu.memory_space<vmem>> -> memref<1x32xf32, #tpu.memory_space<vmem>>
        %dma_start3A_195 = tpu.memref_squeeze %dma_start3A_194 : memref<1x32xf32, #tpu.memory_space<vmem>> -> memref<32xf32, #tpu.memory_space<vmem>>
        %dma_start3A_196 = arith.constant 0 : i32
        %dma_start3A_197 = tpu.memref_slice %arg6[%squeeze3A_186, %dma_start3A_196] : memref<100001x32xf32, #tpu.memory_space<hbm>> -> memref<1x32xf32, #tpu.memory_space<hbm>>
        %dma_start3A_198 = tpu.memref_squeeze %dma_start3A_197 : memref<1x32xf32, #tpu.memory_space<hbm>> -> memref<32xf32, #tpu.memory_space<hbm>>
        tpu.enqueue_dma source(%dma_start3A_198 : memref<32xf32, #tpu.memory_space<hbm>>) target(%dma_start3A_195 : memref<32xf32, #tpu.memory_space<vmem>>) target_semaphore(%arg13 : memref<!tpu.dma_semaphore, #tpu.memory_space<semaphore_mem>>)
        %slice3A_199 = vector.extract_strided_slice %get3A_39 {offsets = [3], sizes = [1], strides = [1]} : vector<16xi32> to vector<1xi32>
        %squeeze3A_200 = vector.extract %slice3A_199[0] : i32 from vector<1xi32>
        %dma_start3A_201 = arith.constant 64 : i32
        %dma_start3A_202 = tpu.memref_slice %arg12[%add3A_170, %dma_start3A_201] : memref<800x128xf32, #tpu.memory_space<vmem>> -> memref<1x32xf32, #tpu.memory_space<vmem>>
        %dma_start3A_203 = tpu.memref_squeeze %dma_start3A_202 : memref<1x32xf32, #tpu.memory_space<vmem>> -> memref<32xf32, #tpu.memory_space<vmem>>
        %dma_start3A_204 = arith.constant 0 : i32
        %dma_start3A_205 = tpu.memref_slice %arg7[%squeeze3A_200, %dma_start3A_204] : memref<1000001x32xf32, #tpu.memory_space<hbm>> -> memref<1x32xf32, #tpu.memory_space<hbm>>
        %dma_start3A_206 = tpu.memref_squeeze %dma_start3A_205 : memref<1x32xf32, #tpu.memory_space<hbm>> -> memref<32xf32, #tpu.memory_space<hbm>>
        %dma_start3A_207 = arith.constant 64 : i32
        %dma_start3A_208 = tpu.memref_slice %arg12[%add3A_170, %dma_start3A_207] : memref<800x128xf32, #tpu.memory_space<vmem>> -> memref<1x32xf32, #tpu.memory_space<vmem>>
        %dma_start3A_209 = tpu.memref_squeeze %dma_start3A_208 : memref<1x32xf32, #tpu.memory_space<vmem>> -> memref<32xf32, #tpu.memory_space<vmem>>
        %dma_start3A_210 = arith.constant 0 : i32
        %dma_start3A_211 = tpu.memref_slice %arg7[%squeeze3A_200, %dma_start3A_210] : memref<1000001x32xf32, #tpu.memory_space<hbm>> -> memref<1x32xf32, #tpu.memory_space<hbm>>
        %dma_start3A_212 = tpu.memref_squeeze %dma_start3A_211 : memref<1x32xf32, #tpu.memory_space<hbm>> -> memref<32xf32, #tpu.memory_space<hbm>>
        tpu.enqueue_dma source(%dma_start3A_212 : memref<32xf32, #tpu.memory_space<hbm>>) target(%dma_start3A_209 : memref<32xf32, #tpu.memory_space<vmem>>) target_semaphore(%arg13 : memref<!tpu.dma_semaphore, #tpu.memory_space<semaphore_mem>>)
        %add3A_213 = arith.constant 4 : i32
        %add3A_214 = arith.addi %mul3A_31, %add3A_213 : i32
        %slice3A_215 = vector.extract_strided_slice %get3A_33 {offsets = [4], sizes = [1], strides = [1]} : vector<16xi32> to vector<1xi32>
        %squeeze3A_216 = vector.extract %slice3A_215[0] : i32 from vector<1xi32>
        %dma_start3A_217 = arith.constant 0 : i32
        %dma_start3A_218 = tpu.memref_slice %arg12[%add3A_214, %dma_start3A_217] : memref<800x128xf32, #tpu.memory_space<vmem>> -> memref<1x32xf32, #tpu.memory_space<vmem>>
        %dma_start3A_219 = tpu.memref_squeeze %dma_start3A_218 : memref<1x32xf32, #tpu.memory_space<vmem>> -> memref<32xf32, #tpu.memory_space<vmem>>
        %dma_start3A_220 = arith.constant 0 : i32
        %dma_start3A_221 = tpu.memref_slice %arg5[%squeeze3A_216, %dma_start3A_220] : memref<1001x32xf32, #tpu.memory_space<hbm>> -> memref<1x32xf32, #tpu.memory_space<hbm>>
        %dma_start3A_222 = tpu.memref_squeeze %dma_start3A_221 : memref<1x32xf32, #tpu.memory_space<hbm>> -> memref<32xf32, #tpu.memory_space<hbm>>
        %dma_start3A_223 = arith.constant 0 : i32
        %dma_start3A_224 = tpu.memref_slice %arg12[%add3A_214, %dma_start3A_223] : memref<800x128xf32, #tpu.memory_space<vmem>> -> memref<1x32xf32, #tpu.memory_space<vmem>>
        %dma_start3A_225 = tpu.memref_squeeze %dma_start3A_224 : memref<1x32xf32, #tpu.memory_space<vmem>> -> memref<32xf32, #tpu.memory_space<vmem>>
        %dma_start3A_226 = arith.constant 0 : i32
        %dma_start3A_227 = tpu.memref_slice %arg5[%squeeze3A_216, %dma_start3A_226] : memref<1001x32xf32, #tpu.memory_space<hbm>> -> memref<1x32xf32, #tpu.memory_space<hbm>>
        %dma_start3A_228 = tpu.memref_squeeze %dma_start3A_227 : memref<1x32xf32, #tpu.memory_space<hbm>> -> memref<32xf32, #tpu.memory_space<hbm>>
        tpu.enqueue_dma source(%dma_start3A_228 : memref<32xf32, #tpu.memory_space<hbm>>) target(%dma_start3A_225 : memref<32xf32, #tpu.memory_space<vmem>>) target_semaphore(%arg13 : memref<!tpu.dma_semaphore, #tpu.memory_space<semaphore_mem>>)
        %slice3A_229 = vector.extract_strided_slice %get3A_36 {offsets = [4], sizes = [1], strides = [1]} : vector<16xi32> to vector<1xi32>
        %squeeze3A_230 = vector.extract %slice3A_229[0] : i32 from vector<1xi32>
        %dma_start3A_231 = arith.constant 32 : i32
        %dma_start3A_232 = tpu.memref_slice %arg12[%add3A_214, %dma_start3A_231] : memref<800x128xf32, #tpu.memory_space<vmem>> -> memref<1x32xf32, #tpu.memory_space<vmem>>
        %dma_start3A_233 = tpu.memref_squeeze %dma_start3A_232 : memref<1x32xf32, #tpu.memory_space<vmem>> -> memref<32xf32, #tpu.memory_space<vmem>>
        %dma_start3A_234 = arith.constant 0 : i32
        %dma_start3A_235 = tpu.memref_slice %arg6[%squeeze3A_230, %dma_start3A_234] : memref<100001x32xf32, #tpu.memory_space<hbm>> -> memref<1x32xf32, #tpu.memory_space<hbm>>
        %dma_start3A_236 = tpu.memref_squeeze %dma_start3A_235 : memref<1x32xf32, #tpu.memory_space<hbm>> -> memref<32xf32, #tpu.memory_space<hbm>>
        %dma_start3A_237 = arith.constant 32 : i32
        %dma_start3A_238 = tpu.memref_slice %arg12[%add3A_214, %dma_start3A_237] : memref<800x128xf32, #tpu.memory_space<vmem>> -> memref<1x32xf32, #tpu.memory_space<vmem>>
        %dma_start3A_239 = tpu.memref_squeeze %dma_start3A_238 : memref<1x32xf32, #tpu.memory_space<vmem>> -> memref<32xf32, #tpu.memory_space<vmem>>
        %dma_start3A_240 = arith.constant 0 : i32
        %dma_start3A_241 = tpu.memref_slice %arg6[%squeeze3A_230, %dma_start3A_240] : memref<100001x32xf32, #tpu.memory_space<hbm>> -> memref<1x32xf32, #tpu.memory_space<hbm>>
        %dma_start3A_242 = tpu.memref_squeeze %dma_start3A_241 : memref<1x32xf32, #tpu.memory_space<hbm>> -> memref<32xf32, #tpu.memory_space<hbm>>
        tpu.enqueue_dma source(%dma_start3A_242 : memref<32xf32, #tpu.memory_space<hbm>>) target(%dma_start3A_239 : memref<32xf32, #tpu.memory_space<vmem>>) target_semaphore(%arg13 : memref<!tpu.dma_semaphore, #tpu.memory_space<semaphore_mem>>)
        %slice3A_243 = vector.extract_strided_slice %get3A_39 {offsets = [4], sizes = [1], strides = [1]} : vector<16xi32> to vector<1xi32>
        %squeeze3A_244 = vector.extract %slice3A_243[0] : i32 from vector<1xi32>
        %dma_start3A_245 = arith.constant 64 : i32
        %dma_start3A_246 = tpu.memref_slice %arg12[%add3A_214, %dma_start3A_245] : memref<800x128xf32, #tpu.memory_space<vmem>> -> memref<1x32xf32, #tpu.memory_space<vmem>>
        %dma_start3A_247 = tpu.memref_squeeze %dma_start3A_246 : memref<1x32xf32, #tpu.memory_space<vmem>> -> memref<32xf32, #tpu.memory_space<vmem>>
        %dma_start3A_248 = arith.constant 0 : i32
        %dma_start3A_249 = tpu.memref_slice %arg7[%squeeze3A_244, %dma_start3A_248] : memref<1000001x32xf32, #tpu.memory_space<hbm>> -> memref<1x32xf32, #tpu.memory_space<hbm>>
        %dma_start3A_250 = tpu.memref_squeeze %dma_start3A_249 : memref<1x32xf32, #tpu.memory_space<hbm>> -> memref<32xf32, #tpu.memory_space<hbm>>
        %dma_start3A_251 = arith.constant 64 : i32
        %dma_start3A_252 = tpu.memref_slice %arg12[%add3A_214, %dma_start3A_251] : memref<800x128xf32, #tpu.memory_space<vmem>> -> memref<1x32xf32, #tpu.memory_space<vmem>>
        %dma_start3A_253 = tpu.memref_squeeze %dma_start3A_252 : memref<1x32xf32, #tpu.memory_space<vmem>> -> memref<32xf32, #tpu.memory_space<vmem>>
        %dma_start3A_254 = arith.constant 0 : i32
        %dma_start3A_255 = tpu.memref_slice %arg7[%squeeze3A_244, %dma_start3A_254] : memref<1000001x32xf32, #tpu.memory_space<hbm>> -> memref<1x32xf32, #tpu.memory_space<hbm>>
        %dma_start3A_256 = tpu.memref_squeeze %dma_start3A_255 : memref<1x32xf32, #tpu.memory_space<hbm>> -> memref<32xf32, #tpu.memory_space<hbm>>
        tpu.enqueue_dma source(%dma_start3A_256 : memref<32xf32, #tpu.memory_space<hbm>>) target(%dma_start3A_253 : memref<32xf32, #tpu.memory_space<vmem>>) target_semaphore(%arg13 : memref<!tpu.dma_semaphore, #tpu.memory_space<semaphore_mem>>)
        %add3A_257 = arith.constant 5 : i32
        %add3A_258 = arith.addi %mul3A_31, %add3A_257 : i32
        %slice3A_259 = vector.extract_strided_slice %get3A_33 {offsets = [5], sizes = [1], strides = [1]} : vector<16xi32> to vector<1xi32>
        %squeeze3A_260 = vector.extract %slice3A_259[0] : i32 from vector<1xi32>
        %dma_start3A_261 = arith.constant 0 : i32
        %dma_start3A_262 = tpu.memref_slice %arg12[%add3A_258, %dma_start3A_261] : memref<800x128xf32, #tpu.memory_space<vmem>> -> memref<1x32xf32, #tpu.memory_space<vmem>>
        %dma_start3A_263 = tpu.memref_squeeze %dma_start3A_262 : memref<1x32xf32, #tpu.memory_space<vmem>> -> memref<32xf32, #tpu.memory_space<vmem>>
        %dma_start3A_264 = arith.constant 0 : i32
        %dma_start3A_265 = tpu.memref_slice %arg5[%squeeze3A_260, %dma_start3A_264] : memref<1001x32xf32, #tpu.memory_space<hbm>> -> memref<1x32xf32, #tpu.memory_space<hbm>>
        %dma_start3A_266 = tpu.memref_squeeze %dma_start3A_265 : memref<1x32xf32, #tpu.memory_space<hbm>> -> memref<32xf32, #tpu.memory_space<hbm>>
        %dma_start3A_267 = arith.constant 0 : i32
        %dma_start3A_268 = tpu.memref_slice %arg12[%add3A_258, %dma_start3A_267] : memref<800x128xf32, #tpu.memory_space<vmem>> -> memref<1x32xf32, #tpu.memory_space<vmem>>
        %dma_start3A_269 = tpu.memref_squeeze %dma_start3A_268 : memref<1x32xf32, #tpu.memory_space<vmem>> -> memref<32xf32, #tpu.memory_space<vmem>>
        %dma_start3A_270 = arith.constant 0 : i32
        %dma_start3A_271 = tpu.memref_slice %arg5[%squeeze3A_260, %dma_start3A_270] : memref<1001x32xf32, #tpu.memory_space<hbm>> -> memref<1x32xf32, #tpu.memory_space<hbm>>
        %dma_start3A_272 = tpu.memref_squeeze %dma_start3A_271 : memref<1x32xf32, #tpu.memory_space<hbm>> -> memref<32xf32, #tpu.memory_space<hbm>>
        tpu.enqueue_dma source(%dma_start3A_272 : memref<32xf32, #tpu.memory_space<hbm>>) target(%dma_start3A_269 : memref<32xf32, #tpu.memory_space<vmem>>) target_semaphore(%arg13 : memref<!tpu.dma_semaphore, #tpu.memory_space<semaphore_mem>>)
        %slice3A_273 = vector.extract_strided_slice %get3A_36 {offsets = [5], sizes = [1], strides = [1]} : vector<16xi32> to vector<1xi32>
        %squeeze3A_274 = vector.extract %slice3A_273[0] : i32 from vector<1xi32>
        %dma_start3A_275 = arith.constant 32 : i32
        %dma_start3A_276 = tpu.memref_slice %arg12[%add3A_258, %dma_start3A_275] : memref<800x128xf32, #tpu.memory_space<vmem>> -> memref<1x32xf32, #tpu.memory_space<vmem>>
        %dma_start3A_277 = tpu.memref_squeeze %dma_start3A_276 : memref<1x32xf32, #tpu.memory_space<vmem>> -> memref<32xf32, #tpu.memory_space<vmem>>
        %dma_start3A_278 = arith.constant 0 : i32
        %dma_start3A_279 = tpu.memref_slice %arg6[%squeeze3A_274, %dma_start3A_278] : memref<100001x32xf32, #tpu.memory_space<hbm>> -> memref<1x32xf32, #tpu.memory_space<hbm>>
        %dma_start3A_280 = tpu.memref_squeeze %dma_start3A_279 : memref<1x32xf32, #tpu.memory_space<hbm>> -> memref<32xf32, #tpu.memory_space<hbm>>
        %dma_start3A_281 = arith.constant 32 : i32
        %dma_start3A_282 = tpu.memref_slice %arg12[%add3A_258, %dma_start3A_281] : memref<800x128xf32, #tpu.memory_space<vmem>> -> memref<1x32xf32, #tpu.memory_space<vmem>>
        %dma_start3A_283 = tpu.memref_squeeze %dma_start3A_282 : memref<1x32xf32, #tpu.memory_space<vmem>> -> memref<32xf32, #tpu.memory_space<vmem>>
        %dma_start3A_284 = arith.constant 0 : i32
        %dma_start3A_285 = tpu.memref_slice %arg6[%squeeze3A_274, %dma_start3A_284] : memref<100001x32xf32, #tpu.memory_space<hbm>> -> memref<1x32xf32, #tpu.memory_space<hbm>>
        %dma_start3A_286 = tpu.memref_squeeze %dma_start3A_285 : memref<1x32xf32, #tpu.memory_space<hbm>> -> memref<32xf32, #tpu.memory_space<hbm>>
        tpu.enqueue_dma source(%dma_start3A_286 : memref<32xf32, #tpu.memory_space<hbm>>) target(%dma_start3A_283 : memref<32xf32, #tpu.memory_space<vmem>>) target_semaphore(%arg13 : memref<!tpu.dma_semaphore, #tpu.memory_space<semaphore_mem>>)
        %slice3A_287 = vector.extract_strided_slice %get3A_39 {offsets = [5], sizes = [1], strides = [1]} : vector<16xi32> to vector<1xi32>
        %squeeze3A_288 = vector.extract %slice3A_287[0] : i32 from vector<1xi32>
        %dma_start3A_289 = arith.constant 64 : i32
        %dma_start3A_290 = tpu.memref_slice %arg12[%add3A_258, %dma_start3A_289] : memref<800x128xf32, #tpu.memory_space<vmem>> -> memref<1x32xf32, #tpu.memory_space<vmem>>
        %dma_start3A_291 = tpu.memref_squeeze %dma_start3A_290 : memref<1x32xf32, #tpu.memory_space<vmem>> -> memref<32xf32, #tpu.memory_space<vmem>>
        %dma_start3A_292 = arith.constant 0 : i32
        %dma_start3A_293 = tpu.memref_slice %arg7[%squeeze3A_288, %dma_start3A_292] : memref<1000001x32xf32, #tpu.memory_space<hbm>> -> memref<1x32xf32, #tpu.memory_space<hbm>>
        %dma_start3A_294 = tpu.memref_squeeze %dma_start3A_293 : memref<1x32xf32, #tpu.memory_space<hbm>> -> memref<32xf32, #tpu.memory_space<hbm>>
        %dma_start3A_295 = arith.constant 64 : i32
        %dma_start3A_296 = tpu.memref_slice %arg12[%add3A_258, %dma_start3A_295] : memref<800x128xf32, #tpu.memory_space<vmem>> -> memref<1x32xf32, #tpu.memory_space<vmem>>
        %dma_start3A_297 = tpu.memref_squeeze %dma_start3A_296 : memref<1x32xf32, #tpu.memory_space<vmem>> -> memref<32xf32, #tpu.memory_space<vmem>>
        %dma_start3A_298 = arith.constant 0 : i32
        %dma_start3A_299 = tpu.memref_slice %arg7[%squeeze3A_288, %dma_start3A_298] : memref<1000001x32xf32, #tpu.memory_space<hbm>> -> memref<1x32xf32, #tpu.memory_space<hbm>>
        %dma_start3A_300 = tpu.memref_squeeze %dma_start3A_299 : memref<1x32xf32, #tpu.memory_space<hbm>> -> memref<32xf32, #tpu.memory_space<hbm>>
        tpu.enqueue_dma source(%dma_start3A_300 : memref<32xf32, #tpu.memory_space<hbm>>) target(%dma_start3A_297 : memref<32xf32, #tpu.memory_space<vmem>>) target_semaphore(%arg13 : memref<!tpu.dma_semaphore, #tpu.memory_space<semaphore_mem>>)
        %add3A_301 = arith.constant 6 : i32
        %add3A_302 = arith.addi %mul3A_31, %add3A_301 : i32
        %slice3A_303 = vector.extract_strided_slice %get3A_33 {offsets = [6], sizes = [1], strides = [1]} : vector<16xi32> to vector<1xi32>
        %squeeze3A_304 = vector.extract %slice3A_303[0] : i32 from vector<1xi32>
        %dma_start3A_305 = arith.constant 0 : i32
        %dma_start3A_306 = tpu.memref_slice %arg12[%add3A_302, %dma_start3A_305] : memref<800x128xf32, #tpu.memory_space<vmem>> -> memref<1x32xf32, #tpu.memory_space<vmem>>
        %dma_start3A_307 = tpu.memref_squeeze %dma_start3A_306 : memref<1x32xf32, #tpu.memory_space<vmem>> -> memref<32xf32, #tpu.memory_space<vmem>>
        %dma_start3A_308 = arith.constant 0 : i32
        %dma_start3A_309 = tpu.memref_slice %arg5[%squeeze3A_304, %dma_start3A_308] : memref<1001x32xf32, #tpu.memory_space<hbm>> -> memref<1x32xf32, #tpu.memory_space<hbm>>
        %dma_start3A_310 = tpu.memref_squeeze %dma_start3A_309 : memref<1x32xf32, #tpu.memory_space<hbm>> -> memref<32xf32, #tpu.memory_space<hbm>>
        %dma_start3A_311 = arith.constant 0 : i32
        %dma_start3A_312 = tpu.memref_slice %arg12[%add3A_302, %dma_start3A_311] : memref<800x128xf32, #tpu.memory_space<vmem>> -> memref<1x32xf32, #tpu.memory_space<vmem>>
        %dma_start3A_313 = tpu.memref_squeeze %dma_start3A_312 : memref<1x32xf32, #tpu.memory_space<vmem>> -> memref<32xf32, #tpu.memory_space<vmem>>
        %dma_start3A_314 = arith.constant 0 : i32
        %dma_start3A_315 = tpu.memref_slice %arg5[%squeeze3A_304, %dma_start3A_314] : memref<1001x32xf32, #tpu.memory_space<hbm>> -> memref<1x32xf32, #tpu.memory_space<hbm>>
        %dma_start3A_316 = tpu.memref_squeeze %dma_start3A_315 : memref<1x32xf32, #tpu.memory_space<hbm>> -> memref<32xf32, #tpu.memory_space<hbm>>
        tpu.enqueue_dma source(%dma_start3A_316 : memref<32xf32, #tpu.memory_space<hbm>>) target(%dma_start3A_313 : memref<32xf32, #tpu.memory_space<vmem>>) target_semaphore(%arg13 : memref<!tpu.dma_semaphore, #tpu.memory_space<semaphore_mem>>)
        %slice3A_317 = vector.extract_strided_slice %get3A_36 {offsets = [6], sizes = [1], strides = [1]} : vector<16xi32> to vector<1xi32>
        %squeeze3A_318 = vector.extract %slice3A_317[0] : i32 from vector<1xi32>
        %dma_start3A_319 = arith.constant 32 : i32
        %dma_start3A_320 = tpu.memref_slice %arg12[%add3A_302, %dma_start3A_319] : memref<800x128xf32, #tpu.memory_space<vmem>> -> memref<1x32xf32, #tpu.memory_space<vmem>>
        %dma_start3A_321 = tpu.memref_squeeze %dma_start3A_320 : memref<1x32xf32, #tpu.memory_space<vmem>> -> memref<32xf32, #tpu.memory_space<vmem>>
        %dma_start3A_322 = arith.constant 0 : i32
        %dma_start3A_323 = tpu.memref_slice %arg6[%squeeze3A_318, %dma_start3A_322] : memref<100001x32xf32, #tpu.memory_space<hbm>> -> memref<1x32xf32, #tpu.memory_space<hbm>>
        %dma_start3A_324 = tpu.memref_squeeze %dma_start3A_323 : memref<1x32xf32, #tpu.memory_space<hbm>> -> memref<32xf32, #tpu.memory_space<hbm>>
        %dma_start3A_325 = arith.constant 32 : i32
        %dma_start3A_326 = tpu.memref_slice %arg12[%add3A_302, %dma_start3A_325] : memref<800x128xf32, #tpu.memory_space<vmem>> -> memref<1x32xf32, #tpu.memory_space<vmem>>
        %dma_start3A_327 = tpu.memref_squeeze %dma_start3A_326 : memref<1x32xf32, #tpu.memory_space<vmem>> -> memref<32xf32, #tpu.memory_space<vmem>>
        %dma_start3A_328 = arith.constant 0 : i32
        %dma_start3A_329 = tpu.memref_slice %arg6[%squeeze3A_318, %dma_start3A_328] : memref<100001x32xf32, #tpu.memory_space<hbm>> -> memref<1x32xf32, #tpu.memory_space<hbm>>
        %dma_start3A_330 = tpu.memref_squeeze %dma_start3A_329 : memref<1x32xf32, #tpu.memory_space<hbm>> -> memref<32xf32, #tpu.memory_space<hbm>>
        tpu.enqueue_dma source(%dma_start3A_330 : memref<32xf32, #tpu.memory_space<hbm>>) target(%dma_start3A_327 : memref<32xf32, #tpu.memory_space<vmem>>) target_semaphore(%arg13 : memref<!tpu.dma_semaphore, #tpu.memory_space<semaphore_mem>>)
        %slice3A_331 = vector.extract_strided_slice %get3A_39 {offsets = [6], sizes = [1], strides = [1]} : vector<16xi32> to vector<1xi32>
        %squeeze3A_332 = vector.extract %slice3A_331[0] : i32 from vector<1xi32>
        %dma_start3A_333 = arith.constant 64 : i32
        %dma_start3A_334 = tpu.memref_slice %arg12[%add3A_302, %dma_start3A_333] : memref<800x128xf32, #tpu.memory_space<vmem>> -> memref<1x32xf32, #tpu.memory_space<vmem>>
        %dma_start3A_335 = tpu.memref_squeeze %dma_start3A_334 : memref<1x32xf32, #tpu.memory_space<vmem>> -> memref<32xf32, #tpu.memory_space<vmem>>
        %dma_start3A_336 = arith.constant 0 : i32
        %dma_start3A_337 = tpu.memref_slice %arg7[%squeeze3A_332, %dma_start3A_336] : memref<1000001x32xf32, #tpu.memory_space<hbm>> -> memref<1x32xf32, #tpu.memory_space<hbm>>
        %dma_start3A_338 = tpu.memref_squeeze %dma_start3A_337 : memref<1x32xf32, #tpu.memory_space<hbm>> -> memref<32xf32, #tpu.memory_space<hbm>>
        %dma_start3A_339 = arith.constant 64 : i32
        %dma_start3A_340 = tpu.memref_slice %arg12[%add3A_302, %dma_start3A_339] : memref<800x128xf32, #tpu.memory_space<vmem>> -> memref<1x32xf32, #tpu.memory_space<vmem>>
        %dma_start3A_341 = tpu.memref_squeeze %dma_start3A_340 : memref<1x32xf32, #tpu.memory_space<vmem>> -> memref<32xf32, #tpu.memory_space<vmem>>
        %dma_start3A_342 = arith.constant 0 : i32
        %dma_start3A_343 = tpu.memref_slice %arg7[%squeeze3A_332, %dma_start3A_342] : memref<1000001x32xf32, #tpu.memory_space<hbm>> -> memref<1x32xf32, #tpu.memory_space<hbm>>
        %dma_start3A_344 = tpu.memref_squeeze %dma_start3A_343 : memref<1x32xf32, #tpu.memory_space<hbm>> -> memref<32xf32, #tpu.memory_space<hbm>>
        tpu.enqueue_dma source(%dma_start3A_344 : memref<32xf32, #tpu.memory_space<hbm>>) target(%dma_start3A_341 : memref<32xf32, #tpu.memory_space<vmem>>) target_semaphore(%arg13 : memref<!tpu.dma_semaphore, #tpu.memory_space<semaphore_mem>>)
        %add3A_345 = arith.constant 7 : i32
        %add3A_346 = arith.addi %mul3A_31, %add3A_345 : i32
        %slice3A_347 = vector.extract_strided_slice %get3A_33 {offsets = [7], sizes = [1], strides = [1]} : vector<16xi32> to vector<1xi32>
        %squeeze3A_348 = vector.extract %slice3A_347[0] : i32 from vector<1xi32>
        %dma_start3A_349 = arith.constant 0 : i32
        %dma_start3A_350 = tpu.memref_slice %arg12[%add3A_346, %dma_start3A_349] : memref<800x128xf32, #tpu.memory_space<vmem>> -> memref<1x32xf32, #tpu.memory_space<vmem>>
        %dma_start3A_351 = tpu.memref_squeeze %dma_start3A_350 : memref<1x32xf32, #tpu.memory_space<vmem>> -> memref<32xf32, #tpu.memory_space<vmem>>
        %dma_start3A_352 = arith.constant 0 : i32
        %dma_start3A_353 = tpu.memref_slice %arg5[%squeeze3A_348, %dma_start3A_352] : memref<1001x32xf32, #tpu.memory_space<hbm>> -> memref<1x32xf32, #tpu.memory_space<hbm>>
        %dma_start3A_354 = tpu.memref_squeeze %dma_start3A_353 : memref<1x32xf32, #tpu.memory_space<hbm>> -> memref<32xf32, #tpu.memory_space<hbm>>
        %dma_start3A_355 = arith.constant 0 : i32
        %dma_start3A_356 = tpu.memref_slice %arg12[%add3A_346, %dma_start3A_355] : memref<800x128xf32, #tpu.memory_space<vmem>> -> memref<1x32xf32, #tpu.memory_space<vmem>>
        %dma_start3A_357 = tpu.memref_squeeze %dma_start3A_356 : memref<1x32xf32, #tpu.memory_space<vmem>> -> memref<32xf32, #tpu.memory_space<vmem>>
        %dma_start3A_358 = arith.constant 0 : i32
        %dma_start3A_359 = tpu.memref_slice %arg5[%squeeze3A_348, %dma_start3A_358] : memref<1001x32xf32, #tpu.memory_space<hbm>> -> memref<1x32xf32, #tpu.memory_space<hbm>>
        %dma_start3A_360 = tpu.memref_squeeze %dma_start3A_359 : memref<1x32xf32, #tpu.memory_space<hbm>> -> memref<32xf32, #tpu.memory_space<hbm>>
        tpu.enqueue_dma source(%dma_start3A_360 : memref<32xf32, #tpu.memory_space<hbm>>) target(%dma_start3A_357 : memref<32xf32, #tpu.memory_space<vmem>>) target_semaphore(%arg13 : memref<!tpu.dma_semaphore, #tpu.memory_space<semaphore_mem>>)
        %slice3A_361 = vector.extract_strided_slice %get3A_36 {offsets = [7], sizes = [1], strides = [1]} : vector<16xi32> to vector<1xi32>
        %squeeze3A_362 = vector.extract %slice3A_361[0] : i32 from vector<1xi32>
        %dma_start3A_363 = arith.constant 32 : i32
        %dma_start3A_364 = tpu.memref_slice %arg12[%add3A_346, %dma_start3A_363] : memref<800x128xf32, #tpu.memory_space<vmem>> -> memref<1x32xf32, #tpu.memory_space<vmem>>
        %dma_start3A_365 = tpu.memref_squeeze %dma_start3A_364 : memref<1x32xf32, #tpu.memory_space<vmem>> -> memref<32xf32, #tpu.memory_space<vmem>>
        %dma_start3A_366 = arith.constant 0 : i32
        %dma_start3A_367 = tpu.memref_slice %arg6[%squeeze3A_362, %dma_start3A_366] : memref<100001x32xf32, #tpu.memory_space<hbm>> -> memref<1x32xf32, #tpu.memory_space<hbm>>
        %dma_start3A_368 = tpu.memref_squeeze %dma_start3A_367 : memref<1x32xf32, #tpu.memory_space<hbm>> -> memref<32xf32, #tpu.memory_space<hbm>>
        %dma_start3A_369 = arith.constant 32 : i32
        %dma_start3A_370 = tpu.memref_slice %arg12[%add3A_346, %dma_start3A_369] : memref<800x128xf32, #tpu.memory_space<vmem>> -> memref<1x32xf32, #tpu.memory_space<vmem>>
        %dma_start3A_371 = tpu.memref_squeeze %dma_start3A_370 : memref<1x32xf32, #tpu.memory_space<vmem>> -> memref<32xf32, #tpu.memory_space<vmem>>
        %dma_start3A_372 = arith.constant 0 : i32
        %dma_start3A_373 = tpu.memref_slice %arg6[%squeeze3A_362, %dma_start3A_372] : memref<100001x32xf32, #tpu.memory_space<hbm>> -> memref<1x32xf32, #tpu.memory_space<hbm>>
        %dma_start3A_374 = tpu.memref_squeeze %dma_start3A_373 : memref<1x32xf32, #tpu.memory_space<hbm>> -> memref<32xf32, #tpu.memory_space<hbm>>
        tpu.enqueue_dma source(%dma_start3A_374 : memref<32xf32, #tpu.memory_space<hbm>>) target(%dma_start3A_371 : memref<32xf32, #tpu.memory_space<vmem>>) target_semaphore(%arg13 : memref<!tpu.dma_semaphore, #tpu.memory_space<semaphore_mem>>)
        %slice3A_375 = vector.extract_strided_slice %get3A_39 {offsets = [7], sizes = [1], strides = [1]} : vector<16xi32> to vector<1xi32>
        %squeeze3A_376 = vector.extract %slice3A_375[0] : i32 from vector<1xi32>
        %dma_start3A_377 = arith.constant 64 : i32
        %dma_start3A_378 = tpu.memref_slice %arg12[%add3A_346, %dma_start3A_377] : memref<800x128xf32, #tpu.memory_space<vmem>> -> memref<1x32xf32, #tpu.memory_space<vmem>>
        %dma_start3A_379 = tpu.memref_squeeze %dma_start3A_378 : memref<1x32xf32, #tpu.memory_space<vmem>> -> memref<32xf32, #tpu.memory_space<vmem>>
        %dma_start3A_380 = arith.constant 0 : i32
        %dma_start3A_381 = tpu.memref_slice %arg7[%squeeze3A_376, %dma_start3A_380] : memref<1000001x32xf32, #tpu.memory_space<hbm>> -> memref<1x32xf32, #tpu.memory_space<hbm>>
        %dma_start3A_382 = tpu.memref_squeeze %dma_start3A_381 : memref<1x32xf32, #tpu.memory_space<hbm>> -> memref<32xf32, #tpu.memory_space<hbm>>
        %dma_start3A_383 = arith.constant 64 : i32
        %dma_start3A_384 = tpu.memref_slice %arg12[%add3A_346, %dma_start3A_383] : memref<800x128xf32, #tpu.memory_space<vmem>> -> memref<1x32xf32, #tpu.memory_space<vmem>>
        %dma_start3A_385 = tpu.memref_squeeze %dma_start3A_384 : memref<1x32xf32, #tpu.memory_space<vmem>> -> memref<32xf32, #tpu.memory_space<vmem>>
        %dma_start3A_386 = arith.constant 0 : i32
        %dma_start3A_387 = tpu.memref_slice %arg7[%squeeze3A_376, %dma_start3A_386] : memref<1000001x32xf32, #tpu.memory_space<hbm>> -> memref<1x32xf32, #tpu.memory_space<hbm>>
        %dma_start3A_388 = tpu.memref_squeeze %dma_start3A_387 : memref<1x32xf32, #tpu.memory_space<hbm>> -> memref<32xf32, #tpu.memory_space<hbm>>
        tpu.enqueue_dma source(%dma_start3A_388 : memref<32xf32, #tpu.memory_space<hbm>>) target(%dma_start3A_385 : memref<32xf32, #tpu.memory_space<vmem>>) target_semaphore(%arg13 : memref<!tpu.dma_semaphore, #tpu.memory_space<semaphore_mem>>)
        %add3A_389 = arith.constant 8 : i32
        %add3A_390 = arith.addi %mul3A_31, %add3A_389 : i32
        %slice3A_391 = vector.extract_strided_slice %get3A_33 {offsets = [8], sizes = [1], strides = [1]} : vector<16xi32> to vector<1xi32>
        %squeeze3A_392 = vector.extract %slice3A_391[0] : i32 from vector<1xi32>
        %dma_start3A_393 = arith.constant 0 : i32
        %dma_start3A_394 = tpu.memref_slice %arg12[%add3A_390, %dma_start3A_393] : memref<800x128xf32, #tpu.memory_space<vmem>> -> memref<1x32xf32, #tpu.memory_space<vmem>>
        %dma_start3A_395 = tpu.memref_squeeze %dma_start3A_394 : memref<1x32xf32, #tpu.memory_space<vmem>> -> memref<32xf32, #tpu.memory_space<vmem>>
        %dma_start3A_396 = arith.constant 0 : i32
        %dma_start3A_397 = tpu.memref_slice %arg5[%squeeze3A_392, %dma_start3A_396] : memref<1001x32xf32, #tpu.memory_space<hbm>> -> memref<1x32xf32, #tpu.memory_space<hbm>>
        %dma_start3A_398 = tpu.memref_squeeze %dma_start3A_397 : memref<1x32xf32, #tpu.memory_space<hbm>> -> memref<32xf32, #tpu.memory_space<hbm>>
        %dma_start3A_399 = arith.constant 0 : i32
        %dma_start3A_400 = tpu.memref_slice %arg12[%add3A_390, %dma_start3A_399] : memref<800x128xf32, #tpu.memory_space<vmem>> -> memref<1x32xf32, #tpu.memory_space<vmem>>
        %dma_start3A_401 = tpu.memref_squeeze %dma_start3A_400 : memref<1x32xf32, #tpu.memory_space<vmem>> -> memref<32xf32, #tpu.memory_space<vmem>>
        %dma_start3A_402 = arith.constant 0 : i32
        %dma_start3A_403 = tpu.memref_slice %arg5[%squeeze3A_392, %dma_start3A_402] : memref<1001x32xf32, #tpu.memory_space<hbm>> -> memref<1x32xf32, #tpu.memory_space<hbm>>
        %dma_start3A_404 = tpu.memref_squeeze %dma_start3A_403 : memref<1x32xf32, #tpu.memory_space<hbm>> -> memref<32xf32, #tpu.memory_space<hbm>>
        tpu.enqueue_dma source(%dma_start3A_404 : memref<32xf32, #tpu.memory_space<hbm>>) target(%dma_start3A_401 : memref<32xf32, #tpu.memory_space<vmem>>) target_semaphore(%arg13 : memref<!tpu.dma_semaphore, #tpu.memory_space<semaphore_mem>>)
        %slice3A_405 = vector.extract_strided_slice %get3A_36 {offsets = [8], sizes = [1], strides = [1]} : vector<16xi32> to vector<1xi32>
        %squeeze3A_406 = vector.extract %slice3A_405[0] : i32 from vector<1xi32>
        %dma_start3A_407 = arith.constant 32 : i32
        %dma_start3A_408 = tpu.memref_slice %arg12[%add3A_390, %dma_start3A_407] : memref<800x128xf32, #tpu.memory_space<vmem>> -> memref<1x32xf32, #tpu.memory_space<vmem>>
        %dma_start3A_409 = tpu.memref_squeeze %dma_start3A_408 : memref<1x32xf32, #tpu.memory_space<vmem>> -> memref<32xf32, #tpu.memory_space<vmem>>
        %dma_start3A_410 = arith.constant 0 : i32
        %dma_start3A_411 = tpu.memref_slice %arg6[%squeeze3A_406, %dma_start3A_410] : memref<100001x32xf32, #tpu.memory_space<hbm>> -> memref<1x32xf32, #tpu.memory_space<hbm>>
        %dma_start3A_412 = tpu.memref_squeeze %dma_start3A_411 : memref<1x32xf32, #tpu.memory_space<hbm>> -> memref<32xf32, #tpu.memory_space<hbm>>
        %dma_start3A_413 = arith.constant 32 : i32
        %dma_start3A_414 = tpu.memref_slice %arg12[%add3A_390, %dma_start3A_413] : memref<800x128xf32, #tpu.memory_space<vmem>> -> memref<1x32xf32, #tpu.memory_space<vmem>>
        %dma_start3A_415 = tpu.memref_squeeze %dma_start3A_414 : memref<1x32xf32, #tpu.memory_space<vmem>> -> memref<32xf32, #tpu.memory_space<vmem>>
        %dma_start3A_416 = arith.constant 0 : i32
        %dma_start3A_417 = tpu.memref_slice %arg6[%squeeze3A_406, %dma_start3A_416] : memref<100001x32xf32, #tpu.memory_space<hbm>> -> memref<1x32xf32, #tpu.memory_space<hbm>>
        %dma_start3A_418 = tpu.memref_squeeze %dma_start3A_417 : memref<1x32xf32, #tpu.memory_space<hbm>> -> memref<32xf32, #tpu.memory_space<hbm>>
        tpu.enqueue_dma source(%dma_start3A_418 : memref<32xf32, #tpu.memory_space<hbm>>) target(%dma_start3A_415 : memref<32xf32, #tpu.memory_space<vmem>>) target_semaphore(%arg13 : memref<!tpu.dma_semaphore, #tpu.memory_space<semaphore_mem>>)
        %slice3A_419 = vector.extract_strided_slice %get3A_39 {offsets = [8], sizes = [1], strides = [1]} : vector<16xi32> to vector<1xi32>
        %squeeze3A_420 = vector.extract %slice3A_419[0] : i32 from vector<1xi32>
        %dma_start3A_421 = arith.constant 64 : i32
        %dma_start3A_422 = tpu.memref_slice %arg12[%add3A_390, %dma_start3A_421] : memref<800x128xf32, #tpu.memory_space<vmem>> -> memref<1x32xf32, #tpu.memory_space<vmem>>
        %dma_start3A_423 = tpu.memref_squeeze %dma_start3A_422 : memref<1x32xf32, #tpu.memory_space<vmem>> -> memref<32xf32, #tpu.memory_space<vmem>>
        %dma_start3A_424 = arith.constant 0 : i32
        %dma_start3A_425 = tpu.memref_slice %arg7[%squeeze3A_420, %dma_start3A_424] : memref<1000001x32xf32, #tpu.memory_space<hbm>> -> memref<1x32xf32, #tpu.memory_space<hbm>>
        %dma_start3A_426 = tpu.memref_squeeze %dma_start3A_425 : memref<1x32xf32, #tpu.memory_space<hbm>> -> memref<32xf32, #tpu.memory_space<hbm>>
        %dma_start3A_427 = arith.constant 64 : i32
        %dma_start3A_428 = tpu.memref_slice %arg12[%add3A_390, %dma_start3A_427] : memref<800x128xf32, #tpu.memory_space<vmem>> -> memref<1x32xf32, #tpu.memory_space<vmem>>
        %dma_start3A_429 = tpu.memref_squeeze %dma_start3A_428 : memref<1x32xf32, #tpu.memory_space<vmem>> -> memref<32xf32, #tpu.memory_space<vmem>>
        %dma_start3A_430 = arith.constant 0 : i32
        %dma_start3A_431 = tpu.memref_slice %arg7[%squeeze3A_420, %dma_start3A_430] : memref<1000001x32xf32, #tpu.memory_space<hbm>> -> memref<1x32xf32, #tpu.memory_space<hbm>>
        %dma_start3A_432 = tpu.memref_squeeze %dma_start3A_431 : memref<1x32xf32, #tpu.memory_space<hbm>> -> memref<32xf32, #tpu.memory_space<hbm>>
        tpu.enqueue_dma source(%dma_start3A_432 : memref<32xf32, #tpu.memory_space<hbm>>) target(%dma_start3A_429 : memref<32xf32, #tpu.memory_space<vmem>>) target_semaphore(%arg13 : memref<!tpu.dma_semaphore, #tpu.memory_space<semaphore_mem>>)
        %add3A_433 = arith.constant 9 : i32
        %add3A_434 = arith.addi %mul3A_31, %add3A_433 : i32
        %slice3A_435 = vector.extract_strided_slice %get3A_33 {offsets = [9], sizes = [1], strides = [1]} : vector<16xi32> to vector<1xi32>
        %squeeze3A_436 = vector.extract %slice3A_435[0] : i32 from vector<1xi32>
        %dma_start3A_437 = arith.constant 0 : i32
        %dma_start3A_438 = tpu.memref_slice %arg12[%add3A_434, %dma_start3A_437] : memref<800x128xf32, #tpu.memory_space<vmem>> -> memref<1x32xf32, #tpu.memory_space<vmem>>
        %dma_start3A_439 = tpu.memref_squeeze %dma_start3A_438 : memref<1x32xf32, #tpu.memory_space<vmem>> -> memref<32xf32, #tpu.memory_space<vmem>>
        %dma_start3A_440 = arith.constant 0 : i32
        %dma_start3A_441 = tpu.memref_slice %arg5[%squeeze3A_436, %dma_start3A_440] : memref<1001x32xf32, #tpu.memory_space<hbm>> -> memref<1x32xf32, #tpu.memory_space<hbm>>
        %dma_start3A_442 = tpu.memref_squeeze %dma_start3A_441 : memref<1x32xf32, #tpu.memory_space<hbm>> -> memref<32xf32, #tpu.memory_space<hbm>>
        %dma_start3A_443 = arith.constant 0 : i32
        %dma_start3A_444 = tpu.memref_slice %arg12[%add3A_434, %dma_start3A_443] : memref<800x128xf32, #tpu.memory_space<vmem>> -> memref<1x32xf32, #tpu.memory_space<vmem>>
        %dma_start3A_445 = tpu.memref_squeeze %dma_start3A_444 : memref<1x32xf32, #tpu.memory_space<vmem>> -> memref<32xf32, #tpu.memory_space<vmem>>
        %dma_start3A_446 = arith.constant 0 : i32
        %dma_start3A_447 = tpu.memref_slice %arg5[%squeeze3A_436, %dma_start3A_446] : memref<1001x32xf32, #tpu.memory_space<hbm>> -> memref<1x32xf32, #tpu.memory_space<hbm>>
        %dma_start3A_448 = tpu.memref_squeeze %dma_start3A_447 : memref<1x32xf32, #tpu.memory_space<hbm>> -> memref<32xf32, #tpu.memory_space<hbm>>
        tpu.enqueue_dma source(%dma_start3A_448 : memref<32xf32, #tpu.memory_space<hbm>>) target(%dma_start3A_445 : memref<32xf32, #tpu.memory_space<vmem>>) target_semaphore(%arg13 : memref<!tpu.dma_semaphore, #tpu.memory_space<semaphore_mem>>)
        %slice3A_449 = vector.extract_strided_slice %get3A_36 {offsets = [9], sizes = [1], strides = [1]} : vector<16xi32> to vector<1xi32>
        %squeeze3A_450 = vector.extract %slice3A_449[0] : i32 from vector<1xi32>
        %dma_start3A_451 = arith.constant 32 : i32
        %dma_start3A_452 = tpu.memref_slice %arg12[%add3A_434, %dma_start3A_451] : memref<800x128xf32, #tpu.memory_space<vmem>> -> memref<1x32xf32, #tpu.memory_space<vmem>>
        %dma_start3A_453 = tpu.memref_squeeze %dma_start3A_452 : memref<1x32xf32, #tpu.memory_space<vmem>> -> memref<32xf32, #tpu.memory_space<vmem>>
        %dma_start3A_454 = arith.constant 0 : i32
        %dma_start3A_455 = tpu.memref_slice %arg6[%squeeze3A_450, %dma_start3A_454] : memref<100001x32xf32, #tpu.memory_space<hbm>> -> memref<1x32xf32, #tpu.memory_space<hbm>>
        %dma_start3A_456 = tpu.memref_squeeze %dma_start3A_455 : memref<1x32xf32, #tpu.memory_space<hbm>> -> memref<32xf32, #tpu.memory_space<hbm>>
        %dma_start3A_457 = arith.constant 32 : i32
        %dma_start3A_458 = tpu.memref_slice %arg12[%add3A_434, %dma_start3A_457] : memref<800x128xf32, #tpu.memory_space<vmem>> -> memref<1x32xf32, #tpu.memory_space<vmem>>
        %dma_start3A_459 = tpu.memref_squeeze %dma_start3A_458 : memref<1x32xf32, #tpu.memory_space<vmem>> -> memref<32xf32, #tpu.memory_space<vmem>>
        %dma_start3A_460 = arith.constant 0 : i32
        %dma_start3A_461 = tpu.memref_slice %arg6[%squeeze3A_450, %dma_start3A_460] : memref<100001x32xf32, #tpu.memory_space<hbm>> -> memref<1x32xf32, #tpu.memory_space<hbm>>
        %dma_start3A_462 = tpu.memref_squeeze %dma_start3A_461 : memref<1x32xf32, #tpu.memory_space<hbm>> -> memref<32xf32, #tpu.memory_space<hbm>>
        tpu.enqueue_dma source(%dma_start3A_462 : memref<32xf32, #tpu.memory_space<hbm>>) target(%dma_start3A_459 : memref<32xf32, #tpu.memory_space<vmem>>) target_semaphore(%arg13 : memref<!tpu.dma_semaphore, #tpu.memory_space<semaphore_mem>>)
        %slice3A_463 = vector.extract_strided_slice %get3A_39 {offsets = [9], sizes = [1], strides = [1]} : vector<16xi32> to vector<1xi32>
        %squeeze3A_464 = vector.extract %slice3A_463[0] : i32 from vector<1xi32>
        %dma_start3A_465 = arith.constant 64 : i32
        %dma_start3A_466 = tpu.memref_slice %arg12[%add3A_434, %dma_start3A_465] : memref<800x128xf32, #tpu.memory_space<vmem>> -> memref<1x32xf32, #tpu.memory_space<vmem>>
        %dma_start3A_467 = tpu.memref_squeeze %dma_start3A_466 : memref<1x32xf32, #tpu.memory_space<vmem>> -> memref<32xf32, #tpu.memory_space<vmem>>
        %dma_start3A_468 = arith.constant 0 : i32
        %dma_start3A_469 = tpu.memref_slice %arg7[%squeeze3A_464, %dma_start3A_468] : memref<1000001x32xf32, #tpu.memory_space<hbm>> -> memref<1x32xf32, #tpu.memory_space<hbm>>
        %dma_start3A_470 = tpu.memref_squeeze %dma_start3A_469 : memref<1x32xf32, #tpu.memory_space<hbm>> -> memref<32xf32, #tpu.memory_space<hbm>>
        %dma_start3A_471 = arith.constant 64 : i32
        %dma_start3A_472 = tpu.memref_slice %arg12[%add3A_434, %dma_start3A_471] : memref<800x128xf32, #tpu.memory_space<vmem>> -> memref<1x32xf32, #tpu.memory_space<vmem>>
        %dma_start3A_473 = tpu.memref_squeeze %dma_start3A_472 : memref<1x32xf32, #tpu.memory_space<vmem>> -> memref<32xf32, #tpu.memory_space<vmem>>
        %dma_start3A_474 = arith.constant 0 : i32
        %dma_start3A_475 = tpu.memref_slice %arg7[%squeeze3A_464, %dma_start3A_474] : memref<1000001x32xf32, #tpu.memory_space<hbm>> -> memref<1x32xf32, #tpu.memory_space<hbm>>
        %dma_start3A_476 = tpu.memref_squeeze %dma_start3A_475 : memref<1x32xf32, #tpu.memory_space<hbm>> -> memref<32xf32, #tpu.memory_space<hbm>>
        tpu.enqueue_dma source(%dma_start3A_476 : memref<32xf32, #tpu.memory_space<hbm>>) target(%dma_start3A_473 : memref<32xf32, #tpu.memory_space<vmem>>) target_semaphore(%arg13 : memref<!tpu.dma_semaphore, #tpu.memory_space<semaphore_mem>>)
        %add3A_477 = arith.constant 10 : i32
        %add3A_478 = arith.addi %mul3A_31, %add3A_477 : i32
        %slice3A_479 = vector.extract_strided_slice %get3A_33 {offsets = [10], sizes = [1], strides = [1]} : vector<16xi32> to vector<1xi32>
        %squeeze3A_480 = vector.extract %slice3A_479[0] : i32 from vector<1xi32>
        %dma_start3A_481 = arith.constant 0 : i32
        %dma_start3A_482 = tpu.memref_slice %arg12[%add3A_478, %dma_start3A_481] : memref<800x128xf32, #tpu.memory_space<vmem>> -> memref<1x32xf32, #tpu.memory_space<vmem>>
        %dma_start3A_483 = tpu.memref_squeeze %dma_start3A_482 : memref<1x32xf32, #tpu.memory_space<vmem>> -> memref<32xf32, #tpu.memory_space<vmem>>
        %dma_start3A_484 = arith.constant 0 : i32
        %dma_start3A_485 = tpu.memref_slice %arg5[%squeeze3A_480, %dma_start3A_484] : memref<1001x32xf32, #tpu.memory_space<hbm>> -> memref<1x32xf32, #tpu.memory_space<hbm>>
        %dma_start3A_486 = tpu.memref_squeeze %dma_start3A_485 : memref<1x32xf32, #tpu.memory_space<hbm>> -> memref<32xf32, #tpu.memory_space<hbm>>
        %dma_start3A_487 = arith.constant 0 : i32
        %dma_start3A_488 = tpu.memref_slice %arg12[%add3A_478, %dma_start3A_487] : memref<800x128xf32, #tpu.memory_space<vmem>> -> memref<1x32xf32, #tpu.memory_space<vmem>>
        %dma_start3A_489 = tpu.memref_squeeze %dma_start3A_488 : memref<1x32xf32, #tpu.memory_space<vmem>> -> memref<32xf32, #tpu.memory_space<vmem>>
        %dma_start3A_490 = arith.constant 0 : i32
        %dma_start3A_491 = tpu.memref_slice %arg5[%squeeze3A_480, %dma_start3A_490] : memref<1001x32xf32, #tpu.memory_space<hbm>> -> memref<1x32xf32, #tpu.memory_space<hbm>>
        %dma_start3A_492 = tpu.memref_squeeze %dma_start3A_491 : memref<1x32xf32, #tpu.memory_space<hbm>> -> memref<32xf32, #tpu.memory_space<hbm>>
        tpu.enqueue_dma source(%dma_start3A_492 : memref<32xf32, #tpu.memory_space<hbm>>) target(%dma_start3A_489 : memref<32xf32, #tpu.memory_space<vmem>>) target_semaphore(%arg13 : memref<!tpu.dma_semaphore, #tpu.memory_space<semaphore_mem>>)
        %slice3A_493 = vector.extract_strided_slice %get3A_36 {offsets = [10], sizes = [1], strides = [1]} : vector<16xi32> to vector<1xi32>
        %squeeze3A_494 = vector.extract %slice3A_493[0] : i32 from vector<1xi32>
        %dma_start3A_495 = arith.constant 32 : i32
        %dma_start3A_496 = tpu.memref_slice %arg12[%add3A_478, %dma_start3A_495] : memref<800x128xf32, #tpu.memory_space<vmem>> -> memref<1x32xf32, #tpu.memory_space<vmem>>
        %dma_start3A_497 = tpu.memref_squeeze %dma_start3A_496 : memref<1x32xf32, #tpu.memory_space<vmem>> -> memref<32xf32, #tpu.memory_space<vmem>>
        %dma_start3A_498 = arith.constant 0 : i32
        %dma_start3A_499 = tpu.memref_slice %arg6[%squeeze3A_494, %dma_start3A_498] : memref<100001x32xf32, #tpu.memory_space<hbm>> -> memref<1x32xf32, #tpu.memory_space<hbm>>
        %dma_start3A_500 = tpu.memref_squeeze %dma_start3A_499 : memref<1x32xf32, #tpu.memory_space<hbm>> -> memref<32xf32, #tpu.memory_space<hbm>>
        %dma_start3A_501 = arith.constant 32 : i32
        %dma_start3A_502 = tpu.memref_slice %arg12[%add3A_478, %dma_start3A_501] : memref<800x128xf32, #tpu.memory_space<vmem>> -> memref<1x32xf32, #tpu.memory_space<vmem>>
        %dma_start3A_503 = tpu.memref_squeeze %dma_start3A_502 : memref<1x32xf32, #tpu.memory_space<vmem>> -> memref<32xf32, #tpu.memory_space<vmem>>
        %dma_start3A_504 = arith.constant 0 : i32
        %dma_start3A_505 = tpu.memref_slice %arg6[%squeeze3A_494, %dma_start3A_504] : memref<100001x32xf32, #tpu.memory_space<hbm>> -> memref<1x32xf32, #tpu.memory_space<hbm>>
        %dma_start3A_506 = tpu.memref_squeeze %dma_start3A_505 : memref<1x32xf32, #tpu.memory_space<hbm>> -> memref<32xf32, #tpu.memory_space<hbm>>
        tpu.enqueue_dma source(%dma_start3A_506 : memref<32xf32, #tpu.memory_space<hbm>>) target(%dma_start3A_503 : memref<32xf32, #tpu.memory_space<vmem>>) target_semaphore(%arg13 : memref<!tpu.dma_semaphore, #tpu.memory_space<semaphore_mem>>)
        %slice3A_507 = vector.extract_strided_slice %get3A_39 {offsets = [10], sizes = [1], strides = [1]} : vector<16xi32> to vector<1xi32>
        %squeeze3A_508 = vector.extract %slice3A_507[0] : i32 from vector<1xi32>
        %dma_start3A_509 = arith.constant 64 : i32
        %dma_start3A_510 = tpu.memref_slice %arg12[%add3A_478, %dma_start3A_509] : memref<800x128xf32, #tpu.memory_space<vmem>> -> memref<1x32xf32, #tpu.memory_space<vmem>>
        %dma_start3A_511 = tpu.memref_squeeze %dma_start3A_510 : memref<1x32xf32, #tpu.memory_space<vmem>> -> memref<32xf32, #tpu.memory_space<vmem>>
        %dma_start3A_512 = arith.constant 0 : i32
        %dma_start3A_513 = tpu.memref_slice %arg7[%squeeze3A_508, %dma_start3A_512] : memref<1000001x32xf32, #tpu.memory_space<hbm>> -> memref<1x32xf32, #tpu.memory_space<hbm>>
        %dma_start3A_514 = tpu.memref_squeeze %dma_start3A_513 : memref<1x32xf32, #tpu.memory_space<hbm>> -> memref<32xf32, #tpu.memory_space<hbm>>
        %dma_start3A_515 = arith.constant 64 : i32
        %dma_start3A_516 = tpu.memref_slice %arg12[%add3A_478, %dma_start3A_515] : memref<800x128xf32, #tpu.memory_space<vmem>> -> memref<1x32xf32, #tpu.memory_space<vmem>>
        %dma_start3A_517 = tpu.memref_squeeze %dma_start3A_516 : memref<1x32xf32, #tpu.memory_space<vmem>> -> memref<32xf32, #tpu.memory_space<vmem>>
        %dma_start3A_518 = arith.constant 0 : i32
        %dma_start3A_519 = tpu.memref_slice %arg7[%squeeze3A_508, %dma_start3A_518] : memref<1000001x32xf32, #tpu.memory_space<hbm>> -> memref<1x32xf32, #tpu.memory_space<hbm>>
        %dma_start3A_520 = tpu.memref_squeeze %dma_start3A_519 : memref<1x32xf32, #tpu.memory_space<hbm>> -> memref<32xf32, #tpu.memory_space<hbm>>
        tpu.enqueue_dma source(%dma_start3A_520 : memref<32xf32, #tpu.memory_space<hbm>>) target(%dma_start3A_517 : memref<32xf32, #tpu.memory_space<vmem>>) target_semaphore(%arg13 : memref<!tpu.dma_semaphore, #tpu.memory_space<semaphore_mem>>)
        %add3A_521 = arith.constant 11 : i32
        %add3A_522 = arith.addi %mul3A_31, %add3A_521 : i32
        %slice3A_523 = vector.extract_strided_slice %get3A_33 {offsets = [11], sizes = [1], strides = [1]} : vector<16xi32> to vector<1xi32>
        %squeeze3A_524 = vector.extract %slice3A_523[0] : i32 from vector<1xi32>
        %dma_start3A_525 = arith.constant 0 : i32
        %dma_start3A_526 = tpu.memref_slice %arg12[%add3A_522, %dma_start3A_525] : memref<800x128xf32, #tpu.memory_space<vmem>> -> memref<1x32xf32, #tpu.memory_space<vmem>>
        %dma_start3A_527 = tpu.memref_squeeze %dma_start3A_526 : memref<1x32xf32, #tpu.memory_space<vmem>> -> memref<32xf32, #tpu.memory_space<vmem>>
        %dma_start3A_528 = arith.constant 0 : i32
        %dma_start3A_529 = tpu.memref_slice %arg5[%squeeze3A_524, %dma_start3A_528] : memref<1001x32xf32, #tpu.memory_space<hbm>> -> memref<1x32xf32, #tpu.memory_space<hbm>>
        %dma_start3A_530 = tpu.memref_squeeze %dma_start3A_529 : memref<1x32xf32, #tpu.memory_space<hbm>> -> memref<32xf32, #tpu.memory_space<hbm>>
        %dma_start3A_531 = arith.constant 0 : i32
        %dma_start3A_532 = tpu.memref_slice %arg12[%add3A_522, %dma_start3A_531] : memref<800x128xf32, #tpu.memory_space<vmem>> -> memref<1x32xf32, #tpu.memory_space<vmem>>
        %dma_start3A_533 = tpu.memref_squeeze %dma_start3A_532 : memref<1x32xf32, #tpu.memory_space<vmem>> -> memref<32xf32, #tpu.memory_space<vmem>>
        %dma_start3A_534 = arith.constant 0 : i32
        %dma_start3A_535 = tpu.memref_slice %arg5[%squeeze3A_524, %dma_start3A_534] : memref<1001x32xf32, #tpu.memory_space<hbm>> -> memref<1x32xf32, #tpu.memory_space<hbm>>
        %dma_start3A_536 = tpu.memref_squeeze %dma_start3A_535 : memref<1x32xf32, #tpu.memory_space<hbm>> -> memref<32xf32, #tpu.memory_space<hbm>>
        tpu.enqueue_dma source(%dma_start3A_536 : memref<32xf32, #tpu.memory_space<hbm>>) target(%dma_start3A_533 : memref<32xf32, #tpu.memory_space<vmem>>) target_semaphore(%arg13 : memref<!tpu.dma_semaphore, #tpu.memory_space<semaphore_mem>>)
        %slice3A_537 = vector.extract_strided_slice %get3A_36 {offsets = [11], sizes = [1], strides = [1]} : vector<16xi32> to vector<1xi32>
        %squeeze3A_538 = vector.extract %slice3A_537[0] : i32 from vector<1xi32>
        %dma_start3A_539 = arith.constant 32 : i32
        %dma_start3A_540 = tpu.memref_slice %arg12[%add3A_522, %dma_start3A_539] : memref<800x128xf32, #tpu.memory_space<vmem>> -> memref<1x32xf32, #tpu.memory_space<vmem>>
        %dma_start3A_541 = tpu.memref_squeeze %dma_start3A_540 : memref<1x32xf32, #tpu.memory_space<vmem>> -> memref<32xf32, #tpu.memory_space<vmem>>
        %dma_start3A_542 = arith.constant 0 : i32
        %dma_start3A_543 = tpu.memref_slice %arg6[%squeeze3A_538, %dma_start3A_542] : memref<100001x32xf32, #tpu.memory_space<hbm>> -> memref<1x32xf32, #tpu.memory_space<hbm>>
        %dma_start3A_544 = tpu.memref_squeeze %dma_start3A_543 : memref<1x32xf32, #tpu.memory_space<hbm>> -> memref<32xf32, #tpu.memory_space<hbm>>
        %dma_start3A_545 = arith.constant 32 : i32
        %dma_start3A_546 = tpu.memref_slice %arg12[%add3A_522, %dma_start3A_545] : memref<800x128xf32, #tpu.memory_space<vmem>> -> memref<1x32xf32, #tpu.memory_space<vmem>>
        %dma_start3A_547 = tpu.memref_squeeze %dma_start3A_546 : memref<1x32xf32, #tpu.memory_space<vmem>> -> memref<32xf32, #tpu.memory_space<vmem>>
        %dma_start3A_548 = arith.constant 0 : i32
        %dma_start3A_549 = tpu.memref_slice %arg6[%squeeze3A_538, %dma_start3A_548] : memref<100001x32xf32, #tpu.memory_space<hbm>> -> memref<1x32xf32, #tpu.memory_space<hbm>>
        %dma_start3A_550 = tpu.memref_squeeze %dma_start3A_549 : memref<1x32xf32, #tpu.memory_space<hbm>> -> memref<32xf32, #tpu.memory_space<hbm>>
        tpu.enqueue_dma source(%dma_start3A_550 : memref<32xf32, #tpu.memory_space<hbm>>) target(%dma_start3A_547 : memref<32xf32, #tpu.memory_space<vmem>>) target_semaphore(%arg13 : memref<!tpu.dma_semaphore, #tpu.memory_space<semaphore_mem>>)
        %slice3A_551 = vector.extract_strided_slice %get3A_39 {offsets = [11], sizes = [1], strides = [1]} : vector<16xi32> to vector<1xi32>
        %squeeze3A_552 = vector.extract %slice3A_551[0] : i32 from vector<1xi32>
        %dma_start3A_553 = arith.constant 64 : i32
        %dma_start3A_554 = tpu.memref_slice %arg12[%add3A_522, %dma_start3A_553] : memref<800x128xf32, #tpu.memory_space<vmem>> -> memref<1x32xf32, #tpu.memory_space<vmem>>
        %dma_start3A_555 = tpu.memref_squeeze %dma_start3A_554 : memref<1x32xf32, #tpu.memory_space<vmem>> -> memref<32xf32, #tpu.memory_space<vmem>>
        %dma_start3A_556 = arith.constant 0 : i32
        %dma_start3A_557 = tpu.memref_slice %arg7[%squeeze3A_552, %dma_start3A_556] : memref<1000001x32xf32, #tpu.memory_space<hbm>> -> memref<1x32xf32, #tpu.memory_space<hbm>>
        %dma_start3A_558 = tpu.memref_squeeze %dma_start3A_557 : memref<1x32xf32, #tpu.memory_space<hbm>> -> memref<32xf32, #tpu.memory_space<hbm>>
        %dma_start3A_559 = arith.constant 64 : i32
        %dma_start3A_560 = tpu.memref_slice %arg12[%add3A_522, %dma_start3A_559] : memref<800x128xf32, #tpu.memory_space<vmem>> -> memref<1x32xf32, #tpu.memory_space<vmem>>
        %dma_start3A_561 = tpu.memref_squeeze %dma_start3A_560 : memref<1x32xf32, #tpu.memory_space<vmem>> -> memref<32xf32, #tpu.memory_space<vmem>>
        %dma_start3A_562 = arith.constant 0 : i32
        %dma_start3A_563 = tpu.memref_slice %arg7[%squeeze3A_552, %dma_start3A_562] : memref<1000001x32xf32, #tpu.memory_space<hbm>> -> memref<1x32xf32, #tpu.memory_space<hbm>>
        %dma_start3A_564 = tpu.memref_squeeze %dma_start3A_563 : memref<1x32xf32, #tpu.memory_space<hbm>> -> memref<32xf32, #tpu.memory_space<hbm>>
        tpu.enqueue_dma source(%dma_start3A_564 : memref<32xf32, #tpu.memory_space<hbm>>) target(%dma_start3A_561 : memref<32xf32, #tpu.memory_space<vmem>>) target_semaphore(%arg13 : memref<!tpu.dma_semaphore, #tpu.memory_space<semaphore_mem>>)
        %add3A_565 = arith.constant 12 : i32
        %add3A_566 = arith.addi %mul3A_31, %add3A_565 : i32
        %slice3A_567 = vector.extract_strided_slice %get3A_33 {offsets = [12], sizes = [1], strides = [1]} : vector<16xi32> to vector<1xi32>
        %squeeze3A_568 = vector.extract %slice3A_567[0] : i32 from vector<1xi32>
        %dma_start3A_569 = arith.constant 0 : i32
        %dma_start3A_570 = tpu.memref_slice %arg12[%add3A_566, %dma_start3A_569] : memref<800x128xf32, #tpu.memory_space<vmem>> -> memref<1x32xf32, #tpu.memory_space<vmem>>
        %dma_start3A_571 = tpu.memref_squeeze %dma_start3A_570 : memref<1x32xf32, #tpu.memory_space<vmem>> -> memref<32xf32, #tpu.memory_space<vmem>>
        %dma_start3A_572 = arith.constant 0 : i32
        %dma_start3A_573 = tpu.memref_slice %arg5[%squeeze3A_568, %dma_start3A_572] : memref<1001x32xf32, #tpu.memory_space<hbm>> -> memref<1x32xf32, #tpu.memory_space<hbm>>
        %dma_start3A_574 = tpu.memref_squeeze %dma_start3A_573 : memref<1x32xf32, #tpu.memory_space<hbm>> -> memref<32xf32, #tpu.memory_space<hbm>>
        %dma_start3A_575 = arith.constant 0 : i32
        %dma_start3A_576 = tpu.memref_slice %arg12[%add3A_566, %dma_start3A_575] : memref<800x128xf32, #tpu.memory_space<vmem>> -> memref<1x32xf32, #tpu.memory_space<vmem>>
        %dma_start3A_577 = tpu.memref_squeeze %dma_start3A_576 : memref<1x32xf32, #tpu.memory_space<vmem>> -> memref<32xf32, #tpu.memory_space<vmem>>
        %dma_start3A_578 = arith.constant 0 : i32
        %dma_start3A_579 = tpu.memref_slice %arg5[%squeeze3A_568, %dma_start3A_578] : memref<1001x32xf32, #tpu.memory_space<hbm>> -> memref<1x32xf32, #tpu.memory_space<hbm>>
        %dma_start3A_580 = tpu.memref_squeeze %dma_start3A_579 : memref<1x32xf32, #tpu.memory_space<hbm>> -> memref<32xf32, #tpu.memory_space<hbm>>
        tpu.enqueue_dma source(%dma_start3A_580 : memref<32xf32, #tpu.memory_space<hbm>>) target(%dma_start3A_577 : memref<32xf32, #tpu.memory_space<vmem>>) target_semaphore(%arg13 : memref<!tpu.dma_semaphore, #tpu.memory_space<semaphore_mem>>)
        %slice3A_581 = vector.extract_strided_slice %get3A_36 {offsets = [12], sizes = [1], strides = [1]} : vector<16xi32> to vector<1xi32>
        %squeeze3A_582 = vector.extract %slice3A_581[0] : i32 from vector<1xi32>
        %dma_start3A_583 = arith.constant 32 : i32
        %dma_start3A_584 = tpu.memref_slice %arg12[%add3A_566, %dma_start3A_583] : memref<800x128xf32, #tpu.memory_space<vmem>> -> memref<1x32xf32, #tpu.memory_space<vmem>>
        %dma_start3A_585 = tpu.memref_squeeze %dma_start3A_584 : memref<1x32xf32, #tpu.memory_space<vmem>> -> memref<32xf32, #tpu.memory_space<vmem>>
        %dma_start3A_586 = arith.constant 0 : i32
        %dma_start3A_587 = tpu.memref_slice %arg6[%squeeze3A_582, %dma_start3A_586] : memref<100001x32xf32, #tpu.memory_space<hbm>> -> memref<1x32xf32, #tpu.memory_space<hbm>>
        %dma_start3A_588 = tpu.memref_squeeze %dma_start3A_587 : memref<1x32xf32, #tpu.memory_space<hbm>> -> memref<32xf32, #tpu.memory_space<hbm>>
        %dma_start3A_589 = arith.constant 32 : i32
        %dma_start3A_590 = tpu.memref_slice %arg12[%add3A_566, %dma_start3A_589] : memref<800x128xf32, #tpu.memory_space<vmem>> -> memref<1x32xf32, #tpu.memory_space<vmem>>
        %dma_start3A_591 = tpu.memref_squeeze %dma_start3A_590 : memref<1x32xf32, #tpu.memory_space<vmem>> -> memref<32xf32, #tpu.memory_space<vmem>>
        %dma_start3A_592 = arith.constant 0 : i32
        %dma_start3A_593 = tpu.memref_slice %arg6[%squeeze3A_582, %dma_start3A_592] : memref<100001x32xf32, #tpu.memory_space<hbm>> -> memref<1x32xf32, #tpu.memory_space<hbm>>
        %dma_start3A_594 = tpu.memref_squeeze %dma_start3A_593 : memref<1x32xf32, #tpu.memory_space<hbm>> -> memref<32xf32, #tpu.memory_space<hbm>>
        tpu.enqueue_dma source(%dma_start3A_594 : memref<32xf32, #tpu.memory_space<hbm>>) target(%dma_start3A_591 : memref<32xf32, #tpu.memory_space<vmem>>) target_semaphore(%arg13 : memref<!tpu.dma_semaphore, #tpu.memory_space<semaphore_mem>>)
        %slice3A_595 = vector.extract_strided_slice %get3A_39 {offsets = [12], sizes = [1], strides = [1]} : vector<16xi32> to vector<1xi32>
        %squeeze3A_596 = vector.extract %slice3A_595[0] : i32 from vector<1xi32>
        %dma_start3A_597 = arith.constant 64 : i32
        %dma_start3A_598 = tpu.memref_slice %arg12[%add3A_566, %dma_start3A_597] : memref<800x128xf32, #tpu.memory_space<vmem>> -> memref<1x32xf32, #tpu.memory_space<vmem>>
        %dma_start3A_599 = tpu.memref_squeeze %dma_start3A_598 : memref<1x32xf32, #tpu.memory_space<vmem>> -> memref<32xf32, #tpu.memory_space<vmem>>
        %dma_start3A_600 = arith.constant 0 : i32
        %dma_start3A_601 = tpu.memref_slice %arg7[%squeeze3A_596, %dma_start3A_600] : memref<1000001x32xf32, #tpu.memory_space<hbm>> -> memref<1x32xf32, #tpu.memory_space<hbm>>
        %dma_start3A_602 = tpu.memref_squeeze %dma_start3A_601 : memref<1x32xf32, #tpu.memory_space<hbm>> -> memref<32xf32, #tpu.memory_space<hbm>>
        %dma_start3A_603 = arith.constant 64 : i32
        %dma_start3A_604 = tpu.memref_slice %arg12[%add3A_566, %dma_start3A_603] : memref<800x128xf32, #tpu.memory_space<vmem>> -> memref<1x32xf32, #tpu.memory_space<vmem>>
        %dma_start3A_605 = tpu.memref_squeeze %dma_start3A_604 : memref<1x32xf32, #tpu.memory_space<vmem>> -> memref<32xf32, #tpu.memory_space<vmem>>
        %dma_start3A_606 = arith.constant 0 : i32
        %dma_start3A_607 = tpu.memref_slice %arg7[%squeeze3A_596, %dma_start3A_606] : memref<1000001x32xf32, #tpu.memory_space<hbm>> -> memref<1x32xf32, #tpu.memory_space<hbm>>
        %dma_start3A_608 = tpu.memref_squeeze %dma_start3A_607 : memref<1x32xf32, #tpu.memory_space<hbm>> -> memref<32xf32, #tpu.memory_space<hbm>>
        tpu.enqueue_dma source(%dma_start3A_608 : memref<32xf32, #tpu.memory_space<hbm>>) target(%dma_start3A_605 : memref<32xf32, #tpu.memory_space<vmem>>) target_semaphore(%arg13 : memref<!tpu.dma_semaphore, #tpu.memory_space<semaphore_mem>>)
        %add3A_609 = arith.constant 13 : i32
        %add3A_610 = arith.addi %mul3A_31, %add3A_609 : i32
        %slice3A_611 = vector.extract_strided_slice %get3A_33 {offsets = [13], sizes = [1], strides = [1]} : vector<16xi32> to vector<1xi32>
        %squeeze3A_612 = vector.extract %slice3A_611[0] : i32 from vector<1xi32>
        %dma_start3A_613 = arith.constant 0 : i32
        %dma_start3A_614 = tpu.memref_slice %arg12[%add3A_610, %dma_start3A_613] : memref<800x128xf32, #tpu.memory_space<vmem>> -> memref<1x32xf32, #tpu.memory_space<vmem>>
        %dma_start3A_615 = tpu.memref_squeeze %dma_start3A_614 : memref<1x32xf32, #tpu.memory_space<vmem>> -> memref<32xf32, #tpu.memory_space<vmem>>
        %dma_start3A_616 = arith.constant 0 : i32
        %dma_start3A_617 = tpu.memref_slice %arg5[%squeeze3A_612, %dma_start3A_616] : memref<1001x32xf32, #tpu.memory_space<hbm>> -> memref<1x32xf32, #tpu.memory_space<hbm>>
        %dma_start3A_618 = tpu.memref_squeeze %dma_start3A_617 : memref<1x32xf32, #tpu.memory_space<hbm>> -> memref<32xf32, #tpu.memory_space<hbm>>
        %dma_start3A_619 = arith.constant 0 : i32
        %dma_start3A_620 = tpu.memref_slice %arg12[%add3A_610, %dma_start3A_619] : memref<800x128xf32, #tpu.memory_space<vmem>> -> memref<1x32xf32, #tpu.memory_space<vmem>>
        %dma_start3A_621 = tpu.memref_squeeze %dma_start3A_620 : memref<1x32xf32, #tpu.memory_space<vmem>> -> memref<32xf32, #tpu.memory_space<vmem>>
        %dma_start3A_622 = arith.constant 0 : i32
        %dma_start3A_623 = tpu.memref_slice %arg5[%squeeze3A_612, %dma_start3A_622] : memref<1001x32xf32, #tpu.memory_space<hbm>> -> memref<1x32xf32, #tpu.memory_space<hbm>>
        %dma_start3A_624 = tpu.memref_squeeze %dma_start3A_623 : memref<1x32xf32, #tpu.memory_space<hbm>> -> memref<32xf32, #tpu.memory_space<hbm>>
        tpu.enqueue_dma source(%dma_start3A_624 : memref<32xf32, #tpu.memory_space<hbm>>) target(%dma_start3A_621 : memref<32xf32, #tpu.memory_space<vmem>>) target_semaphore(%arg13 : memref<!tpu.dma_semaphore, #tpu.memory_space<semaphore_mem>>)
        %slice3A_625 = vector.extract_strided_slice %get3A_36 {offsets = [13], sizes = [1], strides = [1]} : vector<16xi32> to vector<1xi32>
        %squeeze3A_626 = vector.extract %slice3A_625[0] : i32 from vector<1xi32>
        %dma_start3A_627 = arith.constant 32 : i32
        %dma_start3A_628 = tpu.memref_slice %arg12[%add3A_610, %dma_start3A_627] : memref<800x128xf32, #tpu.memory_space<vmem>> -> memref<1x32xf32, #tpu.memory_space<vmem>>
        %dma_start3A_629 = tpu.memref_squeeze %dma_start3A_628 : memref<1x32xf32, #tpu.memory_space<vmem>> -> memref<32xf32, #tpu.memory_space<vmem>>
        %dma_start3A_630 = arith.constant 0 : i32
        %dma_start3A_631 = tpu.memref_slice %arg6[%squeeze3A_626, %dma_start3A_630] : memref<100001x32xf32, #tpu.memory_space<hbm>> -> memref<1x32xf32, #tpu.memory_space<hbm>>
        %dma_start3A_632 = tpu.memref_squeeze %dma_start3A_631 : memref<1x32xf32, #tpu.memory_space<hbm>> -> memref<32xf32, #tpu.memory_space<hbm>>
        %dma_start3A_633 = arith.constant 32 : i32
        %dma_start3A_634 = tpu.memref_slice %arg12[%add3A_610, %dma_start3A_633] : memref<800x128xf32, #tpu.memory_space<vmem>> -> memref<1x32xf32, #tpu.memory_space<vmem>>
        %dma_start3A_635 = tpu.memref_squeeze %dma_start3A_634 : memref<1x32xf32, #tpu.memory_space<vmem>> -> memref<32xf32, #tpu.memory_space<vmem>>
        %dma_start3A_636 = arith.constant 0 : i32
        %dma_start3A_637 = tpu.memref_slice %arg6[%squeeze3A_626, %dma_start3A_636] : memref<100001x32xf32, #tpu.memory_space<hbm>> -> memref<1x32xf32, #tpu.memory_space<hbm>>
        %dma_start3A_638 = tpu.memref_squeeze %dma_start3A_637 : memref<1x32xf32, #tpu.memory_space<hbm>> -> memref<32xf32, #tpu.memory_space<hbm>>
        tpu.enqueue_dma source(%dma_start3A_638 : memref<32xf32, #tpu.memory_space<hbm>>) target(%dma_start3A_635 : memref<32xf32, #tpu.memory_space<vmem>>) target_semaphore(%arg13 : memref<!tpu.dma_semaphore, #tpu.memory_space<semaphore_mem>>)
        %slice3A_639 = vector.extract_strided_slice %get3A_39 {offsets = [13], sizes = [1], strides = [1]} : vector<16xi32> to vector<1xi32>
        %squeeze3A_640 = vector.extract %slice3A_639[0] : i32 from vector<1xi32>
        %dma_start3A_641 = arith.constant 64 : i32
        %dma_start3A_642 = tpu.memref_slice %arg12[%add3A_610, %dma_start3A_641] : memref<800x128xf32, #tpu.memory_space<vmem>> -> memref<1x32xf32, #tpu.memory_space<vmem>>
        %dma_start3A_643 = tpu.memref_squeeze %dma_start3A_642 : memref<1x32xf32, #tpu.memory_space<vmem>> -> memref<32xf32, #tpu.memory_space<vmem>>
        %dma_start3A_644 = arith.constant 0 : i32
        %dma_start3A_645 = tpu.memref_slice %arg7[%squeeze3A_640, %dma_start3A_644] : memref<1000001x32xf32, #tpu.memory_space<hbm>> -> memref<1x32xf32, #tpu.memory_space<hbm>>
        %dma_start3A_646 = tpu.memref_squeeze %dma_start3A_645 : memref<1x32xf32, #tpu.memory_space<hbm>> -> memref<32xf32, #tpu.memory_space<hbm>>
        %dma_start3A_647 = arith.constant 64 : i32
        %dma_start3A_648 = tpu.memref_slice %arg12[%add3A_610, %dma_start3A_647] : memref<800x128xf32, #tpu.memory_space<vmem>> -> memref<1x32xf32, #tpu.memory_space<vmem>>
        %dma_start3A_649 = tpu.memref_squeeze %dma_start3A_648 : memref<1x32xf32, #tpu.memory_space<vmem>> -> memref<32xf32, #tpu.memory_space<vmem>>
        %dma_start3A_650 = arith.constant 0 : i32
        %dma_start3A_651 = tpu.memref_slice %arg7[%squeeze3A_640, %dma_start3A_650] : memref<1000001x32xf32, #tpu.memory_space<hbm>> -> memref<1x32xf32, #tpu.memory_space<hbm>>
        %dma_start3A_652 = tpu.memref_squeeze %dma_start3A_651 : memref<1x32xf32, #tpu.memory_space<hbm>> -> memref<32xf32, #tpu.memory_space<hbm>>
        tpu.enqueue_dma source(%dma_start3A_652 : memref<32xf32, #tpu.memory_space<hbm>>) target(%dma_start3A_649 : memref<32xf32, #tpu.memory_space<vmem>>) target_semaphore(%arg13 : memref<!tpu.dma_semaphore, #tpu.memory_space<semaphore_mem>>)
        %add3A_653 = arith.constant 14 : i32
        %add3A_654 = arith.addi %mul3A_31, %add3A_653 : i32
        %slice3A_655 = vector.extract_strided_slice %get3A_33 {offsets = [14], sizes = [1], strides = [1]} : vector<16xi32> to vector<1xi32>
        %squeeze3A_656 = vector.extract %slice3A_655[0] : i32 from vector<1xi32>
        %dma_start3A_657 = arith.constant 0 : i32
        %dma_start3A_658 = tpu.memref_slice %arg12[%add3A_654, %dma_start3A_657] : memref<800x128xf32, #tpu.memory_space<vmem>> -> memref<1x32xf32, #tpu.memory_space<vmem>>
        %dma_start3A_659 = tpu.memref_squeeze %dma_start3A_658 : memref<1x32xf32, #tpu.memory_space<vmem>> -> memref<32xf32, #tpu.memory_space<vmem>>
        %dma_start3A_660 = arith.constant 0 : i32
        %dma_start3A_661 = tpu.memref_slice %arg5[%squeeze3A_656, %dma_start3A_660] : memref<1001x32xf32, #tpu.memory_space<hbm>> -> memref<1x32xf32, #tpu.memory_space<hbm>>
        %dma_start3A_662 = tpu.memref_squeeze %dma_start3A_661 : memref<1x32xf32, #tpu.memory_space<hbm>> -> memref<32xf32, #tpu.memory_space<hbm>>
        %dma_start3A_663 = arith.constant 0 : i32
        %dma_start3A_664 = tpu.memref_slice %arg12[%add3A_654, %dma_start3A_663] : memref<800x128xf32, #tpu.memory_space<vmem>> -> memref<1x32xf32, #tpu.memory_space<vmem>>
        %dma_start3A_665 = tpu.memref_squeeze %dma_start3A_664 : memref<1x32xf32, #tpu.memory_space<vmem>> -> memref<32xf32, #tpu.memory_space<vmem>>
        %dma_start3A_666 = arith.constant 0 : i32
        %dma_start3A_667 = tpu.memref_slice %arg5[%squeeze3A_656, %dma_start3A_666] : memref<1001x32xf32, #tpu.memory_space<hbm>> -> memref<1x32xf32, #tpu.memory_space<hbm>>
        %dma_start3A_668 = tpu.memref_squeeze %dma_start3A_667 : memref<1x32xf32, #tpu.memory_space<hbm>> -> memref<32xf32, #tpu.memory_space<hbm>>
        tpu.enqueue_dma source(%dma_start3A_668 : memref<32xf32, #tpu.memory_space<hbm>>) target(%dma_start3A_665 : memref<32xf32, #tpu.memory_space<vmem>>) target_semaphore(%arg13 : memref<!tpu.dma_semaphore, #tpu.memory_space<semaphore_mem>>)
        %slice3A_669 = vector.extract_strided_slice %get3A_36 {offsets = [14], sizes = [1], strides = [1]} : vector<16xi32> to vector<1xi32>
        %squeeze3A_670 = vector.extract %slice3A_669[0] : i32 from vector<1xi32>
        %dma_start3A_671 = arith.constant 32 : i32
        %dma_start3A_672 = tpu.memref_slice %arg12[%add3A_654, %dma_start3A_671] : memref<800x128xf32, #tpu.memory_space<vmem>> -> memref<1x32xf32, #tpu.memory_space<vmem>>
        %dma_start3A_673 = tpu.memref_squeeze %dma_start3A_672 : memref<1x32xf32, #tpu.memory_space<vmem>> -> memref<32xf32, #tpu.memory_space<vmem>>
        %dma_start3A_674 = arith.constant 0 : i32
        %dma_start3A_675 = tpu.memref_slice %arg6[%squeeze3A_670, %dma_start3A_674] : memref<100001x32xf32, #tpu.memory_space<hbm>> -> memref<1x32xf32, #tpu.memory_space<hbm>>
        %dma_start3A_676 = tpu.memref_squeeze %dma_start3A_675 : memref<1x32xf32, #tpu.memory_space<hbm>> -> memref<32xf32, #tpu.memory_space<hbm>>
        %dma_start3A_677 = arith.constant 32 : i32
        %dma_start3A_678 = tpu.memref_slice %arg12[%add3A_654, %dma_start3A_677] : memref<800x128xf32, #tpu.memory_space<vmem>> -> memref<1x32xf32, #tpu.memory_space<vmem>>
        %dma_start3A_679 = tpu.memref_squeeze %dma_start3A_678 : memref<1x32xf32, #tpu.memory_space<vmem>> -> memref<32xf32, #tpu.memory_space<vmem>>
        %dma_start3A_680 = arith.constant 0 : i32
        %dma_start3A_681 = tpu.memref_slice %arg6[%squeeze3A_670, %dma_start3A_680] : memref<100001x32xf32, #tpu.memory_space<hbm>> -> memref<1x32xf32, #tpu.memory_space<hbm>>
        %dma_start3A_682 = tpu.memref_squeeze %dma_start3A_681 : memref<1x32xf32, #tpu.memory_space<hbm>> -> memref<32xf32, #tpu.memory_space<hbm>>
        tpu.enqueue_dma source(%dma_start3A_682 : memref<32xf32, #tpu.memory_space<hbm>>) target(%dma_start3A_679 : memref<32xf32, #tpu.memory_space<vmem>>) target_semaphore(%arg13 : memref<!tpu.dma_semaphore, #tpu.memory_space<semaphore_mem>>)
        %slice3A_683 = vector.extract_strided_slice %get3A_39 {offsets = [14], sizes = [1], strides = [1]} : vector<16xi32> to vector<1xi32>
        %squeeze3A_684 = vector.extract %slice3A_683[0] : i32 from vector<1xi32>
        %dma_start3A_685 = arith.constant 64 : i32
        %dma_start3A_686 = tpu.memref_slice %arg12[%add3A_654, %dma_start3A_685] : memref<800x128xf32, #tpu.memory_space<vmem>> -> memref<1x32xf32, #tpu.memory_space<vmem>>
        %dma_start3A_687 = tpu.memref_squeeze %dma_start3A_686 : memref<1x32xf32, #tpu.memory_space<vmem>> -> memref<32xf32, #tpu.memory_space<vmem>>
        %dma_start3A_688 = arith.constant 0 : i32
        %dma_start3A_689 = tpu.memref_slice %arg7[%squeeze3A_684, %dma_start3A_688] : memref<1000001x32xf32, #tpu.memory_space<hbm>> -> memref<1x32xf32, #tpu.memory_space<hbm>>
        %dma_start3A_690 = tpu.memref_squeeze %dma_start3A_689 : memref<1x32xf32, #tpu.memory_space<hbm>> -> memref<32xf32, #tpu.memory_space<hbm>>
        %dma_start3A_691 = arith.constant 64 : i32
        %dma_start3A_692 = tpu.memref_slice %arg12[%add3A_654, %dma_start3A_691] : memref<800x128xf32, #tpu.memory_space<vmem>> -> memref<1x32xf32, #tpu.memory_space<vmem>>
        %dma_start3A_693 = tpu.memref_squeeze %dma_start3A_692 : memref<1x32xf32, #tpu.memory_space<vmem>> -> memref<32xf32, #tpu.memory_space<vmem>>
        %dma_start3A_694 = arith.constant 0 : i32
        %dma_start3A_695 = tpu.memref_slice %arg7[%squeeze3A_684, %dma_start3A_694] : memref<1000001x32xf32, #tpu.memory_space<hbm>> -> memref<1x32xf32, #tpu.memory_space<hbm>>
        %dma_start3A_696 = tpu.memref_squeeze %dma_start3A_695 : memref<1x32xf32, #tpu.memory_space<hbm>> -> memref<32xf32, #tpu.memory_space<hbm>>
        tpu.enqueue_dma source(%dma_start3A_696 : memref<32xf32, #tpu.memory_space<hbm>>) target(%dma_start3A_693 : memref<32xf32, #tpu.memory_space<vmem>>) target_semaphore(%arg13 : memref<!tpu.dma_semaphore, #tpu.memory_space<semaphore_mem>>)
        %add3A_697 = arith.constant 15 : i32
        %add3A_698 = arith.addi %mul3A_31, %add3A_697 : i32
        %slice3A_699 = vector.extract_strided_slice %get3A_33 {offsets = [15], sizes = [1], strides = [1]} : vector<16xi32> to vector<1xi32>
        %squeeze3A_700 = vector.extract %slice3A_699[0] : i32 from vector<1xi32>
        %dma_start3A_701 = arith.constant 0 : i32
        %dma_start3A_702 = tpu.memref_slice %arg12[%add3A_698, %dma_start3A_701] : memref<800x128xf32, #tpu.memory_space<vmem>> -> memref<1x32xf32, #tpu.memory_space<vmem>>
        %dma_start3A_703 = tpu.memref_squeeze %dma_start3A_702 : memref<1x32xf32, #tpu.memory_space<vmem>> -> memref<32xf32, #tpu.memory_space<vmem>>
        %dma_start3A_704 = arith.constant 0 : i32
        %dma_start3A_705 = tpu.memref_slice %arg5[%squeeze3A_700, %dma_start3A_704] : memref<1001x32xf32, #tpu.memory_space<hbm>> -> memref<1x32xf32, #tpu.memory_space<hbm>>
        %dma_start3A_706 = tpu.memref_squeeze %dma_start3A_705 : memref<1x32xf32, #tpu.memory_space<hbm>> -> memref<32xf32, #tpu.memory_space<hbm>>
        %dma_start3A_707 = arith.constant 0 : i32
        %dma_start3A_708 = tpu.memref_slice %arg12[%add3A_698, %dma_start3A_707] : memref<800x128xf32, #tpu.memory_space<vmem>> -> memref<1x32xf32, #tpu.memory_space<vmem>>
        %dma_start3A_709 = tpu.memref_squeeze %dma_start3A_708 : memref<1x32xf32, #tpu.memory_space<vmem>> -> memref<32xf32, #tpu.memory_space<vmem>>
        %dma_start3A_710 = arith.constant 0 : i32
        %dma_start3A_711 = tpu.memref_slice %arg5[%squeeze3A_700, %dma_start3A_710] : memref<1001x32xf32, #tpu.memory_space<hbm>> -> memref<1x32xf32, #tpu.memory_space<hbm>>
        %dma_start3A_712 = tpu.memref_squeeze %dma_start3A_711 : memref<1x32xf32, #tpu.memory_space<hbm>> -> memref<32xf32, #tpu.memory_space<hbm>>
        tpu.enqueue_dma source(%dma_start3A_712 : memref<32xf32, #tpu.memory_space<hbm>>) target(%dma_start3A_709 : memref<32xf32, #tpu.memory_space<vmem>>) target_semaphore(%arg13 : memref<!tpu.dma_semaphore, #tpu.memory_space<semaphore_mem>>)
        %slice3A_713 = vector.extract_strided_slice %get3A_36 {offsets = [15], sizes = [1], strides = [1]} : vector<16xi32> to vector<1xi32>
        %squeeze3A_714 = vector.extract %slice3A_713[0] : i32 from vector<1xi32>
        %dma_start3A_715 = arith.constant 32 : i32
        %dma_start3A_716 = tpu.memref_slice %arg12[%add3A_698, %dma_start3A_715] : memref<800x128xf32, #tpu.memory_space<vmem>> -> memref<1x32xf32, #tpu.memory_space<vmem>>
        %dma_start3A_717 = tpu.memref_squeeze %dma_start3A_716 : memref<1x32xf32, #tpu.memory_space<vmem>> -> memref<32xf32, #tpu.memory_space<vmem>>
        %dma_start3A_718 = arith.constant 0 : i32
        %dma_start3A_719 = tpu.memref_slice %arg6[%squeeze3A_714, %dma_start3A_718] : memref<100001x32xf32, #tpu.memory_space<hbm>> -> memref<1x32xf32, #tpu.memory_space<hbm>>
        %dma_start3A_720 = tpu.memref_squeeze %dma_start3A_719 : memref<1x32xf32, #tpu.memory_space<hbm>> -> memref<32xf32, #tpu.memory_space<hbm>>
        %dma_start3A_721 = arith.constant 32 : i32
        %dma_start3A_722 = tpu.memref_slice %arg12[%add3A_698, %dma_start3A_721] : memref<800x128xf32, #tpu.memory_space<vmem>> -> memref<1x32xf32, #tpu.memory_space<vmem>>
        %dma_start3A_723 = tpu.memref_squeeze %dma_start3A_722 : memref<1x32xf32, #tpu.memory_space<vmem>> -> memref<32xf32, #tpu.memory_space<vmem>>
        %dma_start3A_724 = arith.constant 0 : i32
        %dma_start3A_725 = tpu.memref_slice %arg6[%squeeze3A_714, %dma_start3A_724] : memref<100001x32xf32, #tpu.memory_space<hbm>> -> memref<1x32xf32, #tpu.memory_space<hbm>>
        %dma_start3A_726 = tpu.memref_squeeze %dma_start3A_725 : memref<1x32xf32, #tpu.memory_space<hbm>> -> memref<32xf32, #tpu.memory_space<hbm>>
        tpu.enqueue_dma source(%dma_start3A_726 : memref<32xf32, #tpu.memory_space<hbm>>) target(%dma_start3A_723 : memref<32xf32, #tpu.memory_space<vmem>>) target_semaphore(%arg13 : memref<!tpu.dma_semaphore, #tpu.memory_space<semaphore_mem>>)
        %slice3A_727 = vector.extract_strided_slice %get3A_39 {offsets = [15], sizes = [1], strides = [1]} : vector<16xi32> to vector<1xi32>
        %squeeze3A_728 = vector.extract %slice3A_727[0] : i32 from vector<1xi32>
        %dma_start3A_729 = arith.constant 64 : i32
        %dma_start3A_730 = tpu.memref_slice %arg12[%add3A_698, %dma_start3A_729] : memref<800x128xf32, #tpu.memory_space<vmem>> -> memref<1x32xf32, #tpu.memory_space<vmem>>
        %dma_start3A_731 = tpu.memref_squeeze %dma_start3A_730 : memref<1x32xf32, #tpu.memory_space<vmem>> -> memref<32xf32, #tpu.memory_space<vmem>>
        %dma_start3A_732 = arith.constant 0 : i32
        %dma_start3A_733 = tpu.memref_slice %arg7[%squeeze3A_728, %dma_start3A_732] : memref<1000001x32xf32, #tpu.memory_space<hbm>> -> memref<1x32xf32, #tpu.memory_space<hbm>>
        %dma_start3A_734 = tpu.memref_squeeze %dma_start3A_733 : memref<1x32xf32, #tpu.memory_space<hbm>> -> memref<32xf32, #tpu.memory_space<hbm>>
        %dma_start3A_735 = arith.constant 64 : i32
        %dma_start3A_736 = tpu.memref_slice %arg12[%add3A_698, %dma_start3A_735] : memref<800x128xf32, #tpu.memory_space<vmem>> -> memref<1x32xf32, #tpu.memory_space<vmem>>
        %dma_start3A_737 = tpu.memref_squeeze %dma_start3A_736 : memref<1x32xf32, #tpu.memory_space<vmem>> -> memref<32xf32, #tpu.memory_space<vmem>>
        %dma_start3A_738 = arith.constant 0 : i32
        %dma_start3A_739 = tpu.memref_slice %arg7[%squeeze3A_728, %dma_start3A_738] : memref<1000001x32xf32, #tpu.memory_space<hbm>> -> memref<1x32xf32, #tpu.memory_space<hbm>>
        %dma_start3A_740 = tpu.memref_squeeze %dma_start3A_739 : memref<1x32xf32, #tpu.memory_space<hbm>> -> memref<32xf32, #tpu.memory_space<hbm>>
        tpu.enqueue_dma source(%dma_start3A_740 : memref<32xf32, #tpu.memory_space<hbm>>) target(%dma_start3A_737 : memref<32xf32, #tpu.memory_space<vmem>>) target_semaphore(%arg13 : memref<!tpu.dma_semaphore, #tpu.memory_space<semaphore_mem>>)
      }
      %scan3A_17 = arith.constant 50 : i32
      %dma_wait3A = arith.constant 0 : i32
      %dma_wait3A_18 = arith.constant 0 : i32
      %dma_wait3A_19 = tpu.memref_slice %arg12[%dma_wait3A, %dma_wait3A_18] : memref<800x128xf32, #tpu.memory_space<vmem>> -> memref<600x128xf32, #tpu.memory_space<vmem>>
      %dma_wait3A_20 = arith.constant 0 : i32
      %dma_wait3A_21 = arith.constant 0 : i32
      %dma_wait3A_22 = tpu.memref_slice %arg8[%dma_wait3A_20, %dma_wait3A_21] : memref<204800x128xf32, #tpu.memory_space<hbm>> -> memref<600x128xf32, #tpu.memory_space<hbm>>
      %dma_wait3A_23 = arith.constant 0 : i32
      %dma_wait3A_24 = arith.constant 0 : i32
      %dma_wait3A_25 = tpu.memref_slice %arg12[%dma_wait3A_23, %dma_wait3A_24] : memref<800x128xf32, #tpu.memory_space<vmem>> -> memref<600x128xf32, #tpu.memory_space<vmem>>
      %dma_wait3A_26 = arith.constant 0 : i32
      %dma_wait3A_27 = arith.constant 0 : i32
      %dma_wait3A_28 = tpu.memref_slice %arg8[%dma_wait3A_26, %dma_wait3A_27] : memref<204800x128xf32, #tpu.memory_space<hbm>> -> memref<600x128xf32, #tpu.memory_space<hbm>>
      tpu.wait_dma2 semaphore(%arg13 : memref<!tpu.dma_semaphore, #tpu.memory_space<semaphore_mem>>) src(%dma_wait3A_28 : memref<600x128xf32, #tpu.memory_space<hbm>>) dst(%dma_wait3A_25 : memref<600x128xf32, #tpu.memory_space<vmem>>)
      "tpu.region"() ({
        %run_scoped3A = tpu.sem_alloc : memref<!tpu.dma_semaphore, #tpu.memory_space<semaphore_mem>>
        %dma_start3A = arith.constant 0 : i32
        %dma_start3A_29 = tpu.memref_slice %arg8[%multiple_of3A, %dma_start3A] : memref<204800x128xf32, #tpu.memory_space<hbm>> -> memref<800x128xf32, #tpu.memory_space<hbm>>
        %dma_start3A_30 = arith.constant 0 : i32
        %dma_start3A_31 = tpu.memref_slice %arg8[%multiple_of3A, %dma_start3A_30] : memref<204800x128xf32, #tpu.memory_space<hbm>> -> memref<800x128xf32, #tpu.memory_space<hbm>>
        tpu.enqueue_dma source(%arg12 : memref<800x128xf32, #tpu.memory_space<vmem>>) target(%dma_start3A_31 : memref<800x128xf32, #tpu.memory_space<hbm>>) target_semaphore(%run_scoped3A : memref<!tpu.dma_semaphore, #tpu.memory_space<semaphore_mem>>)
        %dma_wait3A_32 = arith.constant 0 : i32
        %dma_wait3A_33 = tpu.memref_slice %arg8[%multiple_of3A, %dma_wait3A_32] : memref<204800x128xf32, #tpu.memory_space<hbm>> -> memref<800x128xf32, #tpu.memory_space<hbm>>
        %dma_wait3A_34 = arith.constant 0 : i32
        %dma_wait3A_35 = tpu.memref_slice %arg8[%multiple_of3A, %dma_wait3A_34] : memref<204800x128xf32, #tpu.memory_space<hbm>> -> memref<800x128xf32, #tpu.memory_space<hbm>>
        tpu.wait_dma2 semaphore(%run_scoped3A : memref<!tpu.dma_semaphore, #tpu.memory_space<semaphore_mem>>) src(%arg12 : memref<800x128xf32, #tpu.memory_space<vmem>>) dst(%dma_wait3A_35 : memref<800x128xf32, #tpu.memory_space<hbm>>)
        tpu.yield
      }) : () -> ()
    }
    %scan3A_7 = arith.constant 8 : i32
    return
  }
}

#map = affine_map<(d0, d1) -> (0)>
#map1 = affine_map<(d0, d1) -> (0, 0)>
module attributes {stable_mosaic.version = 14 : i64} {
  func.func @_sc_a_body(%arg0: i32, %arg1: i32, %arg2: memref<204800xi32, #tpu.memory_space<hbm>>, %arg3: memref<1000001x64xf32, #tpu.memory_space<hbm>>, %arg4: memref<1000001xi32, #tpu.memory_space<hbm>>, %arg5: memref<1000001xi32, #tpu.memory_space<hbm>>, %arg6: memref<1000001xi32, #tpu.memory_space<hbm>>, %arg7: memref<204800x128xf32, #tpu.memory_space<hbm>>, %arg8: memref<204800xi32, #tpu.memory_space<hbm>>, %arg9: memref<204800xi32, #tpu.memory_space<hbm>>, %arg10: memref<204800xi32, #tpu.memory_space<hbm>>, %arg11: memref<800xi32, #tpu.memory_space<vmem>>, %arg12: memref<800xi32, #tpu.memory_space<vmem>>, %arg13: memref<800xi32, #tpu.memory_space<vmem>>, %arg14: memref<800xi32, #tpu.memory_space<vmem>>, %arg15: memref<800x128xf32, #tpu.memory_space<vmem>>, %arg16: memref<!tpu.dma_semaphore, #tpu.memory_space<semaphore_mem>>, %arg17: memref<!tpu.dma_semaphore, #tpu.memory_space<semaphore_mem>>) attributes {dimension_semantics = [#tpu.dimension_semantics<core_parallel>, #tpu.dimension_semantics<subcore_parallel>], iteration_bounds = array<i64: 2, 16>, scalar_prefetch = 0 : i64, scratch_operands = 7 : i64, tpu.core_type = #tpu.core_type<sc_vector_subcore>, window_params = [{transform_indices = #map}, {transform_indices = #map1}, {transform_indices = #map}, {transform_indices = #map}, {transform_indices = #map}, {transform_indices = #map1}, {transform_indices = #map}, {transform_indices = #map}, {transform_indices = #map}]} {
    %mul3A = arith.constant 2 : i32
    %mul3A_0 = arith.muli %arg1, %mul3A : i32
    %add3A = arith.addi %mul3A_0, %arg0 : i32
    %mul3A_1 = arith.constant 6400 : i32
    %mul3A_2 = arith.muli %add3A, %mul3A_1 : i32
    %scan3A = arith.constant 0 : i32
    %scan3A_3 = arith.constant 0 : i32
    %scan3A_4 = arith.constant 8 : i32
    %scan3A_5 = arith.addi %scan3A_3, %scan3A_4 : i32
    %scan3A_6 = arith.constant 1 : i32
    scf.for %scan3A_8 = %scan3A_3 to %scan3A_5 step %scan3A_6  : i32 {
      %mul3A_9 = arith.constant 800 : i32
      %mul3A_10 = arith.muli %scan3A_8, %mul3A_9 : i32
      %add3A_11 = arith.addi %mul3A_2, %mul3A_10 : i32
      %multiple_of3A = tpu.assume_multiple %add3A_11, 800 : i32
      "tpu.region"() ({
        %run_scoped3A = tpu.sem_alloc : memref<!tpu.dma_semaphore, #tpu.memory_space<semaphore_mem>>
        %dma_start3A_1537 = tpu.memref_slice %arg2[%multiple_of3A] : memref<204800xi32, #tpu.memory_space<hbm>> -> memref<800xi32, #tpu.memory_space<hbm>>
        %dma_start3A_1538 = tpu.memref_slice %arg2[%multiple_of3A] : memref<204800xi32, #tpu.memory_space<hbm>> -> memref<800xi32, #tpu.memory_space<hbm>>
        tpu.enqueue_dma source(%dma_start3A_1538 : memref<800xi32, #tpu.memory_space<hbm>>) target(%arg11 : memref<800xi32, #tpu.memory_space<vmem>>) target_semaphore(%run_scoped3A : memref<!tpu.dma_semaphore, #tpu.memory_space<semaphore_mem>>)
        %dma_wait3A_1539 = tpu.memref_slice %arg2[%multiple_of3A] : memref<204800xi32, #tpu.memory_space<hbm>> -> memref<800xi32, #tpu.memory_space<hbm>>
        %dma_wait3A_1540 = tpu.memref_slice %arg2[%multiple_of3A] : memref<204800xi32, #tpu.memory_space<hbm>> -> memref<800xi32, #tpu.memory_space<hbm>>
        tpu.wait_dma2 semaphore(%run_scoped3A : memref<!tpu.dma_semaphore, #tpu.memory_space<semaphore_mem>>) src(%dma_wait3A_1540 : memref<800xi32, #tpu.memory_space<hbm>>) dst(%arg11 : memref<800xi32, #tpu.memory_space<vmem>>)
        tpu.yield
      }) : () -> ()
      %dma_start3A = arith.constant 0 : i32
      %dma_start3A_12 = tpu.memref_slice %arg4[%dma_start3A] : memref<1000001xi32, #tpu.memory_space<hbm>> -> memref<1000001xi32, #tpu.memory_space<hbm>>
      tpu.enqueue_indirect_dma source(%dma_start3A_12 : memref<1000001xi32, #tpu.memory_space<hbm>>) target(%arg12 : memref<800xi32, #tpu.memory_space<vmem>>) offsets(%arg11 : memref<800xi32, #tpu.memory_space<vmem>>) semaphore(%arg16 : memref<!tpu.dma_semaphore, #tpu.memory_space<semaphore_mem>>)
      %dma_start3A_13 = arith.constant 0 : i32
      %dma_start3A_14 = tpu.memref_slice %arg5[%dma_start3A_13] : memref<1000001xi32, #tpu.memory_space<hbm>> -> memref<1000001xi32, #tpu.memory_space<hbm>>
      tpu.enqueue_indirect_dma source(%dma_start3A_14 : memref<1000001xi32, #tpu.memory_space<hbm>>) target(%arg13 : memref<800xi32, #tpu.memory_space<vmem>>) offsets(%arg11 : memref<800xi32, #tpu.memory_space<vmem>>) semaphore(%arg16 : memref<!tpu.dma_semaphore, #tpu.memory_space<semaphore_mem>>)
      %dma_start3A_15 = arith.constant 0 : i32
      %dma_start3A_16 = tpu.memref_slice %arg6[%dma_start3A_15] : memref<1000001xi32, #tpu.memory_space<hbm>> -> memref<1000001xi32, #tpu.memory_space<hbm>>
      tpu.enqueue_indirect_dma source(%dma_start3A_16 : memref<1000001xi32, #tpu.memory_space<hbm>>) target(%arg14 : memref<800xi32, #tpu.memory_space<vmem>>) offsets(%arg11 : memref<800xi32, #tpu.memory_space<vmem>>) semaphore(%arg16 : memref<!tpu.dma_semaphore, #tpu.memory_space<semaphore_mem>>)
      %scan3A_17 = arith.constant 0 : i32
      %scan3A_18 = arith.constant 0 : i32
      %scan3A_19 = arith.constant 50 : i32
      %scan3A_20 = arith.addi %scan3A_18, %scan3A_19 : i32
      %scan3A_21 = arith.constant 1 : i32
      scf.for %scan3A_1537 = %scan3A_18 to %scan3A_20 step %scan3A_21  : i32 {
        %mul3A_1538 = arith.constant 16 : i32
        %mul3A_1539 = arith.muli %scan3A_1537, %mul3A_1538 : i32
        %get3A_1540 = arith.index_cast %mul3A_1539 : i32 to index
        %get3A_1541 = tpu.vector_load %arg11[%get3A_1540] {strides = array<i32>} : memref<800xi32, #tpu.memory_space<vmem>>, vector<16xi32>,
        %get3A_1542 = vector.shape_cast %get3A_1541 : vector<16xi32> to vector<16xi32>
        %slice3A = vector.extract_strided_slice %get3A_1542 {offsets = [0], sizes = [1], strides = [1]} : vector<16xi32> to vector<1xi32>
        %squeeze3A = vector.extract %slice3A[0] : i32 from vector<1xi32>
        %add3A_1543 = arith.constant 0 : i32
        %add3A_1544 = arith.addi %mul3A_1539, %add3A_1543 : i32
        %dma_start3A_1545 = arith.constant 0 : i32
        %dma_start3A_1546 = tpu.memref_slice %arg15[%add3A_1544, %dma_start3A_1545] : memref<800x128xf32, #tpu.memory_space<vmem>> -> memref<1x64xf32, #tpu.memory_space<vmem>>
        %dma_start3A_1547 = tpu.memref_squeeze %dma_start3A_1546 : memref<1x64xf32, #tpu.memory_space<vmem>> -> memref<64xf32, #tpu.memory_space<vmem>>
        %dma_start3A_1548 = arith.constant 0 : i32
        %dma_start3A_1549 = tpu.memref_slice %arg3[%squeeze3A, %dma_start3A_1548] : memref<1000001x64xf32, #tpu.memory_space<hbm>> -> memref<1x64xf32, #tpu.memory_space<hbm>>
        %dma_start3A_1550 = tpu.memref_squeeze %dma_start3A_1549 : memref<1x64xf32, #tpu.memory_space<hbm>> -> memref<64xf32, #tpu.memory_space<hbm>>
        %dma_start3A_1551 = arith.constant 0 : i32
        %dma_start3A_1552 = tpu.memref_slice %arg15[%add3A_1544, %dma_start3A_1551] : memref<800x128xf32, #tpu.memory_space<vmem>> -> memref<1x64xf32, #tpu.memory_space<vmem>>
        %dma_start3A_1553 = tpu.memref_squeeze %dma_start3A_1552 : memref<1x64xf32, #tpu.memory_space<vmem>> -> memref<64xf32, #tpu.memory_space<vmem>>
        %dma_start3A_1554 = arith.constant 0 : i32
        %dma_start3A_1555 = tpu.memref_slice %arg3[%squeeze3A, %dma_start3A_1554] : memref<1000001x64xf32, #tpu.memory_space<hbm>> -> memref<1x64xf32, #tpu.memory_space<hbm>>
        %dma_start3A_1556 = tpu.memref_squeeze %dma_start3A_1555 : memref<1x64xf32, #tpu.memory_space<hbm>> -> memref<64xf32, #tpu.memory_space<hbm>>
        tpu.enqueue_dma source(%dma_start3A_1556 : memref<64xf32, #tpu.memory_space<hbm>>) target(%dma_start3A_1553 : memref<64xf32, #tpu.memory_space<vmem>>) target_semaphore(%arg17 : memref<!tpu.dma_semaphore, #tpu.memory_space<semaphore_mem>>)
        %slice3A_1557 = vector.extract_strided_slice %get3A_1542 {offsets = [1], sizes = [1], strides = [1]} : vector<16xi32> to vector<1xi32>
        %squeeze3A_1558 = vector.extract %slice3A_1557[0] : i32 from vector<1xi32>
        %add3A_1559 = arith.constant 1 : i32
        %add3A_1560 = arith.addi %mul3A_1539, %add3A_1559 : i32
        %dma_start3A_1561 = arith.constant 0 : i32
        %dma_start3A_1562 = tpu.memref_slice %arg15[%add3A_1560, %dma_start3A_1561] : memref<800x128xf32, #tpu.memory_space<vmem>> -> memref<1x64xf32, #tpu.memory_space<vmem>>
        %dma_start3A_1563 = tpu.memref_squeeze %dma_start3A_1562 : memref<1x64xf32, #tpu.memory_space<vmem>> -> memref<64xf32, #tpu.memory_space<vmem>>
        %dma_start3A_1564 = arith.constant 0 : i32
        %dma_start3A_1565 = tpu.memref_slice %arg3[%squeeze3A_1558, %dma_start3A_1564] : memref<1000001x64xf32, #tpu.memory_space<hbm>> -> memref<1x64xf32, #tpu.memory_space<hbm>>
        %dma_start3A_1566 = tpu.memref_squeeze %dma_start3A_1565 : memref<1x64xf32, #tpu.memory_space<hbm>> -> memref<64xf32, #tpu.memory_space<hbm>>
        %dma_start3A_1567 = arith.constant 0 : i32
        %dma_start3A_1568 = tpu.memref_slice %arg15[%add3A_1560, %dma_start3A_1567] : memref<800x128xf32, #tpu.memory_space<vmem>> -> memref<1x64xf32, #tpu.memory_space<vmem>>
        %dma_start3A_1569 = tpu.memref_squeeze %dma_start3A_1568 : memref<1x64xf32, #tpu.memory_space<vmem>> -> memref<64xf32, #tpu.memory_space<vmem>>
        %dma_start3A_1570 = arith.constant 0 : i32
        %dma_start3A_1571 = tpu.memref_slice %arg3[%squeeze3A_1558, %dma_start3A_1570] : memref<1000001x64xf32, #tpu.memory_space<hbm>> -> memref<1x64xf32, #tpu.memory_space<hbm>>
        %dma_start3A_1572 = tpu.memref_squeeze %dma_start3A_1571 : memref<1x64xf32, #tpu.memory_space<hbm>> -> memref<64xf32, #tpu.memory_space<hbm>>
        tpu.enqueue_dma source(%dma_start3A_1572 : memref<64xf32, #tpu.memory_space<hbm>>) target(%dma_start3A_1569 : memref<64xf32, #tpu.memory_space<vmem>>) target_semaphore(%arg17 : memref<!tpu.dma_semaphore, #tpu.memory_space<semaphore_mem>>)
        %slice3A_1573 = vector.extract_strided_slice %get3A_1542 {offsets = [2], sizes = [1], strides = [1]} : vector<16xi32> to vector<1xi32>
        %squeeze3A_1574 = vector.extract %slice3A_1573[0] : i32 from vector<1xi32>
        %add3A_1575 = arith.constant 2 : i32
        %add3A_1576 = arith.addi %mul3A_1539, %add3A_1575 : i32
        %dma_start3A_1577 = arith.constant 0 : i32
        %dma_start3A_1578 = tpu.memref_slice %arg15[%add3A_1576, %dma_start3A_1577] : memref<800x128xf32, #tpu.memory_space<vmem>> -> memref<1x64xf32, #tpu.memory_space<vmem>>
        %dma_start3A_1579 = tpu.memref_squeeze %dma_start3A_1578 : memref<1x64xf32, #tpu.memory_space<vmem>> -> memref<64xf32, #tpu.memory_space<vmem>>
        %dma_start3A_1580 = arith.constant 0 : i32
        %dma_start3A_1581 = tpu.memref_slice %arg3[%squeeze3A_1574, %dma_start3A_1580] : memref<1000001x64xf32, #tpu.memory_space<hbm>> -> memref<1x64xf32, #tpu.memory_space<hbm>>
        %dma_start3A_1582 = tpu.memref_squeeze %dma_start3A_1581 : memref<1x64xf32, #tpu.memory_space<hbm>> -> memref<64xf32, #tpu.memory_space<hbm>>
        %dma_start3A_1583 = arith.constant 0 : i32
        %dma_start3A_1584 = tpu.memref_slice %arg15[%add3A_1576, %dma_start3A_1583] : memref<800x128xf32, #tpu.memory_space<vmem>> -> memref<1x64xf32, #tpu.memory_space<vmem>>
        %dma_start3A_1585 = tpu.memref_squeeze %dma_start3A_1584 : memref<1x64xf32, #tpu.memory_space<vmem>> -> memref<64xf32, #tpu.memory_space<vmem>>
        %dma_start3A_1586 = arith.constant 0 : i32
        %dma_start3A_1587 = tpu.memref_slice %arg3[%squeeze3A_1574, %dma_start3A_1586] : memref<1000001x64xf32, #tpu.memory_space<hbm>> -> memref<1x64xf32, #tpu.memory_space<hbm>>
        %dma_start3A_1588 = tpu.memref_squeeze %dma_start3A_1587 : memref<1x64xf32, #tpu.memory_space<hbm>> -> memref<64xf32, #tpu.memory_space<hbm>>
        tpu.enqueue_dma source(%dma_start3A_1588 : memref<64xf32, #tpu.memory_space<hbm>>) target(%dma_start3A_1585 : memref<64xf32, #tpu.memory_space<vmem>>) target_semaphore(%arg17 : memref<!tpu.dma_semaphore, #tpu.memory_space<semaphore_mem>>)
        %slice3A_1589 = vector.extract_strided_slice %get3A_1542 {offsets = [3], sizes = [1], strides = [1]} : vector<16xi32> to vector<1xi32>
        %squeeze3A_1590 = vector.extract %slice3A_1589[0] : i32 from vector<1xi32>
        %add3A_1591 = arith.constant 3 : i32
        %add3A_1592 = arith.addi %mul3A_1539, %add3A_1591 : i32
        %dma_start3A_1593 = arith.constant 0 : i32
        %dma_start3A_1594 = tpu.memref_slice %arg15[%add3A_1592, %dma_start3A_1593] : memref<800x128xf32, #tpu.memory_space<vmem>> -> memref<1x64xf32, #tpu.memory_space<vmem>>
        %dma_start3A_1595 = tpu.memref_squeeze %dma_start3A_1594 : memref<1x64xf32, #tpu.memory_space<vmem>> -> memref<64xf32, #tpu.memory_space<vmem>>
        %dma_start3A_1596 = arith.constant 0 : i32
        %dma_start3A_1597 = tpu.memref_slice %arg3[%squeeze3A_1590, %dma_start3A_1596] : memref<1000001x64xf32, #tpu.memory_space<hbm>> -> memref<1x64xf32, #tpu.memory_space<hbm>>
        %dma_start3A_1598 = tpu.memref_squeeze %dma_start3A_1597 : memref<1x64xf32, #tpu.memory_space<hbm>> -> memref<64xf32, #tpu.memory_space<hbm>>
        %dma_start3A_1599 = arith.constant 0 : i32
        %dma_start3A_1600 = tpu.memref_slice %arg15[%add3A_1592, %dma_start3A_1599] : memref<800x128xf32, #tpu.memory_space<vmem>> -> memref<1x64xf32, #tpu.memory_space<vmem>>
        %dma_start3A_1601 = tpu.memref_squeeze %dma_start3A_1600 : memref<1x64xf32, #tpu.memory_space<vmem>> -> memref<64xf32, #tpu.memory_space<vmem>>
        %dma_start3A_1602 = arith.constant 0 : i32
        %dma_start3A_1603 = tpu.memref_slice %arg3[%squeeze3A_1590, %dma_start3A_1602] : memref<1000001x64xf32, #tpu.memory_space<hbm>> -> memref<1x64xf32, #tpu.memory_space<hbm>>
        %dma_start3A_1604 = tpu.memref_squeeze %dma_start3A_1603 : memref<1x64xf32, #tpu.memory_space<hbm>> -> memref<64xf32, #tpu.memory_space<hbm>>
        tpu.enqueue_dma source(%dma_start3A_1604 : memref<64xf32, #tpu.memory_space<hbm>>) target(%dma_start3A_1601 : memref<64xf32, #tpu.memory_space<vmem>>) target_semaphore(%arg17 : memref<!tpu.dma_semaphore, #tpu.memory_space<semaphore_mem>>)
        %slice3A_1605 = vector.extract_strided_slice %get3A_1542 {offsets = [4], sizes = [1], strides = [1]} : vector<16xi32> to vector<1xi32>
        %squeeze3A_1606 = vector.extract %slice3A_1605[0] : i32 from vector<1xi32>
        %add3A_1607 = arith.constant 4 : i32
        %add3A_1608 = arith.addi %mul3A_1539, %add3A_1607 : i32
        %dma_start3A_1609 = arith.constant 0 : i32
        %dma_start3A_1610 = tpu.memref_slice %arg15[%add3A_1608, %dma_start3A_1609] : memref<800x128xf32, #tpu.memory_space<vmem>> -> memref<1x64xf32, #tpu.memory_space<vmem>>
        %dma_start3A_1611 = tpu.memref_squeeze %dma_start3A_1610 : memref<1x64xf32, #tpu.memory_space<vmem>> -> memref<64xf32, #tpu.memory_space<vmem>>
        %dma_start3A_1612 = arith.constant 0 : i32
        %dma_start3A_1613 = tpu.memref_slice %arg3[%squeeze3A_1606, %dma_start3A_1612] : memref<1000001x64xf32, #tpu.memory_space<hbm>> -> memref<1x64xf32, #tpu.memory_space<hbm>>
        %dma_start3A_1614 = tpu.memref_squeeze %dma_start3A_1613 : memref<1x64xf32, #tpu.memory_space<hbm>> -> memref<64xf32, #tpu.memory_space<hbm>>
        %dma_start3A_1615 = arith.constant 0 : i32
        %dma_start3A_1616 = tpu.memref_slice %arg15[%add3A_1608, %dma_start3A_1615] : memref<800x128xf32, #tpu.memory_space<vmem>> -> memref<1x64xf32, #tpu.memory_space<vmem>>
        %dma_start3A_1617 = tpu.memref_squeeze %dma_start3A_1616 : memref<1x64xf32, #tpu.memory_space<vmem>> -> memref<64xf32, #tpu.memory_space<vmem>>
        %dma_start3A_1618 = arith.constant 0 : i32
        %dma_start3A_1619 = tpu.memref_slice %arg3[%squeeze3A_1606, %dma_start3A_1618] : memref<1000001x64xf32, #tpu.memory_space<hbm>> -> memref<1x64xf32, #tpu.memory_space<hbm>>
        %dma_start3A_1620 = tpu.memref_squeeze %dma_start3A_1619 : memref<1x64xf32, #tpu.memory_space<hbm>> -> memref<64xf32, #tpu.memory_space<hbm>>
        tpu.enqueue_dma source(%dma_start3A_1620 : memref<64xf32, #tpu.memory_space<hbm>>) target(%dma_start3A_1617 : memref<64xf32, #tpu.memory_space<vmem>>) target_semaphore(%arg17 : memref<!tpu.dma_semaphore, #tpu.memory_space<semaphore_mem>>)
        %slice3A_1621 = vector.extract_strided_slice %get3A_1542 {offsets = [5], sizes = [1], strides = [1]} : vector<16xi32> to vector<1xi32>
        %squeeze3A_1622 = vector.extract %slice3A_1621[0] : i32 from vector<1xi32>
        %add3A_1623 = arith.constant 5 : i32
        %add3A_1624 = arith.addi %mul3A_1539, %add3A_1623 : i32
        %dma_start3A_1625 = arith.constant 0 : i32
        %dma_start3A_1626 = tpu.memref_slice %arg15[%add3A_1624, %dma_start3A_1625] : memref<800x128xf32, #tpu.memory_space<vmem>> -> memref<1x64xf32, #tpu.memory_space<vmem>>
        %dma_start3A_1627 = tpu.memref_squeeze %dma_start3A_1626 : memref<1x64xf32, #tpu.memory_space<vmem>> -> memref<64xf32, #tpu.memory_space<vmem>>
        %dma_start3A_1628 = arith.constant 0 : i32
        %dma_start3A_1629 = tpu.memref_slice %arg3[%squeeze3A_1622, %dma_start3A_1628] : memref<1000001x64xf32, #tpu.memory_space<hbm>> -> memref<1x64xf32, #tpu.memory_space<hbm>>
        %dma_start3A_1630 = tpu.memref_squeeze %dma_start3A_1629 : memref<1x64xf32, #tpu.memory_space<hbm>> -> memref<64xf32, #tpu.memory_space<hbm>>
        %dma_start3A_1631 = arith.constant 0 : i32
        %dma_start3A_1632 = tpu.memref_slice %arg15[%add3A_1624, %dma_start3A_1631] : memref<800x128xf32, #tpu.memory_space<vmem>> -> memref<1x64xf32, #tpu.memory_space<vmem>>
        %dma_start3A_1633 = tpu.memref_squeeze %dma_start3A_1632 : memref<1x64xf32, #tpu.memory_space<vmem>> -> memref<64xf32, #tpu.memory_space<vmem>>
        %dma_start3A_1634 = arith.constant 0 : i32
        %dma_start3A_1635 = tpu.memref_slice %arg3[%squeeze3A_1622, %dma_start3A_1634] : memref<1000001x64xf32, #tpu.memory_space<hbm>> -> memref<1x64xf32, #tpu.memory_space<hbm>>
        %dma_start3A_1636 = tpu.memref_squeeze %dma_start3A_1635 : memref<1x64xf32, #tpu.memory_space<hbm>> -> memref<64xf32, #tpu.memory_space<hbm>>
        tpu.enqueue_dma source(%dma_start3A_1636 : memref<64xf32, #tpu.memory_space<hbm>>) target(%dma_start3A_1633 : memref<64xf32, #tpu.memory_space<vmem>>) target_semaphore(%arg17 : memref<!tpu.dma_semaphore, #tpu.memory_space<semaphore_mem>>)
        %slice3A_1637 = vector.extract_strided_slice %get3A_1542 {offsets = [6], sizes = [1], strides = [1]} : vector<16xi32> to vector<1xi32>
        %squeeze3A_1638 = vector.extract %slice3A_1637[0] : i32 from vector<1xi32>
        %add3A_1639 = arith.constant 6 : i32
        %add3A_1640 = arith.addi %mul3A_1539, %add3A_1639 : i32
        %dma_start3A_1641 = arith.constant 0 : i32
        %dma_start3A_1642 = tpu.memref_slice %arg15[%add3A_1640, %dma_start3A_1641] : memref<800x128xf32, #tpu.memory_space<vmem>> -> memref<1x64xf32, #tpu.memory_space<vmem>>
        %dma_start3A_1643 = tpu.memref_squeeze %dma_start3A_1642 : memref<1x64xf32, #tpu.memory_space<vmem>> -> memref<64xf32, #tpu.memory_space<vmem>>
        %dma_start3A_1644 = arith.constant 0 : i32
        %dma_start3A_1645 = tpu.memref_slice %arg3[%squeeze3A_1638, %dma_start3A_1644] : memref<1000001x64xf32, #tpu.memory_space<hbm>> -> memref<1x64xf32, #tpu.memory_space<hbm>>
        %dma_start3A_1646 = tpu.memref_squeeze %dma_start3A_1645 : memref<1x64xf32, #tpu.memory_space<hbm>> -> memref<64xf32, #tpu.memory_space<hbm>>
        %dma_start3A_1647 = arith.constant 0 : i32
        %dma_start3A_1648 = tpu.memref_slice %arg15[%add3A_1640, %dma_start3A_1647] : memref<800x128xf32, #tpu.memory_space<vmem>> -> memref<1x64xf32, #tpu.memory_space<vmem>>
        %dma_start3A_1649 = tpu.memref_squeeze %dma_start3A_1648 : memref<1x64xf32, #tpu.memory_space<vmem>> -> memref<64xf32, #tpu.memory_space<vmem>>
        %dma_start3A_1650 = arith.constant 0 : i32
        %dma_start3A_1651 = tpu.memref_slice %arg3[%squeeze3A_1638, %dma_start3A_1650] : memref<1000001x64xf32, #tpu.memory_space<hbm>> -> memref<1x64xf32, #tpu.memory_space<hbm>>
        %dma_start3A_1652 = tpu.memref_squeeze %dma_start3A_1651 : memref<1x64xf32, #tpu.memory_space<hbm>> -> memref<64xf32, #tpu.memory_space<hbm>>
        tpu.enqueue_dma source(%dma_start3A_1652 : memref<64xf32, #tpu.memory_space<hbm>>) target(%dma_start3A_1649 : memref<64xf32, #tpu.memory_space<vmem>>) target_semaphore(%arg17 : memref<!tpu.dma_semaphore, #tpu.memory_space<semaphore_mem>>)
        %slice3A_1653 = vector.extract_strided_slice %get3A_1542 {offsets = [7], sizes = [1], strides = [1]} : vector<16xi32> to vector<1xi32>
        %squeeze3A_1654 = vector.extract %slice3A_1653[0] : i32 from vector<1xi32>
        %add3A_1655 = arith.constant 7 : i32
        %add3A_1656 = arith.addi %mul3A_1539, %add3A_1655 : i32
        %dma_start3A_1657 = arith.constant 0 : i32
        %dma_start3A_1658 = tpu.memref_slice %arg15[%add3A_1656, %dma_start3A_1657] : memref<800x128xf32, #tpu.memory_space<vmem>> -> memref<1x64xf32, #tpu.memory_space<vmem>>
        %dma_start3A_1659 = tpu.memref_squeeze %dma_start3A_1658 : memref<1x64xf32, #tpu.memory_space<vmem>> -> memref<64xf32, #tpu.memory_space<vmem>>
        %dma_start3A_1660 = arith.constant 0 : i32
        %dma_start3A_1661 = tpu.memref_slice %arg3[%squeeze3A_1654, %dma_start3A_1660] : memref<1000001x64xf32, #tpu.memory_space<hbm>> -> memref<1x64xf32, #tpu.memory_space<hbm>>
        %dma_start3A_1662 = tpu.memref_squeeze %dma_start3A_1661 : memref<1x64xf32, #tpu.memory_space<hbm>> -> memref<64xf32, #tpu.memory_space<hbm>>
        %dma_start3A_1663 = arith.constant 0 : i32
        %dma_start3A_1664 = tpu.memref_slice %arg15[%add3A_1656, %dma_start3A_1663] : memref<800x128xf32, #tpu.memory_space<vmem>> -> memref<1x64xf32, #tpu.memory_space<vmem>>
        %dma_start3A_1665 = tpu.memref_squeeze %dma_start3A_1664 : memref<1x64xf32, #tpu.memory_space<vmem>> -> memref<64xf32, #tpu.memory_space<vmem>>
        %dma_start3A_1666 = arith.constant 0 : i32
        %dma_start3A_1667 = tpu.memref_slice %arg3[%squeeze3A_1654, %dma_start3A_1666] : memref<1000001x64xf32, #tpu.memory_space<hbm>> -> memref<1x64xf32, #tpu.memory_space<hbm>>
        %dma_start3A_1668 = tpu.memref_squeeze %dma_start3A_1667 : memref<1x64xf32, #tpu.memory_space<hbm>> -> memref<64xf32, #tpu.memory_space<hbm>>
        tpu.enqueue_dma source(%dma_start3A_1668 : memref<64xf32, #tpu.memory_space<hbm>>) target(%dma_start3A_1665 : memref<64xf32, #tpu.memory_space<vmem>>) target_semaphore(%arg17 : memref<!tpu.dma_semaphore, #tpu.memory_space<semaphore_mem>>)
        %slice3A_1669 = vector.extract_strided_slice %get3A_1542 {offsets = [8], sizes = [1], strides = [1]} : vector<16xi32> to vector<1xi32>
        %squeeze3A_1670 = vector.extract %slice3A_1669[0] : i32 from vector<1xi32>
        %add3A_1671 = arith.constant 8 : i32
        %add3A_1672 = arith.addi %mul3A_1539, %add3A_1671 : i32
        %dma_start3A_1673 = arith.constant 0 : i32
        %dma_start3A_1674 = tpu.memref_slice %arg15[%add3A_1672, %dma_start3A_1673] : memref<800x128xf32, #tpu.memory_space<vmem>> -> memref<1x64xf32, #tpu.memory_space<vmem>>
        %dma_start3A_1675 = tpu.memref_squeeze %dma_start3A_1674 : memref<1x64xf32, #tpu.memory_space<vmem>> -> memref<64xf32, #tpu.memory_space<vmem>>
        %dma_start3A_1676 = arith.constant 0 : i32
        %dma_start3A_1677 = tpu.memref_slice %arg3[%squeeze3A_1670, %dma_start3A_1676] : memref<1000001x64xf32, #tpu.memory_space<hbm>> -> memref<1x64xf32, #tpu.memory_space<hbm>>
        %dma_start3A_1678 = tpu.memref_squeeze %dma_start3A_1677 : memref<1x64xf32, #tpu.memory_space<hbm>> -> memref<64xf32, #tpu.memory_space<hbm>>
        %dma_start3A_1679 = arith.constant 0 : i32
        %dma_start3A_1680 = tpu.memref_slice %arg15[%add3A_1672, %dma_start3A_1679] : memref<800x128xf32, #tpu.memory_space<vmem>> -> memref<1x64xf32, #tpu.memory_space<vmem>>
        %dma_start3A_1681 = tpu.memref_squeeze %dma_start3A_1680 : memref<1x64xf32, #tpu.memory_space<vmem>> -> memref<64xf32, #tpu.memory_space<vmem>>
        %dma_start3A_1682 = arith.constant 0 : i32
        %dma_start3A_1683 = tpu.memref_slice %arg3[%squeeze3A_1670, %dma_start3A_1682] : memref<1000001x64xf32, #tpu.memory_space<hbm>> -> memref<1x64xf32, #tpu.memory_space<hbm>>
        %dma_start3A_1684 = tpu.memref_squeeze %dma_start3A_1683 : memref<1x64xf32, #tpu.memory_space<hbm>> -> memref<64xf32, #tpu.memory_space<hbm>>
        tpu.enqueue_dma source(%dma_start3A_1684 : memref<64xf32, #tpu.memory_space<hbm>>) target(%dma_start3A_1681 : memref<64xf32, #tpu.memory_space<vmem>>) target_semaphore(%arg17 : memref<!tpu.dma_semaphore, #tpu.memory_space<semaphore_mem>>)
        %slice3A_1685 = vector.extract_strided_slice %get3A_1542 {offsets = [9], sizes = [1], strides = [1]} : vector<16xi32> to vector<1xi32>
        %squeeze3A_1686 = vector.extract %slice3A_1685[0] : i32 from vector<1xi32>
        %add3A_1687 = arith.constant 9 : i32
        %add3A_1688 = arith.addi %mul3A_1539, %add3A_1687 : i32
        %dma_start3A_1689 = arith.constant 0 : i32
        %dma_start3A_1690 = tpu.memref_slice %arg15[%add3A_1688, %dma_start3A_1689] : memref<800x128xf32, #tpu.memory_space<vmem>> -> memref<1x64xf32, #tpu.memory_space<vmem>>
        %dma_start3A_1691 = tpu.memref_squeeze %dma_start3A_1690 : memref<1x64xf32, #tpu.memory_space<vmem>> -> memref<64xf32, #tpu.memory_space<vmem>>
        %dma_start3A_1692 = arith.constant 0 : i32
        %dma_start3A_1693 = tpu.memref_slice %arg3[%squeeze3A_1686, %dma_start3A_1692] : memref<1000001x64xf32, #tpu.memory_space<hbm>> -> memref<1x64xf32, #tpu.memory_space<hbm>>
        %dma_start3A_1694 = tpu.memref_squeeze %dma_start3A_1693 : memref<1x64xf32, #tpu.memory_space<hbm>> -> memref<64xf32, #tpu.memory_space<hbm>>
        %dma_start3A_1695 = arith.constant 0 : i32
        %dma_start3A_1696 = tpu.memref_slice %arg15[%add3A_1688, %dma_start3A_1695] : memref<800x128xf32, #tpu.memory_space<vmem>> -> memref<1x64xf32, #tpu.memory_space<vmem>>
        %dma_start3A_1697 = tpu.memref_squeeze %dma_start3A_1696 : memref<1x64xf32, #tpu.memory_space<vmem>> -> memref<64xf32, #tpu.memory_space<vmem>>
        %dma_start3A_1698 = arith.constant 0 : i32
        %dma_start3A_1699 = tpu.memref_slice %arg3[%squeeze3A_1686, %dma_start3A_1698] : memref<1000001x64xf32, #tpu.memory_space<hbm>> -> memref<1x64xf32, #tpu.memory_space<hbm>>
        %dma_start3A_1700 = tpu.memref_squeeze %dma_start3A_1699 : memref<1x64xf32, #tpu.memory_space<hbm>> -> memref<64xf32, #tpu.memory_space<hbm>>
        tpu.enqueue_dma source(%dma_start3A_1700 : memref<64xf32, #tpu.memory_space<hbm>>) target(%dma_start3A_1697 : memref<64xf32, #tpu.memory_space<vmem>>) target_semaphore(%arg17 : memref<!tpu.dma_semaphore, #tpu.memory_space<semaphore_mem>>)
        %slice3A_1701 = vector.extract_strided_slice %get3A_1542 {offsets = [10], sizes = [1], strides = [1]} : vector<16xi32> to vector<1xi32>
        %squeeze3A_1702 = vector.extract %slice3A_1701[0] : i32 from vector<1xi32>
        %add3A_1703 = arith.constant 10 : i32
        %add3A_1704 = arith.addi %mul3A_1539, %add3A_1703 : i32
        %dma_start3A_1705 = arith.constant 0 : i32
        %dma_start3A_1706 = tpu.memref_slice %arg15[%add3A_1704, %dma_start3A_1705] : memref<800x128xf32, #tpu.memory_space<vmem>> -> memref<1x64xf32, #tpu.memory_space<vmem>>
        %dma_start3A_1707 = tpu.memref_squeeze %dma_start3A_1706 : memref<1x64xf32, #tpu.memory_space<vmem>> -> memref<64xf32, #tpu.memory_space<vmem>>
        %dma_start3A_1708 = arith.constant 0 : i32
        %dma_start3A_1709 = tpu.memref_slice %arg3[%squeeze3A_1702, %dma_start3A_1708] : memref<1000001x64xf32, #tpu.memory_space<hbm>> -> memref<1x64xf32, #tpu.memory_space<hbm>>
        %dma_start3A_1710 = tpu.memref_squeeze %dma_start3A_1709 : memref<1x64xf32, #tpu.memory_space<hbm>> -> memref<64xf32, #tpu.memory_space<hbm>>
        %dma_start3A_1711 = arith.constant 0 : i32
        %dma_start3A_1712 = tpu.memref_slice %arg15[%add3A_1704, %dma_start3A_1711] : memref<800x128xf32, #tpu.memory_space<vmem>> -> memref<1x64xf32, #tpu.memory_space<vmem>>
        %dma_start3A_1713 = tpu.memref_squeeze %dma_start3A_1712 : memref<1x64xf32, #tpu.memory_space<vmem>> -> memref<64xf32, #tpu.memory_space<vmem>>
        %dma_start3A_1714 = arith.constant 0 : i32
        %dma_start3A_1715 = tpu.memref_slice %arg3[%squeeze3A_1702, %dma_start3A_1714] : memref<1000001x64xf32, #tpu.memory_space<hbm>> -> memref<1x64xf32, #tpu.memory_space<hbm>>
        %dma_start3A_1716 = tpu.memref_squeeze %dma_start3A_1715 : memref<1x64xf32, #tpu.memory_space<hbm>> -> memref<64xf32, #tpu.memory_space<hbm>>
        tpu.enqueue_dma source(%dma_start3A_1716 : memref<64xf32, #tpu.memory_space<hbm>>) target(%dma_start3A_1713 : memref<64xf32, #tpu.memory_space<vmem>>) target_semaphore(%arg17 : memref<!tpu.dma_semaphore, #tpu.memory_space<semaphore_mem>>)
        %slice3A_1717 = vector.extract_strided_slice %get3A_1542 {offsets = [11], sizes = [1], strides = [1]} : vector<16xi32> to vector<1xi32>
        %squeeze3A_1718 = vector.extract %slice3A_1717[0] : i32 from vector<1xi32>
        %add3A_1719 = arith.constant 11 : i32
        %add3A_1720 = arith.addi %mul3A_1539, %add3A_1719 : i32
        %dma_start3A_1721 = arith.constant 0 : i32
        %dma_start3A_1722 = tpu.memref_slice %arg15[%add3A_1720, %dma_start3A_1721] : memref<800x128xf32, #tpu.memory_space<vmem>> -> memref<1x64xf32, #tpu.memory_space<vmem>>
        %dma_start3A_1723 = tpu.memref_squeeze %dma_start3A_1722 : memref<1x64xf32, #tpu.memory_space<vmem>> -> memref<64xf32, #tpu.memory_space<vmem>>
        %dma_start3A_1724 = arith.constant 0 : i32
        %dma_start3A_1725 = tpu.memref_slice %arg3[%squeeze3A_1718, %dma_start3A_1724] : memref<1000001x64xf32, #tpu.memory_space<hbm>> -> memref<1x64xf32, #tpu.memory_space<hbm>>
        %dma_start3A_1726 = tpu.memref_squeeze %dma_start3A_1725 : memref<1x64xf32, #tpu.memory_space<hbm>> -> memref<64xf32, #tpu.memory_space<hbm>>
        %dma_start3A_1727 = arith.constant 0 : i32
        %dma_start3A_1728 = tpu.memref_slice %arg15[%add3A_1720, %dma_start3A_1727] : memref<800x128xf32, #tpu.memory_space<vmem>> -> memref<1x64xf32, #tpu.memory_space<vmem>>
        %dma_start3A_1729 = tpu.memref_squeeze %dma_start3A_1728 : memref<1x64xf32, #tpu.memory_space<vmem>> -> memref<64xf32, #tpu.memory_space<vmem>>
        %dma_start3A_1730 = arith.constant 0 : i32
        %dma_start3A_1731 = tpu.memref_slice %arg3[%squeeze3A_1718, %dma_start3A_1730] : memref<1000001x64xf32, #tpu.memory_space<hbm>> -> memref<1x64xf32, #tpu.memory_space<hbm>>
        %dma_start3A_1732 = tpu.memref_squeeze %dma_start3A_1731 : memref<1x64xf32, #tpu.memory_space<hbm>> -> memref<64xf32, #tpu.memory_space<hbm>>
        tpu.enqueue_dma source(%dma_start3A_1732 : memref<64xf32, #tpu.memory_space<hbm>>) target(%dma_start3A_1729 : memref<64xf32, #tpu.memory_space<vmem>>) target_semaphore(%arg17 : memref<!tpu.dma_semaphore, #tpu.memory_space<semaphore_mem>>)
        %slice3A_1733 = vector.extract_strided_slice %get3A_1542 {offsets = [12], sizes = [1], strides = [1]} : vector<16xi32> to vector<1xi32>
        %squeeze3A_1734 = vector.extract %slice3A_1733[0] : i32 from vector<1xi32>
        %add3A_1735 = arith.constant 12 : i32
        %add3A_1736 = arith.addi %mul3A_1539, %add3A_1735 : i32
        %dma_start3A_1737 = arith.constant 0 : i32
        %dma_start3A_1738 = tpu.memref_slice %arg15[%add3A_1736, %dma_start3A_1737] : memref<800x128xf32, #tpu.memory_space<vmem>> -> memref<1x64xf32, #tpu.memory_space<vmem>>
        %dma_start3A_1739 = tpu.memref_squeeze %dma_start3A_1738 : memref<1x64xf32, #tpu.memory_space<vmem>> -> memref<64xf32, #tpu.memory_space<vmem>>
        %dma_start3A_1740 = arith.constant 0 : i32
        %dma_start3A_1741 = tpu.memref_slice %arg3[%squeeze3A_1734, %dma_start3A_1740] : memref<1000001x64xf32, #tpu.memory_space<hbm>> -> memref<1x64xf32, #tpu.memory_space<hbm>>
        %dma_start3A_1742 = tpu.memref_squeeze %dma_start3A_1741 : memref<1x64xf32, #tpu.memory_space<hbm>> -> memref<64xf32, #tpu.memory_space<hbm>>
        %dma_start3A_1743 = arith.constant 0 : i32
        %dma_start3A_1744 = tpu.memref_slice %arg15[%add3A_1736, %dma_start3A_1743] : memref<800x128xf32, #tpu.memory_space<vmem>> -> memref<1x64xf32, #tpu.memory_space<vmem>>
        %dma_start3A_1745 = tpu.memref_squeeze %dma_start3A_1744 : memref<1x64xf32, #tpu.memory_space<vmem>> -> memref<64xf32, #tpu.memory_space<vmem>>
        %dma_start3A_1746 = arith.constant 0 : i32
        %dma_start3A_1747 = tpu.memref_slice %arg3[%squeeze3A_1734, %dma_start3A_1746] : memref<1000001x64xf32, #tpu.memory_space<hbm>> -> memref<1x64xf32, #tpu.memory_space<hbm>>
        %dma_start3A_1748 = tpu.memref_squeeze %dma_start3A_1747 : memref<1x64xf32, #tpu.memory_space<hbm>> -> memref<64xf32, #tpu.memory_space<hbm>>
        tpu.enqueue_dma source(%dma_start3A_1748 : memref<64xf32, #tpu.memory_space<hbm>>) target(%dma_start3A_1745 : memref<64xf32, #tpu.memory_space<vmem>>) target_semaphore(%arg17 : memref<!tpu.dma_semaphore, #tpu.memory_space<semaphore_mem>>)
        %slice3A_1749 = vector.extract_strided_slice %get3A_1542 {offsets = [13], sizes = [1], strides = [1]} : vector<16xi32> to vector<1xi32>
        %squeeze3A_1750 = vector.extract %slice3A_1749[0] : i32 from vector<1xi32>
        %add3A_1751 = arith.constant 13 : i32
        %add3A_1752 = arith.addi %mul3A_1539, %add3A_1751 : i32
        %dma_start3A_1753 = arith.constant 0 : i32
        %dma_start3A_1754 = tpu.memref_slice %arg15[%add3A_1752, %dma_start3A_1753] : memref<800x128xf32, #tpu.memory_space<vmem>> -> memref<1x64xf32, #tpu.memory_space<vmem>>
        %dma_start3A_1755 = tpu.memref_squeeze %dma_start3A_1754 : memref<1x64xf32, #tpu.memory_space<vmem>> -> memref<64xf32, #tpu.memory_space<vmem>>
        %dma_start3A_1756 = arith.constant 0 : i32
        %dma_start3A_1757 = tpu.memref_slice %arg3[%squeeze3A_1750, %dma_start3A_1756] : memref<1000001x64xf32, #tpu.memory_space<hbm>> -> memref<1x64xf32, #tpu.memory_space<hbm>>
        %dma_start3A_1758 = tpu.memref_squeeze %dma_start3A_1757 : memref<1x64xf32, #tpu.memory_space<hbm>> -> memref<64xf32, #tpu.memory_space<hbm>>
        %dma_start3A_1759 = arith.constant 0 : i32
        %dma_start3A_1760 = tpu.memref_slice %arg15[%add3A_1752, %dma_start3A_1759] : memref<800x128xf32, #tpu.memory_space<vmem>> -> memref<1x64xf32, #tpu.memory_space<vmem>>
        %dma_start3A_1761 = tpu.memref_squeeze %dma_start3A_1760 : memref<1x64xf32, #tpu.memory_space<vmem>> -> memref<64xf32, #tpu.memory_space<vmem>>
        %dma_start3A_1762 = arith.constant 0 : i32
        %dma_start3A_1763 = tpu.memref_slice %arg3[%squeeze3A_1750, %dma_start3A_1762] : memref<1000001x64xf32, #tpu.memory_space<hbm>> -> memref<1x64xf32, #tpu.memory_space<hbm>>
        %dma_start3A_1764 = tpu.memref_squeeze %dma_start3A_1763 : memref<1x64xf32, #tpu.memory_space<hbm>> -> memref<64xf32, #tpu.memory_space<hbm>>
        tpu.enqueue_dma source(%dma_start3A_1764 : memref<64xf32, #tpu.memory_space<hbm>>) target(%dma_start3A_1761 : memref<64xf32, #tpu.memory_space<vmem>>) target_semaphore(%arg17 : memref<!tpu.dma_semaphore, #tpu.memory_space<semaphore_mem>>)
        %slice3A_1765 = vector.extract_strided_slice %get3A_1542 {offsets = [14], sizes = [1], strides = [1]} : vector<16xi32> to vector<1xi32>
        %squeeze3A_1766 = vector.extract %slice3A_1765[0] : i32 from vector<1xi32>
        %add3A_1767 = arith.constant 14 : i32
        %add3A_1768 = arith.addi %mul3A_1539, %add3A_1767 : i32
        %dma_start3A_1769 = arith.constant 0 : i32
        %dma_start3A_1770 = tpu.memref_slice %arg15[%add3A_1768, %dma_start3A_1769] : memref<800x128xf32, #tpu.memory_space<vmem>> -> memref<1x64xf32, #tpu.memory_space<vmem>>
        %dma_start3A_1771 = tpu.memref_squeeze %dma_start3A_1770 : memref<1x64xf32, #tpu.memory_space<vmem>> -> memref<64xf32, #tpu.memory_space<vmem>>
        %dma_start3A_1772 = arith.constant 0 : i32
        %dma_start3A_1773 = tpu.memref_slice %arg3[%squeeze3A_1766, %dma_start3A_1772] : memref<1000001x64xf32, #tpu.memory_space<hbm>> -> memref<1x64xf32, #tpu.memory_space<hbm>>
        %dma_start3A_1774 = tpu.memref_squeeze %dma_start3A_1773 : memref<1x64xf32, #tpu.memory_space<hbm>> -> memref<64xf32, #tpu.memory_space<hbm>>
        %dma_start3A_1775 = arith.constant 0 : i32
        %dma_start3A_1776 = tpu.memref_slice %arg15[%add3A_1768, %dma_start3A_1775] : memref<800x128xf32, #tpu.memory_space<vmem>> -> memref<1x64xf32, #tpu.memory_space<vmem>>
        %dma_start3A_1777 = tpu.memref_squeeze %dma_start3A_1776 : memref<1x64xf32, #tpu.memory_space<vmem>> -> memref<64xf32, #tpu.memory_space<vmem>>
        %dma_start3A_1778 = arith.constant 0 : i32
        %dma_start3A_1779 = tpu.memref_slice %arg3[%squeeze3A_1766, %dma_start3A_1778] : memref<1000001x64xf32, #tpu.memory_space<hbm>> -> memref<1x64xf32, #tpu.memory_space<hbm>>
        %dma_start3A_1780 = tpu.memref_squeeze %dma_start3A_1779 : memref<1x64xf32, #tpu.memory_space<hbm>> -> memref<64xf32, #tpu.memory_space<hbm>>
        tpu.enqueue_dma source(%dma_start3A_1780 : memref<64xf32, #tpu.memory_space<hbm>>) target(%dma_start3A_1777 : memref<64xf32, #tpu.memory_space<vmem>>) target_semaphore(%arg17 : memref<!tpu.dma_semaphore, #tpu.memory_space<semaphore_mem>>)
        %slice3A_1781 = vector.extract_strided_slice %get3A_1542 {offsets = [15], sizes = [1], strides = [1]} : vector<16xi32> to vector<1xi32>
        %squeeze3A_1782 = vector.extract %slice3A_1781[0] : i32 from vector<1xi32>
        %add3A_1783 = arith.constant 15 : i32
        %add3A_1784 = arith.addi %mul3A_1539, %add3A_1783 : i32
        %dma_start3A_1785 = arith.constant 0 : i32
        %dma_start3A_1786 = tpu.memref_slice %arg15[%add3A_1784, %dma_start3A_1785] : memref<800x128xf32, #tpu.memory_space<vmem>> -> memref<1x64xf32, #tpu.memory_space<vmem>>
        %dma_start3A_1787 = tpu.memref_squeeze %dma_start3A_1786 : memref<1x64xf32, #tpu.memory_space<vmem>> -> memref<64xf32, #tpu.memory_space<vmem>>
        %dma_start3A_1788 = arith.constant 0 : i32
        %dma_start3A_1789 = tpu.memref_slice %arg3[%squeeze3A_1782, %dma_start3A_1788] : memref<1000001x64xf32, #tpu.memory_space<hbm>> -> memref<1x64xf32, #tpu.memory_space<hbm>>
        %dma_start3A_1790 = tpu.memref_squeeze %dma_start3A_1789 : memref<1x64xf32, #tpu.memory_space<hbm>> -> memref<64xf32, #tpu.memory_space<hbm>>
        %dma_start3A_1791 = arith.constant 0 : i32
        %dma_start3A_1792 = tpu.memref_slice %arg15[%add3A_1784, %dma_start3A_1791] : memref<800x128xf32, #tpu.memory_space<vmem>> -> memref<1x64xf32, #tpu.memory_space<vmem>>
        %dma_start3A_1793 = tpu.memref_squeeze %dma_start3A_1792 : memref<1x64xf32, #tpu.memory_space<vmem>> -> memref<64xf32, #tpu.memory_space<vmem>>
        %dma_start3A_1794 = arith.constant 0 : i32
        %dma_start3A_1795 = tpu.memref_slice %arg3[%squeeze3A_1782, %dma_start3A_1794] : memref<1000001x64xf32, #tpu.memory_space<hbm>> -> memref<1x64xf32, #tpu.memory_space<hbm>>
        %dma_start3A_1796 = tpu.memref_squeeze %dma_start3A_1795 : memref<1x64xf32, #tpu.memory_space<hbm>> -> memref<64xf32, #tpu.memory_space<hbm>>
        tpu.enqueue_dma source(%dma_start3A_1796 : memref<64xf32, #tpu.memory_space<hbm>>) target(%dma_start3A_1793 : memref<64xf32, #tpu.memory_space<vmem>>) target_semaphore(%arg17 : memref<!tpu.dma_semaphore, #tpu.memory_space<semaphore_mem>>)
      }
      %scan3A_22 = arith.constant 50 : i32
      %dma_wait3A = arith.constant 0 : i32
      %dma_wait3A_23 = tpu.memref_slice %arg4[%dma_wait3A] : memref<1000001xi32, #tpu.memory_space<hbm>> -> memref<1000001xi32, #tpu.memory_space<hbm>>
      tpu.wait_indirect_dma semaphore(%arg16 : memref<!tpu.dma_semaphore, #tpu.memory_space<semaphore_mem>>) src(%dma_wait3A_23 : memref<1000001xi32, #tpu.memory_space<hbm>>) dst(%arg12 : memref<800xi32, #tpu.memory_space<vmem>>)
      %dma_wait3A_24 = arith.constant 0 : i32
      %dma_wait3A_25 = tpu.memref_slice %arg5[%dma_wait3A_24] : memref<1000001xi32, #tpu.memory_space<hbm>> -> memref<1000001xi32, #tpu.memory_space<hbm>>
      tpu.wait_indirect_dma semaphore(%arg16 : memref<!tpu.dma_semaphore, #tpu.memory_space<semaphore_mem>>) src(%dma_wait3A_25 : memref<1000001xi32, #tpu.memory_space<hbm>>) dst(%arg13 : memref<800xi32, #tpu.memory_space<vmem>>)
      %dma_wait3A_26 = arith.constant 0 : i32
      %dma_wait3A_27 = tpu.memref_slice %arg6[%dma_wait3A_26] : memref<1000001xi32, #tpu.memory_space<hbm>> -> memref<1000001xi32, #tpu.memory_space<hbm>>
      tpu.wait_indirect_dma semaphore(%arg16 : memref<!tpu.dma_semaphore, #tpu.memory_space<semaphore_mem>>) src(%dma_wait3A_27 : memref<1000001xi32, #tpu.memory_space<hbm>>) dst(%arg14 : memref<800xi32, #tpu.memory_space<vmem>>)
      %broadcast_in_dim3A = arith.constant 0 : i32
      %broadcast_in_dim3A_28 = vector.broadcast %broadcast_in_dim3A : i32 to vector<16xi32>
      %get3A = arith.constant 0 : index
      %get3A_29 = tpu.vector_load %arg11[%get3A] {strides = array<i32>} : memref<800xi32, #tpu.memory_space<vmem>>, vector<16xi32>,
      %get3A_30 = vector.shape_cast %get3A_29 : vector<16xi32> to vector<16xi32>
      %ne3A = arith.constant 0 : i32
      %ne3A_31 = vector.broadcast %ne3A : i32 to vector<16xi32>
      %ne3A_32 = arith.cmpi ne, %get3A_30, %ne3A_31 : vector<16xi32>
      %get3A_33 = arith.constant 0 : index
      %get3A_34 = tpu.vector_load %arg12[%get3A_33] {strides = array<i32>} : memref<800xi32, #tpu.memory_space<vmem>>, vector<16xi32>,
      %get3A_35 = vector.shape_cast %get3A_34 : vector<16xi32> to vector<16xi32>
      %select_n3A = arith.select %ne3A_32, %get3A_35, %broadcast_in_dim3A_28 : vector<16xi1>, vector<16xi32>
      %swap3A = arith.constant 0 : index
      %swap3A_36 = tpu.vector_load %arg12[%swap3A] {strides = array<i32>} : memref<800xi32, #tpu.memory_space<vmem>>, vector<16xi32>,
      %swap3A_37 = vector.shape_cast %swap3A_36 : vector<16xi32> to vector<16xi32>
      %swap3A_38 = vector.shape_cast %select_n3A : vector<16xi32> to vector<16xi32>
      tpu.vector_store %arg12[%swap3A], %swap3A_38 {strides = array<i32>} : memref<800xi32, #tpu.memory_space<vmem>>, vector<16xi32>,
      %get3A_39 = arith.constant 0 : index
      %get3A_40 = tpu.vector_load %arg13[%get3A_39] {strides = array<i32>} : memref<800xi32, #tpu.memory_space<vmem>>, vector<16xi32>,
      %get3A_41 = vector.shape_cast %get3A_40 : vector<16xi32> to vector<16xi32>
      %select_n3A_42 = arith.select %ne3A_32, %get3A_41, %broadcast_in_dim3A_28 : vector<16xi1>, vector<16xi32>
      %swap3A_43 = arith.constant 0 : index
      %swap3A_44 = tpu.vector_load %arg13[%swap3A_43] {strides = array<i32>} : memref<800xi32, #tpu.memory_space<vmem>>, vector<16xi32>,
      %swap3A_45 = vector.shape_cast %swap3A_44 : vector<16xi32> to vector<16xi32>
      %swap3A_46 = vector.shape_cast %select_n3A_42 : vector<16xi32> to vector<16xi32>
      tpu.vector_store %arg13[%swap3A_43], %swap3A_46 {strides = array<i32>} : memref<800xi32, #tpu.memory_space<vmem>>, vector<16xi32>,
      %get3A_47 = arith.constant 0 : index
      %get3A_48 = tpu.vector_load %arg14[%get3A_47] {strides = array<i32>} : memref<800xi32, #tpu.memory_space<vmem>>, vector<16xi32>,
      %get3A_49 = vector.shape_cast %get3A_48 : vector<16xi32> to vector<16xi32>
      %select_n3A_50 = arith.select %ne3A_32, %get3A_49, %broadcast_in_dim3A_28 : vector<16xi1>, vector<16xi32>
      %swap3A_51 = arith.constant 0 : index
      %swap3A_52 = tpu.vector_load %arg14[%swap3A_51] {strides = array<i32>} : memref<800xi32, #tpu.memory_space<vmem>>, vector<16xi32>,
      %swap3A_53 = vector.shape_cast %swap3A_52 : vector<16xi32> to vector<16xi32>
      %swap3A_54 = vector.shape_cast %select_n3A_50 : vector<16xi32> to vector<16xi32>
      tpu.vector_store %arg14[%swap3A_51], %swap3A_54 {strides = array<i32>} : memref<800xi32, #tpu.memory_space<vmem>>, vector<16xi32>,
      %get3A_55 = arith.constant 16 : index
      %get3A_56 = tpu.vector_load %arg11[%get3A_55] {strides = array<i32>} : memref<800xi32, #tpu.memory_space<vmem>>, vector<16xi32>,
      %get3A_57 = vector.shape_cast %get3A_56 : vector<16xi32> to vector<16xi32>
      %ne3A_58 = arith.constant 0 : i32
      %ne3A_59 = vector.broadcast %ne3A_58 : i32 to vector<16xi32>
      %ne3A_60 = arith.cmpi ne, %get3A_57, %ne3A_59 : vector<16xi32>
      %get3A_61 = arith.constant 16 : index
      %get3A_62 = tpu.vector_load %arg12[%get3A_61] {strides = array<i32>} : memref<800xi32, #tpu.memory_space<vmem>>, vector<16xi32>,
      %get3A_63 = vector.shape_cast %get3A_62 : vector<16xi32> to vector<16xi32>
      %select_n3A_64 = arith.select %ne3A_60, %get3A_63, %broadcast_in_dim3A_28 : vector<16xi1>, vector<16xi32>
      %swap3A_65 = arith.constant 16 : index
      %swap3A_66 = tpu.vector_load %arg12[%swap3A_65] {strides = array<i32>} : memref<800xi32, #tpu.memory_space<vmem>>, vector<16xi32>,
      %swap3A_67 = vector.shape_cast %swap3A_66 : vector<16xi32> to vector<16xi32>
      %swap3A_68 = vector.shape_cast %select_n3A_64 : vector<16xi32> to vector<16xi32>
      tpu.vector_store %arg12[%swap3A_65], %swap3A_68 {strides = array<i32>} : memref<800xi32, #tpu.memory_space<vmem>>, vector<16xi32>,
      %get3A_69 = arith.constant 16 : index
      %get3A_70 = tpu.vector_load %arg13[%get3A_69] {strides = array<i32>} : memref<800xi32, #tpu.memory_space<vmem>>, vector<16xi32>,
      %get3A_71 = vector.shape_cast %get3A_70 : vector<16xi32> to vector<16xi32>
      %select_n3A_72 = arith.select %ne3A_60, %get3A_71, %broadcast_in_dim3A_28 : vector<16xi1>, vector<16xi32>
      %swap3A_73 = arith.constant 16 : index
      %swap3A_74 = tpu.vector_load %arg13[%swap3A_73] {strides = array<i32>} : memref<800xi32, #tpu.memory_space<vmem>>, vector<16xi32>,
      %swap3A_75 = vector.shape_cast %swap3A_74 : vector<16xi32> to vector<16xi32>
      %swap3A_76 = vector.shape_cast %select_n3A_72 : vector<16xi32> to vector<16xi32>
      tpu.vector_store %arg13[%swap3A_73], %swap3A_76 {strides = array<i32>} : memref<800xi32, #tpu.memory_space<vmem>>, vector<16xi32>,
      %get3A_77 = arith.constant 16 : index
      %get3A_78 = tpu.vector_load %arg14[%get3A_77] {strides = array<i32>} : memref<800xi32, #tpu.memory_space<vmem>>, vector<16xi32>,
      %get3A_79 = vector.shape_cast %get3A_78 : vector<16xi32> to vector<16xi32>
      %select_n3A_80 = arith.select %ne3A_60, %get3A_79, %broadcast_in_dim3A_28 : vector<16xi1>, vector<16xi32>
      %swap3A_81 = arith.constant 16 : index
      %swap3A_82 = tpu.vector_load %arg14[%swap3A_81] {strides = array<i32>} : memref<800xi32, #tpu.memory_space<vmem>>, vector<16xi32>,
      %swap3A_83 = vector.shape_cast %swap3A_82 : vector<16xi32> to vector<16xi32>
      %swap3A_84 = vector.shape_cast %select_n3A_80 : vector<16xi32> to vector<16xi32>
      tpu.vector_store %arg14[%swap3A_81], %swap3A_84 {strides = array<i32>} : memref<800xi32, #tpu.memory_space<vmem>>, vector<16xi32>,
      %get3A_85 = arith.constant 32 : index
      %get3A_86 = tpu.vector_load %arg11[%get3A_85] {strides = array<i32>} : memref<800xi32, #tpu.memory_space<vmem>>, vector<16xi32>,
      %get3A_87 = vector.shape_cast %get3A_86 : vector<16xi32> to vector<16xi32>
      %ne3A_88 = arith.constant 0 : i32
      %ne3A_89 = vector.broadcast %ne3A_88 : i32 to vector<16xi32>
      %ne3A_90 = arith.cmpi ne, %get3A_87, %ne3A_89 : vector<16xi32>
      %get3A_91 = arith.constant 32 : index
      %get3A_92 = tpu.vector_load %arg12[%get3A_91] {strides = array<i32>} : memref<800xi32, #tpu.memory_space<vmem>>, vector<16xi32>,
      %get3A_93 = vector.shape_cast %get3A_92 : vector<16xi32> to vector<16xi32>
      %select_n3A_94 = arith.select %ne3A_90, %get3A_93, %broadcast_in_dim3A_28 : vector<16xi1>, vector<16xi32>
      %swap3A_95 = arith.constant 32 : index
      %swap3A_96 = tpu.vector_load %arg12[%swap3A_95] {strides = array<i32>} : memref<800xi32, #tpu.memory_space<vmem>>, vector<16xi32>,
      %swap3A_97 = vector.shape_cast %swap3A_96 : vector<16xi32> to vector<16xi32>
      %swap3A_98 = vector.shape_cast %select_n3A_94 : vector<16xi32> to vector<16xi32>
      tpu.vector_store %arg12[%swap3A_95], %swap3A_98 {strides = array<i32>} : memref<800xi32, #tpu.memory_space<vmem>>, vector<16xi32>,
      %get3A_99 = arith.constant 32 : index
      %get3A_100 = tpu.vector_load %arg13[%get3A_99] {strides = array<i32>} : memref<800xi32, #tpu.memory_space<vmem>>, vector<16xi32>,
      %get3A_101 = vector.shape_cast %get3A_100 : vector<16xi32> to vector<16xi32>
      %select_n3A_102 = arith.select %ne3A_90, %get3A_101, %broadcast_in_dim3A_28 : vector<16xi1>, vector<16xi32>
      %swap3A_103 = arith.constant 32 : index
      %swap3A_104 = tpu.vector_load %arg13[%swap3A_103] {strides = array<i32>} : memref<800xi32, #tpu.memory_space<vmem>>, vector<16xi32>,
      %swap3A_105 = vector.shape_cast %swap3A_104 : vector<16xi32> to vector<16xi32>
      %swap3A_106 = vector.shape_cast %select_n3A_102 : vector<16xi32> to vector<16xi32>
      tpu.vector_store %arg13[%swap3A_103], %swap3A_106 {strides = array<i32>} : memref<800xi32, #tpu.memory_space<vmem>>, vector<16xi32>,
      %get3A_107 = arith.constant 32 : index
      %get3A_108 = tpu.vector_load %arg14[%get3A_107] {strides = array<i32>} : memref<800xi32, #tpu.memory_space<vmem>>, vector<16xi32>,
      %get3A_109 = vector.shape_cast %get3A_108 : vector<16xi32> to vector<16xi32>
      %select_n3A_110 = arith.select %ne3A_90, %get3A_109, %broadcast_in_dim3A_28 : vector<16xi1>, vector<16xi32>
      %swap3A_111 = arith.constant 32 : index
      %swap3A_112 = tpu.vector_load %arg14[%swap3A_111] {strides = array<i32>} : memref<800xi32, #tpu.memory_space<vmem>>, vector<16xi32>,
      %swap3A_113 = vector.shape_cast %swap3A_112 : vector<16xi32> to vector<16xi32>
      %swap3A_114 = vector.shape_cast %select_n3A_110 : vector<16xi32> to vector<16xi32>
      tpu.vector_store %arg14[%swap3A_111], %swap3A_114 {strides = array<i32>} : memref<800xi32, #tpu.memory_space<vmem>>, vector<16xi32>,
      %get3A_115 = arith.constant 48 : index
      %get3A_116 = tpu.vector_load %arg11[%get3A_115] {strides = array<i32>} : memref<800xi32, #tpu.memory_space<vmem>>, vector<16xi32>,
      %get3A_117 = vector.shape_cast %get3A_116 : vector<16xi32> to vector<16xi32>
      %ne3A_118 = arith.constant 0 : i32
      %ne3A_119 = vector.broadcast %ne3A_118 : i32 to vector<16xi32>
      %ne3A_120 = arith.cmpi ne, %get3A_117, %ne3A_119 : vector<16xi32>
      %get3A_121 = arith.constant 48 : index
      %get3A_122 = tpu.vector_load %arg12[%get3A_121] {strides = array<i32>} : memref<800xi32, #tpu.memory_space<vmem>>, vector<16xi32>,
      %get3A_123 = vector.shape_cast %get3A_122 : vector<16xi32> to vector<16xi32>
      %select_n3A_124 = arith.select %ne3A_120, %get3A_123, %broadcast_in_dim3A_28 : vector<16xi1>, vector<16xi32>
      %swap3A_125 = arith.constant 48 : index
      %swap3A_126 = tpu.vector_load %arg12[%swap3A_125] {strides = array<i32>} : memref<800xi32, #tpu.memory_space<vmem>>, vector<16xi32>,
      %swap3A_127 = vector.shape_cast %swap3A_126 : vector<16xi32> to vector<16xi32>
      %swap3A_128 = vector.shape_cast %select_n3A_124 : vector<16xi32> to vector<16xi32>
      tpu.vector_store %arg12[%swap3A_125], %swap3A_128 {strides = array<i32>} : memref<800xi32, #tpu.memory_space<vmem>>, vector<16xi32>,
      %get3A_129 = arith.constant 48 : index
      %get3A_130 = tpu.vector_load %arg13[%get3A_129] {strides = array<i32>} : memref<800xi32, #tpu.memory_space<vmem>>, vector<16xi32>,
      %get3A_131 = vector.shape_cast %get3A_130 : vector<16xi32> to vector<16xi32>
      %select_n3A_132 = arith.select %ne3A_120, %get3A_131, %broadcast_in_dim3A_28 : vector<16xi1>, vector<16xi32>
      %swap3A_133 = arith.constant 48 : index
      %swap3A_134 = tpu.vector_load %arg13[%swap3A_133] {strides = array<i32>} : memref<800xi32, #tpu.memory_space<vmem>>, vector<16xi32>,
      %swap3A_135 = vector.shape_cast %swap3A_134 : vector<16xi32> to vector<16xi32>
      %swap3A_136 = vector.shape_cast %select_n3A_132 : vector<16xi32> to vector<16xi32>
      tpu.vector_store %arg13[%swap3A_133], %swap3A_136 {strides = array<i32>} : memref<800xi32, #tpu.memory_space<vmem>>, vector<16xi32>,
      %get3A_137 = arith.constant 48 : index
      %get3A_138 = tpu.vector_load %arg14[%get3A_137] {strides = array<i32>} : memref<800xi32, #tpu.memory_space<vmem>>, vector<16xi32>,
      %get3A_139 = vector.shape_cast %get3A_138 : vector<16xi32> to vector<16xi32>
      %select_n3A_140 = arith.select %ne3A_120, %get3A_139, %broadcast_in_dim3A_28 : vector<16xi1>, vector<16xi32>
      %swap3A_141 = arith.constant 48 : index
      %swap3A_142 = tpu.vector_load %arg14[%swap3A_141] {strides = array<i32>} : memref<800xi32, #tpu.memory_space<vmem>>, vector<16xi32>,
      %swap3A_143 = vector.shape_cast %swap3A_142 : vector<16xi32> to vector<16xi32>
      %swap3A_144 = vector.shape_cast %select_n3A_140 : vector<16xi32> to vector<16xi32>
      tpu.vector_store %arg14[%swap3A_141], %swap3A_144 {strides = array<i32>} : memref<800xi32, #tpu.memory_space<vmem>>, vector<16xi32>,
      %get3A_145 = arith.constant 64 : index
      %get3A_146 = tpu.vector_load %arg11[%get3A_145] {strides = array<i32>} : memref<800xi32, #tpu.memory_space<vmem>>, vector<16xi32>,
      %get3A_147 = vector.shape_cast %get3A_146 : vector<16xi32> to vector<16xi32>
      %ne3A_148 = arith.constant 0 : i32
      %ne3A_149 = vector.broadcast %ne3A_148 : i32 to vector<16xi32>
      %ne3A_150 = arith.cmpi ne, %get3A_147, %ne3A_149 : vector<16xi32>
      %get3A_151 = arith.constant 64 : index
      %get3A_152 = tpu.vector_load %arg12[%get3A_151] {strides = array<i32>} : memref<800xi32, #tpu.memory_space<vmem>>, vector<16xi32>,
      %get3A_153 = vector.shape_cast %get3A_152 : vector<16xi32> to vector<16xi32>
      %select_n3A_154 = arith.select %ne3A_150, %get3A_153, %broadcast_in_dim3A_28 : vector<16xi1>, vector<16xi32>
      %swap3A_155 = arith.constant 64 : index
      %swap3A_156 = tpu.vector_load %arg12[%swap3A_155] {strides = array<i32>} : memref<800xi32, #tpu.memory_space<vmem>>, vector<16xi32>,
      %swap3A_157 = vector.shape_cast %swap3A_156 : vector<16xi32> to vector<16xi32>
      %swap3A_158 = vector.shape_cast %select_n3A_154 : vector<16xi32> to vector<16xi32>
      tpu.vector_store %arg12[%swap3A_155], %swap3A_158 {strides = array<i32>} : memref<800xi32, #tpu.memory_space<vmem>>, vector<16xi32>,
      %get3A_159 = arith.constant 64 : index
      %get3A_160 = tpu.vector_load %arg13[%get3A_159] {strides = array<i32>} : memref<800xi32, #tpu.memory_space<vmem>>, vector<16xi32>,
      %get3A_161 = vector.shape_cast %get3A_160 : vector<16xi32> to vector<16xi32>
      %select_n3A_162 = arith.select %ne3A_150, %get3A_161, %broadcast_in_dim3A_28 : vector<16xi1>, vector<16xi32>
      %swap3A_163 = arith.constant 64 : index
      %swap3A_164 = tpu.vector_load %arg13[%swap3A_163] {strides = array<i32>} : memref<800xi32, #tpu.memory_space<vmem>>, vector<16xi32>,
      %swap3A_165 = vector.shape_cast %swap3A_164 : vector<16xi32> to vector<16xi32>
      %swap3A_166 = vector.shape_cast %select_n3A_162 : vector<16xi32> to vector<16xi32>
      tpu.vector_store %arg13[%swap3A_163], %swap3A_166 {strides = array<i32>} : memref<800xi32, #tpu.memory_space<vmem>>, vector<16xi32>,
      %get3A_167 = arith.constant 64 : index
      %get3A_168 = tpu.vector_load %arg14[%get3A_167] {strides = array<i32>} : memref<800xi32, #tpu.memory_space<vmem>>, vector<16xi32>,
      %get3A_169 = vector.shape_cast %get3A_168 : vector<16xi32> to vector<16xi32>
      %select_n3A_170 = arith.select %ne3A_150, %get3A_169, %broadcast_in_dim3A_28 : vector<16xi1>, vector<16xi32>
      %swap3A_171 = arith.constant 64 : index
      %swap3A_172 = tpu.vector_load %arg14[%swap3A_171] {strides = array<i32>} : memref<800xi32, #tpu.memory_space<vmem>>, vector<16xi32>,
      %swap3A_173 = vector.shape_cast %swap3A_172 : vector<16xi32> to vector<16xi32>
      %swap3A_174 = vector.shape_cast %select_n3A_170 : vector<16xi32> to vector<16xi32>
      tpu.vector_store %arg14[%swap3A_171], %swap3A_174 {strides = array<i32>} : memref<800xi32, #tpu.memory_space<vmem>>, vector<16xi32>,
      %get3A_175 = arith.constant 80 : index
      %get3A_176 = tpu.vector_load %arg11[%get3A_175] {strides = array<i32>} : memref<800xi32, #tpu.memory_space<vmem>>, vector<16xi32>,
      %get3A_177 = vector.shape_cast %get3A_176 : vector<16xi32> to vector<16xi32>
      %ne3A_178 = arith.constant 0 : i32
      %ne3A_179 = vector.broadcast %ne3A_178 : i32 to vector<16xi32>
      %ne3A_180 = arith.cmpi ne, %get3A_177, %ne3A_179 : vector<16xi32>
      %get3A_181 = arith.constant 80 : index
      %get3A_182 = tpu.vector_load %arg12[%get3A_181] {strides = array<i32>} : memref<800xi32, #tpu.memory_space<vmem>>, vector<16xi32>,
      %get3A_183 = vector.shape_cast %get3A_182 : vector<16xi32> to vector<16xi32>
      %select_n3A_184 = arith.select %ne3A_180, %get3A_183, %broadcast_in_dim3A_28 : vector<16xi1>, vector<16xi32>
      %swap3A_185 = arith.constant 80 : index
      %swap3A_186 = tpu.vector_load %arg12[%swap3A_185] {strides = array<i32>} : memref<800xi32, #tpu.memory_space<vmem>>, vector<16xi32>,
      %swap3A_187 = vector.shape_cast %swap3A_186 : vector<16xi32> to vector<16xi32>
      %swap3A_188 = vector.shape_cast %select_n3A_184 : vector<16xi32> to vector<16xi32>
      tpu.vector_store %arg12[%swap3A_185], %swap3A_188 {strides = array<i32>} : memref<800xi32, #tpu.memory_space<vmem>>, vector<16xi32>,
      %get3A_189 = arith.constant 80 : index
      %get3A_190 = tpu.vector_load %arg13[%get3A_189] {strides = array<i32>} : memref<800xi32, #tpu.memory_space<vmem>>, vector<16xi32>,
      %get3A_191 = vector.shape_cast %get3A_190 : vector<16xi32> to vector<16xi32>
      %select_n3A_192 = arith.select %ne3A_180, %get3A_191, %broadcast_in_dim3A_28 : vector<16xi1>, vector<16xi32>
      %swap3A_193 = arith.constant 80 : index
      %swap3A_194 = tpu.vector_load %arg13[%swap3A_193] {strides = array<i32>} : memref<800xi32, #tpu.memory_space<vmem>>, vector<16xi32>,
      %swap3A_195 = vector.shape_cast %swap3A_194 : vector<16xi32> to vector<16xi32>
      %swap3A_196 = vector.shape_cast %select_n3A_192 : vector<16xi32> to vector<16xi32>
      tpu.vector_store %arg13[%swap3A_193], %swap3A_196 {strides = array<i32>} : memref<800xi32, #tpu.memory_space<vmem>>, vector<16xi32>,
      %get3A_197 = arith.constant 80 : index
      %get3A_198 = tpu.vector_load %arg14[%get3A_197] {strides = array<i32>} : memref<800xi32, #tpu.memory_space<vmem>>, vector<16xi32>,
      %get3A_199 = vector.shape_cast %get3A_198 : vector<16xi32> to vector<16xi32>
      %select_n3A_200 = arith.select %ne3A_180, %get3A_199, %broadcast_in_dim3A_28 : vector<16xi1>, vector<16xi32>
      %swap3A_201 = arith.constant 80 : index
      %swap3A_202 = tpu.vector_load %arg14[%swap3A_201] {strides = array<i32>} : memref<800xi32, #tpu.memory_space<vmem>>, vector<16xi32>,
      %swap3A_203 = vector.shape_cast %swap3A_202 : vector<16xi32> to vector<16xi32>
      %swap3A_204 = vector.shape_cast %select_n3A_200 : vector<16xi32> to vector<16xi32>
      tpu.vector_store %arg14[%swap3A_201], %swap3A_204 {strides = array<i32>} : memref<800xi32, #tpu.memory_space<vmem>>, vector<16xi32>,
      %get3A_205 = arith.constant 96 : index
      %get3A_206 = tpu.vector_load %arg11[%get3A_205] {strides = array<i32>} : memref<800xi32, #tpu.memory_space<vmem>>, vector<16xi32>,
      %get3A_207 = vector.shape_cast %get3A_206 : vector<16xi32> to vector<16xi32>
      %ne3A_208 = arith.constant 0 : i32
      %ne3A_209 = vector.broadcast %ne3A_208 : i32 to vector<16xi32>
      %ne3A_210 = arith.cmpi ne, %get3A_207, %ne3A_209 : vector<16xi32>
      %get3A_211 = arith.constant 96 : index
      %get3A_212 = tpu.vector_load %arg12[%get3A_211] {strides = array<i32>} : memref<800xi32, #tpu.memory_space<vmem>>, vector<16xi32>,
      %get3A_213 = vector.shape_cast %get3A_212 : vector<16xi32> to vector<16xi32>
      %select_n3A_214 = arith.select %ne3A_210, %get3A_213, %broadcast_in_dim3A_28 : vector<16xi1>, vector<16xi32>
      %swap3A_215 = arith.constant 96 : index
      %swap3A_216 = tpu.vector_load %arg12[%swap3A_215] {strides = array<i32>} : memref<800xi32, #tpu.memory_space<vmem>>, vector<16xi32>,
      %swap3A_217 = vector.shape_cast %swap3A_216 : vector<16xi32> to vector<16xi32>
      %swap3A_218 = vector.shape_cast %select_n3A_214 : vector<16xi32> to vector<16xi32>
      tpu.vector_store %arg12[%swap3A_215], %swap3A_218 {strides = array<i32>} : memref<800xi32, #tpu.memory_space<vmem>>, vector<16xi32>,
      %get3A_219 = arith.constant 96 : index
      %get3A_220 = tpu.vector_load %arg13[%get3A_219] {strides = array<i32>} : memref<800xi32, #tpu.memory_space<vmem>>, vector<16xi32>,
      %get3A_221 = vector.shape_cast %get3A_220 : vector<16xi32> to vector<16xi32>
      %select_n3A_222 = arith.select %ne3A_210, %get3A_221, %broadcast_in_dim3A_28 : vector<16xi1>, vector<16xi32>
      %swap3A_223 = arith.constant 96 : index
      %swap3A_224 = tpu.vector_load %arg13[%swap3A_223] {strides = array<i32>} : memref<800xi32, #tpu.memory_space<vmem>>, vector<16xi32>,
      %swap3A_225 = vector.shape_cast %swap3A_224 : vector<16xi32> to vector<16xi32>
      %swap3A_226 = vector.shape_cast %select_n3A_222 : vector<16xi32> to vector<16xi32>
      tpu.vector_store %arg13[%swap3A_223], %swap3A_226 {strides = array<i32>} : memref<800xi32, #tpu.memory_space<vmem>>, vector<16xi32>,
      %get3A_227 = arith.constant 96 : index
      %get3A_228 = tpu.vector_load %arg14[%get3A_227] {strides = array<i32>} : memref<800xi32, #tpu.memory_space<vmem>>, vector<16xi32>,
      %get3A_229 = vector.shape_cast %get3A_228 : vector<16xi32> to vector<16xi32>
      %select_n3A_230 = arith.select %ne3A_210, %get3A_229, %broadcast_in_dim3A_28 : vector<16xi1>, vector<16xi32>
      %swap3A_231 = arith.constant 96 : index
      %swap3A_232 = tpu.vector_load %arg14[%swap3A_231] {strides = array<i32>} : memref<800xi32, #tpu.memory_space<vmem>>, vector<16xi32>,
      %swap3A_233 = vector.shape_cast %swap3A_232 : vector<16xi32> to vector<16xi32>
      %swap3A_234 = vector.shape_cast %select_n3A_230 : vector<16xi32> to vector<16xi32>
      tpu.vector_store %arg14[%swap3A_231], %swap3A_234 {strides = array<i32>} : memref<800xi32, #tpu.memory_space<vmem>>, vector<16xi32>,
      %get3A_235 = arith.constant 112 : index
      %get3A_236 = tpu.vector_load %arg11[%get3A_235] {strides = array<i32>} : memref<800xi32, #tpu.memory_space<vmem>>, vector<16xi32>,
      %get3A_237 = vector.shape_cast %get3A_236 : vector<16xi32> to vector<16xi32>
      %ne3A_238 = arith.constant 0 : i32
      %ne3A_239 = vector.broadcast %ne3A_238 : i32 to vector<16xi32>
      %ne3A_240 = arith.cmpi ne, %get3A_237, %ne3A_239 : vector<16xi32>
      %get3A_241 = arith.constant 112 : index
      %get3A_242 = tpu.vector_load %arg12[%get3A_241] {strides = array<i32>} : memref<800xi32, #tpu.memory_space<vmem>>, vector<16xi32>,
      %get3A_243 = vector.shape_cast %get3A_242 : vector<16xi32> to vector<16xi32>
      %select_n3A_244 = arith.select %ne3A_240, %get3A_243, %broadcast_in_dim3A_28 : vector<16xi1>, vector<16xi32>
      %swap3A_245 = arith.constant 112 : index
      %swap3A_246 = tpu.vector_load %arg12[%swap3A_245] {strides = array<i32>} : memref<800xi32, #tpu.memory_space<vmem>>, vector<16xi32>,
      %swap3A_247 = vector.shape_cast %swap3A_246 : vector<16xi32> to vector<16xi32>
      %swap3A_248 = vector.shape_cast %select_n3A_244 : vector<16xi32> to vector<16xi32>
      tpu.vector_store %arg12[%swap3A_245], %swap3A_248 {strides = array<i32>} : memref<800xi32, #tpu.memory_space<vmem>>, vector<16xi32>,
      %get3A_249 = arith.constant 112 : index
      %get3A_250 = tpu.vector_load %arg13[%get3A_249] {strides = array<i32>} : memref<800xi32, #tpu.memory_space<vmem>>, vector<16xi32>,
      %get3A_251 = vector.shape_cast %get3A_250 : vector<16xi32> to vector<16xi32>
      %select_n3A_252 = arith.select %ne3A_240, %get3A_251, %broadcast_in_dim3A_28 : vector<16xi1>, vector<16xi32>
      %swap3A_253 = arith.constant 112 : index
      %swap3A_254 = tpu.vector_load %arg13[%swap3A_253] {strides = array<i32>} : memref<800xi32, #tpu.memory_space<vmem>>, vector<16xi32>,
      %swap3A_255 = vector.shape_cast %swap3A_254 : vector<16xi32> to vector<16xi32>
      %swap3A_256 = vector.shape_cast %select_n3A_252 : vector<16xi32> to vector<16xi32>
      tpu.vector_store %arg13[%swap3A_253], %swap3A_256 {strides = array<i32>} : memref<800xi32, #tpu.memory_space<vmem>>, vector<16xi32>,
      %get3A_257 = arith.constant 112 : index
      %get3A_258 = tpu.vector_load %arg14[%get3A_257] {strides = array<i32>} : memref<800xi32, #tpu.memory_space<vmem>>, vector<16xi32>,
      %get3A_259 = vector.shape_cast %get3A_258 : vector<16xi32> to vector<16xi32>
      %select_n3A_260 = arith.select %ne3A_240, %get3A_259, %broadcast_in_dim3A_28 : vector<16xi1>, vector<16xi32>
      %swap3A_261 = arith.constant 112 : index
      %swap3A_262 = tpu.vector_load %arg14[%swap3A_261] {strides = array<i32>} : memref<800xi32, #tpu.memory_space<vmem>>, vector<16xi32>,
      %swap3A_263 = vector.shape_cast %swap3A_262 : vector<16xi32> to vector<16xi32>
      %swap3A_264 = vector.shape_cast %select_n3A_260 : vector<16xi32> to vector<16xi32>
      tpu.vector_store %arg14[%swap3A_261], %swap3A_264 {strides = array<i32>} : memref<800xi32, #tpu.memory_space<vmem>>, vector<16xi32>,
      %get3A_265 = arith.constant 128 : index
      %get3A_266 = tpu.vector_load %arg11[%get3A_265] {strides = array<i32>} : memref<800xi32, #tpu.memory_space<vmem>>, vector<16xi32>,
      %get3A_267 = vector.shape_cast %get3A_266 : vector<16xi32> to vector<16xi32>
      %ne3A_268 = arith.constant 0 : i32
      %ne3A_269 = vector.broadcast %ne3A_268 : i32 to vector<16xi32>
      %ne3A_270 = arith.cmpi ne, %get3A_267, %ne3A_269 : vector<16xi32>
      %get3A_271 = arith.constant 128 : index
      %get3A_272 = tpu.vector_load %arg12[%get3A_271] {strides = array<i32>} : memref<800xi32, #tpu.memory_space<vmem>>, vector<16xi32>,
      %get3A_273 = vector.shape_cast %get3A_272 : vector<16xi32> to vector<16xi32>
      %select_n3A_274 = arith.select %ne3A_270, %get3A_273, %broadcast_in_dim3A_28 : vector<16xi1>, vector<16xi32>
      %swap3A_275 = arith.constant 128 : index
      %swap3A_276 = tpu.vector_load %arg12[%swap3A_275] {strides = array<i32>} : memref<800xi32, #tpu.memory_space<vmem>>, vector<16xi32>,
      %swap3A_277 = vector.shape_cast %swap3A_276 : vector<16xi32> to vector<16xi32>
      %swap3A_278 = vector.shape_cast %select_n3A_274 : vector<16xi32> to vector<16xi32>
      tpu.vector_store %arg12[%swap3A_275], %swap3A_278 {strides = array<i32>} : memref<800xi32, #tpu.memory_space<vmem>>, vector<16xi32>,
      %get3A_279 = arith.constant 128 : index
      %get3A_280 = tpu.vector_load %arg13[%get3A_279] {strides = array<i32>} : memref<800xi32, #tpu.memory_space<vmem>>, vector<16xi32>,
      %get3A_281 = vector.shape_cast %get3A_280 : vector<16xi32> to vector<16xi32>
      %select_n3A_282 = arith.select %ne3A_270, %get3A_281, %broadcast_in_dim3A_28 : vector<16xi1>, vector<16xi32>
      %swap3A_283 = arith.constant 128 : index
      %swap3A_284 = tpu.vector_load %arg13[%swap3A_283] {strides = array<i32>} : memref<800xi32, #tpu.memory_space<vmem>>, vector<16xi32>,
      %swap3A_285 = vector.shape_cast %swap3A_284 : vector<16xi32> to vector<16xi32>
      %swap3A_286 = vector.shape_cast %select_n3A_282 : vector<16xi32> to vector<16xi32>
      tpu.vector_store %arg13[%swap3A_283], %swap3A_286 {strides = array<i32>} : memref<800xi32, #tpu.memory_space<vmem>>, vector<16xi32>,
      %get3A_287 = arith.constant 128 : index
      %get3A_288 = tpu.vector_load %arg14[%get3A_287] {strides = array<i32>} : memref<800xi32, #tpu.memory_space<vmem>>, vector<16xi32>,
      %get3A_289 = vector.shape_cast %get3A_288 : vector<16xi32> to vector<16xi32>
      %select_n3A_290 = arith.select %ne3A_270, %get3A_289, %broadcast_in_dim3A_28 : vector<16xi1>, vector<16xi32>
      %swap3A_291 = arith.constant 128 : index
      %swap3A_292 = tpu.vector_load %arg14[%swap3A_291] {strides = array<i32>} : memref<800xi32, #tpu.memory_space<vmem>>, vector<16xi32>,
      %swap3A_293 = vector.shape_cast %swap3A_292 : vector<16xi32> to vector<16xi32>
      %swap3A_294 = vector.shape_cast %select_n3A_290 : vector<16xi32> to vector<16xi32>
      tpu.vector_store %arg14[%swap3A_291], %swap3A_294 {strides = array<i32>} : memref<800xi32, #tpu.memory_space<vmem>>, vector<16xi32>,
      %get3A_295 = arith.constant 144 : index
      %get3A_296 = tpu.vector_load %arg11[%get3A_295] {strides = array<i32>} : memref<800xi32, #tpu.memory_space<vmem>>, vector<16xi32>,
      %get3A_297 = vector.shape_cast %get3A_296 : vector<16xi32> to vector<16xi32>
      %ne3A_298 = arith.constant 0 : i32
      %ne3A_299 = vector.broadcast %ne3A_298 : i32 to vector<16xi32>
      %ne3A_300 = arith.cmpi ne, %get3A_297, %ne3A_299 : vector<16xi32>
      %get3A_301 = arith.constant 144 : index
      %get3A_302 = tpu.vector_load %arg12[%get3A_301] {strides = array<i32>} : memref<800xi32, #tpu.memory_space<vmem>>, vector<16xi32>,
      %get3A_303 = vector.shape_cast %get3A_302 : vector<16xi32> to vector<16xi32>
      %select_n3A_304 = arith.select %ne3A_300, %get3A_303, %broadcast_in_dim3A_28 : vector<16xi1>, vector<16xi32>
      %swap3A_305 = arith.constant 144 : index
      %swap3A_306 = tpu.vector_load %arg12[%swap3A_305] {strides = array<i32>} : memref<800xi32, #tpu.memory_space<vmem>>, vector<16xi32>,
      %swap3A_307 = vector.shape_cast %swap3A_306 : vector<16xi32> to vector<16xi32>
      %swap3A_308 = vector.shape_cast %select_n3A_304 : vector<16xi32> to vector<16xi32>
      tpu.vector_store %arg12[%swap3A_305], %swap3A_308 {strides = array<i32>} : memref<800xi32, #tpu.memory_space<vmem>>, vector<16xi32>,
      %get3A_309 = arith.constant 144 : index
      %get3A_310 = tpu.vector_load %arg13[%get3A_309] {strides = array<i32>} : memref<800xi32, #tpu.memory_space<vmem>>, vector<16xi32>,
      %get3A_311 = vector.shape_cast %get3A_310 : vector<16xi32> to vector<16xi32>
      %select_n3A_312 = arith.select %ne3A_300, %get3A_311, %broadcast_in_dim3A_28 : vector<16xi1>, vector<16xi32>
      %swap3A_313 = arith.constant 144 : index
      %swap3A_314 = tpu.vector_load %arg13[%swap3A_313] {strides = array<i32>} : memref<800xi32, #tpu.memory_space<vmem>>, vector<16xi32>,
      %swap3A_315 = vector.shape_cast %swap3A_314 : vector<16xi32> to vector<16xi32>
      %swap3A_316 = vector.shape_cast %select_n3A_312 : vector<16xi32> to vector<16xi32>
      tpu.vector_store %arg13[%swap3A_313], %swap3A_316 {strides = array<i32>} : memref<800xi32, #tpu.memory_space<vmem>>, vector<16xi32>,
      %get3A_317 = arith.constant 144 : index
      %get3A_318 = tpu.vector_load %arg14[%get3A_317] {strides = array<i32>} : memref<800xi32, #tpu.memory_space<vmem>>, vector<16xi32>,
      %get3A_319 = vector.shape_cast %get3A_318 : vector<16xi32> to vector<16xi32>
      %select_n3A_320 = arith.select %ne3A_300, %get3A_319, %broadcast_in_dim3A_28 : vector<16xi1>, vector<16xi32>
      %swap3A_321 = arith.constant 144 : index
      %swap3A_322 = tpu.vector_load %arg14[%swap3A_321] {strides = array<i32>} : memref<800xi32, #tpu.memory_space<vmem>>, vector<16xi32>,
      %swap3A_323 = vector.shape_cast %swap3A_322 : vector<16xi32> to vector<16xi32>
      %swap3A_324 = vector.shape_cast %select_n3A_320 : vector<16xi32> to vector<16xi32>
      tpu.vector_store %arg14[%swap3A_321], %swap3A_324 {strides = array<i32>} : memref<800xi32, #tpu.memory_space<vmem>>, vector<16xi32>,
      %get3A_325 = arith.constant 160 : index
      %get3A_326 = tpu.vector_load %arg11[%get3A_325] {strides = array<i32>} : memref<800xi32, #tpu.memory_space<vmem>>, vector<16xi32>,
      %get3A_327 = vector.shape_cast %get3A_326 : vector<16xi32> to vector<16xi32>
      %ne3A_328 = arith.constant 0 : i32
      %ne3A_329 = vector.broadcast %ne3A_328 : i32 to vector<16xi32>
      %ne3A_330 = arith.cmpi ne, %get3A_327, %ne3A_329 : vector<16xi32>
      %get3A_331 = arith.constant 160 : index
      %get3A_332 = tpu.vector_load %arg12[%get3A_331] {strides = array<i32>} : memref<800xi32, #tpu.memory_space<vmem>>, vector<16xi32>,
      %get3A_333 = vector.shape_cast %get3A_332 : vector<16xi32> to vector<16xi32>
      %select_n3A_334 = arith.select %ne3A_330, %get3A_333, %broadcast_in_dim3A_28 : vector<16xi1>, vector<16xi32>
      %swap3A_335 = arith.constant 160 : index
      %swap3A_336 = tpu.vector_load %arg12[%swap3A_335] {strides = array<i32>} : memref<800xi32, #tpu.memory_space<vmem>>, vector<16xi32>,
      %swap3A_337 = vector.shape_cast %swap3A_336 : vector<16xi32> to vector<16xi32>
      %swap3A_338 = vector.shape_cast %select_n3A_334 : vector<16xi32> to vector<16xi32>
      tpu.vector_store %arg12[%swap3A_335], %swap3A_338 {strides = array<i32>} : memref<800xi32, #tpu.memory_space<vmem>>, vector<16xi32>,
      %get3A_339 = arith.constant 160 : index
      %get3A_340 = tpu.vector_load %arg13[%get3A_339] {strides = array<i32>} : memref<800xi32, #tpu.memory_space<vmem>>, vector<16xi32>,
      %get3A_341 = vector.shape_cast %get3A_340 : vector<16xi32> to vector<16xi32>
      %select_n3A_342 = arith.select %ne3A_330, %get3A_341, %broadcast_in_dim3A_28 : vector<16xi1>, vector<16xi32>
      %swap3A_343 = arith.constant 160 : index
      %swap3A_344 = tpu.vector_load %arg13[%swap3A_343] {strides = array<i32>} : memref<800xi32, #tpu.memory_space<vmem>>, vector<16xi32>,
      %swap3A_345 = vector.shape_cast %swap3A_344 : vector<16xi32> to vector<16xi32>
      %swap3A_346 = vector.shape_cast %select_n3A_342 : vector<16xi32> to vector<16xi32>
      tpu.vector_store %arg13[%swap3A_343], %swap3A_346 {strides = array<i32>} : memref<800xi32, #tpu.memory_space<vmem>>, vector<16xi32>,
      %get3A_347 = arith.constant 160 : index
      %get3A_348 = tpu.vector_load %arg14[%get3A_347] {strides = array<i32>} : memref<800xi32, #tpu.memory_space<vmem>>, vector<16xi32>,
      %get3A_349 = vector.shape_cast %get3A_348 : vector<16xi32> to vector<16xi32>
      %select_n3A_350 = arith.select %ne3A_330, %get3A_349, %broadcast_in_dim3A_28 : vector<16xi1>, vector<16xi32>
      %swap3A_351 = arith.constant 160 : index
      %swap3A_352 = tpu.vector_load %arg14[%swap3A_351] {strides = array<i32>} : memref<800xi32, #tpu.memory_space<vmem>>, vector<16xi32>,
      %swap3A_353 = vector.shape_cast %swap3A_352 : vector<16xi32> to vector<16xi32>
      %swap3A_354 = vector.shape_cast %select_n3A_350 : vector<16xi32> to vector<16xi32>
      tpu.vector_store %arg14[%swap3A_351], %swap3A_354 {strides = array<i32>} : memref<800xi32, #tpu.memory_space<vmem>>, vector<16xi32>,
      %get3A_355 = arith.constant 176 : index
      %get3A_356 = tpu.vector_load %arg11[%get3A_355] {strides = array<i32>} : memref<800xi32, #tpu.memory_space<vmem>>, vector<16xi32>,
      %get3A_357 = vector.shape_cast %get3A_356 : vector<16xi32> to vector<16xi32>
      %ne3A_358 = arith.constant 0 : i32
      %ne3A_359 = vector.broadcast %ne3A_358 : i32 to vector<16xi32>
      %ne3A_360 = arith.cmpi ne, %get3A_357, %ne3A_359 : vector<16xi32>
      %get3A_361 = arith.constant 176 : index
      %get3A_362 = tpu.vector_load %arg12[%get3A_361] {strides = array<i32>} : memref<800xi32, #tpu.memory_space<vmem>>, vector<16xi32>,
      %get3A_363 = vector.shape_cast %get3A_362 : vector<16xi32> to vector<16xi32>
      %select_n3A_364 = arith.select %ne3A_360, %get3A_363, %broadcast_in_dim3A_28 : vector<16xi1>, vector<16xi32>
      %swap3A_365 = arith.constant 176 : index
      %swap3A_366 = tpu.vector_load %arg12[%swap3A_365] {strides = array<i32>} : memref<800xi32, #tpu.memory_space<vmem>>, vector<16xi32>,
      %swap3A_367 = vector.shape_cast %swap3A_366 : vector<16xi32> to vector<16xi32>
      %swap3A_368 = vector.shape_cast %select_n3A_364 : vector<16xi32> to vector<16xi32>
      tpu.vector_store %arg12[%swap3A_365], %swap3A_368 {strides = array<i32>} : memref<800xi32, #tpu.memory_space<vmem>>, vector<16xi32>,
      %get3A_369 = arith.constant 176 : index
      %get3A_370 = tpu.vector_load %arg13[%get3A_369] {strides = array<i32>} : memref<800xi32, #tpu.memory_space<vmem>>, vector<16xi32>,
      %get3A_371 = vector.shape_cast %get3A_370 : vector<16xi32> to vector<16xi32>
      %select_n3A_372 = arith.select %ne3A_360, %get3A_371, %broadcast_in_dim3A_28 : vector<16xi1>, vector<16xi32>
      %swap3A_373 = arith.constant 176 : index
      %swap3A_374 = tpu.vector_load %arg13[%swap3A_373] {strides = array<i32>} : memref<800xi32, #tpu.memory_space<vmem>>, vector<16xi32>,
      %swap3A_375 = vector.shape_cast %swap3A_374 : vector<16xi32> to vector<16xi32>
      %swap3A_376 = vector.shape_cast %select_n3A_372 : vector<16xi32> to vector<16xi32>
      tpu.vector_store %arg13[%swap3A_373], %swap3A_376 {strides = array<i32>} : memref<800xi32, #tpu.memory_space<vmem>>, vector<16xi32>,
      %get3A_377 = arith.constant 176 : index
      %get3A_378 = tpu.vector_load %arg14[%get3A_377] {strides = array<i32>} : memref<800xi32, #tpu.memory_space<vmem>>, vector<16xi32>,
      %get3A_379 = vector.shape_cast %get3A_378 : vector<16xi32> to vector<16xi32>
      %select_n3A_380 = arith.select %ne3A_360, %get3A_379, %broadcast_in_dim3A_28 : vector<16xi1>, vector<16xi32>
      %swap3A_381 = arith.constant 176 : index
      %swap3A_382 = tpu.vector_load %arg14[%swap3A_381] {strides = array<i32>} : memref<800xi32, #tpu.memory_space<vmem>>, vector<16xi32>,
      %swap3A_383 = vector.shape_cast %swap3A_382 : vector<16xi32> to vector<16xi32>
      %swap3A_384 = vector.shape_cast %select_n3A_380 : vector<16xi32> to vector<16xi32>
      tpu.vector_store %arg14[%swap3A_381], %swap3A_384 {strides = array<i32>} : memref<800xi32, #tpu.memory_space<vmem>>, vector<16xi32>,
      %get3A_385 = arith.constant 192 : index
      %get3A_386 = tpu.vector_load %arg11[%get3A_385] {strides = array<i32>} : memref<800xi32, #tpu.memory_space<vmem>>, vector<16xi32>,
      %get3A_387 = vector.shape_cast %get3A_386 : vector<16xi32> to vector<16xi32>
      %ne3A_388 = arith.constant 0 : i32
      %ne3A_389 = vector.broadcast %ne3A_388 : i32 to vector<16xi32>
      %ne3A_390 = arith.cmpi ne, %get3A_387, %ne3A_389 : vector<16xi32>
      %get3A_391 = arith.constant 192 : index
      %get3A_392 = tpu.vector_load %arg12[%get3A_391] {strides = array<i32>} : memref<800xi32, #tpu.memory_space<vmem>>, vector<16xi32>,
      %get3A_393 = vector.shape_cast %get3A_392 : vector<16xi32> to vector<16xi32>
      %select_n3A_394 = arith.select %ne3A_390, %get3A_393, %broadcast_in_dim3A_28 : vector<16xi1>, vector<16xi32>
      %swap3A_395 = arith.constant 192 : index
      %swap3A_396 = tpu.vector_load %arg12[%swap3A_395] {strides = array<i32>} : memref<800xi32, #tpu.memory_space<vmem>>, vector<16xi32>,
      %swap3A_397 = vector.shape_cast %swap3A_396 : vector<16xi32> to vector<16xi32>
      %swap3A_398 = vector.shape_cast %select_n3A_394 : vector<16xi32> to vector<16xi32>
      tpu.vector_store %arg12[%swap3A_395], %swap3A_398 {strides = array<i32>} : memref<800xi32, #tpu.memory_space<vmem>>, vector<16xi32>,
      %get3A_399 = arith.constant 192 : index
      %get3A_400 = tpu.vector_load %arg13[%get3A_399] {strides = array<i32>} : memref<800xi32, #tpu.memory_space<vmem>>, vector<16xi32>,
      %get3A_401 = vector.shape_cast %get3A_400 : vector<16xi32> to vector<16xi32>
      %select_n3A_402 = arith.select %ne3A_390, %get3A_401, %broadcast_in_dim3A_28 : vector<16xi1>, vector<16xi32>
      %swap3A_403 = arith.constant 192 : index
      %swap3A_404 = tpu.vector_load %arg13[%swap3A_403] {strides = array<i32>} : memref<800xi32, #tpu.memory_space<vmem>>, vector<16xi32>,
      %swap3A_405 = vector.shape_cast %swap3A_404 : vector<16xi32> to vector<16xi32>
      %swap3A_406 = vector.shape_cast %select_n3A_402 : vector<16xi32> to vector<16xi32>
      tpu.vector_store %arg13[%swap3A_403], %swap3A_406 {strides = array<i32>} : memref<800xi32, #tpu.memory_space<vmem>>, vector<16xi32>,
      %get3A_407 = arith.constant 192 : index
      %get3A_408 = tpu.vector_load %arg14[%get3A_407] {strides = array<i32>} : memref<800xi32, #tpu.memory_space<vmem>>, vector<16xi32>,
      %get3A_409 = vector.shape_cast %get3A_408 : vector<16xi32> to vector<16xi32>
      %select_n3A_410 = arith.select %ne3A_390, %get3A_409, %broadcast_in_dim3A_28 : vector<16xi1>, vector<16xi32>
      %swap3A_411 = arith.constant 192 : index
      %swap3A_412 = tpu.vector_load %arg14[%swap3A_411] {strides = array<i32>} : memref<800xi32, #tpu.memory_space<vmem>>, vector<16xi32>,
      %swap3A_413 = vector.shape_cast %swap3A_412 : vector<16xi32> to vector<16xi32>
      %swap3A_414 = vector.shape_cast %select_n3A_410 : vector<16xi32> to vector<16xi32>
      tpu.vector_store %arg14[%swap3A_411], %swap3A_414 {strides = array<i32>} : memref<800xi32, #tpu.memory_space<vmem>>, vector<16xi32>,
      %get3A_415 = arith.constant 208 : index
      %get3A_416 = tpu.vector_load %arg11[%get3A_415] {strides = array<i32>} : memref<800xi32, #tpu.memory_space<vmem>>, vector<16xi32>,
      %get3A_417 = vector.shape_cast %get3A_416 : vector<16xi32> to vector<16xi32>
      %ne3A_418 = arith.constant 0 : i32
      %ne3A_419 = vector.broadcast %ne3A_418 : i32 to vector<16xi32>
      %ne3A_420 = arith.cmpi ne, %get3A_417, %ne3A_419 : vector<16xi32>
      %get3A_421 = arith.constant 208 : index
      %get3A_422 = tpu.vector_load %arg12[%get3A_421] {strides = array<i32>} : memref<800xi32, #tpu.memory_space<vmem>>, vector<16xi32>,
      %get3A_423 = vector.shape_cast %get3A_422 : vector<16xi32> to vector<16xi32>
      %select_n3A_424 = arith.select %ne3A_420, %get3A_423, %broadcast_in_dim3A_28 : vector<16xi1>, vector<16xi32>
      %swap3A_425 = arith.constant 208 : index
      %swap3A_426 = tpu.vector_load %arg12[%swap3A_425] {strides = array<i32>} : memref<800xi32, #tpu.memory_space<vmem>>, vector<16xi32>,
      %swap3A_427 = vector.shape_cast %swap3A_426 : vector<16xi32> to vector<16xi32>
      %swap3A_428 = vector.shape_cast %select_n3A_424 : vector<16xi32> to vector<16xi32>
      tpu.vector_store %arg12[%swap3A_425], %swap3A_428 {strides = array<i32>} : memref<800xi32, #tpu.memory_space<vmem>>, vector<16xi32>,
      %get3A_429 = arith.constant 208 : index
      %get3A_430 = tpu.vector_load %arg13[%get3A_429] {strides = array<i32>} : memref<800xi32, #tpu.memory_space<vmem>>, vector<16xi32>,
      %get3A_431 = vector.shape_cast %get3A_430 : vector<16xi32> to vector<16xi32>
      %select_n3A_432 = arith.select %ne3A_420, %get3A_431, %broadcast_in_dim3A_28 : vector<16xi1>, vector<16xi32>
      %swap3A_433 = arith.constant 208 : index
      %swap3A_434 = tpu.vector_load %arg13[%swap3A_433] {strides = array<i32>} : memref<800xi32, #tpu.memory_space<vmem>>, vector<16xi32>,
      %swap3A_435 = vector.shape_cast %swap3A_434 : vector<16xi32> to vector<16xi32>
      %swap3A_436 = vector.shape_cast %select_n3A_432 : vector<16xi32> to vector<16xi32>
      tpu.vector_store %arg13[%swap3A_433], %swap3A_436 {strides = array<i32>} : memref<800xi32, #tpu.memory_space<vmem>>, vector<16xi32>,
      %get3A_437 = arith.constant 208 : index
      %get3A_438 = tpu.vector_load %arg14[%get3A_437] {strides = array<i32>} : memref<800xi32, #tpu.memory_space<vmem>>, vector<16xi32>,
      %get3A_439 = vector.shape_cast %get3A_438 : vector<16xi32> to vector<16xi32>
      %select_n3A_440 = arith.select %ne3A_420, %get3A_439, %broadcast_in_dim3A_28 : vector<16xi1>, vector<16xi32>
      %swap3A_441 = arith.constant 208 : index
      %swap3A_442 = tpu.vector_load %arg14[%swap3A_441] {strides = array<i32>} : memref<800xi32, #tpu.memory_space<vmem>>, vector<16xi32>,
      %swap3A_443 = vector.shape_cast %swap3A_442 : vector<16xi32> to vector<16xi32>
      %swap3A_444 = vector.shape_cast %select_n3A_440 : vector<16xi32> to vector<16xi32>
      tpu.vector_store %arg14[%swap3A_441], %swap3A_444 {strides = array<i32>} : memref<800xi32, #tpu.memory_space<vmem>>, vector<16xi32>,
      %get3A_445 = arith.constant 224 : index
      %get3A_446 = tpu.vector_load %arg11[%get3A_445] {strides = array<i32>} : memref<800xi32, #tpu.memory_space<vmem>>, vector<16xi32>,
      %get3A_447 = vector.shape_cast %get3A_446 : vector<16xi32> to vector<16xi32>
      %ne3A_448 = arith.constant 0 : i32
      %ne3A_449 = vector.broadcast %ne3A_448 : i32 to vector<16xi32>
      %ne3A_450 = arith.cmpi ne, %get3A_447, %ne3A_449 : vector<16xi32>
      %get3A_451 = arith.constant 224 : index
      %get3A_452 = tpu.vector_load %arg12[%get3A_451] {strides = array<i32>} : memref<800xi32, #tpu.memory_space<vmem>>, vector<16xi32>,
      %get3A_453 = vector.shape_cast %get3A_452 : vector<16xi32> to vector<16xi32>
      %select_n3A_454 = arith.select %ne3A_450, %get3A_453, %broadcast_in_dim3A_28 : vector<16xi1>, vector<16xi32>
      %swap3A_455 = arith.constant 224 : index
      %swap3A_456 = tpu.vector_load %arg12[%swap3A_455] {strides = array<i32>} : memref<800xi32, #tpu.memory_space<vmem>>, vector<16xi32>,
      %swap3A_457 = vector.shape_cast %swap3A_456 : vector<16xi32> to vector<16xi32>
      %swap3A_458 = vector.shape_cast %select_n3A_454 : vector<16xi32> to vector<16xi32>
      tpu.vector_store %arg12[%swap3A_455], %swap3A_458 {strides = array<i32>} : memref<800xi32, #tpu.memory_space<vmem>>, vector<16xi32>,
      %get3A_459 = arith.constant 224 : index
      %get3A_460 = tpu.vector_load %arg13[%get3A_459] {strides = array<i32>} : memref<800xi32, #tpu.memory_space<vmem>>, vector<16xi32>,
      %get3A_461 = vector.shape_cast %get3A_460 : vector<16xi32> to vector<16xi32>
      %select_n3A_462 = arith.select %ne3A_450, %get3A_461, %broadcast_in_dim3A_28 : vector<16xi1>, vector<16xi32>
      %swap3A_463 = arith.constant 224 : index
      %swap3A_464 = tpu.vector_load %arg13[%swap3A_463] {strides = array<i32>} : memref<800xi32, #tpu.memory_space<vmem>>, vector<16xi32>,
      %swap3A_465 = vector.shape_cast %swap3A_464 : vector<16xi32> to vector<16xi32>
      %swap3A_466 = vector.shape_cast %select_n3A_462 : vector<16xi32> to vector<16xi32>
      tpu.vector_store %arg13[%swap3A_463], %swap3A_466 {strides = array<i32>} : memref<800xi32, #tpu.memory_space<vmem>>, vector<16xi32>,
      %get3A_467 = arith.constant 224 : index
      %get3A_468 = tpu.vector_load %arg14[%get3A_467] {strides = array<i32>} : memref<800xi32, #tpu.memory_space<vmem>>, vector<16xi32>,
      %get3A_469 = vector.shape_cast %get3A_468 : vector<16xi32> to vector<16xi32>
      %select_n3A_470 = arith.select %ne3A_450, %get3A_469, %broadcast_in_dim3A_28 : vector<16xi1>, vector<16xi32>
      %swap3A_471 = arith.constant 224 : index
      %swap3A_472 = tpu.vector_load %arg14[%swap3A_471] {strides = array<i32>} : memref<800xi32, #tpu.memory_space<vmem>>, vector<16xi32>,
      %swap3A_473 = vector.shape_cast %swap3A_472 : vector<16xi32> to vector<16xi32>
      %swap3A_474 = vector.shape_cast %select_n3A_470 : vector<16xi32> to vector<16xi32>
      tpu.vector_store %arg14[%swap3A_471], %swap3A_474 {strides = array<i32>} : memref<800xi32, #tpu.memory_space<vmem>>, vector<16xi32>,
      %get3A_475 = arith.constant 240 : index
      %get3A_476 = tpu.vector_load %arg11[%get3A_475] {strides = array<i32>} : memref<800xi32, #tpu.memory_space<vmem>>, vector<16xi32>,
      %get3A_477 = vector.shape_cast %get3A_476 : vector<16xi32> to vector<16xi32>
      %ne3A_478 = arith.constant 0 : i32
      %ne3A_479 = vector.broadcast %ne3A_478 : i32 to vector<16xi32>
      %ne3A_480 = arith.cmpi ne, %get3A_477, %ne3A_479 : vector<16xi32>
      %get3A_481 = arith.constant 240 : index
      %get3A_482 = tpu.vector_load %arg12[%get3A_481] {strides = array<i32>} : memref<800xi32, #tpu.memory_space<vmem>>, vector<16xi32>,
      %get3A_483 = vector.shape_cast %get3A_482 : vector<16xi32> to vector<16xi32>
      %select_n3A_484 = arith.select %ne3A_480, %get3A_483, %broadcast_in_dim3A_28 : vector<16xi1>, vector<16xi32>
      %swap3A_485 = arith.constant 240 : index
      %swap3A_486 = tpu.vector_load %arg12[%swap3A_485] {strides = array<i32>} : memref<800xi32, #tpu.memory_space<vmem>>, vector<16xi32>,
      %swap3A_487 = vector.shape_cast %swap3A_486 : vector<16xi32> to vector<16xi32>
      %swap3A_488 = vector.shape_cast %select_n3A_484 : vector<16xi32> to vector<16xi32>
      tpu.vector_store %arg12[%swap3A_485], %swap3A_488 {strides = array<i32>} : memref<800xi32, #tpu.memory_space<vmem>>, vector<16xi32>,
      %get3A_489 = arith.constant 240 : index
      %get3A_490 = tpu.vector_load %arg13[%get3A_489] {strides = array<i32>} : memref<800xi32, #tpu.memory_space<vmem>>, vector<16xi32>,
      %get3A_491 = vector.shape_cast %get3A_490 : vector<16xi32> to vector<16xi32>
      %select_n3A_492 = arith.select %ne3A_480, %get3A_491, %broadcast_in_dim3A_28 : vector<16xi1>, vector<16xi32>
      %swap3A_493 = arith.constant 240 : index
      %swap3A_494 = tpu.vector_load %arg13[%swap3A_493] {strides = array<i32>} : memref<800xi32, #tpu.memory_space<vmem>>, vector<16xi32>,
      %swap3A_495 = vector.shape_cast %swap3A_494 : vector<16xi32> to vector<16xi32>
      %swap3A_496 = vector.shape_cast %select_n3A_492 : vector<16xi32> to vector<16xi32>
      tpu.vector_store %arg13[%swap3A_493], %swap3A_496 {strides = array<i32>} : memref<800xi32, #tpu.memory_space<vmem>>, vector<16xi32>,
      %get3A_497 = arith.constant 240 : index
      %get3A_498 = tpu.vector_load %arg14[%get3A_497] {strides = array<i32>} : memref<800xi32, #tpu.memory_space<vmem>>, vector<16xi32>,
      %get3A_499 = vector.shape_cast %get3A_498 : vector<16xi32> to vector<16xi32>
      %select_n3A_500 = arith.select %ne3A_480, %get3A_499, %broadcast_in_dim3A_28 : vector<16xi1>, vector<16xi32>
      %swap3A_501 = arith.constant 240 : index
      %swap3A_502 = tpu.vector_load %arg14[%swap3A_501] {strides = array<i32>} : memref<800xi32, #tpu.memory_space<vmem>>, vector<16xi32>,
      %swap3A_503 = vector.shape_cast %swap3A_502 : vector<16xi32> to vector<16xi32>
      %swap3A_504 = vector.shape_cast %select_n3A_500 : vector<16xi32> to vector<16xi32>
      tpu.vector_store %arg14[%swap3A_501], %swap3A_504 {strides = array<i32>} : memref<800xi32, #tpu.memory_space<vmem>>, vector<16xi32>,
      %get3A_505 = arith.constant 256 : index
      %get3A_506 = tpu.vector_load %arg11[%get3A_505] {strides = array<i32>} : memref<800xi32, #tpu.memory_space<vmem>>, vector<16xi32>,
      %get3A_507 = vector.shape_cast %get3A_506 : vector<16xi32> to vector<16xi32>
      %ne3A_508 = arith.constant 0 : i32
      %ne3A_509 = vector.broadcast %ne3A_508 : i32 to vector<16xi32>
      %ne3A_510 = arith.cmpi ne, %get3A_507, %ne3A_509 : vector<16xi32>
      %get3A_511 = arith.constant 256 : index
      %get3A_512 = tpu.vector_load %arg12[%get3A_511] {strides = array<i32>} : memref<800xi32, #tpu.memory_space<vmem>>, vector<16xi32>,
      %get3A_513 = vector.shape_cast %get3A_512 : vector<16xi32> to vector<16xi32>
      %select_n3A_514 = arith.select %ne3A_510, %get3A_513, %broadcast_in_dim3A_28 : vector<16xi1>, vector<16xi32>
      %swap3A_515 = arith.constant 256 : index
      %swap3A_516 = tpu.vector_load %arg12[%swap3A_515] {strides = array<i32>} : memref<800xi32, #tpu.memory_space<vmem>>, vector<16xi32>,
      %swap3A_517 = vector.shape_cast %swap3A_516 : vector<16xi32> to vector<16xi32>
      %swap3A_518 = vector.shape_cast %select_n3A_514 : vector<16xi32> to vector<16xi32>
      tpu.vector_store %arg12[%swap3A_515], %swap3A_518 {strides = array<i32>} : memref<800xi32, #tpu.memory_space<vmem>>, vector<16xi32>,
      %get3A_519 = arith.constant 256 : index
      %get3A_520 = tpu.vector_load %arg13[%get3A_519] {strides = array<i32>} : memref<800xi32, #tpu.memory_space<vmem>>, vector<16xi32>,
      %get3A_521 = vector.shape_cast %get3A_520 : vector<16xi32> to vector<16xi32>
      %select_n3A_522 = arith.select %ne3A_510, %get3A_521, %broadcast_in_dim3A_28 : vector<16xi1>, vector<16xi32>
      %swap3A_523 = arith.constant 256 : index
      %swap3A_524 = tpu.vector_load %arg13[%swap3A_523] {strides = array<i32>} : memref<800xi32, #tpu.memory_space<vmem>>, vector<16xi32>,
      %swap3A_525 = vector.shape_cast %swap3A_524 : vector<16xi32> to vector<16xi32>
      %swap3A_526 = vector.shape_cast %select_n3A_522 : vector<16xi32> to vector<16xi32>
      tpu.vector_store %arg13[%swap3A_523], %swap3A_526 {strides = array<i32>} : memref<800xi32, #tpu.memory_space<vmem>>, vector<16xi32>,
      %get3A_527 = arith.constant 256 : index
      %get3A_528 = tpu.vector_load %arg14[%get3A_527] {strides = array<i32>} : memref<800xi32, #tpu.memory_space<vmem>>, vector<16xi32>,
      %get3A_529 = vector.shape_cast %get3A_528 : vector<16xi32> to vector<16xi32>
      %select_n3A_530 = arith.select %ne3A_510, %get3A_529, %broadcast_in_dim3A_28 : vector<16xi1>, vector<16xi32>
      %swap3A_531 = arith.constant 256 : index
      %swap3A_532 = tpu.vector_load %arg14[%swap3A_531] {strides = array<i32>} : memref<800xi32, #tpu.memory_space<vmem>>, vector<16xi32>,
      %swap3A_533 = vector.shape_cast %swap3A_532 : vector<16xi32> to vector<16xi32>
      %swap3A_534 = vector.shape_cast %select_n3A_530 : vector<16xi32> to vector<16xi32>
      tpu.vector_store %arg14[%swap3A_531], %swap3A_534 {strides = array<i32>} : memref<800xi32, #tpu.memory_space<vmem>>, vector<16xi32>,
      %get3A_535 = arith.constant 272 : index
      %get3A_536 = tpu.vector_load %arg11[%get3A_535] {strides = array<i32>} : memref<800xi32, #tpu.memory_space<vmem>>, vector<16xi32>,
      %get3A_537 = vector.shape_cast %get3A_536 : vector<16xi32> to vector<16xi32>
      %ne3A_538 = arith.constant 0 : i32
      %ne3A_539 = vector.broadcast %ne3A_538 : i32 to vector<16xi32>
      %ne3A_540 = arith.cmpi ne, %get3A_537, %ne3A_539 : vector<16xi32>
      %get3A_541 = arith.constant 272 : index
      %get3A_542 = tpu.vector_load %arg12[%get3A_541] {strides = array<i32>} : memref<800xi32, #tpu.memory_space<vmem>>, vector<16xi32>,
      %get3A_543 = vector.shape_cast %get3A_542 : vector<16xi32> to vector<16xi32>
      %select_n3A_544 = arith.select %ne3A_540, %get3A_543, %broadcast_in_dim3A_28 : vector<16xi1>, vector<16xi32>
      %swap3A_545 = arith.constant 272 : index
      %swap3A_546 = tpu.vector_load %arg12[%swap3A_545] {strides = array<i32>} : memref<800xi32, #tpu.memory_space<vmem>>, vector<16xi32>,
      %swap3A_547 = vector.shape_cast %swap3A_546 : vector<16xi32> to vector<16xi32>
      %swap3A_548 = vector.shape_cast %select_n3A_544 : vector<16xi32> to vector<16xi32>
      tpu.vector_store %arg12[%swap3A_545], %swap3A_548 {strides = array<i32>} : memref<800xi32, #tpu.memory_space<vmem>>, vector<16xi32>,
      %get3A_549 = arith.constant 272 : index
      %get3A_550 = tpu.vector_load %arg13[%get3A_549] {strides = array<i32>} : memref<800xi32, #tpu.memory_space<vmem>>, vector<16xi32>,
      %get3A_551 = vector.shape_cast %get3A_550 : vector<16xi32> to vector<16xi32>
      %select_n3A_552 = arith.select %ne3A_540, %get3A_551, %broadcast_in_dim3A_28 : vector<16xi1>, vector<16xi32>
      %swap3A_553 = arith.constant 272 : index
      %swap3A_554 = tpu.vector_load %arg13[%swap3A_553] {strides = array<i32>} : memref<800xi32, #tpu.memory_space<vmem>>, vector<16xi32>,
      %swap3A_555 = vector.shape_cast %swap3A_554 : vector<16xi32> to vector<16xi32>
      %swap3A_556 = vector.shape_cast %select_n3A_552 : vector<16xi32> to vector<16xi32>
      tpu.vector_store %arg13[%swap3A_553], %swap3A_556 {strides = array<i32>} : memref<800xi32, #tpu.memory_space<vmem>>, vector<16xi32>,
      %get3A_557 = arith.constant 272 : index
      %get3A_558 = tpu.vector_load %arg14[%get3A_557] {strides = array<i32>} : memref<800xi32, #tpu.memory_space<vmem>>, vector<16xi32>,
      %get3A_559 = vector.shape_cast %get3A_558 : vector<16xi32> to vector<16xi32>
      %select_n3A_560 = arith.select %ne3A_540, %get3A_559, %broadcast_in_dim3A_28 : vector<16xi1>, vector<16xi32>
      %swap3A_561 = arith.constant 272 : index
      %swap3A_562 = tpu.vector_load %arg14[%swap3A_561] {strides = array<i32>} : memref<800xi32, #tpu.memory_space<vmem>>, vector<16xi32>,
      %swap3A_563 = vector.shape_cast %swap3A_562 : vector<16xi32> to vector<16xi32>
      %swap3A_564 = vector.shape_cast %select_n3A_560 : vector<16xi32> to vector<16xi32>
      tpu.vector_store %arg14[%swap3A_561], %swap3A_564 {strides = array<i32>} : memref<800xi32, #tpu.memory_space<vmem>>, vector<16xi32>,
      %get3A_565 = arith.constant 288 : index
      %get3A_566 = tpu.vector_load %arg11[%get3A_565] {strides = array<i32>} : memref<800xi32, #tpu.memory_space<vmem>>, vector<16xi32>,
      %get3A_567 = vector.shape_cast %get3A_566 : vector<16xi32> to vector<16xi32>
      %ne3A_568 = arith.constant 0 : i32
      %ne3A_569 = vector.broadcast %ne3A_568 : i32 to vector<16xi32>
      %ne3A_570 = arith.cmpi ne, %get3A_567, %ne3A_569 : vector<16xi32>
      %get3A_571 = arith.constant 288 : index
      %get3A_572 = tpu.vector_load %arg12[%get3A_571] {strides = array<i32>} : memref<800xi32, #tpu.memory_space<vmem>>, vector<16xi32>,
      %get3A_573 = vector.shape_cast %get3A_572 : vector<16xi32> to vector<16xi32>
      %select_n3A_574 = arith.select %ne3A_570, %get3A_573, %broadcast_in_dim3A_28 : vector<16xi1>, vector<16xi32>
      %swap3A_575 = arith.constant 288 : index
      %swap3A_576 = tpu.vector_load %arg12[%swap3A_575] {strides = array<i32>} : memref<800xi32, #tpu.memory_space<vmem>>, vector<16xi32>,
      %swap3A_577 = vector.shape_cast %swap3A_576 : vector<16xi32> to vector<16xi32>
      %swap3A_578 = vector.shape_cast %select_n3A_574 : vector<16xi32> to vector<16xi32>
      tpu.vector_store %arg12[%swap3A_575], %swap3A_578 {strides = array<i32>} : memref<800xi32, #tpu.memory_space<vmem>>, vector<16xi32>,
      %get3A_579 = arith.constant 288 : index
      %get3A_580 = tpu.vector_load %arg13[%get3A_579] {strides = array<i32>} : memref<800xi32, #tpu.memory_space<vmem>>, vector<16xi32>,
      %get3A_581 = vector.shape_cast %get3A_580 : vector<16xi32> to vector<16xi32>
      %select_n3A_582 = arith.select %ne3A_570, %get3A_581, %broadcast_in_dim3A_28 : vector<16xi1>, vector<16xi32>
      %swap3A_583 = arith.constant 288 : index
      %swap3A_584 = tpu.vector_load %arg13[%swap3A_583] {strides = array<i32>} : memref<800xi32, #tpu.memory_space<vmem>>, vector<16xi32>,
      %swap3A_585 = vector.shape_cast %swap3A_584 : vector<16xi32> to vector<16xi32>
      %swap3A_586 = vector.shape_cast %select_n3A_582 : vector<16xi32> to vector<16xi32>
      tpu.vector_store %arg13[%swap3A_583], %swap3A_586 {strides = array<i32>} : memref<800xi32, #tpu.memory_space<vmem>>, vector<16xi32>,
      %get3A_587 = arith.constant 288 : index
      %get3A_588 = tpu.vector_load %arg14[%get3A_587] {strides = array<i32>} : memref<800xi32, #tpu.memory_space<vmem>>, vector<16xi32>,
      %get3A_589 = vector.shape_cast %get3A_588 : vector<16xi32> to vector<16xi32>
      %select_n3A_590 = arith.select %ne3A_570, %get3A_589, %broadcast_in_dim3A_28 : vector<16xi1>, vector<16xi32>
      %swap3A_591 = arith.constant 288 : index
      %swap3A_592 = tpu.vector_load %arg14[%swap3A_591] {strides = array<i32>} : memref<800xi32, #tpu.memory_space<vmem>>, vector<16xi32>,
      %swap3A_593 = vector.shape_cast %swap3A_592 : vector<16xi32> to vector<16xi32>
      %swap3A_594 = vector.shape_cast %select_n3A_590 : vector<16xi32> to vector<16xi32>
      tpu.vector_store %arg14[%swap3A_591], %swap3A_594 {strides = array<i32>} : memref<800xi32, #tpu.memory_space<vmem>>, vector<16xi32>,
      %get3A_595 = arith.constant 304 : index
      %get3A_596 = tpu.vector_load %arg11[%get3A_595] {strides = array<i32>} : memref<800xi32, #tpu.memory_space<vmem>>, vector<16xi32>,
      %get3A_597 = vector.shape_cast %get3A_596 : vector<16xi32> to vector<16xi32>
      %ne3A_598 = arith.constant 0 : i32
      %ne3A_599 = vector.broadcast %ne3A_598 : i32 to vector<16xi32>
      %ne3A_600 = arith.cmpi ne, %get3A_597, %ne3A_599 : vector<16xi32>
      %get3A_601 = arith.constant 304 : index
      %get3A_602 = tpu.vector_load %arg12[%get3A_601] {strides = array<i32>} : memref<800xi32, #tpu.memory_space<vmem>>, vector<16xi32>,
      %get3A_603 = vector.shape_cast %get3A_602 : vector<16xi32> to vector<16xi32>
      %select_n3A_604 = arith.select %ne3A_600, %get3A_603, %broadcast_in_dim3A_28 : vector<16xi1>, vector<16xi32>
      %swap3A_605 = arith.constant 304 : index
      %swap3A_606 = tpu.vector_load %arg12[%swap3A_605] {strides = array<i32>} : memref<800xi32, #tpu.memory_space<vmem>>, vector<16xi32>,
      %swap3A_607 = vector.shape_cast %swap3A_606 : vector<16xi32> to vector<16xi32>
      %swap3A_608 = vector.shape_cast %select_n3A_604 : vector<16xi32> to vector<16xi32>
      tpu.vector_store %arg12[%swap3A_605], %swap3A_608 {strides = array<i32>} : memref<800xi32, #tpu.memory_space<vmem>>, vector<16xi32>,
      %get3A_609 = arith.constant 304 : index
      %get3A_610 = tpu.vector_load %arg13[%get3A_609] {strides = array<i32>} : memref<800xi32, #tpu.memory_space<vmem>>, vector<16xi32>,
      %get3A_611 = vector.shape_cast %get3A_610 : vector<16xi32> to vector<16xi32>
      %select_n3A_612 = arith.select %ne3A_600, %get3A_611, %broadcast_in_dim3A_28 : vector<16xi1>, vector<16xi32>
      %swap3A_613 = arith.constant 304 : index
      %swap3A_614 = tpu.vector_load %arg13[%swap3A_613] {strides = array<i32>} : memref<800xi32, #tpu.memory_space<vmem>>, vector<16xi32>,
      %swap3A_615 = vector.shape_cast %swap3A_614 : vector<16xi32> to vector<16xi32>
      %swap3A_616 = vector.shape_cast %select_n3A_612 : vector<16xi32> to vector<16xi32>
      tpu.vector_store %arg13[%swap3A_613], %swap3A_616 {strides = array<i32>} : memref<800xi32, #tpu.memory_space<vmem>>, vector<16xi32>,
      %get3A_617 = arith.constant 304 : index
      %get3A_618 = tpu.vector_load %arg14[%get3A_617] {strides = array<i32>} : memref<800xi32, #tpu.memory_space<vmem>>, vector<16xi32>,
      %get3A_619 = vector.shape_cast %get3A_618 : vector<16xi32> to vector<16xi32>
      %select_n3A_620 = arith.select %ne3A_600, %get3A_619, %broadcast_in_dim3A_28 : vector<16xi1>, vector<16xi32>
      %swap3A_621 = arith.constant 304 : index
      %swap3A_622 = tpu.vector_load %arg14[%swap3A_621] {strides = array<i32>} : memref<800xi32, #tpu.memory_space<vmem>>, vector<16xi32>,
      %swap3A_623 = vector.shape_cast %swap3A_622 : vector<16xi32> to vector<16xi32>
      %swap3A_624 = vector.shape_cast %select_n3A_620 : vector<16xi32> to vector<16xi32>
      tpu.vector_store %arg14[%swap3A_621], %swap3A_624 {strides = array<i32>} : memref<800xi32, #tpu.memory_space<vmem>>, vector<16xi32>,
      %get3A_625 = arith.constant 320 : index
      %get3A_626 = tpu.vector_load %arg11[%get3A_625] {strides = array<i32>} : memref<800xi32, #tpu.memory_space<vmem>>, vector<16xi32>,
      %get3A_627 = vector.shape_cast %get3A_626 : vector<16xi32> to vector<16xi32>
      %ne3A_628 = arith.constant 0 : i32
      %ne3A_629 = vector.broadcast %ne3A_628 : i32 to vector<16xi32>
      %ne3A_630 = arith.cmpi ne, %get3A_627, %ne3A_629 : vector<16xi32>
      %get3A_631 = arith.constant 320 : index
      %get3A_632 = tpu.vector_load %arg12[%get3A_631] {strides = array<i32>} : memref<800xi32, #tpu.memory_space<vmem>>, vector<16xi32>,
      %get3A_633 = vector.shape_cast %get3A_632 : vector<16xi32> to vector<16xi32>
      %select_n3A_634 = arith.select %ne3A_630, %get3A_633, %broadcast_in_dim3A_28 : vector<16xi1>, vector<16xi32>
      %swap3A_635 = arith.constant 320 : index
      %swap3A_636 = tpu.vector_load %arg12[%swap3A_635] {strides = array<i32>} : memref<800xi32, #tpu.memory_space<vmem>>, vector<16xi32>,
      %swap3A_637 = vector.shape_cast %swap3A_636 : vector<16xi32> to vector<16xi32>
      %swap3A_638 = vector.shape_cast %select_n3A_634 : vector<16xi32> to vector<16xi32>
      tpu.vector_store %arg12[%swap3A_635], %swap3A_638 {strides = array<i32>} : memref<800xi32, #tpu.memory_space<vmem>>, vector<16xi32>,
      %get3A_639 = arith.constant 320 : index
      %get3A_640 = tpu.vector_load %arg13[%get3A_639] {strides = array<i32>} : memref<800xi32, #tpu.memory_space<vmem>>, vector<16xi32>,
      %get3A_641 = vector.shape_cast %get3A_640 : vector<16xi32> to vector<16xi32>
      %select_n3A_642 = arith.select %ne3A_630, %get3A_641, %broadcast_in_dim3A_28 : vector<16xi1>, vector<16xi32>
      %swap3A_643 = arith.constant 320 : index
      %swap3A_644 = tpu.vector_load %arg13[%swap3A_643] {strides = array<i32>} : memref<800xi32, #tpu.memory_space<vmem>>, vector<16xi32>,
      %swap3A_645 = vector.shape_cast %swap3A_644 : vector<16xi32> to vector<16xi32>
      %swap3A_646 = vector.shape_cast %select_n3A_642 : vector<16xi32> to vector<16xi32>
      tpu.vector_store %arg13[%swap3A_643], %swap3A_646 {strides = array<i32>} : memref<800xi32, #tpu.memory_space<vmem>>, vector<16xi32>,
      %get3A_647 = arith.constant 320 : index
      %get3A_648 = tpu.vector_load %arg14[%get3A_647] {strides = array<i32>} : memref<800xi32, #tpu.memory_space<vmem>>, vector<16xi32>,
      %get3A_649 = vector.shape_cast %get3A_648 : vector<16xi32> to vector<16xi32>
      %select_n3A_650 = arith.select %ne3A_630, %get3A_649, %broadcast_in_dim3A_28 : vector<16xi1>, vector<16xi32>
      %swap3A_651 = arith.constant 320 : index
      %swap3A_652 = tpu.vector_load %arg14[%swap3A_651] {strides = array<i32>} : memref<800xi32, #tpu.memory_space<vmem>>, vector<16xi32>,
      %swap3A_653 = vector.shape_cast %swap3A_652 : vector<16xi32> to vector<16xi32>
      %swap3A_654 = vector.shape_cast %select_n3A_650 : vector<16xi32> to vector<16xi32>
      tpu.vector_store %arg14[%swap3A_651], %swap3A_654 {strides = array<i32>} : memref<800xi32, #tpu.memory_space<vmem>>, vector<16xi32>,
      %get3A_655 = arith.constant 336 : index
      %get3A_656 = tpu.vector_load %arg11[%get3A_655] {strides = array<i32>} : memref<800xi32, #tpu.memory_space<vmem>>, vector<16xi32>,
      %get3A_657 = vector.shape_cast %get3A_656 : vector<16xi32> to vector<16xi32>
      %ne3A_658 = arith.constant 0 : i32
      %ne3A_659 = vector.broadcast %ne3A_658 : i32 to vector<16xi32>
      %ne3A_660 = arith.cmpi ne, %get3A_657, %ne3A_659 : vector<16xi32>
      %get3A_661 = arith.constant 336 : index
      %get3A_662 = tpu.vector_load %arg12[%get3A_661] {strides = array<i32>} : memref<800xi32, #tpu.memory_space<vmem>>, vector<16xi32>,
      %get3A_663 = vector.shape_cast %get3A_662 : vector<16xi32> to vector<16xi32>
      %select_n3A_664 = arith.select %ne3A_660, %get3A_663, %broadcast_in_dim3A_28 : vector<16xi1>, vector<16xi32>
      %swap3A_665 = arith.constant 336 : index
      %swap3A_666 = tpu.vector_load %arg12[%swap3A_665] {strides = array<i32>} : memref<800xi32, #tpu.memory_space<vmem>>, vector<16xi32>,
      %swap3A_667 = vector.shape_cast %swap3A_666 : vector<16xi32> to vector<16xi32>
      %swap3A_668 = vector.shape_cast %select_n3A_664 : vector<16xi32> to vector<16xi32>
      tpu.vector_store %arg12[%swap3A_665], %swap3A_668 {strides = array<i32>} : memref<800xi32, #tpu.memory_space<vmem>>, vector<16xi32>,
      %get3A_669 = arith.constant 336 : index
      %get3A_670 = tpu.vector_load %arg13[%get3A_669] {strides = array<i32>} : memref<800xi32, #tpu.memory_space<vmem>>, vector<16xi32>,
      %get3A_671 = vector.shape_cast %get3A_670 : vector<16xi32> to vector<16xi32>
      %select_n3A_672 = arith.select %ne3A_660, %get3A_671, %broadcast_in_dim3A_28 : vector<16xi1>, vector<16xi32>
      %swap3A_673 = arith.constant 336 : index
      %swap3A_674 = tpu.vector_load %arg13[%swap3A_673] {strides = array<i32>} : memref<800xi32, #tpu.memory_space<vmem>>, vector<16xi32>,
      %swap3A_675 = vector.shape_cast %swap3A_674 : vector<16xi32> to vector<16xi32>
      %swap3A_676 = vector.shape_cast %select_n3A_672 : vector<16xi32> to vector<16xi32>
      tpu.vector_store %arg13[%swap3A_673], %swap3A_676 {strides = array<i32>} : memref<800xi32, #tpu.memory_space<vmem>>, vector<16xi32>,
      %get3A_677 = arith.constant 336 : index
      %get3A_678 = tpu.vector_load %arg14[%get3A_677] {strides = array<i32>} : memref<800xi32, #tpu.memory_space<vmem>>, vector<16xi32>,
      %get3A_679 = vector.shape_cast %get3A_678 : vector<16xi32> to vector<16xi32>
      %select_n3A_680 = arith.select %ne3A_660, %get3A_679, %broadcast_in_dim3A_28 : vector<16xi1>, vector<16xi32>
      %swap3A_681 = arith.constant 336 : index
      %swap3A_682 = tpu.vector_load %arg14[%swap3A_681] {strides = array<i32>} : memref<800xi32, #tpu.memory_space<vmem>>, vector<16xi32>,
      %swap3A_683 = vector.shape_cast %swap3A_682 : vector<16xi32> to vector<16xi32>
      %swap3A_684 = vector.shape_cast %select_n3A_680 : vector<16xi32> to vector<16xi32>
      tpu.vector_store %arg14[%swap3A_681], %swap3A_684 {strides = array<i32>} : memref<800xi32, #tpu.memory_space<vmem>>, vector<16xi32>,
      %get3A_685 = arith.constant 352 : index
      %get3A_686 = tpu.vector_load %arg11[%get3A_685] {strides = array<i32>} : memref<800xi32, #tpu.memory_space<vmem>>, vector<16xi32>,
      %get3A_687 = vector.shape_cast %get3A_686 : vector<16xi32> to vector<16xi32>
      %ne3A_688 = arith.constant 0 : i32
      %ne3A_689 = vector.broadcast %ne3A_688 : i32 to vector<16xi32>
      %ne3A_690 = arith.cmpi ne, %get3A_687, %ne3A_689 : vector<16xi32>
      %get3A_691 = arith.constant 352 : index
      %get3A_692 = tpu.vector_load %arg12[%get3A_691] {strides = array<i32>} : memref<800xi32, #tpu.memory_space<vmem>>, vector<16xi32>,
      %get3A_693 = vector.shape_cast %get3A_692 : vector<16xi32> to vector<16xi32>
      %select_n3A_694 = arith.select %ne3A_690, %get3A_693, %broadcast_in_dim3A_28 : vector<16xi1>, vector<16xi32>
      %swap3A_695 = arith.constant 352 : index
      %swap3A_696 = tpu.vector_load %arg12[%swap3A_695] {strides = array<i32>} : memref<800xi32, #tpu.memory_space<vmem>>, vector<16xi32>,
      %swap3A_697 = vector.shape_cast %swap3A_696 : vector<16xi32> to vector<16xi32>
      %swap3A_698 = vector.shape_cast %select_n3A_694 : vector<16xi32> to vector<16xi32>
      tpu.vector_store %arg12[%swap3A_695], %swap3A_698 {strides = array<i32>} : memref<800xi32, #tpu.memory_space<vmem>>, vector<16xi32>,
      %get3A_699 = arith.constant 352 : index
      %get3A_700 = tpu.vector_load %arg13[%get3A_699] {strides = array<i32>} : memref<800xi32, #tpu.memory_space<vmem>>, vector<16xi32>,
      %get3A_701 = vector.shape_cast %get3A_700 : vector<16xi32> to vector<16xi32>
      %select_n3A_702 = arith.select %ne3A_690, %get3A_701, %broadcast_in_dim3A_28 : vector<16xi1>, vector<16xi32>
      %swap3A_703 = arith.constant 352 : index
      %swap3A_704 = tpu.vector_load %arg13[%swap3A_703] {strides = array<i32>} : memref<800xi32, #tpu.memory_space<vmem>>, vector<16xi32>,
      %swap3A_705 = vector.shape_cast %swap3A_704 : vector<16xi32> to vector<16xi32>
      %swap3A_706 = vector.shape_cast %select_n3A_702 : vector<16xi32> to vector<16xi32>
      tpu.vector_store %arg13[%swap3A_703], %swap3A_706 {strides = array<i32>} : memref<800xi32, #tpu.memory_space<vmem>>, vector<16xi32>,
      %get3A_707 = arith.constant 352 : index
      %get3A_708 = tpu.vector_load %arg14[%get3A_707] {strides = array<i32>} : memref<800xi32, #tpu.memory_space<vmem>>, vector<16xi32>,
      %get3A_709 = vector.shape_cast %get3A_708 : vector<16xi32> to vector<16xi32>
      %select_n3A_710 = arith.select %ne3A_690, %get3A_709, %broadcast_in_dim3A_28 : vector<16xi1>, vector<16xi32>
      %swap3A_711 = arith.constant 352 : index
      %swap3A_712 = tpu.vector_load %arg14[%swap3A_711] {strides = array<i32>} : memref<800xi32, #tpu.memory_space<vmem>>, vector<16xi32>,
      %swap3A_713 = vector.shape_cast %swap3A_712 : vector<16xi32> to vector<16xi32>
      %swap3A_714 = vector.shape_cast %select_n3A_710 : vector<16xi32> to vector<16xi32>
      tpu.vector_store %arg14[%swap3A_711], %swap3A_714 {strides = array<i32>} : memref<800xi32, #tpu.memory_space<vmem>>, vector<16xi32>,
      %get3A_715 = arith.constant 368 : index
      %get3A_716 = tpu.vector_load %arg11[%get3A_715] {strides = array<i32>} : memref<800xi32, #tpu.memory_space<vmem>>, vector<16xi32>,
      %get3A_717 = vector.shape_cast %get3A_716 : vector<16xi32> to vector<16xi32>
      %ne3A_718 = arith.constant 0 : i32
      %ne3A_719 = vector.broadcast %ne3A_718 : i32 to vector<16xi32>
      %ne3A_720 = arith.cmpi ne, %get3A_717, %ne3A_719 : vector<16xi32>
      %get3A_721 = arith.constant 368 : index
      %get3A_722 = tpu.vector_load %arg12[%get3A_721] {strides = array<i32>} : memref<800xi32, #tpu.memory_space<vmem>>, vector<16xi32>,
      %get3A_723 = vector.shape_cast %get3A_722 : vector<16xi32> to vector<16xi32>
      %select_n3A_724 = arith.select %ne3A_720, %get3A_723, %broadcast_in_dim3A_28 : vector<16xi1>, vector<16xi32>
      %swap3A_725 = arith.constant 368 : index
      %swap3A_726 = tpu.vector_load %arg12[%swap3A_725] {strides = array<i32>} : memref<800xi32, #tpu.memory_space<vmem>>, vector<16xi32>,
      %swap3A_727 = vector.shape_cast %swap3A_726 : vector<16xi32> to vector<16xi32>
      %swap3A_728 = vector.shape_cast %select_n3A_724 : vector<16xi32> to vector<16xi32>
      tpu.vector_store %arg12[%swap3A_725], %swap3A_728 {strides = array<i32>} : memref<800xi32, #tpu.memory_space<vmem>>, vector<16xi32>,
      %get3A_729 = arith.constant 368 : index
      %get3A_730 = tpu.vector_load %arg13[%get3A_729] {strides = array<i32>} : memref<800xi32, #tpu.memory_space<vmem>>, vector<16xi32>,
      %get3A_731 = vector.shape_cast %get3A_730 : vector<16xi32> to vector<16xi32>
      %select_n3A_732 = arith.select %ne3A_720, %get3A_731, %broadcast_in_dim3A_28 : vector<16xi1>, vector<16xi32>
      %swap3A_733 = arith.constant 368 : index
      %swap3A_734 = tpu.vector_load %arg13[%swap3A_733] {strides = array<i32>} : memref<800xi32, #tpu.memory_space<vmem>>, vector<16xi32>,
      %swap3A_735 = vector.shape_cast %swap3A_734 : vector<16xi32> to vector<16xi32>
      %swap3A_736 = vector.shape_cast %select_n3A_732 : vector<16xi32> to vector<16xi32>
      tpu.vector_store %arg13[%swap3A_733], %swap3A_736 {strides = array<i32>} : memref<800xi32, #tpu.memory_space<vmem>>, vector<16xi32>,
      %get3A_737 = arith.constant 368 : index
      %get3A_738 = tpu.vector_load %arg14[%get3A_737] {strides = array<i32>} : memref<800xi32, #tpu.memory_space<vmem>>, vector<16xi32>,
      %get3A_739 = vector.shape_cast %get3A_738 : vector<16xi32> to vector<16xi32>
      %select_n3A_740 = arith.select %ne3A_720, %get3A_739, %broadcast_in_dim3A_28 : vector<16xi1>, vector<16xi32>
      %swap3A_741 = arith.constant 368 : index
      %swap3A_742 = tpu.vector_load %arg14[%swap3A_741] {strides = array<i32>} : memref<800xi32, #tpu.memory_space<vmem>>, vector<16xi32>,
      %swap3A_743 = vector.shape_cast %swap3A_742 : vector<16xi32> to vector<16xi32>
      %swap3A_744 = vector.shape_cast %select_n3A_740 : vector<16xi32> to vector<16xi32>
      tpu.vector_store %arg14[%swap3A_741], %swap3A_744 {strides = array<i32>} : memref<800xi32, #tpu.memory_space<vmem>>, vector<16xi32>,
      %get3A_745 = arith.constant 384 : index
      %get3A_746 = tpu.vector_load %arg11[%get3A_745] {strides = array<i32>} : memref<800xi32, #tpu.memory_space<vmem>>, vector<16xi32>,
      %get3A_747 = vector.shape_cast %get3A_746 : vector<16xi32> to vector<16xi32>
      %ne3A_748 = arith.constant 0 : i32
      %ne3A_749 = vector.broadcast %ne3A_748 : i32 to vector<16xi32>
      %ne3A_750 = arith.cmpi ne, %get3A_747, %ne3A_749 : vector<16xi32>
      %get3A_751 = arith.constant 384 : index
      %get3A_752 = tpu.vector_load %arg12[%get3A_751] {strides = array<i32>} : memref<800xi32, #tpu.memory_space<vmem>>, vector<16xi32>,
      %get3A_753 = vector.shape_cast %get3A_752 : vector<16xi32> to vector<16xi32>
      %select_n3A_754 = arith.select %ne3A_750, %get3A_753, %broadcast_in_dim3A_28 : vector<16xi1>, vector<16xi32>
      %swap3A_755 = arith.constant 384 : index
      %swap3A_756 = tpu.vector_load %arg12[%swap3A_755] {strides = array<i32>} : memref<800xi32, #tpu.memory_space<vmem>>, vector<16xi32>,
      %swap3A_757 = vector.shape_cast %swap3A_756 : vector<16xi32> to vector<16xi32>
      %swap3A_758 = vector.shape_cast %select_n3A_754 : vector<16xi32> to vector<16xi32>
      tpu.vector_store %arg12[%swap3A_755], %swap3A_758 {strides = array<i32>} : memref<800xi32, #tpu.memory_space<vmem>>, vector<16xi32>,
      %get3A_759 = arith.constant 384 : index
      %get3A_760 = tpu.vector_load %arg13[%get3A_759] {strides = array<i32>} : memref<800xi32, #tpu.memory_space<vmem>>, vector<16xi32>,
      %get3A_761 = vector.shape_cast %get3A_760 : vector<16xi32> to vector<16xi32>
      %select_n3A_762 = arith.select %ne3A_750, %get3A_761, %broadcast_in_dim3A_28 : vector<16xi1>, vector<16xi32>
      %swap3A_763 = arith.constant 384 : index
      %swap3A_764 = tpu.vector_load %arg13[%swap3A_763] {strides = array<i32>} : memref<800xi32, #tpu.memory_space<vmem>>, vector<16xi32>,
      %swap3A_765 = vector.shape_cast %swap3A_764 : vector<16xi32> to vector<16xi32>
      %swap3A_766 = vector.shape_cast %select_n3A_762 : vector<16xi32> to vector<16xi32>
      tpu.vector_store %arg13[%swap3A_763], %swap3A_766 {strides = array<i32>} : memref<800xi32, #tpu.memory_space<vmem>>, vector<16xi32>,
      %get3A_767 = arith.constant 384 : index
      %get3A_768 = tpu.vector_load %arg14[%get3A_767] {strides = array<i32>} : memref<800xi32, #tpu.memory_space<vmem>>, vector<16xi32>,
      %get3A_769 = vector.shape_cast %get3A_768 : vector<16xi32> to vector<16xi32>
      %select_n3A_770 = arith.select %ne3A_750, %get3A_769, %broadcast_in_dim3A_28 : vector<16xi1>, vector<16xi32>
      %swap3A_771 = arith.constant 384 : index
      %swap3A_772 = tpu.vector_load %arg14[%swap3A_771] {strides = array<i32>} : memref<800xi32, #tpu.memory_space<vmem>>, vector<16xi32>,
      %swap3A_773 = vector.shape_cast %swap3A_772 : vector<16xi32> to vector<16xi32>
      %swap3A_774 = vector.shape_cast %select_n3A_770 : vector<16xi32> to vector<16xi32>
      tpu.vector_store %arg14[%swap3A_771], %swap3A_774 {strides = array<i32>} : memref<800xi32, #tpu.memory_space<vmem>>, vector<16xi32>,
      %get3A_775 = arith.constant 400 : index
      %get3A_776 = tpu.vector_load %arg11[%get3A_775] {strides = array<i32>} : memref<800xi32, #tpu.memory_space<vmem>>, vector<16xi32>,
      %get3A_777 = vector.shape_cast %get3A_776 : vector<16xi32> to vector<16xi32>
      %ne3A_778 = arith.constant 0 : i32
      %ne3A_779 = vector.broadcast %ne3A_778 : i32 to vector<16xi32>
      %ne3A_780 = arith.cmpi ne, %get3A_777, %ne3A_779 : vector<16xi32>
      %get3A_781 = arith.constant 400 : index
      %get3A_782 = tpu.vector_load %arg12[%get3A_781] {strides = array<i32>} : memref<800xi32, #tpu.memory_space<vmem>>, vector<16xi32>,
      %get3A_783 = vector.shape_cast %get3A_782 : vector<16xi32> to vector<16xi32>
      %select_n3A_784 = arith.select %ne3A_780, %get3A_783, %broadcast_in_dim3A_28 : vector<16xi1>, vector<16xi32>
      %swap3A_785 = arith.constant 400 : index
      %swap3A_786 = tpu.vector_load %arg12[%swap3A_785] {strides = array<i32>} : memref<800xi32, #tpu.memory_space<vmem>>, vector<16xi32>,
      %swap3A_787 = vector.shape_cast %swap3A_786 : vector<16xi32> to vector<16xi32>
      %swap3A_788 = vector.shape_cast %select_n3A_784 : vector<16xi32> to vector<16xi32>
      tpu.vector_store %arg12[%swap3A_785], %swap3A_788 {strides = array<i32>} : memref<800xi32, #tpu.memory_space<vmem>>, vector<16xi32>,
      %get3A_789 = arith.constant 400 : index
      %get3A_790 = tpu.vector_load %arg13[%get3A_789] {strides = array<i32>} : memref<800xi32, #tpu.memory_space<vmem>>, vector<16xi32>,
      %get3A_791 = vector.shape_cast %get3A_790 : vector<16xi32> to vector<16xi32>
      %select_n3A_792 = arith.select %ne3A_780, %get3A_791, %broadcast_in_dim3A_28 : vector<16xi1>, vector<16xi32>
      %swap3A_793 = arith.constant 400 : index
      %swap3A_794 = tpu.vector_load %arg13[%swap3A_793] {strides = array<i32>} : memref<800xi32, #tpu.memory_space<vmem>>, vector<16xi32>,
      %swap3A_795 = vector.shape_cast %swap3A_794 : vector<16xi32> to vector<16xi32>
      %swap3A_796 = vector.shape_cast %select_n3A_792 : vector<16xi32> to vector<16xi32>
      tpu.vector_store %arg13[%swap3A_793], %swap3A_796 {strides = array<i32>} : memref<800xi32, #tpu.memory_space<vmem>>, vector<16xi32>,
      %get3A_797 = arith.constant 400 : index
      %get3A_798 = tpu.vector_load %arg14[%get3A_797] {strides = array<i32>} : memref<800xi32, #tpu.memory_space<vmem>>, vector<16xi32>,
      %get3A_799 = vector.shape_cast %get3A_798 : vector<16xi32> to vector<16xi32>
      %select_n3A_800 = arith.select %ne3A_780, %get3A_799, %broadcast_in_dim3A_28 : vector<16xi1>, vector<16xi32>
      %swap3A_801 = arith.constant 400 : index
      %swap3A_802 = tpu.vector_load %arg14[%swap3A_801] {strides = array<i32>} : memref<800xi32, #tpu.memory_space<vmem>>, vector<16xi32>,
      %swap3A_803 = vector.shape_cast %swap3A_802 : vector<16xi32> to vector<16xi32>
      %swap3A_804 = vector.shape_cast %select_n3A_800 : vector<16xi32> to vector<16xi32>
      tpu.vector_store %arg14[%swap3A_801], %swap3A_804 {strides = array<i32>} : memref<800xi32, #tpu.memory_space<vmem>>, vector<16xi32>,
      %get3A_805 = arith.constant 416 : index
      %get3A_806 = tpu.vector_load %arg11[%get3A_805] {strides = array<i32>} : memref<800xi32, #tpu.memory_space<vmem>>, vector<16xi32>,
      %get3A_807 = vector.shape_cast %get3A_806 : vector<16xi32> to vector<16xi32>
      %ne3A_808 = arith.constant 0 : i32
      %ne3A_809 = vector.broadcast %ne3A_808 : i32 to vector<16xi32>
      %ne3A_810 = arith.cmpi ne, %get3A_807, %ne3A_809 : vector<16xi32>
      %get3A_811 = arith.constant 416 : index
      %get3A_812 = tpu.vector_load %arg12[%get3A_811] {strides = array<i32>} : memref<800xi32, #tpu.memory_space<vmem>>, vector<16xi32>,
      %get3A_813 = vector.shape_cast %get3A_812 : vector<16xi32> to vector<16xi32>
      %select_n3A_814 = arith.select %ne3A_810, %get3A_813, %broadcast_in_dim3A_28 : vector<16xi1>, vector<16xi32>
      %swap3A_815 = arith.constant 416 : index
      %swap3A_816 = tpu.vector_load %arg12[%swap3A_815] {strides = array<i32>} : memref<800xi32, #tpu.memory_space<vmem>>, vector<16xi32>,
      %swap3A_817 = vector.shape_cast %swap3A_816 : vector<16xi32> to vector<16xi32>
      %swap3A_818 = vector.shape_cast %select_n3A_814 : vector<16xi32> to vector<16xi32>
      tpu.vector_store %arg12[%swap3A_815], %swap3A_818 {strides = array<i32>} : memref<800xi32, #tpu.memory_space<vmem>>, vector<16xi32>,
      %get3A_819 = arith.constant 416 : index
      %get3A_820 = tpu.vector_load %arg13[%get3A_819] {strides = array<i32>} : memref<800xi32, #tpu.memory_space<vmem>>, vector<16xi32>,
      %get3A_821 = vector.shape_cast %get3A_820 : vector<16xi32> to vector<16xi32>
      %select_n3A_822 = arith.select %ne3A_810, %get3A_821, %broadcast_in_dim3A_28 : vector<16xi1>, vector<16xi32>
      %swap3A_823 = arith.constant 416 : index
      %swap3A_824 = tpu.vector_load %arg13[%swap3A_823] {strides = array<i32>} : memref<800xi32, #tpu.memory_space<vmem>>, vector<16xi32>,
      %swap3A_825 = vector.shape_cast %swap3A_824 : vector<16xi32> to vector<16xi32>
      %swap3A_826 = vector.shape_cast %select_n3A_822 : vector<16xi32> to vector<16xi32>
      tpu.vector_store %arg13[%swap3A_823], %swap3A_826 {strides = array<i32>} : memref<800xi32, #tpu.memory_space<vmem>>, vector<16xi32>,
      %get3A_827 = arith.constant 416 : index
      %get3A_828 = tpu.vector_load %arg14[%get3A_827] {strides = array<i32>} : memref<800xi32, #tpu.memory_space<vmem>>, vector<16xi32>,
      %get3A_829 = vector.shape_cast %get3A_828 : vector<16xi32> to vector<16xi32>
      %select_n3A_830 = arith.select %ne3A_810, %get3A_829, %broadcast_in_dim3A_28 : vector<16xi1>, vector<16xi32>
      %swap3A_831 = arith.constant 416 : index
      %swap3A_832 = tpu.vector_load %arg14[%swap3A_831] {strides = array<i32>} : memref<800xi32, #tpu.memory_space<vmem>>, vector<16xi32>,
      %swap3A_833 = vector.shape_cast %swap3A_832 : vector<16xi32> to vector<16xi32>
      %swap3A_834 = vector.shape_cast %select_n3A_830 : vector<16xi32> to vector<16xi32>
      tpu.vector_store %arg14[%swap3A_831], %swap3A_834 {strides = array<i32>} : memref<800xi32, #tpu.memory_space<vmem>>, vector<16xi32>,
      %get3A_835 = arith.constant 432 : index
      %get3A_836 = tpu.vector_load %arg11[%get3A_835] {strides = array<i32>} : memref<800xi32, #tpu.memory_space<vmem>>, vector<16xi32>,
      %get3A_837 = vector.shape_cast %get3A_836 : vector<16xi32> to vector<16xi32>
      %ne3A_838 = arith.constant 0 : i32
      %ne3A_839 = vector.broadcast %ne3A_838 : i32 to vector<16xi32>
      %ne3A_840 = arith.cmpi ne, %get3A_837, %ne3A_839 : vector<16xi32>
      %get3A_841 = arith.constant 432 : index
      %get3A_842 = tpu.vector_load %arg12[%get3A_841] {strides = array<i32>} : memref<800xi32, #tpu.memory_space<vmem>>, vector<16xi32>,
      %get3A_843 = vector.shape_cast %get3A_842 : vector<16xi32> to vector<16xi32>
      %select_n3A_844 = arith.select %ne3A_840, %get3A_843, %broadcast_in_dim3A_28 : vector<16xi1>, vector<16xi32>
      %swap3A_845 = arith.constant 432 : index
      %swap3A_846 = tpu.vector_load %arg12[%swap3A_845] {strides = array<i32>} : memref<800xi32, #tpu.memory_space<vmem>>, vector<16xi32>,
      %swap3A_847 = vector.shape_cast %swap3A_846 : vector<16xi32> to vector<16xi32>
      %swap3A_848 = vector.shape_cast %select_n3A_844 : vector<16xi32> to vector<16xi32>
      tpu.vector_store %arg12[%swap3A_845], %swap3A_848 {strides = array<i32>} : memref<800xi32, #tpu.memory_space<vmem>>, vector<16xi32>,
      %get3A_849 = arith.constant 432 : index
      %get3A_850 = tpu.vector_load %arg13[%get3A_849] {strides = array<i32>} : memref<800xi32, #tpu.memory_space<vmem>>, vector<16xi32>,
      %get3A_851 = vector.shape_cast %get3A_850 : vector<16xi32> to vector<16xi32>
      %select_n3A_852 = arith.select %ne3A_840, %get3A_851, %broadcast_in_dim3A_28 : vector<16xi1>, vector<16xi32>
      %swap3A_853 = arith.constant 432 : index
      %swap3A_854 = tpu.vector_load %arg13[%swap3A_853] {strides = array<i32>} : memref<800xi32, #tpu.memory_space<vmem>>, vector<16xi32>,
      %swap3A_855 = vector.shape_cast %swap3A_854 : vector<16xi32> to vector<16xi32>
      %swap3A_856 = vector.shape_cast %select_n3A_852 : vector<16xi32> to vector<16xi32>
      tpu.vector_store %arg13[%swap3A_853], %swap3A_856 {strides = array<i32>} : memref<800xi32, #tpu.memory_space<vmem>>, vector<16xi32>,
      %get3A_857 = arith.constant 432 : index
      %get3A_858 = tpu.vector_load %arg14[%get3A_857] {strides = array<i32>} : memref<800xi32, #tpu.memory_space<vmem>>, vector<16xi32>,
      %get3A_859 = vector.shape_cast %get3A_858 : vector<16xi32> to vector<16xi32>
      %select_n3A_860 = arith.select %ne3A_840, %get3A_859, %broadcast_in_dim3A_28 : vector<16xi1>, vector<16xi32>
      %swap3A_861 = arith.constant 432 : index
      %swap3A_862 = tpu.vector_load %arg14[%swap3A_861] {strides = array<i32>} : memref<800xi32, #tpu.memory_space<vmem>>, vector<16xi32>,
      %swap3A_863 = vector.shape_cast %swap3A_862 : vector<16xi32> to vector<16xi32>
      %swap3A_864 = vector.shape_cast %select_n3A_860 : vector<16xi32> to vector<16xi32>
      tpu.vector_store %arg14[%swap3A_861], %swap3A_864 {strides = array<i32>} : memref<800xi32, #tpu.memory_space<vmem>>, vector<16xi32>,
      %get3A_865 = arith.constant 448 : index
      %get3A_866 = tpu.vector_load %arg11[%get3A_865] {strides = array<i32>} : memref<800xi32, #tpu.memory_space<vmem>>, vector<16xi32>,
      %get3A_867 = vector.shape_cast %get3A_866 : vector<16xi32> to vector<16xi32>
      %ne3A_868 = arith.constant 0 : i32
      %ne3A_869 = vector.broadcast %ne3A_868 : i32 to vector<16xi32>
      %ne3A_870 = arith.cmpi ne, %get3A_867, %ne3A_869 : vector<16xi32>
      %get3A_871 = arith.constant 448 : index
      %get3A_872 = tpu.vector_load %arg12[%get3A_871] {strides = array<i32>} : memref<800xi32, #tpu.memory_space<vmem>>, vector<16xi32>,
      %get3A_873 = vector.shape_cast %get3A_872 : vector<16xi32> to vector<16xi32>
      %select_n3A_874 = arith.select %ne3A_870, %get3A_873, %broadcast_in_dim3A_28 : vector<16xi1>, vector<16xi32>
      %swap3A_875 = arith.constant 448 : index
      %swap3A_876 = tpu.vector_load %arg12[%swap3A_875] {strides = array<i32>} : memref<800xi32, #tpu.memory_space<vmem>>, vector<16xi32>,
      %swap3A_877 = vector.shape_cast %swap3A_876 : vector<16xi32> to vector<16xi32>
      %swap3A_878 = vector.shape_cast %select_n3A_874 : vector<16xi32> to vector<16xi32>
      tpu.vector_store %arg12[%swap3A_875], %swap3A_878 {strides = array<i32>} : memref<800xi32, #tpu.memory_space<vmem>>, vector<16xi32>,
      %get3A_879 = arith.constant 448 : index
      %get3A_880 = tpu.vector_load %arg13[%get3A_879] {strides = array<i32>} : memref<800xi32, #tpu.memory_space<vmem>>, vector<16xi32>,
      %get3A_881 = vector.shape_cast %get3A_880 : vector<16xi32> to vector<16xi32>
      %select_n3A_882 = arith.select %ne3A_870, %get3A_881, %broadcast_in_dim3A_28 : vector<16xi1>, vector<16xi32>
      %swap3A_883 = arith.constant 448 : index
      %swap3A_884 = tpu.vector_load %arg13[%swap3A_883] {strides = array<i32>} : memref<800xi32, #tpu.memory_space<vmem>>, vector<16xi32>,
      %swap3A_885 = vector.shape_cast %swap3A_884 : vector<16xi32> to vector<16xi32>
      %swap3A_886 = vector.shape_cast %select_n3A_882 : vector<16xi32> to vector<16xi32>
      tpu.vector_store %arg13[%swap3A_883], %swap3A_886 {strides = array<i32>} : memref<800xi32, #tpu.memory_space<vmem>>, vector<16xi32>,
      %get3A_887 = arith.constant 448 : index
      %get3A_888 = tpu.vector_load %arg14[%get3A_887] {strides = array<i32>} : memref<800xi32, #tpu.memory_space<vmem>>, vector<16xi32>,
      %get3A_889 = vector.shape_cast %get3A_888 : vector<16xi32> to vector<16xi32>
      %select_n3A_890 = arith.select %ne3A_870, %get3A_889, %broadcast_in_dim3A_28 : vector<16xi1>, vector<16xi32>
      %swap3A_891 = arith.constant 448 : index
      %swap3A_892 = tpu.vector_load %arg14[%swap3A_891] {strides = array<i32>} : memref<800xi32, #tpu.memory_space<vmem>>, vector<16xi32>,
      %swap3A_893 = vector.shape_cast %swap3A_892 : vector<16xi32> to vector<16xi32>
      %swap3A_894 = vector.shape_cast %select_n3A_890 : vector<16xi32> to vector<16xi32>
      tpu.vector_store %arg14[%swap3A_891], %swap3A_894 {strides = array<i32>} : memref<800xi32, #tpu.memory_space<vmem>>, vector<16xi32>,
      %get3A_895 = arith.constant 464 : index
      %get3A_896 = tpu.vector_load %arg11[%get3A_895] {strides = array<i32>} : memref<800xi32, #tpu.memory_space<vmem>>, vector<16xi32>,
      %get3A_897 = vector.shape_cast %get3A_896 : vector<16xi32> to vector<16xi32>
      %ne3A_898 = arith.constant 0 : i32
      %ne3A_899 = vector.broadcast %ne3A_898 : i32 to vector<16xi32>
      %ne3A_900 = arith.cmpi ne, %get3A_897, %ne3A_899 : vector<16xi32>
      %get3A_901 = arith.constant 464 : index
      %get3A_902 = tpu.vector_load %arg12[%get3A_901] {strides = array<i32>} : memref<800xi32, #tpu.memory_space<vmem>>, vector<16xi32>,
      %get3A_903 = vector.shape_cast %get3A_902 : vector<16xi32> to vector<16xi32>
      %select_n3A_904 = arith.select %ne3A_900, %get3A_903, %broadcast_in_dim3A_28 : vector<16xi1>, vector<16xi32>
      %swap3A_905 = arith.constant 464 : index
      %swap3A_906 = tpu.vector_load %arg12[%swap3A_905] {strides = array<i32>} : memref<800xi32, #tpu.memory_space<vmem>>, vector<16xi32>,
      %swap3A_907 = vector.shape_cast %swap3A_906 : vector<16xi32> to vector<16xi32>
      %swap3A_908 = vector.shape_cast %select_n3A_904 : vector<16xi32> to vector<16xi32>
      tpu.vector_store %arg12[%swap3A_905], %swap3A_908 {strides = array<i32>} : memref<800xi32, #tpu.memory_space<vmem>>, vector<16xi32>,
      %get3A_909 = arith.constant 464 : index
      %get3A_910 = tpu.vector_load %arg13[%get3A_909] {strides = array<i32>} : memref<800xi32, #tpu.memory_space<vmem>>, vector<16xi32>,
      %get3A_911 = vector.shape_cast %get3A_910 : vector<16xi32> to vector<16xi32>
      %select_n3A_912 = arith.select %ne3A_900, %get3A_911, %broadcast_in_dim3A_28 : vector<16xi1>, vector<16xi32>
      %swap3A_913 = arith.constant 464 : index
      %swap3A_914 = tpu.vector_load %arg13[%swap3A_913] {strides = array<i32>} : memref<800xi32, #tpu.memory_space<vmem>>, vector<16xi32>,
      %swap3A_915 = vector.shape_cast %swap3A_914 : vector<16xi32> to vector<16xi32>
      %swap3A_916 = vector.shape_cast %select_n3A_912 : vector<16xi32> to vector<16xi32>
      tpu.vector_store %arg13[%swap3A_913], %swap3A_916 {strides = array<i32>} : memref<800xi32, #tpu.memory_space<vmem>>, vector<16xi32>,
      %get3A_917 = arith.constant 464 : index
      %get3A_918 = tpu.vector_load %arg14[%get3A_917] {strides = array<i32>} : memref<800xi32, #tpu.memory_space<vmem>>, vector<16xi32>,
      %get3A_919 = vector.shape_cast %get3A_918 : vector<16xi32> to vector<16xi32>
      %select_n3A_920 = arith.select %ne3A_900, %get3A_919, %broadcast_in_dim3A_28 : vector<16xi1>, vector<16xi32>
      %swap3A_921 = arith.constant 464 : index
      %swap3A_922 = tpu.vector_load %arg14[%swap3A_921] {strides = array<i32>} : memref<800xi32, #tpu.memory_space<vmem>>, vector<16xi32>,
      %swap3A_923 = vector.shape_cast %swap3A_922 : vector<16xi32> to vector<16xi32>
      %swap3A_924 = vector.shape_cast %select_n3A_920 : vector<16xi32> to vector<16xi32>
      tpu.vector_store %arg14[%swap3A_921], %swap3A_924 {strides = array<i32>} : memref<800xi32, #tpu.memory_space<vmem>>, vector<16xi32>,
      %get3A_925 = arith.constant 480 : index
      %get3A_926 = tpu.vector_load %arg11[%get3A_925] {strides = array<i32>} : memref<800xi32, #tpu.memory_space<vmem>>, vector<16xi32>,
      %get3A_927 = vector.shape_cast %get3A_926 : vector<16xi32> to vector<16xi32>
      %ne3A_928 = arith.constant 0 : i32
      %ne3A_929 = vector.broadcast %ne3A_928 : i32 to vector<16xi32>
      %ne3A_930 = arith.cmpi ne, %get3A_927, %ne3A_929 : vector<16xi32>
      %get3A_931 = arith.constant 480 : index
      %get3A_932 = tpu.vector_load %arg12[%get3A_931] {strides = array<i32>} : memref<800xi32, #tpu.memory_space<vmem>>, vector<16xi32>,
      %get3A_933 = vector.shape_cast %get3A_932 : vector<16xi32> to vector<16xi32>
      %select_n3A_934 = arith.select %ne3A_930, %get3A_933, %broadcast_in_dim3A_28 : vector<16xi1>, vector<16xi32>
      %swap3A_935 = arith.constant 480 : index
      %swap3A_936 = tpu.vector_load %arg12[%swap3A_935] {strides = array<i32>} : memref<800xi32, #tpu.memory_space<vmem>>, vector<16xi32>,
      %swap3A_937 = vector.shape_cast %swap3A_936 : vector<16xi32> to vector<16xi32>
      %swap3A_938 = vector.shape_cast %select_n3A_934 : vector<16xi32> to vector<16xi32>
      tpu.vector_store %arg12[%swap3A_935], %swap3A_938 {strides = array<i32>} : memref<800xi32, #tpu.memory_space<vmem>>, vector<16xi32>,
      %get3A_939 = arith.constant 480 : index
      %get3A_940 = tpu.vector_load %arg13[%get3A_939] {strides = array<i32>} : memref<800xi32, #tpu.memory_space<vmem>>, vector<16xi32>,
      %get3A_941 = vector.shape_cast %get3A_940 : vector<16xi32> to vector<16xi32>
      %select_n3A_942 = arith.select %ne3A_930, %get3A_941, %broadcast_in_dim3A_28 : vector<16xi1>, vector<16xi32>
      %swap3A_943 = arith.constant 480 : index
      %swap3A_944 = tpu.vector_load %arg13[%swap3A_943] {strides = array<i32>} : memref<800xi32, #tpu.memory_space<vmem>>, vector<16xi32>,
      %swap3A_945 = vector.shape_cast %swap3A_944 : vector<16xi32> to vector<16xi32>
      %swap3A_946 = vector.shape_cast %select_n3A_942 : vector<16xi32> to vector<16xi32>
      tpu.vector_store %arg13[%swap3A_943], %swap3A_946 {strides = array<i32>} : memref<800xi32, #tpu.memory_space<vmem>>, vector<16xi32>,
      %get3A_947 = arith.constant 480 : index
      %get3A_948 = tpu.vector_load %arg14[%get3A_947] {strides = array<i32>} : memref<800xi32, #tpu.memory_space<vmem>>, vector<16xi32>,
      %get3A_949 = vector.shape_cast %get3A_948 : vector<16xi32> to vector<16xi32>
      %select_n3A_950 = arith.select %ne3A_930, %get3A_949, %broadcast_in_dim3A_28 : vector<16xi1>, vector<16xi32>
      %swap3A_951 = arith.constant 480 : index
      %swap3A_952 = tpu.vector_load %arg14[%swap3A_951] {strides = array<i32>} : memref<800xi32, #tpu.memory_space<vmem>>, vector<16xi32>,
      %swap3A_953 = vector.shape_cast %swap3A_952 : vector<16xi32> to vector<16xi32>
      %swap3A_954 = vector.shape_cast %select_n3A_950 : vector<16xi32> to vector<16xi32>
      tpu.vector_store %arg14[%swap3A_951], %swap3A_954 {strides = array<i32>} : memref<800xi32, #tpu.memory_space<vmem>>, vector<16xi32>,
      %get3A_955 = arith.constant 496 : index
      %get3A_956 = tpu.vector_load %arg11[%get3A_955] {strides = array<i32>} : memref<800xi32, #tpu.memory_space<vmem>>, vector<16xi32>,
      %get3A_957 = vector.shape_cast %get3A_956 : vector<16xi32> to vector<16xi32>
      %ne3A_958 = arith.constant 0 : i32
      %ne3A_959 = vector.broadcast %ne3A_958 : i32 to vector<16xi32>
      %ne3A_960 = arith.cmpi ne, %get3A_957, %ne3A_959 : vector<16xi32>
      %get3A_961 = arith.constant 496 : index
      %get3A_962 = tpu.vector_load %arg12[%get3A_961] {strides = array<i32>} : memref<800xi32, #tpu.memory_space<vmem>>, vector<16xi32>,
      %get3A_963 = vector.shape_cast %get3A_962 : vector<16xi32> to vector<16xi32>
      %select_n3A_964 = arith.select %ne3A_960, %get3A_963, %broadcast_in_dim3A_28 : vector<16xi1>, vector<16xi32>
      %swap3A_965 = arith.constant 496 : index
      %swap3A_966 = tpu.vector_load %arg12[%swap3A_965] {strides = array<i32>} : memref<800xi32, #tpu.memory_space<vmem>>, vector<16xi32>,
      %swap3A_967 = vector.shape_cast %swap3A_966 : vector<16xi32> to vector<16xi32>
      %swap3A_968 = vector.shape_cast %select_n3A_964 : vector<16xi32> to vector<16xi32>
      tpu.vector_store %arg12[%swap3A_965], %swap3A_968 {strides = array<i32>} : memref<800xi32, #tpu.memory_space<vmem>>, vector<16xi32>,
      %get3A_969 = arith.constant 496 : index
      %get3A_970 = tpu.vector_load %arg13[%get3A_969] {strides = array<i32>} : memref<800xi32, #tpu.memory_space<vmem>>, vector<16xi32>,
      %get3A_971 = vector.shape_cast %get3A_970 : vector<16xi32> to vector<16xi32>
      %select_n3A_972 = arith.select %ne3A_960, %get3A_971, %broadcast_in_dim3A_28 : vector<16xi1>, vector<16xi32>
      %swap3A_973 = arith.constant 496 : index
      %swap3A_974 = tpu.vector_load %arg13[%swap3A_973] {strides = array<i32>} : memref<800xi32, #tpu.memory_space<vmem>>, vector<16xi32>,
      %swap3A_975 = vector.shape_cast %swap3A_974 : vector<16xi32> to vector<16xi32>
      %swap3A_976 = vector.shape_cast %select_n3A_972 : vector<16xi32> to vector<16xi32>
      tpu.vector_store %arg13[%swap3A_973], %swap3A_976 {strides = array<i32>} : memref<800xi32, #tpu.memory_space<vmem>>, vector<16xi32>,
      %get3A_977 = arith.constant 496 : index
      %get3A_978 = tpu.vector_load %arg14[%get3A_977] {strides = array<i32>} : memref<800xi32, #tpu.memory_space<vmem>>, vector<16xi32>,
      %get3A_979 = vector.shape_cast %get3A_978 : vector<16xi32> to vector<16xi32>
      %select_n3A_980 = arith.select %ne3A_960, %get3A_979, %broadcast_in_dim3A_28 : vector<16xi1>, vector<16xi32>
      %swap3A_981 = arith.constant 496 : index
      %swap3A_982 = tpu.vector_load %arg14[%swap3A_981] {strides = array<i32>} : memref<800xi32, #tpu.memory_space<vmem>>, vector<16xi32>,
      %swap3A_983 = vector.shape_cast %swap3A_982 : vector<16xi32> to vector<16xi32>
      %swap3A_984 = vector.shape_cast %select_n3A_980 : vector<16xi32> to vector<16xi32>
      tpu.vector_store %arg14[%swap3A_981], %swap3A_984 {strides = array<i32>} : memref<800xi32, #tpu.memory_space<vmem>>, vector<16xi32>,
      %get3A_985 = arith.constant 512 : index
      %get3A_986 = tpu.vector_load %arg11[%get3A_985] {strides = array<i32>} : memref<800xi32, #tpu.memory_space<vmem>>, vector<16xi32>,
      %get3A_987 = vector.shape_cast %get3A_986 : vector<16xi32> to vector<16xi32>
      %ne3A_988 = arith.constant 0 : i32
      %ne3A_989 = vector.broadcast %ne3A_988 : i32 to vector<16xi32>
      %ne3A_990 = arith.cmpi ne, %get3A_987, %ne3A_989 : vector<16xi32>
      %get3A_991 = arith.constant 512 : index
      %get3A_992 = tpu.vector_load %arg12[%get3A_991] {strides = array<i32>} : memref<800xi32, #tpu.memory_space<vmem>>, vector<16xi32>,
      %get3A_993 = vector.shape_cast %get3A_992 : vector<16xi32> to vector<16xi32>
      %select_n3A_994 = arith.select %ne3A_990, %get3A_993, %broadcast_in_dim3A_28 : vector<16xi1>, vector<16xi32>
      %swap3A_995 = arith.constant 512 : index
      %swap3A_996 = tpu.vector_load %arg12[%swap3A_995] {strides = array<i32>} : memref<800xi32, #tpu.memory_space<vmem>>, vector<16xi32>,
      %swap3A_997 = vector.shape_cast %swap3A_996 : vector<16xi32> to vector<16xi32>
      %swap3A_998 = vector.shape_cast %select_n3A_994 : vector<16xi32> to vector<16xi32>
      tpu.vector_store %arg12[%swap3A_995], %swap3A_998 {strides = array<i32>} : memref<800xi32, #tpu.memory_space<vmem>>, vector<16xi32>,
      %get3A_999 = arith.constant 512 : index
      %get3A_1000 = tpu.vector_load %arg13[%get3A_999] {strides = array<i32>} : memref<800xi32, #tpu.memory_space<vmem>>, vector<16xi32>,
      %get3A_1001 = vector.shape_cast %get3A_1000 : vector<16xi32> to vector<16xi32>
      %select_n3A_1002 = arith.select %ne3A_990, %get3A_1001, %broadcast_in_dim3A_28 : vector<16xi1>, vector<16xi32>
      %swap3A_1003 = arith.constant 512 : index
      %swap3A_1004 = tpu.vector_load %arg13[%swap3A_1003] {strides = array<i32>} : memref<800xi32, #tpu.memory_space<vmem>>, vector<16xi32>,
      %swap3A_1005 = vector.shape_cast %swap3A_1004 : vector<16xi32> to vector<16xi32>
      %swap3A_1006 = vector.shape_cast %select_n3A_1002 : vector<16xi32> to vector<16xi32>
      tpu.vector_store %arg13[%swap3A_1003], %swap3A_1006 {strides = array<i32>} : memref<800xi32, #tpu.memory_space<vmem>>, vector<16xi32>,
      %get3A_1007 = arith.constant 512 : index
      %get3A_1008 = tpu.vector_load %arg14[%get3A_1007] {strides = array<i32>} : memref<800xi32, #tpu.memory_space<vmem>>, vector<16xi32>,
      %get3A_1009 = vector.shape_cast %get3A_1008 : vector<16xi32> to vector<16xi32>
      %select_n3A_1010 = arith.select %ne3A_990, %get3A_1009, %broadcast_in_dim3A_28 : vector<16xi1>, vector<16xi32>
      %swap3A_1011 = arith.constant 512 : index
      %swap3A_1012 = tpu.vector_load %arg14[%swap3A_1011] {strides = array<i32>} : memref<800xi32, #tpu.memory_space<vmem>>, vector<16xi32>,
      %swap3A_1013 = vector.shape_cast %swap3A_1012 : vector<16xi32> to vector<16xi32>
      %swap3A_1014 = vector.shape_cast %select_n3A_1010 : vector<16xi32> to vector<16xi32>
      tpu.vector_store %arg14[%swap3A_1011], %swap3A_1014 {strides = array<i32>} : memref<800xi32, #tpu.memory_space<vmem>>, vector<16xi32>,
      %get3A_1015 = arith.constant 528 : index
      %get3A_1016 = tpu.vector_load %arg11[%get3A_1015] {strides = array<i32>} : memref<800xi32, #tpu.memory_space<vmem>>, vector<16xi32>,
      %get3A_1017 = vector.shape_cast %get3A_1016 : vector<16xi32> to vector<16xi32>
      %ne3A_1018 = arith.constant 0 : i32
      %ne3A_1019 = vector.broadcast %ne3A_1018 : i32 to vector<16xi32>
      %ne3A_1020 = arith.cmpi ne, %get3A_1017, %ne3A_1019 : vector<16xi32>
      %get3A_1021 = arith.constant 528 : index
      %get3A_1022 = tpu.vector_load %arg12[%get3A_1021] {strides = array<i32>} : memref<800xi32, #tpu.memory_space<vmem>>, vector<16xi32>,
      %get3A_1023 = vector.shape_cast %get3A_1022 : vector<16xi32> to vector<16xi32>
      %select_n3A_1024 = arith.select %ne3A_1020, %get3A_1023, %broadcast_in_dim3A_28 : vector<16xi1>, vector<16xi32>
      %swap3A_1025 = arith.constant 528 : index
      %swap3A_1026 = tpu.vector_load %arg12[%swap3A_1025] {strides = array<i32>} : memref<800xi32, #tpu.memory_space<vmem>>, vector<16xi32>,
      %swap3A_1027 = vector.shape_cast %swap3A_1026 : vector<16xi32> to vector<16xi32>
      %swap3A_1028 = vector.shape_cast %select_n3A_1024 : vector<16xi32> to vector<16xi32>
      tpu.vector_store %arg12[%swap3A_1025], %swap3A_1028 {strides = array<i32>} : memref<800xi32, #tpu.memory_space<vmem>>, vector<16xi32>,
      %get3A_1029 = arith.constant 528 : index
      %get3A_1030 = tpu.vector_load %arg13[%get3A_1029] {strides = array<i32>} : memref<800xi32, #tpu.memory_space<vmem>>, vector<16xi32>,
      %get3A_1031 = vector.shape_cast %get3A_1030 : vector<16xi32> to vector<16xi32>
      %select_n3A_1032 = arith.select %ne3A_1020, %get3A_1031, %broadcast_in_dim3A_28 : vector<16xi1>, vector<16xi32>
      %swap3A_1033 = arith.constant 528 : index
      %swap3A_1034 = tpu.vector_load %arg13[%swap3A_1033] {strides = array<i32>} : memref<800xi32, #tpu.memory_space<vmem>>, vector<16xi32>,
      %swap3A_1035 = vector.shape_cast %swap3A_1034 : vector<16xi32> to vector<16xi32>
      %swap3A_1036 = vector.shape_cast %select_n3A_1032 : vector<16xi32> to vector<16xi32>
      tpu.vector_store %arg13[%swap3A_1033], %swap3A_1036 {strides = array<i32>} : memref<800xi32, #tpu.memory_space<vmem>>, vector<16xi32>,
      %get3A_1037 = arith.constant 528 : index
      %get3A_1038 = tpu.vector_load %arg14[%get3A_1037] {strides = array<i32>} : memref<800xi32, #tpu.memory_space<vmem>>, vector<16xi32>,
      %get3A_1039 = vector.shape_cast %get3A_1038 : vector<16xi32> to vector<16xi32>
      %select_n3A_1040 = arith.select %ne3A_1020, %get3A_1039, %broadcast_in_dim3A_28 : vector<16xi1>, vector<16xi32>
      %swap3A_1041 = arith.constant 528 : index
      %swap3A_1042 = tpu.vector_load %arg14[%swap3A_1041] {strides = array<i32>} : memref<800xi32, #tpu.memory_space<vmem>>, vector<16xi32>,
      %swap3A_1043 = vector.shape_cast %swap3A_1042 : vector<16xi32> to vector<16xi32>
      %swap3A_1044 = vector.shape_cast %select_n3A_1040 : vector<16xi32> to vector<16xi32>
      tpu.vector_store %arg14[%swap3A_1041], %swap3A_1044 {strides = array<i32>} : memref<800xi32, #tpu.memory_space<vmem>>, vector<16xi32>,
      %get3A_1045 = arith.constant 544 : index
      %get3A_1046 = tpu.vector_load %arg11[%get3A_1045] {strides = array<i32>} : memref<800xi32, #tpu.memory_space<vmem>>, vector<16xi32>,
      %get3A_1047 = vector.shape_cast %get3A_1046 : vector<16xi32> to vector<16xi32>
      %ne3A_1048 = arith.constant 0 : i32
      %ne3A_1049 = vector.broadcast %ne3A_1048 : i32 to vector<16xi32>
      %ne3A_1050 = arith.cmpi ne, %get3A_1047, %ne3A_1049 : vector<16xi32>
      %get3A_1051 = arith.constant 544 : index
      %get3A_1052 = tpu.vector_load %arg12[%get3A_1051] {strides = array<i32>} : memref<800xi32, #tpu.memory_space<vmem>>, vector<16xi32>,
      %get3A_1053 = vector.shape_cast %get3A_1052 : vector<16xi32> to vector<16xi32>
      %select_n3A_1054 = arith.select %ne3A_1050, %get3A_1053, %broadcast_in_dim3A_28 : vector<16xi1>, vector<16xi32>
      %swap3A_1055 = arith.constant 544 : index
      %swap3A_1056 = tpu.vector_load %arg12[%swap3A_1055] {strides = array<i32>} : memref<800xi32, #tpu.memory_space<vmem>>, vector<16xi32>,
      %swap3A_1057 = vector.shape_cast %swap3A_1056 : vector<16xi32> to vector<16xi32>
      %swap3A_1058 = vector.shape_cast %select_n3A_1054 : vector<16xi32> to vector<16xi32>
      tpu.vector_store %arg12[%swap3A_1055], %swap3A_1058 {strides = array<i32>} : memref<800xi32, #tpu.memory_space<vmem>>, vector<16xi32>,
      %get3A_1059 = arith.constant 544 : index
      %get3A_1060 = tpu.vector_load %arg13[%get3A_1059] {strides = array<i32>} : memref<800xi32, #tpu.memory_space<vmem>>, vector<16xi32>,
      %get3A_1061 = vector.shape_cast %get3A_1060 : vector<16xi32> to vector<16xi32>
      %select_n3A_1062 = arith.select %ne3A_1050, %get3A_1061, %broadcast_in_dim3A_28 : vector<16xi1>, vector<16xi32>
      %swap3A_1063 = arith.constant 544 : index
      %swap3A_1064 = tpu.vector_load %arg13[%swap3A_1063] {strides = array<i32>} : memref<800xi32, #tpu.memory_space<vmem>>, vector<16xi32>,
      %swap3A_1065 = vector.shape_cast %swap3A_1064 : vector<16xi32> to vector<16xi32>
      %swap3A_1066 = vector.shape_cast %select_n3A_1062 : vector<16xi32> to vector<16xi32>
      tpu.vector_store %arg13[%swap3A_1063], %swap3A_1066 {strides = array<i32>} : memref<800xi32, #tpu.memory_space<vmem>>, vector<16xi32>,
      %get3A_1067 = arith.constant 544 : index
      %get3A_1068 = tpu.vector_load %arg14[%get3A_1067] {strides = array<i32>} : memref<800xi32, #tpu.memory_space<vmem>>, vector<16xi32>,
      %get3A_1069 = vector.shape_cast %get3A_1068 : vector<16xi32> to vector<16xi32>
      %select_n3A_1070 = arith.select %ne3A_1050, %get3A_1069, %broadcast_in_dim3A_28 : vector<16xi1>, vector<16xi32>
      %swap3A_1071 = arith.constant 544 : index
      %swap3A_1072 = tpu.vector_load %arg14[%swap3A_1071] {strides = array<i32>} : memref<800xi32, #tpu.memory_space<vmem>>, vector<16xi32>,
      %swap3A_1073 = vector.shape_cast %swap3A_1072 : vector<16xi32> to vector<16xi32>
      %swap3A_1074 = vector.shape_cast %select_n3A_1070 : vector<16xi32> to vector<16xi32>
      tpu.vector_store %arg14[%swap3A_1071], %swap3A_1074 {strides = array<i32>} : memref<800xi32, #tpu.memory_space<vmem>>, vector<16xi32>,
      %get3A_1075 = arith.constant 560 : index
      %get3A_1076 = tpu.vector_load %arg11[%get3A_1075] {strides = array<i32>} : memref<800xi32, #tpu.memory_space<vmem>>, vector<16xi32>,
      %get3A_1077 = vector.shape_cast %get3A_1076 : vector<16xi32> to vector<16xi32>
      %ne3A_1078 = arith.constant 0 : i32
      %ne3A_1079 = vector.broadcast %ne3A_1078 : i32 to vector<16xi32>
      %ne3A_1080 = arith.cmpi ne, %get3A_1077, %ne3A_1079 : vector<16xi32>
      %get3A_1081 = arith.constant 560 : index
      %get3A_1082 = tpu.vector_load %arg12[%get3A_1081] {strides = array<i32>} : memref<800xi32, #tpu.memory_space<vmem>>, vector<16xi32>,
      %get3A_1083 = vector.shape_cast %get3A_1082 : vector<16xi32> to vector<16xi32>
      %select_n3A_1084 = arith.select %ne3A_1080, %get3A_1083, %broadcast_in_dim3A_28 : vector<16xi1>, vector<16xi32>
      %swap3A_1085 = arith.constant 560 : index
      %swap3A_1086 = tpu.vector_load %arg12[%swap3A_1085] {strides = array<i32>} : memref<800xi32, #tpu.memory_space<vmem>>, vector<16xi32>,
      %swap3A_1087 = vector.shape_cast %swap3A_1086 : vector<16xi32> to vector<16xi32>
      %swap3A_1088 = vector.shape_cast %select_n3A_1084 : vector<16xi32> to vector<16xi32>
      tpu.vector_store %arg12[%swap3A_1085], %swap3A_1088 {strides = array<i32>} : memref<800xi32, #tpu.memory_space<vmem>>, vector<16xi32>,
      %get3A_1089 = arith.constant 560 : index
      %get3A_1090 = tpu.vector_load %arg13[%get3A_1089] {strides = array<i32>} : memref<800xi32, #tpu.memory_space<vmem>>, vector<16xi32>,
      %get3A_1091 = vector.shape_cast %get3A_1090 : vector<16xi32> to vector<16xi32>
      %select_n3A_1092 = arith.select %ne3A_1080, %get3A_1091, %broadcast_in_dim3A_28 : vector<16xi1>, vector<16xi32>
      %swap3A_1093 = arith.constant 560 : index
      %swap3A_1094 = tpu.vector_load %arg13[%swap3A_1093] {strides = array<i32>} : memref<800xi32, #tpu.memory_space<vmem>>, vector<16xi32>,
      %swap3A_1095 = vector.shape_cast %swap3A_1094 : vector<16xi32> to vector<16xi32>
      %swap3A_1096 = vector.shape_cast %select_n3A_1092 : vector<16xi32> to vector<16xi32>
      tpu.vector_store %arg13[%swap3A_1093], %swap3A_1096 {strides = array<i32>} : memref<800xi32, #tpu.memory_space<vmem>>, vector<16xi32>,
      %get3A_1097 = arith.constant 560 : index
      %get3A_1098 = tpu.vector_load %arg14[%get3A_1097] {strides = array<i32>} : memref<800xi32, #tpu.memory_space<vmem>>, vector<16xi32>,
      %get3A_1099 = vector.shape_cast %get3A_1098 : vector<16xi32> to vector<16xi32>
      %select_n3A_1100 = arith.select %ne3A_1080, %get3A_1099, %broadcast_in_dim3A_28 : vector<16xi1>, vector<16xi32>
      %swap3A_1101 = arith.constant 560 : index
      %swap3A_1102 = tpu.vector_load %arg14[%swap3A_1101] {strides = array<i32>} : memref<800xi32, #tpu.memory_space<vmem>>, vector<16xi32>,
      %swap3A_1103 = vector.shape_cast %swap3A_1102 : vector<16xi32> to vector<16xi32>
      %swap3A_1104 = vector.shape_cast %select_n3A_1100 : vector<16xi32> to vector<16xi32>
      tpu.vector_store %arg14[%swap3A_1101], %swap3A_1104 {strides = array<i32>} : memref<800xi32, #tpu.memory_space<vmem>>, vector<16xi32>,
      %get3A_1105 = arith.constant 576 : index
      %get3A_1106 = tpu.vector_load %arg11[%get3A_1105] {strides = array<i32>} : memref<800xi32, #tpu.memory_space<vmem>>, vector<16xi32>,
      %get3A_1107 = vector.shape_cast %get3A_1106 : vector<16xi32> to vector<16xi32>
      %ne3A_1108 = arith.constant 0 : i32
      %ne3A_1109 = vector.broadcast %ne3A_1108 : i32 to vector<16xi32>
      %ne3A_1110 = arith.cmpi ne, %get3A_1107, %ne3A_1109 : vector<16xi32>
      %get3A_1111 = arith.constant 576 : index
      %get3A_1112 = tpu.vector_load %arg12[%get3A_1111] {strides = array<i32>} : memref<800xi32, #tpu.memory_space<vmem>>, vector<16xi32>,
      %get3A_1113 = vector.shape_cast %get3A_1112 : vector<16xi32> to vector<16xi32>
      %select_n3A_1114 = arith.select %ne3A_1110, %get3A_1113, %broadcast_in_dim3A_28 : vector<16xi1>, vector<16xi32>
      %swap3A_1115 = arith.constant 576 : index
      %swap3A_1116 = tpu.vector_load %arg12[%swap3A_1115] {strides = array<i32>} : memref<800xi32, #tpu.memory_space<vmem>>, vector<16xi32>,
      %swap3A_1117 = vector.shape_cast %swap3A_1116 : vector<16xi32> to vector<16xi32>
      %swap3A_1118 = vector.shape_cast %select_n3A_1114 : vector<16xi32> to vector<16xi32>
      tpu.vector_store %arg12[%swap3A_1115], %swap3A_1118 {strides = array<i32>} : memref<800xi32, #tpu.memory_space<vmem>>, vector<16xi32>,
      %get3A_1119 = arith.constant 576 : index
      %get3A_1120 = tpu.vector_load %arg13[%get3A_1119] {strides = array<i32>} : memref<800xi32, #tpu.memory_space<vmem>>, vector<16xi32>,
      %get3A_1121 = vector.shape_cast %get3A_1120 : vector<16xi32> to vector<16xi32>
      %select_n3A_1122 = arith.select %ne3A_1110, %get3A_1121, %broadcast_in_dim3A_28 : vector<16xi1>, vector<16xi32>
      %swap3A_1123 = arith.constant 576 : index
      %swap3A_1124 = tpu.vector_load %arg13[%swap3A_1123] {strides = array<i32>} : memref<800xi32, #tpu.memory_space<vmem>>, vector<16xi32>,
      %swap3A_1125 = vector.shape_cast %swap3A_1124 : vector<16xi32> to vector<16xi32>
      %swap3A_1126 = vector.shape_cast %select_n3A_1122 : vector<16xi32> to vector<16xi32>
      tpu.vector_store %arg13[%swap3A_1123], %swap3A_1126 {strides = array<i32>} : memref<800xi32, #tpu.memory_space<vmem>>, vector<16xi32>,
      %get3A_1127 = arith.constant 576 : index
      %get3A_1128 = tpu.vector_load %arg14[%get3A_1127] {strides = array<i32>} : memref<800xi32, #tpu.memory_space<vmem>>, vector<16xi32>,
      %get3A_1129 = vector.shape_cast %get3A_1128 : vector<16xi32> to vector<16xi32>
      %select_n3A_1130 = arith.select %ne3A_1110, %get3A_1129, %broadcast_in_dim3A_28 : vector<16xi1>, vector<16xi32>
      %swap3A_1131 = arith.constant 576 : index
      %swap3A_1132 = tpu.vector_load %arg14[%swap3A_1131] {strides = array<i32>} : memref<800xi32, #tpu.memory_space<vmem>>, vector<16xi32>,
      %swap3A_1133 = vector.shape_cast %swap3A_1132 : vector<16xi32> to vector<16xi32>
      %swap3A_1134 = vector.shape_cast %select_n3A_1130 : vector<16xi32> to vector<16xi32>
      tpu.vector_store %arg14[%swap3A_1131], %swap3A_1134 {strides = array<i32>} : memref<800xi32, #tpu.memory_space<vmem>>, vector<16xi32>,
      %get3A_1135 = arith.constant 592 : index
      %get3A_1136 = tpu.vector_load %arg11[%get3A_1135] {strides = array<i32>} : memref<800xi32, #tpu.memory_space<vmem>>, vector<16xi32>,
      %get3A_1137 = vector.shape_cast %get3A_1136 : vector<16xi32> to vector<16xi32>
      %ne3A_1138 = arith.constant 0 : i32
      %ne3A_1139 = vector.broadcast %ne3A_1138 : i32 to vector<16xi32>
      %ne3A_1140 = arith.cmpi ne, %get3A_1137, %ne3A_1139 : vector<16xi32>
      %get3A_1141 = arith.constant 592 : index
      %get3A_1142 = tpu.vector_load %arg12[%get3A_1141] {strides = array<i32>} : memref<800xi32, #tpu.memory_space<vmem>>, vector<16xi32>,
      %get3A_1143 = vector.shape_cast %get3A_1142 : vector<16xi32> to vector<16xi32>
      %select_n3A_1144 = arith.select %ne3A_1140, %get3A_1143, %broadcast_in_dim3A_28 : vector<16xi1>, vector<16xi32>
      %swap3A_1145 = arith.constant 592 : index
      %swap3A_1146 = tpu.vector_load %arg12[%swap3A_1145] {strides = array<i32>} : memref<800xi32, #tpu.memory_space<vmem>>, vector<16xi32>,
      %swap3A_1147 = vector.shape_cast %swap3A_1146 : vector<16xi32> to vector<16xi32>
      %swap3A_1148 = vector.shape_cast %select_n3A_1144 : vector<16xi32> to vector<16xi32>
      tpu.vector_store %arg12[%swap3A_1145], %swap3A_1148 {strides = array<i32>} : memref<800xi32, #tpu.memory_space<vmem>>, vector<16xi32>,
      %get3A_1149 = arith.constant 592 : index
      %get3A_1150 = tpu.vector_load %arg13[%get3A_1149] {strides = array<i32>} : memref<800xi32, #tpu.memory_space<vmem>>, vector<16xi32>,
      %get3A_1151 = vector.shape_cast %get3A_1150 : vector<16xi32> to vector<16xi32>
      %select_n3A_1152 = arith.select %ne3A_1140, %get3A_1151, %broadcast_in_dim3A_28 : vector<16xi1>, vector<16xi32>
      %swap3A_1153 = arith.constant 592 : index
      %swap3A_1154 = tpu.vector_load %arg13[%swap3A_1153] {strides = array<i32>} : memref<800xi32, #tpu.memory_space<vmem>>, vector<16xi32>,
      %swap3A_1155 = vector.shape_cast %swap3A_1154 : vector<16xi32> to vector<16xi32>
      %swap3A_1156 = vector.shape_cast %select_n3A_1152 : vector<16xi32> to vector<16xi32>
      tpu.vector_store %arg13[%swap3A_1153], %swap3A_1156 {strides = array<i32>} : memref<800xi32, #tpu.memory_space<vmem>>, vector<16xi32>,
      %get3A_1157 = arith.constant 592 : index
      %get3A_1158 = tpu.vector_load %arg14[%get3A_1157] {strides = array<i32>} : memref<800xi32, #tpu.memory_space<vmem>>, vector<16xi32>,
      %get3A_1159 = vector.shape_cast %get3A_1158 : vector<16xi32> to vector<16xi32>
      %select_n3A_1160 = arith.select %ne3A_1140, %get3A_1159, %broadcast_in_dim3A_28 : vector<16xi1>, vector<16xi32>
      %swap3A_1161 = arith.constant 592 : index
      %swap3A_1162 = tpu.vector_load %arg14[%swap3A_1161] {strides = array<i32>} : memref<800xi32, #tpu.memory_space<vmem>>, vector<16xi32>,
      %swap3A_1163 = vector.shape_cast %swap3A_1162 : vector<16xi32> to vector<16xi32>
      %swap3A_1164 = vector.shape_cast %select_n3A_1160 : vector<16xi32> to vector<16xi32>
      tpu.vector_store %arg14[%swap3A_1161], %swap3A_1164 {strides = array<i32>} : memref<800xi32, #tpu.memory_space<vmem>>, vector<16xi32>,
      %get3A_1165 = arith.constant 608 : index
      %get3A_1166 = tpu.vector_load %arg11[%get3A_1165] {strides = array<i32>} : memref<800xi32, #tpu.memory_space<vmem>>, vector<16xi32>,
      %get3A_1167 = vector.shape_cast %get3A_1166 : vector<16xi32> to vector<16xi32>
      %ne3A_1168 = arith.constant 0 : i32
      %ne3A_1169 = vector.broadcast %ne3A_1168 : i32 to vector<16xi32>
      %ne3A_1170 = arith.cmpi ne, %get3A_1167, %ne3A_1169 : vector<16xi32>
      %get3A_1171 = arith.constant 608 : index
      %get3A_1172 = tpu.vector_load %arg12[%get3A_1171] {strides = array<i32>} : memref<800xi32, #tpu.memory_space<vmem>>, vector<16xi32>,
      %get3A_1173 = vector.shape_cast %get3A_1172 : vector<16xi32> to vector<16xi32>
      %select_n3A_1174 = arith.select %ne3A_1170, %get3A_1173, %broadcast_in_dim3A_28 : vector<16xi1>, vector<16xi32>
      %swap3A_1175 = arith.constant 608 : index
      %swap3A_1176 = tpu.vector_load %arg12[%swap3A_1175] {strides = array<i32>} : memref<800xi32, #tpu.memory_space<vmem>>, vector<16xi32>,
      %swap3A_1177 = vector.shape_cast %swap3A_1176 : vector<16xi32> to vector<16xi32>
      %swap3A_1178 = vector.shape_cast %select_n3A_1174 : vector<16xi32> to vector<16xi32>
      tpu.vector_store %arg12[%swap3A_1175], %swap3A_1178 {strides = array<i32>} : memref<800xi32, #tpu.memory_space<vmem>>, vector<16xi32>,
      %get3A_1179 = arith.constant 608 : index
      %get3A_1180 = tpu.vector_load %arg13[%get3A_1179] {strides = array<i32>} : memref<800xi32, #tpu.memory_space<vmem>>, vector<16xi32>,
      %get3A_1181 = vector.shape_cast %get3A_1180 : vector<16xi32> to vector<16xi32>
      %select_n3A_1182 = arith.select %ne3A_1170, %get3A_1181, %broadcast_in_dim3A_28 : vector<16xi1>, vector<16xi32>
      %swap3A_1183 = arith.constant 608 : index
      %swap3A_1184 = tpu.vector_load %arg13[%swap3A_1183] {strides = array<i32>} : memref<800xi32, #tpu.memory_space<vmem>>, vector<16xi32>,
      %swap3A_1185 = vector.shape_cast %swap3A_1184 : vector<16xi32> to vector<16xi32>
      %swap3A_1186 = vector.shape_cast %select_n3A_1182 : vector<16xi32> to vector<16xi32>
      tpu.vector_store %arg13[%swap3A_1183], %swap3A_1186 {strides = array<i32>} : memref<800xi32, #tpu.memory_space<vmem>>, vector<16xi32>,
      %get3A_1187 = arith.constant 608 : index
      %get3A_1188 = tpu.vector_load %arg14[%get3A_1187] {strides = array<i32>} : memref<800xi32, #tpu.memory_space<vmem>>, vector<16xi32>,
      %get3A_1189 = vector.shape_cast %get3A_1188 : vector<16xi32> to vector<16xi32>
      %select_n3A_1190 = arith.select %ne3A_1170, %get3A_1189, %broadcast_in_dim3A_28 : vector<16xi1>, vector<16xi32>
      %swap3A_1191 = arith.constant 608 : index
      %swap3A_1192 = tpu.vector_load %arg14[%swap3A_1191] {strides = array<i32>} : memref<800xi32, #tpu.memory_space<vmem>>, vector<16xi32>,
      %swap3A_1193 = vector.shape_cast %swap3A_1192 : vector<16xi32> to vector<16xi32>
      %swap3A_1194 = vector.shape_cast %select_n3A_1190 : vector<16xi32> to vector<16xi32>
      tpu.vector_store %arg14[%swap3A_1191], %swap3A_1194 {strides = array<i32>} : memref<800xi32, #tpu.memory_space<vmem>>, vector<16xi32>,
      %get3A_1195 = arith.constant 624 : index
      %get3A_1196 = tpu.vector_load %arg11[%get3A_1195] {strides = array<i32>} : memref<800xi32, #tpu.memory_space<vmem>>, vector<16xi32>,
      %get3A_1197 = vector.shape_cast %get3A_1196 : vector<16xi32> to vector<16xi32>
      %ne3A_1198 = arith.constant 0 : i32
      %ne3A_1199 = vector.broadcast %ne3A_1198 : i32 to vector<16xi32>
      %ne3A_1200 = arith.cmpi ne, %get3A_1197, %ne3A_1199 : vector<16xi32>
      %get3A_1201 = arith.constant 624 : index
      %get3A_1202 = tpu.vector_load %arg12[%get3A_1201] {strides = array<i32>} : memref<800xi32, #tpu.memory_space<vmem>>, vector<16xi32>,
      %get3A_1203 = vector.shape_cast %get3A_1202 : vector<16xi32> to vector<16xi32>
      %select_n3A_1204 = arith.select %ne3A_1200, %get3A_1203, %broadcast_in_dim3A_28 : vector<16xi1>, vector<16xi32>
      %swap3A_1205 = arith.constant 624 : index
      %swap3A_1206 = tpu.vector_load %arg12[%swap3A_1205] {strides = array<i32>} : memref<800xi32, #tpu.memory_space<vmem>>, vector<16xi32>,
      %swap3A_1207 = vector.shape_cast %swap3A_1206 : vector<16xi32> to vector<16xi32>
      %swap3A_1208 = vector.shape_cast %select_n3A_1204 : vector<16xi32> to vector<16xi32>
      tpu.vector_store %arg12[%swap3A_1205], %swap3A_1208 {strides = array<i32>} : memref<800xi32, #tpu.memory_space<vmem>>, vector<16xi32>,
      %get3A_1209 = arith.constant 624 : index
      %get3A_1210 = tpu.vector_load %arg13[%get3A_1209] {strides = array<i32>} : memref<800xi32, #tpu.memory_space<vmem>>, vector<16xi32>,
      %get3A_1211 = vector.shape_cast %get3A_1210 : vector<16xi32> to vector<16xi32>
      %select_n3A_1212 = arith.select %ne3A_1200, %get3A_1211, %broadcast_in_dim3A_28 : vector<16xi1>, vector<16xi32>
      %swap3A_1213 = arith.constant 624 : index
      %swap3A_1214 = tpu.vector_load %arg13[%swap3A_1213] {strides = array<i32>} : memref<800xi32, #tpu.memory_space<vmem>>, vector<16xi32>,
      %swap3A_1215 = vector.shape_cast %swap3A_1214 : vector<16xi32> to vector<16xi32>
      %swap3A_1216 = vector.shape_cast %select_n3A_1212 : vector<16xi32> to vector<16xi32>
      tpu.vector_store %arg13[%swap3A_1213], %swap3A_1216 {strides = array<i32>} : memref<800xi32, #tpu.memory_space<vmem>>, vector<16xi32>,
      %get3A_1217 = arith.constant 624 : index
      %get3A_1218 = tpu.vector_load %arg14[%get3A_1217] {strides = array<i32>} : memref<800xi32, #tpu.memory_space<vmem>>, vector<16xi32>,
      %get3A_1219 = vector.shape_cast %get3A_1218 : vector<16xi32> to vector<16xi32>
      %select_n3A_1220 = arith.select %ne3A_1200, %get3A_1219, %broadcast_in_dim3A_28 : vector<16xi1>, vector<16xi32>
      %swap3A_1221 = arith.constant 624 : index
      %swap3A_1222 = tpu.vector_load %arg14[%swap3A_1221] {strides = array<i32>} : memref<800xi32, #tpu.memory_space<vmem>>, vector<16xi32>,
      %swap3A_1223 = vector.shape_cast %swap3A_1222 : vector<16xi32> to vector<16xi32>
      %swap3A_1224 = vector.shape_cast %select_n3A_1220 : vector<16xi32> to vector<16xi32>
      tpu.vector_store %arg14[%swap3A_1221], %swap3A_1224 {strides = array<i32>} : memref<800xi32, #tpu.memory_space<vmem>>, vector<16xi32>,
      %get3A_1225 = arith.constant 640 : index
      %get3A_1226 = tpu.vector_load %arg11[%get3A_1225] {strides = array<i32>} : memref<800xi32, #tpu.memory_space<vmem>>, vector<16xi32>,
      %get3A_1227 = vector.shape_cast %get3A_1226 : vector<16xi32> to vector<16xi32>
      %ne3A_1228 = arith.constant 0 : i32
      %ne3A_1229 = vector.broadcast %ne3A_1228 : i32 to vector<16xi32>
      %ne3A_1230 = arith.cmpi ne, %get3A_1227, %ne3A_1229 : vector<16xi32>
      %get3A_1231 = arith.constant 640 : index
      %get3A_1232 = tpu.vector_load %arg12[%get3A_1231] {strides = array<i32>} : memref<800xi32, #tpu.memory_space<vmem>>, vector<16xi32>,
      %get3A_1233 = vector.shape_cast %get3A_1232 : vector<16xi32> to vector<16xi32>
      %select_n3A_1234 = arith.select %ne3A_1230, %get3A_1233, %broadcast_in_dim3A_28 : vector<16xi1>, vector<16xi32>
      %swap3A_1235 = arith.constant 640 : index
      %swap3A_1236 = tpu.vector_load %arg12[%swap3A_1235] {strides = array<i32>} : memref<800xi32, #tpu.memory_space<vmem>>, vector<16xi32>,
      %swap3A_1237 = vector.shape_cast %swap3A_1236 : vector<16xi32> to vector<16xi32>
      %swap3A_1238 = vector.shape_cast %select_n3A_1234 : vector<16xi32> to vector<16xi32>
      tpu.vector_store %arg12[%swap3A_1235], %swap3A_1238 {strides = array<i32>} : memref<800xi32, #tpu.memory_space<vmem>>, vector<16xi32>,
      %get3A_1239 = arith.constant 640 : index
      %get3A_1240 = tpu.vector_load %arg13[%get3A_1239] {strides = array<i32>} : memref<800xi32, #tpu.memory_space<vmem>>, vector<16xi32>,
      %get3A_1241 = vector.shape_cast %get3A_1240 : vector<16xi32> to vector<16xi32>
      %select_n3A_1242 = arith.select %ne3A_1230, %get3A_1241, %broadcast_in_dim3A_28 : vector<16xi1>, vector<16xi32>
      %swap3A_1243 = arith.constant 640 : index
      %swap3A_1244 = tpu.vector_load %arg13[%swap3A_1243] {strides = array<i32>} : memref<800xi32, #tpu.memory_space<vmem>>, vector<16xi32>,
      %swap3A_1245 = vector.shape_cast %swap3A_1244 : vector<16xi32> to vector<16xi32>
      %swap3A_1246 = vector.shape_cast %select_n3A_1242 : vector<16xi32> to vector<16xi32>
      tpu.vector_store %arg13[%swap3A_1243], %swap3A_1246 {strides = array<i32>} : memref<800xi32, #tpu.memory_space<vmem>>, vector<16xi32>,
      %get3A_1247 = arith.constant 640 : index
      %get3A_1248 = tpu.vector_load %arg14[%get3A_1247] {strides = array<i32>} : memref<800xi32, #tpu.memory_space<vmem>>, vector<16xi32>,
      %get3A_1249 = vector.shape_cast %get3A_1248 : vector<16xi32> to vector<16xi32>
      %select_n3A_1250 = arith.select %ne3A_1230, %get3A_1249, %broadcast_in_dim3A_28 : vector<16xi1>, vector<16xi32>
      %swap3A_1251 = arith.constant 640 : index
      %swap3A_1252 = tpu.vector_load %arg14[%swap3A_1251] {strides = array<i32>} : memref<800xi32, #tpu.memory_space<vmem>>, vector<16xi32>,
      %swap3A_1253 = vector.shape_cast %swap3A_1252 : vector<16xi32> to vector<16xi32>
      %swap3A_1254 = vector.shape_cast %select_n3A_1250 : vector<16xi32> to vector<16xi32>
      tpu.vector_store %arg14[%swap3A_1251], %swap3A_1254 {strides = array<i32>} : memref<800xi32, #tpu.memory_space<vmem>>, vector<16xi32>,
      %get3A_1255 = arith.constant 656 : index
      %get3A_1256 = tpu.vector_load %arg11[%get3A_1255] {strides = array<i32>} : memref<800xi32, #tpu.memory_space<vmem>>, vector<16xi32>,
      %get3A_1257 = vector.shape_cast %get3A_1256 : vector<16xi32> to vector<16xi32>
      %ne3A_1258 = arith.constant 0 : i32
      %ne3A_1259 = vector.broadcast %ne3A_1258 : i32 to vector<16xi32>
      %ne3A_1260 = arith.cmpi ne, %get3A_1257, %ne3A_1259 : vector<16xi32>
      %get3A_1261 = arith.constant 656 : index
      %get3A_1262 = tpu.vector_load %arg12[%get3A_1261] {strides = array<i32>} : memref<800xi32, #tpu.memory_space<vmem>>, vector<16xi32>,
      %get3A_1263 = vector.shape_cast %get3A_1262 : vector<16xi32> to vector<16xi32>
      %select_n3A_1264 = arith.select %ne3A_1260, %get3A_1263, %broadcast_in_dim3A_28 : vector<16xi1>, vector<16xi32>
      %swap3A_1265 = arith.constant 656 : index
      %swap3A_1266 = tpu.vector_load %arg12[%swap3A_1265] {strides = array<i32>} : memref<800xi32, #tpu.memory_space<vmem>>, vector<16xi32>,
      %swap3A_1267 = vector.shape_cast %swap3A_1266 : vector<16xi32> to vector<16xi32>
      %swap3A_1268 = vector.shape_cast %select_n3A_1264 : vector<16xi32> to vector<16xi32>
      tpu.vector_store %arg12[%swap3A_1265], %swap3A_1268 {strides = array<i32>} : memref<800xi32, #tpu.memory_space<vmem>>, vector<16xi32>,
      %get3A_1269 = arith.constant 656 : index
      %get3A_1270 = tpu.vector_load %arg13[%get3A_1269] {strides = array<i32>} : memref<800xi32, #tpu.memory_space<vmem>>, vector<16xi32>,
      %get3A_1271 = vector.shape_cast %get3A_1270 : vector<16xi32> to vector<16xi32>
      %select_n3A_1272 = arith.select %ne3A_1260, %get3A_1271, %broadcast_in_dim3A_28 : vector<16xi1>, vector<16xi32>
      %swap3A_1273 = arith.constant 656 : index
      %swap3A_1274 = tpu.vector_load %arg13[%swap3A_1273] {strides = array<i32>} : memref<800xi32, #tpu.memory_space<vmem>>, vector<16xi32>,
      %swap3A_1275 = vector.shape_cast %swap3A_1274 : vector<16xi32> to vector<16xi32>
      %swap3A_1276 = vector.shape_cast %select_n3A_1272 : vector<16xi32> to vector<16xi32>
      tpu.vector_store %arg13[%swap3A_1273], %swap3A_1276 {strides = array<i32>} : memref<800xi32, #tpu.memory_space<vmem>>, vector<16xi32>,
      %get3A_1277 = arith.constant 656 : index
      %get3A_1278 = tpu.vector_load %arg14[%get3A_1277] {strides = array<i32>} : memref<800xi32, #tpu.memory_space<vmem>>, vector<16xi32>,
      %get3A_1279 = vector.shape_cast %get3A_1278 : vector<16xi32> to vector<16xi32>
      %select_n3A_1280 = arith.select %ne3A_1260, %get3A_1279, %broadcast_in_dim3A_28 : vector<16xi1>, vector<16xi32>
      %swap3A_1281 = arith.constant 656 : index
      %swap3A_1282 = tpu.vector_load %arg14[%swap3A_1281] {strides = array<i32>} : memref<800xi32, #tpu.memory_space<vmem>>, vector<16xi32>,
      %swap3A_1283 = vector.shape_cast %swap3A_1282 : vector<16xi32> to vector<16xi32>
      %swap3A_1284 = vector.shape_cast %select_n3A_1280 : vector<16xi32> to vector<16xi32>
      tpu.vector_store %arg14[%swap3A_1281], %swap3A_1284 {strides = array<i32>} : memref<800xi32, #tpu.memory_space<vmem>>, vector<16xi32>,
      %get3A_1285 = arith.constant 672 : index
      %get3A_1286 = tpu.vector_load %arg11[%get3A_1285] {strides = array<i32>} : memref<800xi32, #tpu.memory_space<vmem>>, vector<16xi32>,
      %get3A_1287 = vector.shape_cast %get3A_1286 : vector<16xi32> to vector<16xi32>
      %ne3A_1288 = arith.constant 0 : i32
      %ne3A_1289 = vector.broadcast %ne3A_1288 : i32 to vector<16xi32>
      %ne3A_1290 = arith.cmpi ne, %get3A_1287, %ne3A_1289 : vector<16xi32>
      %get3A_1291 = arith.constant 672 : index
      %get3A_1292 = tpu.vector_load %arg12[%get3A_1291] {strides = array<i32>} : memref<800xi32, #tpu.memory_space<vmem>>, vector<16xi32>,
      %get3A_1293 = vector.shape_cast %get3A_1292 : vector<16xi32> to vector<16xi32>
      %select_n3A_1294 = arith.select %ne3A_1290, %get3A_1293, %broadcast_in_dim3A_28 : vector<16xi1>, vector<16xi32>
      %swap3A_1295 = arith.constant 672 : index
      %swap3A_1296 = tpu.vector_load %arg12[%swap3A_1295] {strides = array<i32>} : memref<800xi32, #tpu.memory_space<vmem>>, vector<16xi32>,
      %swap3A_1297 = vector.shape_cast %swap3A_1296 : vector<16xi32> to vector<16xi32>
      %swap3A_1298 = vector.shape_cast %select_n3A_1294 : vector<16xi32> to vector<16xi32>
      tpu.vector_store %arg12[%swap3A_1295], %swap3A_1298 {strides = array<i32>} : memref<800xi32, #tpu.memory_space<vmem>>, vector<16xi32>,
      %get3A_1299 = arith.constant 672 : index
      %get3A_1300 = tpu.vector_load %arg13[%get3A_1299] {strides = array<i32>} : memref<800xi32, #tpu.memory_space<vmem>>, vector<16xi32>,
      %get3A_1301 = vector.shape_cast %get3A_1300 : vector<16xi32> to vector<16xi32>
      %select_n3A_1302 = arith.select %ne3A_1290, %get3A_1301, %broadcast_in_dim3A_28 : vector<16xi1>, vector<16xi32>
      %swap3A_1303 = arith.constant 672 : index
      %swap3A_1304 = tpu.vector_load %arg13[%swap3A_1303] {strides = array<i32>} : memref<800xi32, #tpu.memory_space<vmem>>, vector<16xi32>,
      %swap3A_1305 = vector.shape_cast %swap3A_1304 : vector<16xi32> to vector<16xi32>
      %swap3A_1306 = vector.shape_cast %select_n3A_1302 : vector<16xi32> to vector<16xi32>
      tpu.vector_store %arg13[%swap3A_1303], %swap3A_1306 {strides = array<i32>} : memref<800xi32, #tpu.memory_space<vmem>>, vector<16xi32>,
      %get3A_1307 = arith.constant 672 : index
      %get3A_1308 = tpu.vector_load %arg14[%get3A_1307] {strides = array<i32>} : memref<800xi32, #tpu.memory_space<vmem>>, vector<16xi32>,
      %get3A_1309 = vector.shape_cast %get3A_1308 : vector<16xi32> to vector<16xi32>
      %select_n3A_1310 = arith.select %ne3A_1290, %get3A_1309, %broadcast_in_dim3A_28 : vector<16xi1>, vector<16xi32>
      %swap3A_1311 = arith.constant 672 : index
      %swap3A_1312 = tpu.vector_load %arg14[%swap3A_1311] {strides = array<i32>} : memref<800xi32, #tpu.memory_space<vmem>>, vector<16xi32>,
      %swap3A_1313 = vector.shape_cast %swap3A_1312 : vector<16xi32> to vector<16xi32>
      %swap3A_1314 = vector.shape_cast %select_n3A_1310 : vector<16xi32> to vector<16xi32>
      tpu.vector_store %arg14[%swap3A_1311], %swap3A_1314 {strides = array<i32>} : memref<800xi32, #tpu.memory_space<vmem>>, vector<16xi32>,
      %get3A_1315 = arith.constant 688 : index
      %get3A_1316 = tpu.vector_load %arg11[%get3A_1315] {strides = array<i32>} : memref<800xi32, #tpu.memory_space<vmem>>, vector<16xi32>,
      %get3A_1317 = vector.shape_cast %get3A_1316 : vector<16xi32> to vector<16xi32>
      %ne3A_1318 = arith.constant 0 : i32
      %ne3A_1319 = vector.broadcast %ne3A_1318 : i32 to vector<16xi32>
      %ne3A_1320 = arith.cmpi ne, %get3A_1317, %ne3A_1319 : vector<16xi32>
      %get3A_1321 = arith.constant 688 : index
      %get3A_1322 = tpu.vector_load %arg12[%get3A_1321] {strides = array<i32>} : memref<800xi32, #tpu.memory_space<vmem>>, vector<16xi32>,
      %get3A_1323 = vector.shape_cast %get3A_1322 : vector<16xi32> to vector<16xi32>
      %select_n3A_1324 = arith.select %ne3A_1320, %get3A_1323, %broadcast_in_dim3A_28 : vector<16xi1>, vector<16xi32>
      %swap3A_1325 = arith.constant 688 : index
      %swap3A_1326 = tpu.vector_load %arg12[%swap3A_1325] {strides = array<i32>} : memref<800xi32, #tpu.memory_space<vmem>>, vector<16xi32>,
      %swap3A_1327 = vector.shape_cast %swap3A_1326 : vector<16xi32> to vector<16xi32>
      %swap3A_1328 = vector.shape_cast %select_n3A_1324 : vector<16xi32> to vector<16xi32>
      tpu.vector_store %arg12[%swap3A_1325], %swap3A_1328 {strides = array<i32>} : memref<800xi32, #tpu.memory_space<vmem>>, vector<16xi32>,
      %get3A_1329 = arith.constant 688 : index
      %get3A_1330 = tpu.vector_load %arg13[%get3A_1329] {strides = array<i32>} : memref<800xi32, #tpu.memory_space<vmem>>, vector<16xi32>,
      %get3A_1331 = vector.shape_cast %get3A_1330 : vector<16xi32> to vector<16xi32>
      %select_n3A_1332 = arith.select %ne3A_1320, %get3A_1331, %broadcast_in_dim3A_28 : vector<16xi1>, vector<16xi32>
      %swap3A_1333 = arith.constant 688 : index
      %swap3A_1334 = tpu.vector_load %arg13[%swap3A_1333] {strides = array<i32>} : memref<800xi32, #tpu.memory_space<vmem>>, vector<16xi32>,
      %swap3A_1335 = vector.shape_cast %swap3A_1334 : vector<16xi32> to vector<16xi32>
      %swap3A_1336 = vector.shape_cast %select_n3A_1332 : vector<16xi32> to vector<16xi32>
      tpu.vector_store %arg13[%swap3A_1333], %swap3A_1336 {strides = array<i32>} : memref<800xi32, #tpu.memory_space<vmem>>, vector<16xi32>,
      %get3A_1337 = arith.constant 688 : index
      %get3A_1338 = tpu.vector_load %arg14[%get3A_1337] {strides = array<i32>} : memref<800xi32, #tpu.memory_space<vmem>>, vector<16xi32>,
      %get3A_1339 = vector.shape_cast %get3A_1338 : vector<16xi32> to vector<16xi32>
      %select_n3A_1340 = arith.select %ne3A_1320, %get3A_1339, %broadcast_in_dim3A_28 : vector<16xi1>, vector<16xi32>
      %swap3A_1341 = arith.constant 688 : index
      %swap3A_1342 = tpu.vector_load %arg14[%swap3A_1341] {strides = array<i32>} : memref<800xi32, #tpu.memory_space<vmem>>, vector<16xi32>,
      %swap3A_1343 = vector.shape_cast %swap3A_1342 : vector<16xi32> to vector<16xi32>
      %swap3A_1344 = vector.shape_cast %select_n3A_1340 : vector<16xi32> to vector<16xi32>
      tpu.vector_store %arg14[%swap3A_1341], %swap3A_1344 {strides = array<i32>} : memref<800xi32, #tpu.memory_space<vmem>>, vector<16xi32>,
      %get3A_1345 = arith.constant 704 : index
      %get3A_1346 = tpu.vector_load %arg11[%get3A_1345] {strides = array<i32>} : memref<800xi32, #tpu.memory_space<vmem>>, vector<16xi32>,
      %get3A_1347 = vector.shape_cast %get3A_1346 : vector<16xi32> to vector<16xi32>
      %ne3A_1348 = arith.constant 0 : i32
      %ne3A_1349 = vector.broadcast %ne3A_1348 : i32 to vector<16xi32>
      %ne3A_1350 = arith.cmpi ne, %get3A_1347, %ne3A_1349 : vector<16xi32>
      %get3A_1351 = arith.constant 704 : index
      %get3A_1352 = tpu.vector_load %arg12[%get3A_1351] {strides = array<i32>} : memref<800xi32, #tpu.memory_space<vmem>>, vector<16xi32>,
      %get3A_1353 = vector.shape_cast %get3A_1352 : vector<16xi32> to vector<16xi32>
      %select_n3A_1354 = arith.select %ne3A_1350, %get3A_1353, %broadcast_in_dim3A_28 : vector<16xi1>, vector<16xi32>
      %swap3A_1355 = arith.constant 704 : index
      %swap3A_1356 = tpu.vector_load %arg12[%swap3A_1355] {strides = array<i32>} : memref<800xi32, #tpu.memory_space<vmem>>, vector<16xi32>,
      %swap3A_1357 = vector.shape_cast %swap3A_1356 : vector<16xi32> to vector<16xi32>
      %swap3A_1358 = vector.shape_cast %select_n3A_1354 : vector<16xi32> to vector<16xi32>
      tpu.vector_store %arg12[%swap3A_1355], %swap3A_1358 {strides = array<i32>} : memref<800xi32, #tpu.memory_space<vmem>>, vector<16xi32>,
      %get3A_1359 = arith.constant 704 : index
      %get3A_1360 = tpu.vector_load %arg13[%get3A_1359] {strides = array<i32>} : memref<800xi32, #tpu.memory_space<vmem>>, vector<16xi32>,
      %get3A_1361 = vector.shape_cast %get3A_1360 : vector<16xi32> to vector<16xi32>
      %select_n3A_1362 = arith.select %ne3A_1350, %get3A_1361, %broadcast_in_dim3A_28 : vector<16xi1>, vector<16xi32>
      %swap3A_1363 = arith.constant 704 : index
      %swap3A_1364 = tpu.vector_load %arg13[%swap3A_1363] {strides = array<i32>} : memref<800xi32, #tpu.memory_space<vmem>>, vector<16xi32>,
      %swap3A_1365 = vector.shape_cast %swap3A_1364 : vector<16xi32> to vector<16xi32>
      %swap3A_1366 = vector.shape_cast %select_n3A_1362 : vector<16xi32> to vector<16xi32>
      tpu.vector_store %arg13[%swap3A_1363], %swap3A_1366 {strides = array<i32>} : memref<800xi32, #tpu.memory_space<vmem>>, vector<16xi32>,
      %get3A_1367 = arith.constant 704 : index
      %get3A_1368 = tpu.vector_load %arg14[%get3A_1367] {strides = array<i32>} : memref<800xi32, #tpu.memory_space<vmem>>, vector<16xi32>,
      %get3A_1369 = vector.shape_cast %get3A_1368 : vector<16xi32> to vector<16xi32>
      %select_n3A_1370 = arith.select %ne3A_1350, %get3A_1369, %broadcast_in_dim3A_28 : vector<16xi1>, vector<16xi32>
      %swap3A_1371 = arith.constant 704 : index
      %swap3A_1372 = tpu.vector_load %arg14[%swap3A_1371] {strides = array<i32>} : memref<800xi32, #tpu.memory_space<vmem>>, vector<16xi32>,
      %swap3A_1373 = vector.shape_cast %swap3A_1372 : vector<16xi32> to vector<16xi32>
      %swap3A_1374 = vector.shape_cast %select_n3A_1370 : vector<16xi32> to vector<16xi32>
      tpu.vector_store %arg14[%swap3A_1371], %swap3A_1374 {strides = array<i32>} : memref<800xi32, #tpu.memory_space<vmem>>, vector<16xi32>,
      %get3A_1375 = arith.constant 720 : index
      %get3A_1376 = tpu.vector_load %arg11[%get3A_1375] {strides = array<i32>} : memref<800xi32, #tpu.memory_space<vmem>>, vector<16xi32>,
      %get3A_1377 = vector.shape_cast %get3A_1376 : vector<16xi32> to vector<16xi32>
      %ne3A_1378 = arith.constant 0 : i32
      %ne3A_1379 = vector.broadcast %ne3A_1378 : i32 to vector<16xi32>
      %ne3A_1380 = arith.cmpi ne, %get3A_1377, %ne3A_1379 : vector<16xi32>
      %get3A_1381 = arith.constant 720 : index
      %get3A_1382 = tpu.vector_load %arg12[%get3A_1381] {strides = array<i32>} : memref<800xi32, #tpu.memory_space<vmem>>, vector<16xi32>,
      %get3A_1383 = vector.shape_cast %get3A_1382 : vector<16xi32> to vector<16xi32>
      %select_n3A_1384 = arith.select %ne3A_1380, %get3A_1383, %broadcast_in_dim3A_28 : vector<16xi1>, vector<16xi32>
      %swap3A_1385 = arith.constant 720 : index
      %swap3A_1386 = tpu.vector_load %arg12[%swap3A_1385] {strides = array<i32>} : memref<800xi32, #tpu.memory_space<vmem>>, vector<16xi32>,
      %swap3A_1387 = vector.shape_cast %swap3A_1386 : vector<16xi32> to vector<16xi32>
      %swap3A_1388 = vector.shape_cast %select_n3A_1384 : vector<16xi32> to vector<16xi32>
      tpu.vector_store %arg12[%swap3A_1385], %swap3A_1388 {strides = array<i32>} : memref<800xi32, #tpu.memory_space<vmem>>, vector<16xi32>,
      %get3A_1389 = arith.constant 720 : index
      %get3A_1390 = tpu.vector_load %arg13[%get3A_1389] {strides = array<i32>} : memref<800xi32, #tpu.memory_space<vmem>>, vector<16xi32>,
      %get3A_1391 = vector.shape_cast %get3A_1390 : vector<16xi32> to vector<16xi32>
      %select_n3A_1392 = arith.select %ne3A_1380, %get3A_1391, %broadcast_in_dim3A_28 : vector<16xi1>, vector<16xi32>
      %swap3A_1393 = arith.constant 720 : index
      %swap3A_1394 = tpu.vector_load %arg13[%swap3A_1393] {strides = array<i32>} : memref<800xi32, #tpu.memory_space<vmem>>, vector<16xi32>,
      %swap3A_1395 = vector.shape_cast %swap3A_1394 : vector<16xi32> to vector<16xi32>
      %swap3A_1396 = vector.shape_cast %select_n3A_1392 : vector<16xi32> to vector<16xi32>
      tpu.vector_store %arg13[%swap3A_1393], %swap3A_1396 {strides = array<i32>} : memref<800xi32, #tpu.memory_space<vmem>>, vector<16xi32>,
      %get3A_1397 = arith.constant 720 : index
      %get3A_1398 = tpu.vector_load %arg14[%get3A_1397] {strides = array<i32>} : memref<800xi32, #tpu.memory_space<vmem>>, vector<16xi32>,
      %get3A_1399 = vector.shape_cast %get3A_1398 : vector<16xi32> to vector<16xi32>
      %select_n3A_1400 = arith.select %ne3A_1380, %get3A_1399, %broadcast_in_dim3A_28 : vector<16xi1>, vector<16xi32>
      %swap3A_1401 = arith.constant 720 : index
      %swap3A_1402 = tpu.vector_load %arg14[%swap3A_1401] {strides = array<i32>} : memref<800xi32, #tpu.memory_space<vmem>>, vector<16xi32>,
      %swap3A_1403 = vector.shape_cast %swap3A_1402 : vector<16xi32> to vector<16xi32>
      %swap3A_1404 = vector.shape_cast %select_n3A_1400 : vector<16xi32> to vector<16xi32>
      tpu.vector_store %arg14[%swap3A_1401], %swap3A_1404 {strides = array<i32>} : memref<800xi32, #tpu.memory_space<vmem>>, vector<16xi32>,
      %get3A_1405 = arith.constant 736 : index
      %get3A_1406 = tpu.vector_load %arg11[%get3A_1405] {strides = array<i32>} : memref<800xi32, #tpu.memory_space<vmem>>, vector<16xi32>,
      %get3A_1407 = vector.shape_cast %get3A_1406 : vector<16xi32> to vector<16xi32>
      %ne3A_1408 = arith.constant 0 : i32
      %ne3A_1409 = vector.broadcast %ne3A_1408 : i32 to vector<16xi32>
      %ne3A_1410 = arith.cmpi ne, %get3A_1407, %ne3A_1409 : vector<16xi32>
      %get3A_1411 = arith.constant 736 : index
      %get3A_1412 = tpu.vector_load %arg12[%get3A_1411] {strides = array<i32>} : memref<800xi32, #tpu.memory_space<vmem>>, vector<16xi32>,
      %get3A_1413 = vector.shape_cast %get3A_1412 : vector<16xi32> to vector<16xi32>
      %select_n3A_1414 = arith.select %ne3A_1410, %get3A_1413, %broadcast_in_dim3A_28 : vector<16xi1>, vector<16xi32>
      %swap3A_1415 = arith.constant 736 : index
      %swap3A_1416 = tpu.vector_load %arg12[%swap3A_1415] {strides = array<i32>} : memref<800xi32, #tpu.memory_space<vmem>>, vector<16xi32>,
      %swap3A_1417 = vector.shape_cast %swap3A_1416 : vector<16xi32> to vector<16xi32>
      %swap3A_1418 = vector.shape_cast %select_n3A_1414 : vector<16xi32> to vector<16xi32>
      tpu.vector_store %arg12[%swap3A_1415], %swap3A_1418 {strides = array<i32>} : memref<800xi32, #tpu.memory_space<vmem>>, vector<16xi32>,
      %get3A_1419 = arith.constant 736 : index
      %get3A_1420 = tpu.vector_load %arg13[%get3A_1419] {strides = array<i32>} : memref<800xi32, #tpu.memory_space<vmem>>, vector<16xi32>,
      %get3A_1421 = vector.shape_cast %get3A_1420 : vector<16xi32> to vector<16xi32>
      %select_n3A_1422 = arith.select %ne3A_1410, %get3A_1421, %broadcast_in_dim3A_28 : vector<16xi1>, vector<16xi32>
      %swap3A_1423 = arith.constant 736 : index
      %swap3A_1424 = tpu.vector_load %arg13[%swap3A_1423] {strides = array<i32>} : memref<800xi32, #tpu.memory_space<vmem>>, vector<16xi32>,
      %swap3A_1425 = vector.shape_cast %swap3A_1424 : vector<16xi32> to vector<16xi32>
      %swap3A_1426 = vector.shape_cast %select_n3A_1422 : vector<16xi32> to vector<16xi32>
      tpu.vector_store %arg13[%swap3A_1423], %swap3A_1426 {strides = array<i32>} : memref<800xi32, #tpu.memory_space<vmem>>, vector<16xi32>,
      %get3A_1427 = arith.constant 736 : index
      %get3A_1428 = tpu.vector_load %arg14[%get3A_1427] {strides = array<i32>} : memref<800xi32, #tpu.memory_space<vmem>>, vector<16xi32>,
      %get3A_1429 = vector.shape_cast %get3A_1428 : vector<16xi32> to vector<16xi32>
      %select_n3A_1430 = arith.select %ne3A_1410, %get3A_1429, %broadcast_in_dim3A_28 : vector<16xi1>, vector<16xi32>
      %swap3A_1431 = arith.constant 736 : index
      %swap3A_1432 = tpu.vector_load %arg14[%swap3A_1431] {strides = array<i32>} : memref<800xi32, #tpu.memory_space<vmem>>, vector<16xi32>,
      %swap3A_1433 = vector.shape_cast %swap3A_1432 : vector<16xi32> to vector<16xi32>
      %swap3A_1434 = vector.shape_cast %select_n3A_1430 : vector<16xi32> to vector<16xi32>
      tpu.vector_store %arg14[%swap3A_1431], %swap3A_1434 {strides = array<i32>} : memref<800xi32, #tpu.memory_space<vmem>>, vector<16xi32>,
      %get3A_1435 = arith.constant 752 : index
      %get3A_1436 = tpu.vector_load %arg11[%get3A_1435] {strides = array<i32>} : memref<800xi32, #tpu.memory_space<vmem>>, vector<16xi32>,
      %get3A_1437 = vector.shape_cast %get3A_1436 : vector<16xi32> to vector<16xi32>
      %ne3A_1438 = arith.constant 0 : i32
      %ne3A_1439 = vector.broadcast %ne3A_1438 : i32 to vector<16xi32>
      %ne3A_1440 = arith.cmpi ne, %get3A_1437, %ne3A_1439 : vector<16xi32>
      %get3A_1441 = arith.constant 752 : index
      %get3A_1442 = tpu.vector_load %arg12[%get3A_1441] {strides = array<i32>} : memref<800xi32, #tpu.memory_space<vmem>>, vector<16xi32>,
      %get3A_1443 = vector.shape_cast %get3A_1442 : vector<16xi32> to vector<16xi32>
      %select_n3A_1444 = arith.select %ne3A_1440, %get3A_1443, %broadcast_in_dim3A_28 : vector<16xi1>, vector<16xi32>
      %swap3A_1445 = arith.constant 752 : index
      %swap3A_1446 = tpu.vector_load %arg12[%swap3A_1445] {strides = array<i32>} : memref<800xi32, #tpu.memory_space<vmem>>, vector<16xi32>,
      %swap3A_1447 = vector.shape_cast %swap3A_1446 : vector<16xi32> to vector<16xi32>
      %swap3A_1448 = vector.shape_cast %select_n3A_1444 : vector<16xi32> to vector<16xi32>
      tpu.vector_store %arg12[%swap3A_1445], %swap3A_1448 {strides = array<i32>} : memref<800xi32, #tpu.memory_space<vmem>>, vector<16xi32>,
      %get3A_1449 = arith.constant 752 : index
      %get3A_1450 = tpu.vector_load %arg13[%get3A_1449] {strides = array<i32>} : memref<800xi32, #tpu.memory_space<vmem>>, vector<16xi32>,
      %get3A_1451 = vector.shape_cast %get3A_1450 : vector<16xi32> to vector<16xi32>
      %select_n3A_1452 = arith.select %ne3A_1440, %get3A_1451, %broadcast_in_dim3A_28 : vector<16xi1>, vector<16xi32>
      %swap3A_1453 = arith.constant 752 : index
      %swap3A_1454 = tpu.vector_load %arg13[%swap3A_1453] {strides = array<i32>} : memref<800xi32, #tpu.memory_space<vmem>>, vector<16xi32>,
      %swap3A_1455 = vector.shape_cast %swap3A_1454 : vector<16xi32> to vector<16xi32>
      %swap3A_1456 = vector.shape_cast %select_n3A_1452 : vector<16xi32> to vector<16xi32>
      tpu.vector_store %arg13[%swap3A_1453], %swap3A_1456 {strides = array<i32>} : memref<800xi32, #tpu.memory_space<vmem>>, vector<16xi32>,
      %get3A_1457 = arith.constant 752 : index
      %get3A_1458 = tpu.vector_load %arg14[%get3A_1457] {strides = array<i32>} : memref<800xi32, #tpu.memory_space<vmem>>, vector<16xi32>,
      %get3A_1459 = vector.shape_cast %get3A_1458 : vector<16xi32> to vector<16xi32>
      %select_n3A_1460 = arith.select %ne3A_1440, %get3A_1459, %broadcast_in_dim3A_28 : vector<16xi1>, vector<16xi32>
      %swap3A_1461 = arith.constant 752 : index
      %swap3A_1462 = tpu.vector_load %arg14[%swap3A_1461] {strides = array<i32>} : memref<800xi32, #tpu.memory_space<vmem>>, vector<16xi32>,
      %swap3A_1463 = vector.shape_cast %swap3A_1462 : vector<16xi32> to vector<16xi32>
      %swap3A_1464 = vector.shape_cast %select_n3A_1460 : vector<16xi32> to vector<16xi32>
      tpu.vector_store %arg14[%swap3A_1461], %swap3A_1464 {strides = array<i32>} : memref<800xi32, #tpu.memory_space<vmem>>, vector<16xi32>,
      %get3A_1465 = arith.constant 768 : index
      %get3A_1466 = tpu.vector_load %arg11[%get3A_1465] {strides = array<i32>} : memref<800xi32, #tpu.memory_space<vmem>>, vector<16xi32>,
      %get3A_1467 = vector.shape_cast %get3A_1466 : vector<16xi32> to vector<16xi32>
      %ne3A_1468 = arith.constant 0 : i32
      %ne3A_1469 = vector.broadcast %ne3A_1468 : i32 to vector<16xi32>
      %ne3A_1470 = arith.cmpi ne, %get3A_1467, %ne3A_1469 : vector<16xi32>
      %get3A_1471 = arith.constant 768 : index
      %get3A_1472 = tpu.vector_load %arg12[%get3A_1471] {strides = array<i32>} : memref<800xi32, #tpu.memory_space<vmem>>, vector<16xi32>,
      %get3A_1473 = vector.shape_cast %get3A_1472 : vector<16xi32> to vector<16xi32>
      %select_n3A_1474 = arith.select %ne3A_1470, %get3A_1473, %broadcast_in_dim3A_28 : vector<16xi1>, vector<16xi32>
      %swap3A_1475 = arith.constant 768 : index
      %swap3A_1476 = tpu.vector_load %arg12[%swap3A_1475] {strides = array<i32>} : memref<800xi32, #tpu.memory_space<vmem>>, vector<16xi32>,
      %swap3A_1477 = vector.shape_cast %swap3A_1476 : vector<16xi32> to vector<16xi32>
      %swap3A_1478 = vector.shape_cast %select_n3A_1474 : vector<16xi32> to vector<16xi32>
      tpu.vector_store %arg12[%swap3A_1475], %swap3A_1478 {strides = array<i32>} : memref<800xi32, #tpu.memory_space<vmem>>, vector<16xi32>,
      %get3A_1479 = arith.constant 768 : index
      %get3A_1480 = tpu.vector_load %arg13[%get3A_1479] {strides = array<i32>} : memref<800xi32, #tpu.memory_space<vmem>>, vector<16xi32>,
      %get3A_1481 = vector.shape_cast %get3A_1480 : vector<16xi32> to vector<16xi32>
      %select_n3A_1482 = arith.select %ne3A_1470, %get3A_1481, %broadcast_in_dim3A_28 : vector<16xi1>, vector<16xi32>
      %swap3A_1483 = arith.constant 768 : index
      %swap3A_1484 = tpu.vector_load %arg13[%swap3A_1483] {strides = array<i32>} : memref<800xi32, #tpu.memory_space<vmem>>, vector<16xi32>,
      %swap3A_1485 = vector.shape_cast %swap3A_1484 : vector<16xi32> to vector<16xi32>
      %swap3A_1486 = vector.shape_cast %select_n3A_1482 : vector<16xi32> to vector<16xi32>
      tpu.vector_store %arg13[%swap3A_1483], %swap3A_1486 {strides = array<i32>} : memref<800xi32, #tpu.memory_space<vmem>>, vector<16xi32>,
      %get3A_1487 = arith.constant 768 : index
      %get3A_1488 = tpu.vector_load %arg14[%get3A_1487] {strides = array<i32>} : memref<800xi32, #tpu.memory_space<vmem>>, vector<16xi32>,
      %get3A_1489 = vector.shape_cast %get3A_1488 : vector<16xi32> to vector<16xi32>
      %select_n3A_1490 = arith.select %ne3A_1470, %get3A_1489, %broadcast_in_dim3A_28 : vector<16xi1>, vector<16xi32>
      %swap3A_1491 = arith.constant 768 : index
      %swap3A_1492 = tpu.vector_load %arg14[%swap3A_1491] {strides = array<i32>} : memref<800xi32, #tpu.memory_space<vmem>>, vector<16xi32>,
      %swap3A_1493 = vector.shape_cast %swap3A_1492 : vector<16xi32> to vector<16xi32>
      %swap3A_1494 = vector.shape_cast %select_n3A_1490 : vector<16xi32> to vector<16xi32>
      tpu.vector_store %arg14[%swap3A_1491], %swap3A_1494 {strides = array<i32>} : memref<800xi32, #tpu.memory_space<vmem>>, vector<16xi32>,
      %get3A_1495 = arith.constant 784 : index
      %get3A_1496 = tpu.vector_load %arg11[%get3A_1495] {strides = array<i32>} : memref<800xi32, #tpu.memory_space<vmem>>, vector<16xi32>,
      %get3A_1497 = vector.shape_cast %get3A_1496 : vector<16xi32> to vector<16xi32>
      %ne3A_1498 = arith.constant 0 : i32
      %ne3A_1499 = vector.broadcast %ne3A_1498 : i32 to vector<16xi32>
      %ne3A_1500 = arith.cmpi ne, %get3A_1497, %ne3A_1499 : vector<16xi32>
      %get3A_1501 = arith.constant 784 : index
      %get3A_1502 = tpu.vector_load %arg12[%get3A_1501] {strides = array<i32>} : memref<800xi32, #tpu.memory_space<vmem>>, vector<16xi32>,
      %get3A_1503 = vector.shape_cast %get3A_1502 : vector<16xi32> to vector<16xi32>
      %select_n3A_1504 = arith.select %ne3A_1500, %get3A_1503, %broadcast_in_dim3A_28 : vector<16xi1>, vector<16xi32>
      %swap3A_1505 = arith.constant 784 : index
      %swap3A_1506 = tpu.vector_load %arg12[%swap3A_1505] {strides = array<i32>} : memref<800xi32, #tpu.memory_space<vmem>>, vector<16xi32>,
      %swap3A_1507 = vector.shape_cast %swap3A_1506 : vector<16xi32> to vector<16xi32>
      %swap3A_1508 = vector.shape_cast %select_n3A_1504 : vector<16xi32> to vector<16xi32>
      tpu.vector_store %arg12[%swap3A_1505], %swap3A_1508 {strides = array<i32>} : memref<800xi32, #tpu.memory_space<vmem>>, vector<16xi32>,
      %get3A_1509 = arith.constant 784 : index
      %get3A_1510 = tpu.vector_load %arg13[%get3A_1509] {strides = array<i32>} : memref<800xi32, #tpu.memory_space<vmem>>, vector<16xi32>,
      %get3A_1511 = vector.shape_cast %get3A_1510 : vector<16xi32> to vector<16xi32>
      %select_n3A_1512 = arith.select %ne3A_1500, %get3A_1511, %broadcast_in_dim3A_28 : vector<16xi1>, vector<16xi32>
      %swap3A_1513 = arith.constant 784 : index
      %swap3A_1514 = tpu.vector_load %arg13[%swap3A_1513] {strides = array<i32>} : memref<800xi32, #tpu.memory_space<vmem>>, vector<16xi32>,
      %swap3A_1515 = vector.shape_cast %swap3A_1514 : vector<16xi32> to vector<16xi32>
      %swap3A_1516 = vector.shape_cast %select_n3A_1512 : vector<16xi32> to vector<16xi32>
      tpu.vector_store %arg13[%swap3A_1513], %swap3A_1516 {strides = array<i32>} : memref<800xi32, #tpu.memory_space<vmem>>, vector<16xi32>,
      %get3A_1517 = arith.constant 784 : index
      %get3A_1518 = tpu.vector_load %arg14[%get3A_1517] {strides = array<i32>} : memref<800xi32, #tpu.memory_space<vmem>>, vector<16xi32>,
      %get3A_1519 = vector.shape_cast %get3A_1518 : vector<16xi32> to vector<16xi32>
      %select_n3A_1520 = arith.select %ne3A_1500, %get3A_1519, %broadcast_in_dim3A_28 : vector<16xi1>, vector<16xi32>
      %swap3A_1521 = arith.constant 784 : index
      %swap3A_1522 = tpu.vector_load %arg14[%swap3A_1521] {strides = array<i32>} : memref<800xi32, #tpu.memory_space<vmem>>, vector<16xi32>,
      %swap3A_1523 = vector.shape_cast %swap3A_1522 : vector<16xi32> to vector<16xi32>
      %swap3A_1524 = vector.shape_cast %select_n3A_1520 : vector<16xi32> to vector<16xi32>
      tpu.vector_store %arg14[%swap3A_1521], %swap3A_1524 {strides = array<i32>} : memref<800xi32, #tpu.memory_space<vmem>>, vector<16xi32>,
      "tpu.region"() ({
        %run_scoped3A = tpu.sem_alloc : memref<!tpu.dma_semaphore, #tpu.memory_space<semaphore_mem>>
        %dma_start3A_1537 = tpu.memref_slice %arg8[%multiple_of3A] : memref<204800xi32, #tpu.memory_space<hbm>> -> memref<800xi32, #tpu.memory_space<hbm>>
        %dma_start3A_1538 = tpu.memref_slice %arg8[%multiple_of3A] : memref<204800xi32, #tpu.memory_space<hbm>> -> memref<800xi32, #tpu.memory_space<hbm>>
        tpu.enqueue_dma source(%arg12 : memref<800xi32, #tpu.memory_space<vmem>>) target(%dma_start3A_1538 : memref<800xi32, #tpu.memory_space<hbm>>) target_semaphore(%run_scoped3A : memref<!tpu.dma_semaphore, #tpu.memory_space<semaphore_mem>>)
        %dma_wait3A_1539 = tpu.memref_slice %arg8[%multiple_of3A] : memref<204800xi32, #tpu.memory_space<hbm>> -> memref<800xi32, #tpu.memory_space<hbm>>
        %dma_wait3A_1540 = tpu.memref_slice %arg8[%multiple_of3A] : memref<204800xi32, #tpu.memory_space<hbm>> -> memref<800xi32, #tpu.memory_space<hbm>>
        tpu.wait_dma2 semaphore(%run_scoped3A : memref<!tpu.dma_semaphore, #tpu.memory_space<semaphore_mem>>) src(%arg12 : memref<800xi32, #tpu.memory_space<vmem>>) dst(%dma_wait3A_1540 : memref<800xi32, #tpu.memory_space<hbm>>)
        tpu.yield
      }) : () -> ()
      "tpu.region"() ({
        %run_scoped3A = tpu.sem_alloc : memref<!tpu.dma_semaphore, #tpu.memory_space<semaphore_mem>>
        %dma_start3A_1537 = tpu.memref_slice %arg9[%multiple_of3A] : memref<204800xi32, #tpu.memory_space<hbm>> -> memref<800xi32, #tpu.memory_space<hbm>>
        %dma_start3A_1538 = tpu.memref_slice %arg9[%multiple_of3A] : memref<204800xi32, #tpu.memory_space<hbm>> -> memref<800xi32, #tpu.memory_space<hbm>>
        tpu.enqueue_dma source(%arg13 : memref<800xi32, #tpu.memory_space<vmem>>) target(%dma_start3A_1538 : memref<800xi32, #tpu.memory_space<hbm>>) target_semaphore(%run_scoped3A : memref<!tpu.dma_semaphore, #tpu.memory_space<semaphore_mem>>)
        %dma_wait3A_1539 = tpu.memref_slice %arg9[%multiple_of3A] : memref<204800xi32, #tpu.memory_space<hbm>> -> memref<800xi32, #tpu.memory_space<hbm>>
        %dma_wait3A_1540 = tpu.memref_slice %arg9[%multiple_of3A] : memref<204800xi32, #tpu.memory_space<hbm>> -> memref<800xi32, #tpu.memory_space<hbm>>
        tpu.wait_dma2 semaphore(%run_scoped3A : memref<!tpu.dma_semaphore, #tpu.memory_space<semaphore_mem>>) src(%arg13 : memref<800xi32, #tpu.memory_space<vmem>>) dst(%dma_wait3A_1540 : memref<800xi32, #tpu.memory_space<hbm>>)
        tpu.yield
      }) : () -> ()
      "tpu.region"() ({
        %run_scoped3A = tpu.sem_alloc : memref<!tpu.dma_semaphore, #tpu.memory_space<semaphore_mem>>
        %dma_start3A_1537 = tpu.memref_slice %arg10[%multiple_of3A] : memref<204800xi32, #tpu.memory_space<hbm>> -> memref<800xi32, #tpu.memory_space<hbm>>
        %dma_start3A_1538 = tpu.memref_slice %arg10[%multiple_of3A] : memref<204800xi32, #tpu.memory_space<hbm>> -> memref<800xi32, #tpu.memory_space<hbm>>
        tpu.enqueue_dma source(%arg14 : memref<800xi32, #tpu.memory_space<vmem>>) target(%dma_start3A_1538 : memref<800xi32, #tpu.memory_space<hbm>>) target_semaphore(%run_scoped3A : memref<!tpu.dma_semaphore, #tpu.memory_space<semaphore_mem>>)
        %dma_wait3A_1539 = tpu.memref_slice %arg10[%multiple_of3A] : memref<204800xi32, #tpu.memory_space<hbm>> -> memref<800xi32, #tpu.memory_space<hbm>>
        %dma_wait3A_1540 = tpu.memref_slice %arg10[%multiple_of3A] : memref<204800xi32, #tpu.memory_space<hbm>> -> memref<800xi32, #tpu.memory_space<hbm>>
        tpu.wait_dma2 semaphore(%run_scoped3A : memref<!tpu.dma_semaphore, #tpu.memory_space<semaphore_mem>>) src(%arg14 : memref<800xi32, #tpu.memory_space<vmem>>) dst(%dma_wait3A_1540 : memref<800xi32, #tpu.memory_space<hbm>>)
        tpu.yield
      }) : () -> ()
      %dma_wait3A_1525 = arith.constant 0 : i32
      %dma_wait3A_1526 = arith.constant 0 : i32
      %dma_wait3A_1527 = tpu.memref_slice %arg15[%dma_wait3A_1525, %dma_wait3A_1526] : memref<800x128xf32, #tpu.memory_space<vmem>> -> memref<400x128xf32, #tpu.memory_space<vmem>>
      %dma_wait3A_1528 = arith.constant 0 : i32
      %dma_wait3A_1529 = arith.constant 0 : i32
      %dma_wait3A_1530 = tpu.memref_slice %arg7[%dma_wait3A_1528, %dma_wait3A_1529] : memref<204800x128xf32, #tpu.memory_space<hbm>> -> memref<400x128xf32, #tpu.memory_space<hbm>>
      %dma_wait3A_1531 = arith.constant 0 : i32
      %dma_wait3A_1532 = arith.constant 0 : i32
      %dma_wait3A_1533 = tpu.memref_slice %arg15[%dma_wait3A_1531, %dma_wait3A_1532] : memref<800x128xf32, #tpu.memory_space<vmem>> -> memref<400x128xf32, #tpu.memory_space<vmem>>
      %dma_wait3A_1534 = arith.constant 0 : i32
      %dma_wait3A_1535 = arith.constant 0 : i32
      %dma_wait3A_1536 = tpu.memref_slice %arg7[%dma_wait3A_1534, %dma_wait3A_1535] : memref<204800x128xf32, #tpu.memory_space<hbm>> -> memref<400x128xf32, #tpu.memory_space<hbm>>
      tpu.wait_dma2 semaphore(%arg17 : memref<!tpu.dma_semaphore, #tpu.memory_space<semaphore_mem>>) src(%dma_wait3A_1536 : memref<400x128xf32, #tpu.memory_space<hbm>>) dst(%dma_wait3A_1533 : memref<400x128xf32, #tpu.memory_space<vmem>>)
      "tpu.region"() ({
        %run_scoped3A = tpu.sem_alloc : memref<!tpu.dma_semaphore, #tpu.memory_space<semaphore_mem>>
        %dma_start3A_1537 = arith.constant 0 : i32
        %dma_start3A_1538 = tpu.memref_slice %arg7[%multiple_of3A, %dma_start3A_1537] : memref<204800x128xf32, #tpu.memory_space<hbm>> -> memref<800x128xf32, #tpu.memory_space<hbm>>
        %dma_start3A_1539 = arith.constant 0 : i32
        %dma_start3A_1540 = tpu.memref_slice %arg7[%multiple_of3A, %dma_start3A_1539] : memref<204800x128xf32, #tpu.memory_space<hbm>> -> memref<800x128xf32, #tpu.memory_space<hbm>>
        tpu.enqueue_dma source(%arg15 : memref<800x128xf32, #tpu.memory_space<vmem>>) target(%dma_start3A_1540 : memref<800x128xf32, #tpu.memory_space<hbm>>) target_semaphore(%run_scoped3A : memref<!tpu.dma_semaphore, #tpu.memory_space<semaphore_mem>>)
        %dma_wait3A_1541 = arith.constant 0 : i32
        %dma_wait3A_1542 = tpu.memref_slice %arg7[%multiple_of3A, %dma_wait3A_1541] : memref<204800x128xf32, #tpu.memory_space<hbm>> -> memref<800x128xf32, #tpu.memory_space<hbm>>
        %dma_wait3A_1543 = arith.constant 0 : i32
        %dma_wait3A_1544 = tpu.memref_slice %arg7[%multiple_of3A, %dma_wait3A_1543] : memref<204800x128xf32, #tpu.memory_space<hbm>> -> memref<800x128xf32, #tpu.memory_space<hbm>>
        tpu.wait_dma2 semaphore(%run_scoped3A : memref<!tpu.dma_semaphore, #tpu.memory_space<semaphore_mem>>) src(%arg15 : memref<800x128xf32, #tpu.memory_space<vmem>>) dst(%dma_wait3A_1544 : memref<800x128xf32, #tpu.memory_space<hbm>>)
        tpu.yield
      }) : () -> ()
    }
    %scan3A_7 = arith.constant 8 : i32
    return
  }
}

module attributes {stable_mosaic.version = 14 : i64} {
  func.func @_tc_body(%arg0: i32, %arg1: memref<6400x128xf32, #tpu.memory_space<vmem>>, %arg2: memref<6400x128xf32, #tpu.memory_space<vmem>>, %arg3: memref<32x64xf32, #tpu.memory_space<vmem>>, %arg4: memref<32x64xf32, #tpu.memory_space<vmem>>, %arg5: memref<32x64xf32, #tpu.memory_space<vmem>>, %arg6: memref<1x64xf32, #tpu.memory_space<vmem>>, %arg7: memref<1x64xf32, #tpu.memory_space<vmem>>, %arg8: memref<128x50x64xf32, #tpu.memory_space<vmem>>) attributes {dimension_semantics = [#tpu.dimension_semantics<arbitrary>], iteration_bounds = array<i64: 32>, scalar_prefetch = 0 : i64, scratch_operands = 0 : i64, tpu.core_type = #tpu.core_type<tc>, window_params = [{transform_indices = @transform_0, window_bounds = array<i64: 6400, 128>}, {transform_indices = @transform_1, window_bounds = array<i64: 6400, 128>}, {pipeline_mode = #tpu.pipeline_mode<synchronous>, transform_indices = @transform_2, window_bounds = array<i64: 32, 64>}, {pipeline_mode = #tpu.pipeline_mode<synchronous>, transform_indices = @transform_3, window_bounds = array<i64: 32, 64>}, {pipeline_mode = #tpu.pipeline_mode<synchronous>, transform_indices = @transform_4, window_bounds = array<i64: 32, 64>}, {pipeline_mode = #tpu.pipeline_mode<synchronous>, transform_indices = @transform_5, window_bounds = array<i64: 1, 64>}, {pipeline_mode = #tpu.pipeline_mode<synchronous>, transform_indices = @transform_6, window_bounds = array<i64: 1, 64>}, {transform_indices = @transform_7, window_bounds = array<i64: 128, 50, 64>}]} {
    %get3A = arith.constant 0 : index
    %get3A_0 = arith.constant 0 : index
    %get3A_1 = vector.load %arg1[%get3A, %get3A_0] : memref<6400x128xf32, #tpu.memory_space<vmem>>, vector<6400x64xf32>
    %get3A_2 = arith.constant 0 : index
    %get3A_3 = arith.constant 0 : index
    %get3A_4 = vector.load %arg2[%get3A_2, %get3A_3] : memref<6400x128xf32, #tpu.memory_space<vmem>>, vector<6400x128xf32>
    %slice3A = vector.extract_strided_slice %get3A_4 {offsets = [0, 0], sizes = [6400, 32], strides = [1, 1]} : vector<6400x128xf32> to vector<6400x32xf32>
    %slice3A_5 = vector.extract_strided_slice %get3A_4 {offsets = [0, 32], sizes = [6400, 32], strides = [1, 1]} : vector<6400x128xf32> to vector<6400x32xf32>
    %slice3A_6 = vector.extract_strided_slice %get3A_4 {offsets = [0, 64], sizes = [6400, 32], strides = [1, 1]} : vector<6400x128xf32> to vector<6400x32xf32>
    %get3A_7 = arith.constant 0 : index
    %get3A_8 = arith.constant 0 : index
    %get3A_9 = vector.load %arg3[%get3A_7, %get3A_8] : memref<32x64xf32, #tpu.memory_space<vmem>>, vector<32x64xf32>
    %dot_general3A = arith.constant dense<0.000000e+00> : vector<6400x64xf32>
    %dot_general3A_10 = tpu.matmul %slice3A, %get3A_9, %dot_general3A {dimension_numbers = #tpu.dot_dimension_numbers<[1], [0], [0], [1], [0, 0, 1, 1], [], []>, transpose_lhs_hint = false} : vector<6400x32xf32>, vector<32x64xf32>, vector<6400x64xf32> -> vector<6400x64xf32>
    %get3A_11 = arith.constant 0 : index
    %get3A_12 = arith.constant 0 : index
    %get3A_13 = vector.load %arg4[%get3A_11, %get3A_12] : memref<32x64xf32, #tpu.memory_space<vmem>>, vector<32x64xf32>
    %dot_general3A_14 = arith.constant dense<0.000000e+00> : vector<6400x64xf32>
    %dot_general3A_15 = tpu.matmul %slice3A_5, %get3A_13, %dot_general3A_14 {dimension_numbers = #tpu.dot_dimension_numbers<[1], [0], [0], [1], [0, 0, 1, 1], [], []>, transpose_lhs_hint = false} : vector<6400x32xf32>, vector<32x64xf32>, vector<6400x64xf32> -> vector<6400x64xf32>
    %add3A = arith.addf %dot_general3A_10, %dot_general3A_15 : vector<6400x64xf32>
    %get3A_16 = arith.constant 0 : index
    %get3A_17 = arith.constant 0 : index
    %get3A_18 = vector.load %arg5[%get3A_16, %get3A_17] : memref<32x64xf32, #tpu.memory_space<vmem>>, vector<32x64xf32>
    %dot_general3A_19 = arith.constant dense<0.000000e+00> : vector<6400x64xf32>
    %dot_general3A_20 = tpu.matmul %slice3A_6, %get3A_18, %dot_general3A_19 {dimension_numbers = #tpu.dot_dimension_numbers<[1], [0], [0], [1], [0, 0, 1, 1], [], []>, transpose_lhs_hint = false} : vector<6400x32xf32>, vector<32x64xf32>, vector<6400x64xf32> -> vector<6400x64xf32>
    %add3A_21 = arith.addf %add3A, %dot_general3A_20 : vector<6400x64xf32>
    %reduce_sum3A = arith.constant dense<0.000000e+00> : vector<6400xf32>
    %reduce_sum3A_22 = vector.multi_reduction <add>, %add3A_21, %reduce_sum3A [1] : vector<6400x64xf32> to vector<6400xf32>
    %broadcast_in_dim3A = vector.shape_cast %reduce_sum3A_22 : vector<6400xf32> to vector<6400x1xf32>
    %div3A = arith.constant 6.400000e+01 : f32
    %div3A_23 = vector.broadcast %div3A : f32 to vector<6400x1xf32>
    %div3A_24 = arith.divf %broadcast_in_dim3A, %div3A_23 : vector<6400x1xf32>
    %sub3A = vector.broadcast %div3A_24 : vector<6400x1xf32> to vector<6400x64xf32>
    %sub3A_25 = arith.subf %add3A_21, %sub3A : vector<6400x64xf32>
    %mul3A = arith.mulf %sub3A_25, %sub3A_25 : vector<6400x64xf32>
    %reduce_sum3A_26 = arith.constant dense<0.000000e+00> : vector<6400xf32>
    %reduce_sum3A_27 = vector.multi_reduction <add>, %mul3A, %reduce_sum3A_26 [1] : vector<6400x64xf32> to vector<6400xf32>
    %broadcast_in_dim3A_28 = vector.shape_cast %reduce_sum3A_27 : vector<6400xf32> to vector<6400x1xf32>
    %div3A_29 = arith.constant 6.400000e+01 : f32
    %div3A_30 = vector.broadcast %div3A_29 : f32 to vector<6400x1xf32>
    %div3A_31 = arith.divf %broadcast_in_dim3A_28, %div3A_30 : vector<6400x1xf32>
    %add3A_32 = arith.constant 9.99999974E-6 : f32
    %add3A_33 = vector.broadcast %add3A_32 : f32 to vector<6400x1xf32>
    %add3A_34 = arith.addf %div3A_31, %add3A_33 : vector<6400x1xf32>
    %rsqrt3A = math.rsqrt %add3A_34 : vector<6400x1xf32>
    %mul3A_35 = vector.broadcast %rsqrt3A : vector<6400x1xf32> to vector<6400x64xf32>
    %mul3A_36 = arith.mulf %sub3A_25, %mul3A_35 : vector<6400x64xf32>
    %get3A_37 = arith.constant 0 : index
    %get3A_38 = arith.constant 0 : index
    %get3A_39 = vector.load %arg6[%get3A_37, %get3A_38] : memref<1x64xf32, #tpu.memory_space<vmem>>, vector<1x64xf32>
    %mul3A_40 = vector.broadcast %get3A_39 : vector<1x64xf32> to vector<6400x64xf32>
    %mul3A_41 = arith.mulf %mul3A_36, %mul3A_40 : vector<6400x64xf32>
    %get3A_42 = arith.constant 0 : index
    %get3A_43 = arith.constant 0 : index
    %get3A_44 = vector.load %arg7[%get3A_42, %get3A_43] : memref<1x64xf32, #tpu.memory_space<vmem>>, vector<1x64xf32>
    %add3A_45 = vector.broadcast %get3A_44 : vector<1x64xf32> to vector<6400x64xf32>
    %add3A_46 = arith.addf %mul3A_41, %add3A_45 : vector<6400x64xf32>
    %add3A_47 = arith.addf %get3A_1, %add3A_46 : vector<6400x64xf32>
    %reshape3A = vector.shape_cast %add3A_47 : vector<6400x64xf32> to vector<128x50x64xf32>
    %swap3A = arith.constant 0 : index
    %swap3A_48 = arith.constant 0 : index
    %swap3A_49 = arith.constant 0 : index
    %swap3A_50 = vector.load %arg8[%swap3A, %swap3A_48, %swap3A_49] : memref<128x50x64xf32, #tpu.memory_space<vmem>>, vector<128x50x64xf32>
    tpu.vector_store %arg8[%swap3A, %swap3A_48, %swap3A_49], %reshape3A {strides = array<i32>} : memref<128x50x64xf32, #tpu.memory_space<vmem>>, vector<128x50x64xf32>,
    return
  }
  func.func @transform_0(%arg0: i32) -> (i32, i32) {
    %c0_i32 = arith.constant 0 : i32
    %c0_i32_0 = arith.constant 0 : i32
    return %arg0, %c0_i32 : i32, i32
  }
  func.func @transform_1(%arg0: i32) -> (i32, i32) {
    %c0_i32 = arith.constant 0 : i32
    %c0_i32_0 = arith.constant 0 : i32
    return %arg0, %c0_i32 : i32, i32
  }
  func.func @transform_2(%arg0: i32) -> (i32, i32) {
    %c0_i32 = arith.constant 0 : i32
    %c0_i32_0 = arith.constant 0 : i32
    %c0_i32_1 = arith.constant 0 : i32
    return %c0_i32, %c0_i32_0 : i32, i32
  }
  func.func @transform_3(%arg0: i32) -> (i32, i32) {
    %c0_i32 = arith.constant 0 : i32
    %c0_i32_0 = arith.constant 0 : i32
    %c0_i32_1 = arith.constant 0 : i32
    return %c0_i32, %c0_i32_0 : i32, i32
  }
  func.func @transform_4(%arg0: i32) -> (i32, i32) {
    %c0_i32 = arith.constant 0 : i32
    %c0_i32_0 = arith.constant 0 : i32
    %c0_i32_1 = arith.constant 0 : i32
    return %c0_i32, %c0_i32_0 : i32, i32
  }
  func.func @transform_5(%arg0: i32) -> (i32, i32) {
    %c0_i32 = arith.constant 0 : i32
    %c0_i32_0 = arith.constant 0 : i32
    %c0_i32_1 = arith.constant 0 : i32
    return %c0_i32, %c0_i32_0 : i32, i32
  }
  func.func @transform_6(%arg0: i32) -> (i32, i32) {
    %c0_i32 = arith.constant 0 : i32
    %c0_i32_0 = arith.constant 0 : i32
    %c0_i32_1 = arith.constant 0 : i32
    return %c0_i32, %c0_i32_0 : i32, i32
  }
  func.func @transform_7(%arg0: i32) -> (i32, i32, i32) {
    %c0_i32 = arith.constant 0 : i32
    %c0_i32_0 = arith.constant 0 : i32
    %c0_i32_1 = arith.constant 0 : i32
    return %arg0, %c0_i32, %c0_i32_0 : i32, i32, i32
  }
}

</mosaic_0001>

<sc_bundles>
// kernel: kernel.5.cloned.1.call-start
scs
__scs_entry_jumppad:
0x0: {  	(pc) =	sbr.rel $0x88, $3  }
0x1: {  	(tag) =	ssettag $0x0;
	lr =	simm.s32 $0x1  }
0x2: {  	[smem:$0x3F96] =	sst lr;
	_ =	strace $0xD0000000  }
0x3: {  	_ = 	snop  }
0x4: {  	_ = 	snop  }
0x5: {  	_ = 	snop  }
0x6: {  	_ = 	snop  }
0x7: {  	_ = 	snop  }
__scs_overlays_trampoline_lowered:
0x8: {  	[smem:$0x3FA5] =	sst s0  }
0x9: {  	[smem:$0x3FA6] =	sst s1  }
0xa: {  	[smem:$0x3FA7] =	sst s2  }
0xb: {  	[smem:$0x3FA8] =	sst s3  }
0xc: {  	[smem:$0x3FA9] =	sst s4  }
0xd: {  	[smem:$0x3FAA] =	sst s5  }
0xe: {  	[smem:$0x3FAB] =	sst s6  }
0xf: {  	[smem:$0x3FAC] =	sst s7  }
0x10: {  	[smem:$0x3FAD] =	sst s8  }
0x11: {  	[smem:$0x3FAE] =	sst s9;
	s0 =	simm.s32 @!p0 $0x0  }
0x12: {  	s1 =	sld [smem:$0x3F94];
	s0 =	simm.s32 @p0 $0x1  }
0x13: {  	[smem:$0x3FAF] =	sst s0;
	s0 =	simm.s32 @!p1 $0x0  }
0x14: {  	s2 =	sld [smem:$0x3F93];
	s0 =	simm.s32 @p1 $0x1  }
0x15: {  	[smem:$0x3FB0] =	sst s0;
	s0 =	simm.s32 @!p2 $0x0  }
0x16: {  	s3 =	sld [smem:$0x3FDB];
	s0 =	simm.s32 @p2 $0x1  }
0x17: {  	s4 =	simm.s32 $0x1BF5;
	[smem:$0x3FB2] =	sst s0  }
0x18: {  	s0 =	sld [smem:$0x3F95];
	_ =	swait.ge [sflag:s4], $0x0  }
0x19: {  	s7 =	sld [smem:$0x3F96]  }
0x1a: {  	s8 =	sadd.s32 $0xFFFFE003, lr  }
0x1b: {  	s9 =	sadd.s32 $0xFFFFFEF7, lr;
	s5 =	simm.s32 $0xFFFFFFFF;
	p2 =	slt.u32 s8, $0xFFFFF086  }
0x1c: {  	p1 =	slt.u32 s9, $0xF7A;
	s5 =	simm.s32 @!p2 $0x0  }
0x1d: {  	s5 =	simm.s32 @p1 $0x1;
	p0 =	seq.s32 s7, s2  }
0x1e: {  	s7 =	smul.u32 @!p0 $0xF7A, s2;
	p2 =	seq.s32 @!p0 s5, $0x0  }
0x1f: {  	s9 =	smul.u32 $0xF7A, s1;
	s8 =	simm.s32 @!p0 $0x1BF5;
	p2 =	por !p2, p0  }
0x20: {  	[sflag:s8] =	ssyncset.s32 @!p0 $0xFFFFF086;
	s6 =	sadd.s32 @!p0 s3, s7;
	s7 =	simm.s32 @!p0 $0x108  }
0x21: {  	s3 =	sadd.s32 s3, s9;
	s6 =	sadd.s32 @!p0 $0x88, s6;
	s7 =	simm.s32 @p2 $0x1082  }
0x22: {  	[simem:s7], [sflag:s8] =	dma.local @!p0 [hbm:s6], $0xF7A  }
0x23: {  	s9 =	sor.u32 $0xD0000000, s2;
	s6 =	simm.s32 $0x108;
	_ =	swait.ge @!p0 [sflag:s8], $0x0  }
0x24: {  	s3 =	sadd.s32 $0x88, s3;
	s6 =	simm.s32 @!p1 $0x1082;
	[sflag:s4] =	ssyncset.s32 $0xFFFFF086  }
0x25: {  	[simem:s6], [sflag:s4] =	dma.local [hbm:s3], $0xF7A  }
0x26: {  	[smem:$0x3F96] =	sst s1;
	(tag) =	ssettag s2;
	_ =	strace s9  }
0x27: {  	s1 =	sld [smem:$0x3FA6]  }
0x28: {  	s2 =	sld [smem:$0x3FA7]  }
0x29: {  	s4 =	sld [smem:$0x3FA9]  }
0x2a: {  	p0 =	seq.s32 s5, $0x0;
	s5 =	sld [smem:$0x3FAA]  }
0x2b: {  	s6 =	sld [smem:$0x3FAB]  }
0x2c: {  	s7 =	sld [smem:$0x3FAC]  }
0x2d: {  	s3 =	simm.s32 $0x108;
	s8 =	sld [smem:$0x3FAD]  }
0x2e: {  	s3 =	simm.s32 @!p0 $0x1082;
	s9 =	sld [smem:$0x3FAE]  }
0x2f: {  	lr =	sadd.s32 s0, s3;
	s0 =	sld [smem:$0x3FA5]  }
0x30: {  	s3 =	sld [smem:$0x3FA8]  }
0x31: {  	[smem:$0x3FB1] =	sst s10  }
0x32: {  	s10 =	sld [smem:$0x3FAF];
	_ =	sdelay $0x3  }
0x33: {  	p0 =	seq.s32 s10, $0x1;
	s10 =	sld [smem:$0x3FB1];
	_ =	sdelay $0x3  }
0x34: {  	[smem:$0x3FB1] =	sst s10  }
0x35: {  	s10 =	sld [smem:$0x3FB0];
	_ =	sdelay $0x3  }
0x36: {  	p1 =	seq.s32 s10, $0x1;
	s10 =	sld [smem:$0x3FB1];
	_ =	sdelay $0x3  }
0x37: {  	[smem:$0x3FB1] =	sst s10  }
0x38: {  	s10 =	sld [smem:$0x3FB2]  }
0x39: {  	_ = 	snop;
	(pc) =	sbr.ind lr, $3  }
0x3a: {  	_ = 	snop  }
0x3b: {  	_ = 	snop  }
0x3c: {  	p2 =	seq.s32 s10, $0x1;
	s10 =	sld [smem:$0x3FB1]  }
0x3d: {  	_ =	shalt  }
0x3e: {  	_ =	shalt  }
0x3f: {  	_ =	shalt  }
0x40: {  	_ =	shalt  }
0x41: {  	_ =	shalt  }
0x42: {  	_ =	shalt  }
0x43: {  	_ =	shalt  }
0x44: {  	_ =	shalt  }
0x45: {  	_ =	shalt  }
0x46: {  	_ =	shalt  }
0x47: {  	_ =	shalt  }
0x48: {  	_ =	shalt  }
0x49: {  	_ =	shalt  }
0x4a: {  	_ =	shalt  }
0x4b: {  	_ =	shalt  }
0x4c: {  	_ =	shalt  }
0x4d: {  	_ =	shalt  }
0x4e: {  	_ =	shalt  }
0x4f: {  	_ =	shalt  }
0x50: {  	_ =	shalt  }
0x51: {  	_ =	shalt  }
0x52: {  	_ =	shalt  }
0x53: {  	_ =	shalt  }
0x54: {  	_ =	shalt  }
0x55: {  	_ =	shalt  }
0x56: {  	_ =	shalt  }
0x57: {  	_ =	shalt  }
0x58: {  	_ =	shalt  }
0x59: {  	_ =	shalt  }
0x5a: {  	_ =	shalt  }
0x5b: {  	_ =	shalt  }
0x5c: {  	_ =	shalt  }
0x5d: {  	_ =	shalt  }
0x5e: {  	_ =	shalt  }
0x5f: {  	_ =	shalt  }
0x60: {  	_ =	shalt  }
0x61: {  	_ =	shalt  }
0x62: {  	_ =	shalt  }
0x63: {  	_ =	shalt  }
0x64: {  	_ =	shalt  }
0x65: {  	_ =	shalt  }
0x66: {  	_ =	shalt  }
0x67: {  	_ =	shalt  }
0x68: {  	_ =	shalt  }
0x69: {  	_ =	shalt  }
0x6a: {  	_ =	shalt  }
0x6b: {  	_ =	shalt  }
0x6c: {  	_ =	shalt  }
0x6d: {  	_ =	shalt  }
0x6e: {  	_ =	shalt  }
0x6f: {  	_ =	shalt  }
0x70: {  	_ =	shalt  }
0x71: {  	_ =	shalt  }
0x72: {  	_ =	shalt  }
0x73: {  	_ =	shalt  }
0x74: {  	_ =	shalt  }
0x75: {  	_ =	shalt  }
0x76: {  	_ =	shalt  }
0x77: {  	_ =	shalt  }
0x78: {  	_ =	shalt  }
0x79: {  	_ =	shalt  }
0x7a: {  	_ =	shalt  }
0x7b: {  	_ =	shalt  }
0x7c: {  	_ =	shalt  }
0x7d: {  	_ =	shalt  }
0x7e: {  	_ =	shalt  }
0x7f: {  	_ =	shalt  }
0x80: {  	_ =	shalt  }
0x81: {  	_ =	shalt  }
0x82: {  	_ =	shalt  }
0x83: {  	_ =	shalt  }
0x84: {  	_ =	shalt  }
0x85: {  	_ =	shalt  }
0x86: {  	_ =	shalt  }
0x87: {  	_ =	shalt  }
.Lfunc_end0:
.L_simem_size_0:
called_computation_lowered:
.L_overlay_start_0:
0x88: {  	s2 =	sld [smem:$0x3FD9]  }
0x89: {  	s3 =	sld [smem:$0x3FFE];
	_ =	sdelay $0x1  }
0x8a: {  	s1 =	srdreg.scid  }
0x8b: {  	s0 =	sand.u32 $0x1, s1  }
0x8c: {  	s17 =	sshll.u32 s0, $0xA;
	s2 =	sadd.s32 s3, s2  }
0x8d: {  	s2 =	sadd.s32 s2, s17  }
0x8e: {  	[smem:$0x3FBD] =	sst s2  }
0x8f: {  	_ = 	snop  }
0x90: {  	s2 =	sld [smem:$0x3FC4]  }
0x91: {  	s18 =	sld [smem:$0x3FC3]  }
0x92: {  	s4 =	sld [smem:$0x3FC2];
	(tm) =	ssettm $0x1  }
0x93: {  	s5 =	sld [smem:$0x3FFB];
	_ =	sdelay $0x3  }
0x94: {  	_ =	strace s5  }
0x95: {  	s5 =	sld [smem:$0x3FFC];
	_ =	sdelay $0x3  }
0x96: {  	_ =	strace s5  }
0x97: {  	s5 =	sld [smem:$0x3FFD];
	_ =	sdelay $0x3  }
0x98: {  	_ =	strace s5  }
0x99: {  	_ =	strace $0x8FFFFFFF  }
0x9a: {  	s19 =	sld [smem:$0x3FDB];
	_ =	sdelay $0x1  }
0x9b: {  	s6 =	simm.s32 $_scs_section_size  }
0x9c: {  	s7 =	simm.s32 $_size__tile_overlayer_lowered;
	s8 =	simm.s32 $_tile_overlayer_lowered  }
0x9d: {  	s22 =	simm.s32 $0x1BFF;
	s21 =	sshll.u32 s8, $0x1;
	s5 =	sadd.s32 s6, s19  }
0x9e: {  	s9 =	simm.s32 $0x0;
	s20 =	sshll.u32 s7, $0x1;
	s7 =	sadd.s32 s21, s5  }
0x9f: {  	[timem:s9], [sflag:s22] =	dma.local [hbm:s7], s20  }
0xa0: {  	_ =	swait.ge [sflag:s22], s20  }
0xa1: {  	s6 =	ssub.s32 $0x0, s20;
	[sflag:s22] =	ssyncset.done $0x0  }
0xa2: {  	[sflag:s22] =	ssyncadd.s32 s6;
	_ =	sdelay $0x1  }
0xa3: {  	s23 =	simm.s32 $0x1B8B  }
0xa4: {  	_ =	swait.ge [sflag:s23], $0x1  }
0xa5: {  	[sflag:s23] =	ssyncset.done $0x0  }
0xa6: {  	s25 =	simm.s32 $0x1B8E;
	s24 =	sld [smem:$0x3FFE];
	[sflag:s23] =	ssyncadd.s32 $0xFFFFFFFF  }
0xa7: {  	s26 =	simm.s32 $execute0_lowered;
	[smem:$0x3FD2] =	sst s25  }
0xa8: {  	s7 =	sshll.u32 s26, $0x1;
	_ =	strace $0x80000046;
	[dreg:$0x1] =	wrdreg $0xFFFFFFFF  }
0xa9: {  	s28 =	simm.s32 $_size_execute0_lowered;
	s5 =	sadd.s32 s5, s7;
	[dreg:$0x0] =	wrdreg $0x0  }
0xaa: {  	s7 =	sshll.u32 s28, $0x1;
	[dreg:$0x2] =	wrdreg s5  }
0xab: {  	[dreg:$0x3] =	wrdreg s7  }
0xac: {  	[dreg:$0x4] =	wrdreg $0xC0  }
0xad: {  	_ =	task [dreg:s9], $0x5FFFF  }
0xae: {  	[dreg:$0x1] =	wrdreg $0xFFFFFFFF  }
0xaf: {  	[dreg:$0x0] =	wrdreg $0x60  }
0xb0: {  	[dreg:$0x2] =	wrdreg s24  }
0xb1: {  	[dreg:$0x3] =	wrdreg s2  }
0xb2: {  	[dreg:$0x4] =	wrdreg s18  }
0xb3: {  	[dreg:$0x5] =	wrdreg s4  }
0xb4: {  	[dreg:$0x6] =	wrdreg $0x9  }
0xb5: {  	_ =	task.clear_ibuf [dreg:s9], $0x7FFFF;
	_ =	strace $0x90000046  }
0xb6: {  	s29 =	simm.s32 $0x9;
	_ =	strace $0x80000048  }
0xb7: {  	_ =	swait.ge [sflag:s29], $0x1  }
0xb8: {  	[sflag:s29] =	ssyncadd.s32 $0xFFFFFFFF  }
0xb9: {  	_ =	strace $0x90000048  }
0xba: {  	_ =	sfence  }
0xbb: {  	s30 =	sld [smem:$0x0];
	_ =	sdelay $0x2  }
0xbc: {  	s31 =	sshll.u32 s1, $0xD;
	s1 =	sshrl.u32 s1, $0x2  }
0xbd: {  	s3 =	sand.u32 $0x4000, s31;
	s1 =	sadd.s32 s1, s30  }
0xbe: {  	s0 =	sor.u32 s3, s0;
	s1 =	sshll.u32 s1, $0x11  }
0xbf: {  	s0 =	sor.u32 s1, s0  }
0xc0: {  	s0 =	sadd.s32 $0x8F2B, s0  }
0xc1: {  	[sflag:s0] =	ssyncadd.remote.s32 $0x1  }
0xc2: {  	_ =	sfence.sel $0xFFFF  }
0xc3: {  	[dreg:$0x0] =	wrdreg $0xFFFFFFFF;
	(pc) =	sbr.abs _section_cstart, $3  }
0xc4: {  	[dreg:$0x1] =	wrdreg $0xFFFFFFFF  }
0xc5: {  	_ =	task.clear_ibuf [dreg:s9], $0x2FFFF;
	_ =	strace $0x9FFFFFFF  }
0xc6: {  	(tm) =	ssettm $0x7FFFFFFF  }
0xc7: {  	_ =	shalt  }
tec
execute0_lowered:
.L_overlay_start_1:
0x0: {  	(tag) =	ssettag $0x1  }
0x1: {  	s0 =	rddreg [dreg:$0x0];
	s4 =	simm.s32 $0x0;
	s9 =	srdreg.scid  }
0x2: {  	s30 =	stileid.u32;
	s15 =	simm.s32 $0x320;
	s16 =	simm.s32 $0x380  }
0x3: {  	s17 =	simm.s32 $0x700;
	s18 =	simm.s32 $0xA80;
	s19 =	simm.s32 $0x80  }
0x4: {  	s20 =	simm.s32 $0x400;
	s21 =	simm.s32 $0x1;
	s22 =	simm.s32 $0x2  }
0x5: {  	[smem:$0x7FF] =	sst s4;
	s1 =	sadd.s32 $0x1800, s0;
	s7 =	sadd.s32 $0x7C00, s0  }
0x6: {  	s29 =	sadd.s32 $0xF5CE00, s0;
	s11 =	sand.u32 $0x1, s9;
	s9 =	sadd.s32 $0xF4A200, s0  }
0x7: {  	s13 =	sshll.u32 s30, $0x1;
	s10 =	sadd.s32 $0xF50600, s0;
	s12 =	ssub.s32 $0x2, s11  }
0x8: {  	_ =	strace $0x80000047;
	[dreg:$0x5] =	wrdreg s1;
	s14 =	sshrl.u32 s12, $0x1  }
0x9: {  	[dreg:$0x6] =	wrdreg s29;
	s13 =	sor.u32 s11, s13;
	s31 =	ssub.s32 s12, s14  }
0xa: {  	s11 =	sadd.s32 $0xF56A00, s0;
	s1 =	simm.s32 $0x0;
	s0 =	smax.u32 s31, $0x1  }
0xb: {  	s12 =	smul.u32 $0x1900, s13;
	s14 =	simm.s32 $0x3;
	[dreg:$0x7] =	wrdreg s0  }
.LBB2_1:
0xc: {  	[dreg:$0x8] =	wrdreg s1;
	s25 =	simm.s32 $0x0  }
.LBB2_2:
0xd: {  	s0 =	smul.u32 $0x320, s25;
	_ =	sdelay $0x1  }
0xe: {  	s26 =	sadd.s32 s12, s0  }
0xf: {  	s8 =	rddreg [dreg:$0x5];
	s28 =	sshrl.u32 s26, $0x3  }
0x10: {  	s29 =	simm.s32 $0x0;
	s0 =	sadd.s32 s8, s28  }
0x11: {  	[tilespmem:s29], [sflag:$0x3] =	stream.linear.gather [hbm4b:s0+s29], $0x320, $0x38;
	[tilespmem:$0x19E00] =	vst v63  }
0x12: {  	_ =	swait.ge [sflag:s14], $0x320  }
0x13: {  	[sflag:s14] =	ssyncset.done $0x0  }
0x14: {  	[sflag:s14] =	ssyncadd.s32 $0xFFFFFCE0  }
0x15: {  	s13 =	rddreg [dreg:$0x1]  }
0x16: {  	[tilespmem:s16], [sflag:$0x1] =	stream.indirect.gather [hbm4b:s13+s15], $0x1, s29, s15, $0xb8;
	[tilespmem:$0x19E00] =	vst v63  }
0x17: {  	s23 =	rddreg [dreg:$0x2]  }
0x18: {  	[tilespmem:s17], [sflag:$0x1] =	stream.indirect.gather [hbm4b:s23+s15], $0x1, s29, s15, $0xb8;
	[tilespmem:$0x19E00] =	vst v63  }
0x19: {  	s24 =	rddreg [dreg:$0x3]  }
0x1a: {  	[tilespmem:s18], [sflag:$0x1] =	stream.indirect.gather [hbm4b:s24+s15], $0x1, s29, s15, $0xb8;
	[tilespmem:$0x19E00] =	vst v63  }
0x1b: {  	v0 =	vld [tilespmem:s29+$0x0];
	_ =	sdelay $0x4  }
0x1c: {  	v0 =	vshll.u32 v0, $0x4  }
0x1d: {  	(v2sf) =	vpush v0, $0x0;
	_ =	sdelay $0x1  }
0x1e: {  	(v2sf) =	vpush v0, $0x1;
	_ =	sdelay $0x3  }
0x1f: {  	(v2sf) =	vpush v0, $0x2;
	_ =	sdelay $0x3  }
0x20: {  	(v2sf) =	vpush v0, $0x3;
	_ =	sdelay $0x3  }
0x21: {  	(v2sf) =	vpush v0, $0x4  }
0x22: {  	s1 =	spop (v2sf)  }
0x23: {  	s0 =	sand.u32 $0x1FFFFFF0, s1  }
0x24: {  	s31 =	simm.s32 $0xE00;
	s30 =	spop (v2sf);
	s0 =	sadd.s32 s7, s0  }
0x25: {  	(v2sf) =	vpush v0, $0x5;
	[tilespmem:s31], [sflag:$0x2] =	stream.strided.gather [hbm4b:s0+s19], $0x0, s20, s19, $0x38;
	[tilespmem:$0x19E00] =	vst v63  }
0x26: {  	s30 =	sand.u32 $0x1FFFFFF0, s30  }
0x27: {  	[tilespmem:s31], [sflag:$0x2] =	stream.linear.gather [hbm4b:s0+s4], $0x40, $0x38;
	[tilespmem:$0x19E00] =	vst v63  }
0x28: {  	s2 =	simm.s32 $0xE80;
	s30 =	sadd.s32 s7, s30;
	s31 =	spop (v2sf)  }
0x29: {  	(v2sf) =	vpush v0, $0x6;
	[tilespmem:s2], [sflag:$0x2] =	stream.strided.gather [hbm4b:s30+s19], $0x0, s20, s19, $0x38;
	[tilespmem:$0x19E00] =	vst v63  }
0x2a: {  	s31 =	sand.u32 $0x1FFFFFF0, s31  }
0x2b: {  	[tilespmem:s2], [sflag:$0x2] =	stream.linear.gather [hbm4b:s30+s4], $0x40, $0x38;
	[tilespmem:$0x19E00] =	vst v63  }
0x2c: {  	s3 =	spop (v2sf);
	s31 =	sadd.s32 s7, s31;
	s30 =	simm.s32 $0xF00  }
0x2d: {  	(v2sf) =	vpush v0, $0x7;
	[tilespmem:s30], [sflag:$0x2] =	stream.strided.gather [hbm4b:s31+s19], $0x0, s20, s19, $0x38;
	[tilespmem:$0x19E00] =	vst v63  }
0x2e: {  	s0 =	sand.u32 $0x1FFFFFF0, s3  }
0x2f: {  	[tilespmem:s30], [sflag:$0x2] =	stream.linear.gather [hbm4b:s31+s4], $0x40, $0x38;
	[tilespmem:$0x19E00] =	vst v63  }
0x30: {  	s0 =	sadd.s32 s7, s0;
	s30 =	spop (v2sf);
	s31 =	simm.s32 $0xF80  }
0x31: {  	(v2sf) =	vpush v0, $0x8;
	[tilespmem:s31], [sflag:$0x2] =	stream.strided.gather [hbm4b:s0+s19], $0x0, s20, s19, $0x38;
	[tilespmem:$0x19E00] =	vst v63  }
0x32: {  	s30 =	sand.u32 $0x1FFFFFF0, s30  }
0x33: {  	[tilespmem:s31], [sflag:$0x2] =	stream.linear.gather [hbm4b:s0+s4], $0x40, $0x38;
	[tilespmem:$0x19E00] =	vst v63  }
0x34: {  	s5 =	spop (v2sf);
	s30 =	sadd.s32 s7, s30;
	s31 =	simm.s32 $0x1000  }
0x35: {  	(v2sf) =	vpush v0, $0x9;
	[tilespmem:s31], [sflag:$0x2] =	stream.strided.gather [hbm4b:s30+s19], $0x0, s20, s19, $0x38;
	[tilespmem:$0x19E00] =	vst v63  }
0x36: {  	s0 =	sand.u32 $0x1FFFFFF0, s5  }
0x37: {  	[tilespmem:s31], [sflag:$0x2] =	stream.linear.gather [hbm4b:s30+s4], $0x40, $0x38;
	[tilespmem:$0x19E00] =	vst v63  }
0x38: {  	s0 =	sadd.s32 s7, s0;
	s30 =	spop (v2sf);
	s31 =	simm.s32 $0x1080  }
0x39: {  	(v2sf) =	vpush v0, $0xA;
	[tilespmem:s31], [sflag:$0x2] =	stream.strided.gather [hbm4b:s0+s19], $0x0, s20, s19, $0x38;
	[tilespmem:$0x19E00] =	vst v63  }
0x3a: {  	s30 =	sand.u32 $0x1FFFFFF0, s30  }
0x3b: {  	[tilespmem:s31], [sflag:$0x2] =	stream.linear.gather [hbm4b:s0+s4], $0x40, $0x38;
	[tilespmem:$0x19E00] =	vst v63  }
0x3c: {  	s6 =	spop (v2sf);
	s30 =	sadd.s32 s7, s30;
	s31 =	simm.s32 $0x1100  }
0x3d: {  	(v2sf) =	vpush v0, $0xB;
	[tilespmem:s31], [sflag:$0x2] =	stream.strided.gather [hbm4b:s30+s19], $0x0, s20, s19, $0x38;
	[tilespmem:$0x19E00] =	vst v63  }
0x3e: {  	s0 =	sand.u32 $0x1FFFFFF0, s6  }
0x3f: {  	[tilespmem:s31], [sflag:$0x2] =	stream.linear.gather [hbm4b:s30+s4], $0x40, $0x38;
	[tilespmem:$0x19E00] =	vst v63  }
0x40: {  	s0 =	sadd.s32 s7, s0;
	s30 =	spop (v2sf);
	s31 =	simm.s32 $0x1180  }
0x41: {  	(v2sf) =	vpush v0, $0xC;
	[tilespmem:s31], [sflag:$0x2] =	stream.strided.gather [hbm4b:s0+s19], $0x0, s20, s19, $0x38;
	[tilespmem:$0x19E00] =	vst v63  }
0x42: {  	s30 =	sand.u32 $0x1FFFFFF0, s30  }
0x43: {  	[tilespmem:s31], [sflag:$0x2] =	stream.linear.gather [hbm4b:s0+s4], $0x40, $0x38;
	[tilespmem:$0x19E00] =	vst v63  }
0x44: {  	s8 =	spop (v2sf);
	s30 =	sadd.s32 s7, s30;
	s31 =	simm.s32 $0x1200  }
0x45: {  	(v2sf) =	vpush v0, $0xD;
	[tilespmem:s31], [sflag:$0x2] =	stream.strided.gather [hbm4b:s30+s19], $0x0, s20, s19, $0x38;
	[tilespmem:$0x19E00] =	vst v63  }
0x46: {  	s0 =	sand.u32 $0x1FFFFFF0, s8  }
0x47: {  	[tilespmem:s31], [sflag:$0x2] =	stream.linear.gather [hbm4b:s30+s4], $0x40, $0x38;
	[tilespmem:$0x19E00] =	vst v63  }
0x48: {  	s0 =	sadd.s32 s7, s0;
	s30 =	spop (v2sf);
	s31 =	simm.s32 $0x1280  }
0x49: {  	(v2sf) =	vpush v0, $0xE;
	[tilespmem:s31], [sflag:$0x2] =	stream.strided.gather [hbm4b:s0+s19], $0x0, s20, s19, $0x38;
	[tilespmem:$0x19E00] =	vst v63  }
0x4a: {  	s30 =	sand.u32 $0x1FFFFFF0, s30  }
0x4b: {  	[tilespmem:s31], [sflag:$0x2] =	stream.linear.gather [hbm4b:s0+s4], $0x40, $0x38;
	[tilespmem:$0x19E00] =	vst v63  }
0x4c: {  	s13 =	spop (v2sf);
	s30 =	sadd.s32 s7, s30;
	s31 =	simm.s32 $0x1300  }
0x4d: {  	(v2sf) =	vpush v0, $0xF;
	[tilespmem:s31], [sflag:$0x2] =	stream.strided.gather [hbm4b:s30+s19], $0x0, s20, s19, $0x38;
	[tilespmem:$0x19E00] =	vst v63  }
0x4e: {  	s0 =	sand.u32 $0x1FFFFFF0, s13  }
0x4f: {  	[tilespmem:s31], [sflag:$0x2] =	stream.linear.gather [hbm4b:s30+s4], $0x40, $0x38;
	[tilespmem:$0x19E00] =	vst v63  }
0x50: {  	s0 =	sadd.s32 s7, s0;
	s30 =	spop (v2sf);
	s31 =	simm.s32 $0x1380  }
0x51: {  	[tilespmem:s31], [sflag:$0x2] =	stream.strided.gather [hbm4b:s0+s19], $0x0, s20, s19, $0x38;
	[tilespmem:$0x19E00] =	vst v63  }
0x52: {  	s30 =	sand.u32 $0x1FFFFFF0, s30  }
0x53: {  	[tilespmem:s31], [sflag:$0x2] =	stream.linear.gather [hbm4b:s0+s4], $0x40, $0x38;
	[tilespmem:$0x19E00] =	vst v63  }
0x54: {  	s23 =	spop (v2sf);
	s30 =	sadd.s32 s7, s30;
	s31 =	simm.s32 $0x1400  }
0x55: {  	[tilespmem:s31], [sflag:$0x2] =	stream.strided.gather [hbm4b:s30+s19], $0x0, s20, s19, $0x38;
	[tilespmem:$0x19E00] =	vst v63  }
0x56: {  	s0 =	sand.u32 $0x1FFFFFF0, s23  }
0x57: {  	[tilespmem:s31], [sflag:$0x2] =	stream.linear.gather [hbm4b:s30+s4], $0x40, $0x38;
	[tilespmem:$0x19E00] =	vst v63  }
0x58: {  	s0 =	sadd.s32 s7, s0;
	s30 =	spop (v2sf);
	s31 =	simm.s32 $0x1480  }
0x59: {  	[tilespmem:s31], [sflag:$0x2] =	stream.strided.gather [hbm4b:s0+s19], $0x0, s20, s19, $0x38;
	[tilespmem:$0x19E00] =	vst v63  }
0x5a: {  	s30 =	sand.u32 $0x1FFFFFF0, s30  }
0x5b: {  	[tilespmem:s31], [sflag:$0x2] =	stream.linear.gather [hbm4b:s0+s4], $0x40, $0x38;
	[tilespmem:$0x19E00] =	vst v63  }
0x5c: {  	s24 =	spop (v2sf);
	s30 =	sadd.s32 s7, s30;
	s31 =	simm.s32 $0x1500  }
0x5d: {  	[tilespmem:s31], [sflag:$0x2] =	stream.strided.gather [hbm4b:s30+s19], $0x0, s20, s19, $0x38;
	[tilespmem:$0x19E00] =	vst v63  }
0x5e: {  	s0 =	sand.u32 $0x1FFFFFF0, s24  }
0x5f: {  	[tilespmem:s31], [sflag:$0x2] =	stream.linear.gather [hbm4b:s30+s4], $0x40, $0x38;
	[tilespmem:$0x19E00] =	vst v63  }
0x60: {  	s0 =	sadd.s32 s7, s0;
	s31 =	simm.s32 $0x1580;
	s30 =	simm.s32 $0x2000  }
0x61: {  	[tilespmem:s31], [sflag:$0x2] =	stream.strided.gather [hbm4b:s0+s19], $0x0, s20, s19, $0x38;
	[tilespmem:$0x19E00] =	vst v63  }
.LBB2_3:
0x62: {  	p0 =	sne.s32 s30, $0x62000  }
0x63: {  	s29 =	sadd.s32 $0x10, s29;
	s5 =	smov.u32 s30;
	s30 =	sadd.s32 $0x2000, s30  }
0x64: {  	[tilespmem:s31], [sflag:$0x2] =	stream.linear.gather [hbm4b:s0+s4], $0x40, $0x38;
	[tilespmem:$0x19E00] =	vst v63  }
0x65: {  	v0 =	vld [tilespmem:s29+$0x0];
	_ =	sdelay $0x4  }
0x66: {  	v0 =	vshll.u32 v0, $0x4  }
0x67: {  	(v2sf) =	vpush v0, $0x0  }
0x68: {  	(v2sf) =	vpush v0, $0x1  }
0x69: {  	(v2sf) =	vpush v0, $0x2;
	_ =	sdelay $0x2  }
0x6a: {  	(v2sf) =	vpush v0, $0x3;
	_ =	sdelay $0x1  }
0x6b: {  	(v2sf) =	vpush v0, $0x4;
	_ =	sdelay $0x1  }
0x6c: {  	(v2sf) =	vpush v0, $0x5;
	_ =	sdelay $0x1  }
0x6d: {  	(v2sf) =	vpush v0, $0x6;
	_ =	sdelay $0x1  }
0x6e: {  	(v2sf) =	vpush v0, $0x7;
	_ =	sdelay $0x1  }
0x6f: {  	s0 =	spop (v2sf);
	(v2sf) =	vpush v0, $0x8  }
0x70: {  	s31 =	sshra.s32 s5, $0x2;
	s0 =	sand.u32 $0x1FFFFFF0, s0;
	s5 =	spop (v2sf)  }
0x71: {  	s13 =	sadd.s32 $0xE80, s31;
	s0 =	sadd.s32 s7, s0;
	s24 =	spop (v2sf);
	(v2sf) =	vpush v0, $0x9  }
0x72: {  	s1 =	sadd.s32 $0xE00, s31;
	s5 =	sand.u32 $0x1FFFFFF0, s5;
	s24 =	sand.u32 $0x1FFFFFF0, s24  }
0x73: {  	[tilespmem:s1], [sflag:$0x2] =	stream.strided.gather [hbm4b:s0+s19], $0x0, s20, s19, $0x38;
	(v2sf) =	vpush v0, $0xA;
	[tilespmem:$0x19E00] =	vst v63  }
0x74: {  	s2 =	spop (v2sf)  }
0x75: {  	[tilespmem:s1], [sflag:$0x2] =	stream.linear.gather [hbm4b:s0+s4], $0x40, $0x38;
	(v2sf) =	vpush v0, $0xB;
	[tilespmem:$0x19E00] =	vst v63  }
0x76: {  	s0 =	sadd.s32 s7, s5;
	s1 =	sand.u32 $0x1FFFFFF0, s2;
	s2 =	spop (v2sf)  }
0x77: {  	[tilespmem:s13], [sflag:$0x2] =	stream.strided.gather [hbm4b:s0+s19], $0x0, s20, s19, $0x38;
	(v2sf) =	vpush v0, $0xC;
	[tilespmem:$0x19E00] =	vst v63  }
0x78: {  	s5 =	sadd.s32 $0xF00, s31;
	s2 =	sand.u32 $0x1FFFFFF0, s2;
	s3 =	spop (v2sf)  }
0x79: {  	[tilespmem:s13], [sflag:$0x2] =	stream.linear.gather [hbm4b:s0+s4], $0x40, $0x38;
	[tilespmem:$0x19E00] =	vst v63  }
0x7a: {  	s0 =	sadd.s32 s7, s24;
	s3 =	sand.u32 $0x1FFFFFF0, s3;
	s13 =	spop (v2sf)  }
0x7b: {  	[tilespmem:s5], [sflag:$0x2] =	stream.strided.gather [hbm4b:s0+s19], $0x0, s20, s19, $0x38;
	(v2sf) =	vpush v0, $0xD;
	[tilespmem:$0x19E00] =	vst v63  }
0x7c: {  	s24 =	sadd.s32 $0xF80, s31;
	s13 =	sand.u32 $0x1FFFFFF0, s13;
	s23 =	spop (v2sf)  }
0x7d: {  	[tilespmem:s5], [sflag:$0x2] =	stream.linear.gather [hbm4b:s0+s4], $0x40, $0x38;
	[tilespmem:$0x19E00] =	vst v63  }
0x7e: {  	s0 =	sadd.s32 s7, s1;
	s1 =	sand.u32 $0x1FFFFFF0, s23;
	s5 =	spop (v2sf)  }
0x7f: {  	[tilespmem:s24], [sflag:$0x2] =	stream.strided.gather [hbm4b:s0+s19], $0x0, s20, s19, $0x38;
	(v2sf) =	vpush v0, $0xE;
	[tilespmem:$0x19E00] =	vst v63  }
0x80: {  	s23 =	sadd.s32 $0x1000, s31;
	s5 =	sand.u32 $0x1FFFFFF0, s5;
	s6 =	spop (v2sf)  }
0x81: {  	[tilespmem:s24], [sflag:$0x2] =	stream.linear.gather [hbm4b:s0+s4], $0x40, $0x38;
	[tilespmem:$0x19E00] =	vst v63  }
0x82: {  	s0 =	sadd.s32 s7, s2;
	s2 =	sand.u32 $0x1FFFFFF0, s6;
	s6 =	spop (v2sf)  }
0x83: {  	[tilespmem:s23], [sflag:$0x2] =	stream.strided.gather [hbm4b:s0+s19], $0x0, s20, s19, $0x38;
	(v2sf) =	vpush v0, $0xF;
	[tilespmem:$0x19E00] =	vst v63  }
0x84: {  	s24 =	sadd.s32 $0x1080, s31;
	s6 =	sand.u32 $0x1FFFFFF0, s6;
	s8 =	spop (v2sf)  }
0x85: {  	[tilespmem:s23], [sflag:$0x2] =	stream.linear.gather [hbm4b:s0+s4], $0x40, $0x38;
	[tilespmem:$0x19E00] =	vst v63  }
0x86: {  	s0 =	sadd.s32 s7, s3;
	s3 =	sand.u32 $0x1FFFFFF0, s8;
	s8 =	spop (v2sf)  }
0x87: {  	[tilespmem:s24], [sflag:$0x2] =	stream.strided.gather [hbm4b:s0+s19], $0x0, s20, s19, $0x38;
	[tilespmem:$0x19E00] =	vst v63  }
0x88: {  	s13 =	sadd.s32 s7, s13;
	s23 =	sadd.s32 $0x1100, s31;
	s8 =	sand.u32 $0x1FFFFFF0, s8  }
0x89: {  	[tilespmem:s24], [sflag:$0x2] =	stream.linear.gather [hbm4b:s0+s4], $0x40, $0x38;
	[tilespmem:$0x19E00] =	vst v63  }
0x8a: {  	s0 =	spop (v2sf)  }
0x8b: {  	[tilespmem:s23], [sflag:$0x2] =	stream.strided.gather [hbm4b:s13+s19], $0x0, s20, s19, $0x38;
	[tilespmem:$0x19E00] =	vst v63  }
0x8c: {  	s1 =	sadd.s32 s7, s1;
	s24 =	sadd.s32 $0x1180, s31;
	s0 =	sand.u32 $0x1FFFFFF0, s0  }
0x8d: {  	[tilespmem:s23], [sflag:$0x2] =	stream.linear.gather [hbm4b:s13+s4], $0x40, $0x38;
	[tilespmem:$0x19E00] =	vst v63  }
0x8e: {  	s13 =	spop (v2sf)  }
0x8f: {  	[tilespmem:s24], [sflag:$0x2] =	stream.strided.gather [hbm4b:s1+s19], $0x0, s20, s19, $0x38;
	[tilespmem:$0x19E00] =	vst v63  }
0x90: {  	s5 =	sadd.s32 s7, s5;
	s23 =	sadd.s32 $0x1200, s31;
	s13 =	sand.u32 $0x1FFFFFF0, s13  }
0x91: {  	[tilespmem:s24], [sflag:$0x2] =	stream.linear.gather [hbm4b:s1+s4], $0x40, $0x38;
	[tilespmem:$0x19E00] =	vst v63  }
0x92: {  	s1 =	spop (v2sf)  }
0x93: {  	[tilespmem:s23], [sflag:$0x2] =	stream.strided.gather [hbm4b:s5+s19], $0x0, s20, s19, $0x38;
	[tilespmem:$0x19E00] =	vst v63  }
0x94: {  	s2 =	sadd.s32 s7, s2;
	s24 =	sadd.s32 $0x1280, s31;
	s1 =	sand.u32 $0x1FFFFFF0, s1  }
0x95: {  	[tilespmem:s23], [sflag:$0x2] =	stream.linear.gather [hbm4b:s5+s4], $0x40, $0x38;
	[tilespmem:$0x19E00] =	vst v63  }
0x96: {  	_ = 	snop  }
0x97: {  	[tilespmem:s24], [sflag:$0x2] =	stream.strided.gather [hbm4b:s2+s19], $0x0, s20, s19, $0x38;
	[tilespmem:$0x19E00] =	vst v63  }
0x98: {  	s6 =	sadd.s32 s7, s6;
	s5 =	sadd.s32 $0x1300, s31  }
0x99: {  	[tilespmem:s24], [sflag:$0x2] =	stream.linear.gather [hbm4b:s2+s4], $0x40, $0x38;
	[tilespmem:$0x19E00] =	vst v63  }
0x9a: {  	_ = 	snop  }
0x9b: {  	[tilespmem:s5], [sflag:$0x2] =	stream.strided.gather [hbm4b:s6+s19], $0x0, s20, s19, $0x38;
	[tilespmem:$0x19E00] =	vst v63  }
0x9c: {  	s3 =	sadd.s32 s7, s3;
	s2 =	sadd.s32 $0x1380, s31  }
0x9d: {  	[tilespmem:s5], [sflag:$0x2] =	stream.linear.gather [hbm4b:s6+s4], $0x40, $0x38;
	[tilespmem:$0x19E00] =	vst v63  }
0x9e: {  	_ = 	snop  }
0x9f: {  	[tilespmem:s2], [sflag:$0x2] =	stream.strided.gather [hbm4b:s3+s19], $0x0, s20, s19, $0x38;
	[tilespmem:$0x19E00] =	vst v63  }
0xa0: {  	s5 =	sadd.s32 $0x1400, s31;
	s6 =	sadd.s32 s7, s8  }
0xa1: {  	[tilespmem:s2], [sflag:$0x2] =	stream.linear.gather [hbm4b:s3+s4], $0x40, $0x38;
	[tilespmem:$0x19E00] =	vst v63  }
0xa2: {  	_ = 	snop  }
0xa3: {  	[tilespmem:s5], [sflag:$0x2] =	stream.strided.gather [hbm4b:s6+s19], $0x0, s20, s19, $0x38;
	[tilespmem:$0x19E00] =	vst v63  }
0xa4: {  	s0 =	sadd.s32 s7, s0;
	s2 =	sadd.s32 $0x1480, s31  }
0xa5: {  	[tilespmem:s5], [sflag:$0x2] =	stream.linear.gather [hbm4b:s6+s4], $0x40, $0x38;
	[tilespmem:$0x19E00] =	vst v63  }
0xa6: {  	_ = 	snop  }
0xa7: {  	[tilespmem:s2], [sflag:$0x2] =	stream.strided.gather [hbm4b:s0+s19], $0x0, s20, s19, $0x38;
	[tilespmem:$0x19E00] =	vst v63  }
0xa8: {  	s3 =	sadd.s32 $0x1500, s31;
	s5 =	sadd.s32 s7, s13  }
0xa9: {  	[tilespmem:s2], [sflag:$0x2] =	stream.linear.gather [hbm4b:s0+s4], $0x40, $0x38;
	[tilespmem:$0x19E00] =	vst v63  }
0xaa: {  	_ = 	snop  }
0xab: {  	[tilespmem:s3], [sflag:$0x2] =	stream.strided.gather [hbm4b:s5+s19], $0x0, s20, s19, $0x38;
	[tilespmem:$0x19E00] =	vst v63  }
.Ltmp0:
0xac: {  	_ = 	snop;
	(pc) =	sbr.rel @p0 .LBB2_3-.Ltmp0, $4  }
0xad: {  	s31 =	sadd.s32 $0x1580, s31;
	s0 =	sadd.s32 s7, s1  }
0xae: {  	[tilespmem:s3], [sflag:$0x2] =	stream.linear.gather [hbm4b:s5+s4], $0x40, $0x38;
	[tilespmem:$0x19E00] =	vst v63  }
0xaf: {  	_ = 	snop  }
0xb0: {  	[tilespmem:s31], [sflag:$0x2] =	stream.strided.gather [hbm4b:s0+s19], $0x0, s20, s19, $0x38;
	[tilespmem:$0x19E00] =	vst v63  }
0xb1: {  	[tilespmem:s31], [sflag:$0x2] =	stream.linear.gather [hbm4b:s0+s4], $0x40, $0x38;
	[tilespmem:$0x19E00] =	vst v63  }
0xb2: {  	_ =	swait.ge [sflag:s21], $0x320  }
0xb3: {  	[sflag:s21] =	ssyncset.done $0x0  }
0xb4: {  	[sflag:s21] =	ssyncadd.s32 $0xFFFFFCE0  }
0xb5: {  	_ =	swait.ge [sflag:s21], $0x320  }
0xb6: {  	[sflag:s21] =	ssyncset.done $0x0  }
0xb7: {  	[sflag:s21] =	ssyncadd.s32 $0xFFFFFCE0  }
0xb8: {  	_ =	swait.ge [sflag:s21], $0x320  }
0xb9: {  	[sflag:s21] =	ssyncset.done $0x0  }
0xba: {  	[sflag:s21] =	ssyncadd.s32 $0xFFFFFCE0  }
0xbb: {  	v0 =	vld [tilespmem:$0x0]  }
0xbc: {  	v3 =	vld [tilespmem:$0x380]  }
0xbd: {  	v4 =	vld [tilespmem:$0x700]  }
0xbe: {  	v5 =	vld [tilespmem:$0xA80]  }
0xbf: {  	v6 =	vld [tilespmem:$0x10]  }
0xc0: {  	v10 =	vld [tilespmem:$0x390]  }
0xc1: {  	v11 =	vld [tilespmem:$0x710]  }
0xc2: {  	v12 =	vld [tilespmem:$0xA90]  }
0xc3: {  	v13 =	vld [tilespmem:$0x20]  }
0xc4: {  	v14 =	vld [tilespmem:$0x3A0]  }
0xc5: {  	v15 =	vld [tilespmem:$0x720]  }
0xc6: {  	v16 =	vld [tilespmem:$0xAA0]  }
0xc7: {  	v17 =	vld [tilespmem:$0x30]  }
0xc8: {  	v18 =	vld [tilespmem:$0x3B0]  }
0xc9: {  	v19 =	vld [tilespmem:$0x730]  }
0xca: {  	v20 =	vld [tilespmem:$0xAB0]  }
0xcb: {  	v21 =	vld [tilespmem:$0x40]  }
0xcc: {  	v22 =	vld [tilespmem:$0x3C0]  }
0xcd: {  	v23 =	vld [tilespmem:$0x740]  }
0xce: {  	v24 =	vld [tilespmem:$0xAC0]  }
0xcf: {  	v25 =	vld [tilespmem:$0x50]  }
0xd0: {  	v26 =	vld [tilespmem:$0x3D0]  }
0xd1: {  	v27 =	vld [tilespmem:$0x750]  }
0xd2: {  	v28 =	vld [tilespmem:$0xAD0]  }
0xd3: {  	v29 =	vld [tilespmem:$0x60]  }
0xd4: {  	v30 =	vld [tilespmem:$0x3E0]  }
0xd5: {  	v31 =	vld [tilespmem:$0x760]  }
0xd6: {  	v32 =	vld [tilespmem:$0xAE0]  }
0xd7: {  	v33 =	vld [tilespmem:$0x70]  }
0xd8: {  	v34 =	vld [tilespmem:$0x3F0]  }
0xd9: {  	v35 =	vld [tilespmem:$0x770]  }
0xda: {  	v36 =	vld [tilespmem:$0xAF0]  }
0xdb: {  	v37 =	vld [tilespmem:$0x80]  }
0xdc: {  	v38 =	vld [tilespmem:$0x400]  }
0xdd: {  	v39 =	vld [tilespmem:$0x780]  }
0xde: {  	v40 =	vld [tilespmem:$0xB00]  }
0xdf: {  	v41 =	vld [tilespmem:$0x90]  }
0xe0: {  	v42 =	vld [tilespmem:$0x410]  }
0xe1: {  	v43 =	vld [tilespmem:$0x790]  }
0xe2: {  	v44 =	vld [tilespmem:$0xB10]  }
0xe3: {  	v45 =	vld [tilespmem:$0xA0]  }
0xe4: {  	v46 =	vld [tilespmem:$0x420]  }
0xe5: {  	v47 =	vld [tilespmem:$0x7A0]  }
0xe6: {  	v48 =	vld [tilespmem:$0xB20]  }
0xe7: {  	v49 =	vld [tilespmem:$0xB0]  }
0xe8: {  	v50 =	vld [tilespmem:$0x430]  }
0xe9: {  	v51 =	vld [tilespmem:$0x7B0]  }
0xea: {  	v52 =	vld [tilespmem:$0xB30]  }
0xeb: {  	v53 =	vld [tilespmem:$0xC0]  }
0xec: {  	v54 =	vld [tilespmem:$0x440]  }
0xed: {  	v9 =	vld [tilespmem:$0x7C0]  }
0xee: {  	v7 =	vld [tilespmem:$0xB40]  }
0xef: {  	v8 =	vld [tilespmem:$0xD0]  }
0xf0: {  	v2 =	vld [tilespmem:$0x450]  }
0xf1: {  	v1 =	vld [tilespmem:$0x7D0];
	vm0 =	veq.s32 v0, $0x0  }
0xf2: {  	v0 =	vld [tilespmem:$0xB50];
	v3 =	vsel vm0, $0x0, v3  }
0xf3: {  	vm5 =	veq.s32 v17, $0x0;
	v17 =	vld [tilespmem:$0x800];
	v4 =	vsel vm0, $0x0, v4;
	[tilespmem:$0x380] =	vst v3  }
0xf4: {  	vm15 =	veq.s32 v6, $0x0;
	vm6 =	veq.s32 v21, $0x0;
	v21 =	vld [tilespmem:$0x810];
	v5 =	vsel vm0, $0x0, v5;
	[tilespmem:$0x700] =	vst v4  }
0xf5: {  	vm7 =	veq.s32 v25, $0x0;
	v25 =	vld [tilespmem:$0x820];
	v6 =	vsel vm15, $0x0, v10;
	[tilespmem:$0xA80] =	vst v5  }
0xf6: {  	vm8 =	veq.s32 v29, $0x0;
	v29 =	vld [tilespmem:$0x830];
	v58 =	vsel vm15, $0x0, v11;
	[tilespmem:$0x390] =	vst v6  }
0xf7: {  	vm4 =	veq.s32 v13, $0x0;
	vm9 =	veq.s32 v33, $0x0;
	v33 =	vld [tilespmem:$0x840];
	v59 =	vsel vm15, $0x0, v12;
	[tilespmem:$0x710] =	vst v58  }
0xf8: {  	vm10 =	veq.s32 v37, $0x0;
	v37 =	vld [tilespmem:$0x850];
	v60 =	vsel vm4, $0x0, v14;
	[tilespmem:$0xA90] =	vst v59  }
0xf9: {  	vm11 =	veq.s32 v41, $0x0;
	v41 =	vld [tilespmem:$0x860];
	v13 =	vsel vm4, $0x0, v15;
	[tilespmem:$0x3A0] =	vst v60  }
0xfa: {  	vm12 =	veq.s32 v45, $0x0;
	v45 =	vld [tilespmem:$0xBF0];
	v61 =	vsel vm4, $0x0, v16;
	[tilespmem:$0x720] =	vst v13  }
0xfb: {  	v10 =	vld [tilespmem:$0xF0];
	v62 =	vsel vm5, $0x0, v18;
	[tilespmem:$0xAA0] =	vst v61  }
0xfc: {  	v11 =	vld [tilespmem:$0x470];
	v63 =	vsel vm5, $0x0, v19;
	[tilespmem:$0x3B0] =	vst v62  }
0xfd: {  	v12 =	vld [tilespmem:$0x7F0];
	v20 =	vsel vm5, $0x0, v20;
	[tilespmem:$0x730] =	vst v63  }
0xfe: {  	v14 =	vld [tilespmem:$0xB70];
	v22 =	vsel vm6, $0x0, v22;
	[tilespmem:$0xAB0] =	vst v20  }
0xff: {  	v15 =	vld [tilespmem:$0x100];
	v23 =	vsel vm6, $0x0, v23;
	[tilespmem:$0x3C0] =	vst v22  }
0x100: {  	v16 =	vld [tilespmem:$0x480];
	v24 =	vsel vm6, $0x0, v24;
	[tilespmem:$0x740] =	vst v23  }
0x101: {  	v18 =	vld [tilespmem:$0xB80];
	v26 =	vsel vm7, $0x0, v26;
	[tilespmem:$0xAC0] =	vst v24  }
0x102: {  	v19 =	vld [tilespmem:$0x110];
	v27 =	vsel vm7, $0x0, v27;
	[tilespmem:$0x3D0] =	vst v26  }
0x103: {  	v28 =	vsel vm7, $0x0, v28;
	v55 =	vsel vm11, $0x0, v43;
	v43 =	vld [tilespmem:$0x4F0];
	[tilespmem:$0x750] =	vst v27  }
0x104: {  	v30 =	vsel vm8, $0x0, v30;
	v56 =	vsel vm11, $0x0, v44;
	v44 =	vld [tilespmem:$0x870];
	[tilespmem:$0xAD0] =	vst v28  }
0x105: {  	v31 =	vsel vm8, $0x0, v31;
	vm15 =	veq.s32 v8, $0x0;
	v8 =	vld [tilespmem:$0x1F0];
	[tilespmem:$0x3E0] =	vst v30  }
0x106: {  	v32 =	vsel vm8, $0x0, v32;
	v3 =	vld [tilespmem:$0xE0];
	[tilespmem:$0x760] =	vst v31  }
0x107: {  	v34 =	vsel vm9, $0x0, v34;
	v4 =	vld [tilespmem:$0x460];
	[tilespmem:$0xAE0] =	vst v32  }
0x108: {  	v35 =	vsel vm9, $0x0, v35;
	v5 =	vld [tilespmem:$0x7E0];
	[tilespmem:$0x3F0] =	vst v34  }
0x109: {  	v36 =	vsel vm9, $0x0, v36;
	v6 =	vld [tilespmem:$0xB60];
	[tilespmem:$0x770] =	vst v35  }
0x10a: {  	v38 =	vsel vm10, $0x0, v38;
	v20 =	vld [tilespmem:$0x490];
	[tilespmem:$0xAF0] =	vst v36  }
0x10b: {  	v39 =	vsel vm10, $0x0, v39;
	v22 =	vld [tilespmem:$0xB90];
	[tilespmem:$0x400] =	vst v38  }
0x10c: {  	v40 =	vsel vm10, $0x0, v40;
	v23 =	vld [tilespmem:$0x120];
	[tilespmem:$0x780] =	vst v39  }
0x10d: {  	v42 =	vsel vm11, $0x0, v42;
	v24 =	vld [tilespmem:$0x4A0];
	[tilespmem:$0xB00] =	vst v40  }
0x10e: {  	v26 =	vld [tilespmem:$0xBA0];
	[tilespmem:$0x410] =	vst v42  }
0x10f: {  	v27 =	vld [tilespmem:$0x130];
	[tilespmem:$0x790] =	vst v55  }
0x110: {  	vm14 =	veq.s32 v53, $0x0;
	v57 =	vsel vm12, $0x0, v46;
	v28 =	vld [tilespmem:$0x4B0];
	[tilespmem:$0xB10] =	vst v56  }
0x111: {  	v9 =	vsel vm14, $0x0, v9;
	v30 =	vld [tilespmem:$0xBB0];
	[tilespmem:$0x420] =	vst v57  }
0x112: {  	v7 =	vsel vm14, $0x0, v7;
	v31 =	vld [tilespmem:$0x140];
	[tilespmem:$0x7C0] =	vst v9  }
0x113: {  	v32 =	vld [tilespmem:$0x4C0];
	v58 =	vsel vm12, $0x0, v47;
	[tilespmem:$0xB40] =	vst v7  }
0x114: {  	vm13 =	veq.s32 v49, $0x0;
	v34 =	vld [tilespmem:$0xBC0];
	v59 =	vsel vm12, $0x0, v48;
	[tilespmem:$0x7A0] =	vst v58  }
0x115: {  	v35 =	vld [tilespmem:$0x150];
	v60 =	vsel vm13, $0x0, v50;
	[tilespmem:$0xB20] =	vst v59  }
0x116: {  	v36 =	vld [tilespmem:$0x4D0];
	v61 =	vsel vm13, $0x0, v51;
	[tilespmem:$0x430] =	vst v60  }
0x117: {  	v38 =	vld [tilespmem:$0xBD0];
	v62 =	vsel vm13, $0x0, v52;
	[tilespmem:$0x7B0] =	vst v61  }
0x118: {  	v39 =	vld [tilespmem:$0x160];
	v63 =	vsel vm14, $0x0, v54;
	[tilespmem:$0xB30] =	vst v62  }
0x119: {  	v40 =	vld [tilespmem:$0x4E0];
	v2 =	vsel vm15, $0x0, v2;
	[tilespmem:$0x440] =	vst v63  }
0x11a: {  	v42 =	vld [tilespmem:$0xBE0];
	v1 =	vsel vm15, $0x0, v1;
	[tilespmem:$0x450] =	vst v2  }
0x11b: {  	v13 =	vld [tilespmem:$0x170];
	[tilespmem:$0x7D0] =	vst v1;
	v0 =	vsel vm15, $0x0, v0;
	vm5 =	veq.s32 v10, $0x0  }
0x11c: {  	v9 =	vld [tilespmem:$0x510];
	[tilespmem:$0xB50] =	vst v0;
	v49 =	vsel vm5, $0x0, v11  }
0x11d: {  	v55 =	vld [tilespmem:$0x520];
	v50 =	vsel vm5, $0x0, v12;
	[tilespmem:$0x470] =	vst v49  }
0x11e: {  	v57 =	vld [tilespmem:$0x8A0];
	vm6 =	veq.s32 v15, $0x0;
	v51 =	vsel vm5, $0x0, v14;
	[tilespmem:$0x7F0] =	vst v50  }
0x11f: {  	v1 =	vld [tilespmem:$0x180];
	v52 =	vsel vm6, $0x0, v16;
	[tilespmem:$0xB70] =	vst v51  }
0x120: {  	v61 =	vld [tilespmem:$0x530];
	v53 =	vsel vm6, $0x0, v17;
	[tilespmem:$0x480] =	vst v52  }
0x121: {  	v63 =	vld [tilespmem:$0x8B0];
	vm7 =	veq.s32 v19, $0x0;
	v54 =	vsel vm6, $0x0, v18;
	[tilespmem:$0x800] =	vst v53  }
0x122: {  	v2 =	vld [tilespmem:$0xC70];
	v56 =	vsel vm7, $0x0, v20;
	[tilespmem:$0xB80] =	vst v54  }
0x123: {  	v10 =	vld [tilespmem:$0x890];
	v58 =	vsel vm7, $0x0, v21;
	[tilespmem:$0x490] =	vst v56  }
0x124: {  	v19 =	vld [tilespmem:$0x5B0];
	vm4 =	veq.s32 v3, $0x0;
	v59 =	vsel vm7, $0x0, v22;
	[tilespmem:$0x810] =	vst v58  }
0x125: {  	v3 =	vld [tilespmem:$0x500];
	v46 =	vsel vm4, $0x0, v4;
	[tilespmem:$0xB90] =	vst v59  }
0x126: {  	v11 =	vld [tilespmem:$0xC10];
	v47 =	vsel vm4, $0x0, v5;
	[tilespmem:$0x460] =	vst v46  }
0x127: {  	v12 =	vld [tilespmem:$0x1A0];
	vm8 =	veq.s32 v23, $0x0;
	v48 =	vsel vm4, $0x0, v6;
	[tilespmem:$0x7E0] =	vst v47  }
0x128: {  	v16 =	vld [tilespmem:$0xC20];
	v60 =	vsel vm8, $0x0, v24;
	[tilespmem:$0xB60] =	vst v48  }
0x129: {  	v17 =	vld [tilespmem:$0x1B0];
	v62 =	vsel vm8, $0x0, v25;
	[tilespmem:$0x4A0] =	vst v60  }
0x12a: {  	vm9 =	veq.s32 v27, $0x0;
	v20 =	vld [tilespmem:$0xC30];
	v26 =	vsel vm8, $0x0, v26;
	[tilespmem:$0x820] =	vst v62  }
0x12b: {  	v21 =	vld [tilespmem:$0x1C0];
	v27 =	vsel vm9, $0x0, v28;
	[tilespmem:$0xBA0] =	vst v26  }
0x12c: {  	v22 =	vld [tilespmem:$0x540];
	v28 =	vsel vm9, $0x0, v29;
	[tilespmem:$0x4B0] =	vst v27  }
0x12d: {  	vm10 =	veq.s32 v31, $0x0;
	v23 =	vld [tilespmem:$0x8C0];
	v29 =	vsel vm9, $0x0, v30;
	[tilespmem:$0x830] =	vst v28  }
0x12e: {  	vm13 =	veq.s32 v13, $0x0;
	v13 =	vld [tilespmem:$0xC60];
	v30 =	vsel vm10, $0x0, v32;
	[tilespmem:$0xBB0] =	vst v29  }
0x12f: {  	v18 =	vld [tilespmem:$0x230];
	v31 =	vsel vm10, $0x0, v33;
	[tilespmem:$0x4C0] =	vst v30  }
0x130: {  	vm11 =	veq.s32 v35, $0x0;
	v4 =	vld [tilespmem:$0x880];
	v32 =	vsel vm10, $0x0, v34;
	[tilespmem:$0x840] =	vst v31  }
0x131: {  	v5 =	vld [tilespmem:$0xC00];
	v33 =	vsel vm11, $0x0, v36;
	[tilespmem:$0xBC0] =	vst v32  }
0x132: {  	v6 =	vld [tilespmem:$0x190];
	v35 =	vsel vm11, $0x0, v37;
	[tilespmem:$0x4D0] =	vst v33  }
0x133: {  	vm12 =	veq.s32 v39, $0x0;
	v24 =	vld [tilespmem:$0xC40];
	v36 =	vsel vm11, $0x0, v38;
	[tilespmem:$0x850] =	vst v35  }
0x134: {  	v25 =	vld [tilespmem:$0x1D0];
	v37 =	vsel vm12, $0x0, v40;
	[tilespmem:$0xBD0] =	vst v36  }
0x135: {  	v34 =	vld [tilespmem:$0x8D0];
	v39 =	vsel vm12, $0x0, v41;
	[tilespmem:$0x4E0] =	vst v37  }
0x136: {  	v38 =	vld [tilespmem:$0x560];
	v41 =	vsel vm12, $0x0, v42;
	[tilespmem:$0x860] =	vst v39  }
0x137: {  	v40 =	vld [tilespmem:$0x8E0];
	v42 =	vsel vm13, $0x0, v43;
	[tilespmem:$0xBE0] =	vst v41  }
0x138: {  	v43 =	vsel vm13, $0x0, v44;
	v44 =	vld [tilespmem:$0x570];
	[tilespmem:$0x4F0] =	vst v42  }
0x139: {  	v45 =	vsel vm13, $0x0, v45;
	vm14 =	veq.s32 v1, $0x0;
	v50 =	vld [tilespmem:$0x580];
	[tilespmem:$0x870] =	vst v43  }
0x13a: {  	v52 =	vld [tilespmem:$0x900];
	[tilespmem:$0xBF0] =	vst v45;
	v47 =	vsel vm14, $0x0, v3  }
0x13b: {  	v56 =	vld [tilespmem:$0x590];
	[tilespmem:$0x500] =	vst v47;
	v48 =	vsel vm14, $0x0, v4  }
0x13c: {  	v58 =	vld [tilespmem:$0x910];
	vm4 =	veq.s32 v12, $0x0;
	v49 =	vsel vm14, $0x0, v5;
	[tilespmem:$0x880] =	vst v48  }
0x13d: {  	v26 =	vld [tilespmem:$0x550];
	v55 =	vsel vm4, $0x0, v55;
	[tilespmem:$0xC00] =	vst v49  }
0x13e: {  	v28 =	vld [tilespmem:$0xC50];
	v57 =	vsel vm4, $0x0, v57;
	[tilespmem:$0x520] =	vst v55  }
0x13f: {  	v29 =	vld [tilespmem:$0x1E0];
	vm5 =	veq.s32 v17, $0x0;
	v59 =	vsel vm4, $0x0, v16;
	[tilespmem:$0x8A0] =	vst v57  }
0x140: {  	v46 =	vld [tilespmem:$0x8F0];
	v60 =	vsel vm5, $0x0, v61;
	[tilespmem:$0xC20] =	vst v59  }
0x141: {  	v33 =	vld [tilespmem:$0x930];
	v62 =	vsel vm5, $0x0, v63;
	[tilespmem:$0x530] =	vst v60  }
0x142: {  	v35 =	vld [tilespmem:$0xCB0];
	vm6 =	veq.s32 v21, $0x0;
	v20 =	vsel vm5, $0x0, v20;
	[tilespmem:$0x8B0] =	vst v62  }
0x143: {  	v37 =	vld [tilespmem:$0x240];
	v22 =	vsel vm6, $0x0, v22;
	[tilespmem:$0xC30] =	vst v20  }
0x144: {  	v39 =	vld [tilespmem:$0x5C0];
	v23 =	vsel vm6, $0x0, v23;
	[tilespmem:$0x540] =	vst v22  }
0x145: {  	vm9 =	veq.s32 v8, $0x0;
	v41 =	vld [tilespmem:$0x940];
	v24 =	vsel vm6, $0x0, v24;
	[tilespmem:$0x8C0] =	vst v23  }
0x146: {  	v43 =	vld [tilespmem:$0xCC0];
	vm15 =	veq.s32 v6, $0x0;
	v44 =	vsel vm9, $0x0, v44;
	[tilespmem:$0xC40] =	vst v24  }
0x147: {  	v45 =	vld [tilespmem:$0x250];
	v51 =	vsel vm15, $0x0, v9;
	[tilespmem:$0x570] =	vst v44  }
0x148: {  	v27 =	vld [tilespmem:$0xCF0];
	v53 =	vsel vm15, $0x0, v10;
	[tilespmem:$0x510] =	vst v51  }
0x149: {  	v31 =	vld [tilespmem:$0x600];
	vm7 =	veq.s32 v25, $0x0;
	v54 =	vsel vm15, $0x0, v11;
	[tilespmem:$0x890] =	vst v53  }
0x14a: {  	v3 =	vld [tilespmem:$0x200];
	v32 =	vsel vm7, $0x0, v26;
	[tilespmem:$0xC10] =	vst v54  }
0x14b: {  	v12 =	vld [tilespmem:$0xC90];
	v34 =	vsel vm7, $0x0, v34;
	[tilespmem:$0x550] =	vst v32  }
0x14c: {  	v17 =	vld [tilespmem:$0xCA0];
	v36 =	vsel vm7, $0x0, v28;
	[tilespmem:$0x8D0] =	vst v34  }
0x14d: {  	vm13 =	veq.s32 v18, $0x0;
	v18 =	vld [tilespmem:$0xD40];
	v46 =	vsel vm9, $0x0, v46;
	[tilespmem:$0xC50] =	vst v36  }
0x14e: {  	v6 =	vld [tilespmem:$0xC80];
	v48 =	vsel vm9, $0x0, v2;
	[tilespmem:$0x8F0] =	vst v46  }
0x14f: {  	v61 =	vld [tilespmem:$0x220];
	v28 =	vsel vm13, $0x0, v19;
	[tilespmem:$0xC70] =	vst v48  }
0x150: {  	v63 =	vld [tilespmem:$0x5A0];
	vm8 =	veq.s32 v29, $0x0;
	v30 =	vsel vm13, $0x0, v33;
	[tilespmem:$0x5B0] =	vst v28  }
0x151: {  	v16 =	vld [tilespmem:$0x920];
	v38 =	vsel vm8, $0x0, v38;
	[tilespmem:$0x930] =	vst v30  }
0x152: {  	v47 =	vld [tilespmem:$0x5D0];
	v40 =	vsel vm8, $0x0, v40;
	[tilespmem:$0x560] =	vst v38  }
0x153: {  	v25 =	vld [tilespmem:$0x970];
	v42 =	vsel vm8, $0x0, v13;
	[tilespmem:$0x8E0] =	vst v40  }
0x154: {  	v9 =	vld [tilespmem:$0x210];
	vm14 =	veq.s32 v37, $0x0;
	v32 =	vsel vm13, $0x0, v35;
	[tilespmem:$0xC60] =	vst v42  }
0x155: {  	v49 =	vld [tilespmem:$0x950];
	v34 =	vsel vm14, $0x0, v39;
	[tilespmem:$0xCB0] =	vst v32  }
0x156: {  	v55 =	vld [tilespmem:$0x5E0];
	v36 =	vsel vm14, $0x0, v41;
	[tilespmem:$0x5C0] =	vst v34  }
0x157: {  	v57 =	vld [tilespmem:$0x960];
	[tilespmem:$0x940] =	vst v36;
	v38 =	vsel vm14, $0x0, v43;
	vm10 =	veq.s32 v3, $0x0  }
0x158: {  	v59 =	vld [tilespmem:$0xCE0];
	[tilespmem:$0xCC0] =	vst v38;
	v50 =	vsel vm10, $0x0, v50  }
0x159: {  	v29 =	vld [tilespmem:$0x280];
	v52 =	vsel vm10, $0x0, v52;
	[tilespmem:$0x580] =	vst v50  }
0x15a: {  	v33 =	vld [tilespmem:$0x980];
	vm15 =	veq.s32 v45, $0x0;
	v54 =	vsel vm10, $0x0, v6;
	[tilespmem:$0x900] =	vst v52  }
0x15b: {  	v37 =	vld [tilespmem:$0x290];
	vm12 =	veq.s32 v61, $0x0;
	v40 =	vsel vm15, $0x0, v47;
	[tilespmem:$0xC80] =	vst v54  }
0x15c: {  	v45 =	vld [tilespmem:$0x2A0];
	v62 =	vsel vm12, $0x0, v63;
	[tilespmem:$0x5D0] =	vst v40  }
0x15d: {  	v51 =	vld [tilespmem:$0xCD0];
	v16 =	vsel vm12, $0x0, v16;
	[tilespmem:$0x5A0] =	vst v62  }
0x15e: {  	v53 =	vld [tilespmem:$0x260];
	v26 =	vsel vm12, $0x0, v17;
	[tilespmem:$0x920] =	vst v16  }
0x15f: {  	v35 =	vld [tilespmem:$0xD00];
	vm11 =	veq.s32 v9, $0x0;
	v42 =	vsel vm15, $0x0, v49;
	[tilespmem:$0xCA0] =	vst v26  }
0x160: {  	v39 =	vld [tilespmem:$0x610];
	v56 =	vsel vm11, $0x0, v56;
	[tilespmem:$0x950] =	vst v42  }
0x161: {  	v41 =	vld [tilespmem:$0x990];
	v58 =	vsel vm11, $0x0, v58;
	[tilespmem:$0x590] =	vst v56  }
0x162: {  	v20 =	vld [tilespmem:$0x2D0];
	v60 =	vsel vm11, $0x0, v12;
	[tilespmem:$0x910] =	vst v58  }
0x163: {  	v22 =	vld [tilespmem:$0x650];
	vm6 =	veq.s32 v29, $0x0;
	v44 =	vsel vm15, $0x0, v51;
	[tilespmem:$0xC90] =	vst v60  }
0x164: {  	v24 =	vld [tilespmem:$0x9D0];
	vm7 =	veq.s32 v37, $0x0;
	v62 =	vsel vm6, $0x0, v35;
	[tilespmem:$0xCD0] =	vst v44  }
0x165: {  	v28 =	vld [tilespmem:$0x2E0];
	v15 =	vsel vm7, $0x0, v39;
	[tilespmem:$0xD00] =	vst v62  }
0x166: {  	v30 =	vld [tilespmem:$0x660];
	vm4 =	veq.s32 v53, $0x0;
	v17 =	vsel vm7, $0x0, v41;
	[tilespmem:$0x610] =	vst v15  }
0x167: {  	v43 =	vld [tilespmem:$0xD10];
	v46 =	vsel vm4, $0x0, v55;
	[tilespmem:$0x990] =	vst v17  }
0x168: {  	v32 =	vld [tilespmem:$0x9E0];
	v48 =	vsel vm4, $0x0, v57;
	[tilespmem:$0x5E0] =	vst v46  }
0x169: {  	v34 =	vld [tilespmem:$0xD60];
	v50 =	vsel vm4, $0x0, v59;
	[tilespmem:$0x960] =	vst v48  }
0x16a: {  	v36 =	vld [tilespmem:$0x2F0];
	v58 =	vsel vm6, $0x0, v31;
	[tilespmem:$0xCE0] =	vst v50  }
0x16b: {  	v47 =	vld [tilespmem:$0x620];
	v60 =	vsel vm6, $0x0, v33;
	[tilespmem:$0x600] =	vst v58  }
0x16c: {  	v61 =	vld [tilespmem:$0x270];
	vm11 =	veq.s32 v20, $0x0;
	v19 =	vsel vm7, $0x0, v43;
	[tilespmem:$0x980] =	vst v60  }
0x16d: {  	v63 =	vld [tilespmem:$0x5F0];
	v39 =	vsel vm11, $0x0, v22;
	[tilespmem:$0xD10] =	vst v19  }
0x16e: {  	v38 =	vld [tilespmem:$0x670];
	vm12 =	veq.s32 v28, $0x0;
	v41 =	vsel vm11, $0x0, v24;
	[tilespmem:$0x650] =	vst v39  }
0x16f: {  	v49 =	vld [tilespmem:$0x9A0];
	vm8 =	veq.s32 v45, $0x0;
	v45 =	vsel vm12, $0x0, v30;
	[tilespmem:$0x9D0] =	vst v41  }
0x170: {  	v40 =	vld [tilespmem:$0x9F0];
	[tilespmem:$0x660] =	vst v45;
	v21 =	vsel vm8, $0x0, v47  }
0x171: {  	v51 =	vld [tilespmem:$0xD20];
	vm5 =	veq.s32 v61, $0x0;
	v47 =	vsel vm12, $0x0, v32;
	[tilespmem:$0x620] =	vst v21  }
0x172: {  	v53 =	vld [tilespmem:$0x2B0];
	v52 =	vsel vm5, $0x0, v63;
	[tilespmem:$0x9E0] =	vst v47  }
0x173: {  	v26 =	vld [tilespmem:$0xD50];
	v54 =	vsel vm5, $0x0, v25;
	[tilespmem:$0x5F0] =	vst v52  }
0x174: {  	v42 =	vld [tilespmem:$0xD70];
	v56 =	vsel vm5, $0x0, v27;
	[tilespmem:$0x970] =	vst v54  }
0x175: {  	v55 =	vld [tilespmem:$0x630];
	v23 =	vsel vm8, $0x0, v49;
	[tilespmem:$0xCF0] =	vst v56  }
0x176: {  	v57 =	vld [tilespmem:$0x9B0];
	v49 =	vsel vm12, $0x0, v34;
	[tilespmem:$0x9A0] =	vst v23  }
0x177: {  	v59 =	vld [tilespmem:$0xD30];
	v25 =	vsel vm8, $0x0, v51;
	[tilespmem:$0xD60] =	vst v49  }
0x178: {  	v44 =	vld [tilespmem:$0x300];
	vm13 =	veq.s32 v36, $0x0;
	v43 =	vsel vm11, $0x0, v26;
	[tilespmem:$0xD20] =	vst v25  }
0x179: {  	v46 =	vld [tilespmem:$0x680];
	v51 =	vsel vm13, $0x0, v38;
	[tilespmem:$0xD50] =	vst v43  }
0x17a: {  	v48 =	vld [tilespmem:$0xA00];
	vm9 =	veq.s32 v53, $0x0;
	v53 =	vsel vm13, $0x0, v40;
	[tilespmem:$0x670] =	vst v51  }
0x17b: {  	v50 =	vld [tilespmem:$0xD80];
	v27 =	vsel vm9, $0x0, v55;
	[tilespmem:$0x9F0] =	vst v53  }
0x17c: {  	v61 =	vld [tilespmem:$0x2C0];
	v29 =	vsel vm9, $0x0, v57;
	[tilespmem:$0x630] =	vst v27  }
0x17d: {  	v63 =	vld [tilespmem:$0x640];
	v31 =	vsel vm9, $0x0, v59;
	[tilespmem:$0x9B0] =	vst v29  }
0x17e: {  	v16 =	vld [tilespmem:$0x9C0];
	v55 =	vsel vm13, $0x0, v42;
	vm14 =	veq.s32 v44, $0x0;
	[tilespmem:$0xD30] =	vst v31  }
0x17f: {  	v52 =	vld [tilespmem:$0x310];
	[tilespmem:$0xD70] =	vst v55;
	v57 =	vsel vm14, $0x0, v46  }
0x180: {  	v54 =	vld [tilespmem:$0x690];
	v59 =	vsel vm14, $0x0, v48;
	[tilespmem:$0x680] =	vst v57  }
0x181: {  	v56 =	vld [tilespmem:$0xA10];
	v60 =	vsel vm14, $0x0, v50;
	vm10 =	veq.s32 v61, $0x0;
	[tilespmem:$0xA00] =	vst v59  }
0x182: {  	v58 =	vld [tilespmem:$0xD90];
	[tilespmem:$0xD80] =	vst v60;
	v33 =	vsel vm10, $0x0, v63  }
0x183: {  	v35 =	vsel vm10, $0x0, v16;
	[tilespmem:$0x640] =	vst v33  }
0x184: {  	v37 =	vsel vm10, $0x0, v18;
	[tilespmem:$0x9C0] =	vst v35;
	vm15 =	veq.s32 v52, $0x0  }
0x185: {  	[tilespmem:$0xD40] =	vst v37;
	v61 =	vsel vm15, $0x0, v54  }
0x186: {  	v62 =	vsel vm15, $0x0, v56;
	[tilespmem:$0x690] =	vst v61  }
0x187: {  	v63 =	vsel vm15, $0x0, v58;
	[tilespmem:$0xA10] =	vst v62  }
0x188: {  	s23 =	sadd.s32 s9, s28;
	[tilespmem:$0xD90] =	vst v63  }
0x189: {  	[hbm4b:s23+s4] =	stream.linear.scatter [tilespmem:s16], [sflag:$0x3], $0x320, $0x38;
	[tilespmem:$0x19E00] =	vst v63  }
0x18a: {  	_ =	swait.ge [sflag:s14], $0x320  }
0x18b: {  	[sflag:s14] =	ssyncset.done $0x0  }
0x18c: {  	s24 =	sadd.s32 s10, s28;
	[sflag:s14] =	ssyncadd.s32 $0xFFFFFCE0  }
0x18d: {  	[hbm4b:s24+s4] =	stream.linear.scatter [tilespmem:s17], [sflag:$0x3], $0x320, $0x38;
	[tilespmem:$0x19E00] =	vst v63  }
0x18e: {  	_ =	swait.ge [sflag:s14], $0x320  }
0x18f: {  	[sflag:s14] =	ssyncset.done $0x0  }
0x190: {  	s29 =	sadd.s32 s11, s28;
	[sflag:s14] =	ssyncadd.s32 $0xFFFFFCE0  }
0x191: {  	[hbm4b:s29+s4] =	stream.linear.scatter [tilespmem:s18], [sflag:$0x3], $0x320, $0x38;
	[tilespmem:$0x19E00] =	vst v63  }
0x192: {  	_ =	swait.ge [sflag:s14], $0x320  }
0x193: {  	[sflag:s14] =	ssyncset.done $0x0  }
0x194: {  	s30 =	sshll.u32 s26, $0x4;
	[sflag:s14] =	ssyncadd.s32 $0xFFFFFCE0  }
0x195: {  	s31 =	simm.s32 $0xE00;
	s25 =	sadd.s32 $0x1, s25;
	_ =	swait.ge [sflag:s22], $0xC800  }
0x196: {  	p0 =	sne.s32 s25, $0x8;
	[sflag:s22] =	ssyncset.done $0x0;
	s1 =	rddreg [dreg:$0x6]  }
.Ltmp1:
0x197: {  	[sflag:s22] =	ssyncadd.s32 $0xFFFF3800;
	s0 =	sadd.s32 s1, s30;
	(pc) =	sbr.rel @p0 .LBB2_2-.Ltmp1, $4  }
0x198: {  	[hbm4b:s0+s4] =	stream.linear.scatter [tilespmem:s31], [sflag:$0x3], $0x19000, $0x38;
	[tilespmem:$0x19E00] =	vst v63  }
0x199: {  	_ =	swait.ge [sflag:s14], $0x19000  }
0x19a: {  	[sflag:s14] =	ssyncset.done $0x0  }
0x19b: {  	[sflag:s14] =	ssyncadd.s32 $0xFFFE7000  }
0x19c: {  	s1 =	rddreg [dreg:$0x8]  }
0x19d: {  	s0 =	rddreg [dreg:$0x7];
	s1 =	sadd.s32 $0x1, s1  }
0x19e: {  	p0 =	sne.s32 s1, s0  }
.Ltmp2:
0x19f: {  	_ = 	snop;
	(pc) =	sbr.rel @p0 .LBB2_1-.Ltmp2, $1  }
0x1a0: {  	_ =	sdelay $0x3  }
0x1a1: {  	_ =	sfence.sel $0x180000  }
0x1a2: {  	[bflag:$0x0] =	sbarrier.arrive $0xFFFF  }
0x1a3: {  	_ =	strace $0x90000047  }
0x1a4: {  	s0 =	stileid.u32;
	[bflag:$0x2] =	sbarrier.arrive $0xFFFF  }
0x1a5: {  	p0 =	sne.s32 s0, $0x0;
	s0 =	rddreg [dreg:$0x4]  }
0x1a6: {  	s0 =	sadd.s32 @!p0 $0x100000, s0  }
0x1a7: {  	[sflag:s0] =	ssyncadd.tile.s32 @!p0 $0x1;
	_ =	shalt  }
.Lfunc_end2:
_tile_overlayer_lowered:
.L_overlay_start_2:
0x1a8: {  	(tag) =	ssettag $0x2  }
0x1a9: {  	s0 =	rddreg [dreg:$0x0];
	s2 =	stileid.u32  }
0x1aa: {  	s1 =	rddreg [dreg:$0x1];
	p0 =	sne.s32 s2, $0x0  }
0x1ab: {  	s3 =	rddreg [dreg:$0x2];
	[bflag:$0x3] =	sbarrier.arrive $0xFFFF;
	s2 =	simm.s32 @!p0 $0x1C03  }
0x1ac: {  	[timem:s3], [sflag:s2] =	dma.local @!p0 [hbm:s0], s1  }
0x1ad: {  	s0 =	simm.s32 @!p0 $0x3  }
0x1ae: {  	_ =	swait.ge @!p0 [sflag:s0], s1  }
0x1af: {  	s1 =	ssub.s32 @!p0 $0x0, s1;
	[sflag:s0] =	ssyncset.done @!p0 $0x0  }
0x1b0: {  	[sflag:s0] =	ssyncadd.s32 @!p0 s1  }
0x1b1: {  	[bflag:$0x3] =	sbarrier.arrive $0xFFFF  }
0x1b2: {  	_ =	shalt  }

// kernel: kernel.8.cloned.1.call-start
scs
__scs_entry_jumppad:
0x0: {  	(pc) =	sbr.rel $0x88, $3  }
0x1: {  	(tag) =	ssettag $0x0;
	lr =	simm.s32 $0x1  }
0x2: {  	[smem:$0x3F96] =	sst lr;
	_ =	strace $0xD0000000  }
0x3: {  	_ = 	snop  }
0x4: {  	_ = 	snop  }
0x5: {  	_ = 	snop  }
0x6: {  	_ = 	snop  }
0x7: {  	_ = 	snop  }
__scs_overlays_trampoline_lowered:
0x8: {  	[smem:$0x3FA5] =	sst s0  }
0x9: {  	[smem:$0x3FA6] =	sst s1  }
0xa: {  	[smem:$0x3FA7] =	sst s2  }
0xb: {  	[smem:$0x3FA8] =	sst s3  }
0xc: {  	[smem:$0x3FA9] =	sst s4  }
0xd: {  	[smem:$0x3FAA] =	sst s5  }
0xe: {  	[smem:$0x3FAB] =	sst s6  }
0xf: {  	[smem:$0x3FAC] =	sst s7  }
0x10: {  	[smem:$0x3FAD] =	sst s8  }
0x11: {  	[smem:$0x3FAE] =	sst s9;
	s0 =	simm.s32 @!p0 $0x0  }
0x12: {  	s1 =	sld [smem:$0x3F94];
	s0 =	simm.s32 @p0 $0x1  }
0x13: {  	[smem:$0x3FAF] =	sst s0;
	s0 =	simm.s32 @!p1 $0x0  }
0x14: {  	s2 =	sld [smem:$0x3F93];
	s0 =	simm.s32 @p1 $0x1  }
0x15: {  	[smem:$0x3FB0] =	sst s0;
	s0 =	simm.s32 @!p2 $0x0  }
0x16: {  	s3 =	sld [smem:$0x3FDB];
	s0 =	simm.s32 @p2 $0x1  }
0x17: {  	s4 =	simm.s32 $0x1BF5;
	[smem:$0x3FB2] =	sst s0  }
0x18: {  	s0 =	sld [smem:$0x3F95];
	_ =	swait.ge [sflag:s4], $0x0  }
0x19: {  	s7 =	sld [smem:$0x3F96]  }
0x1a: {  	s8 =	sadd.s32 $0xFFFFE003, lr  }
0x1b: {  	s9 =	sadd.s32 $0xFFFFFEF7, lr;
	s5 =	simm.s32 $0xFFFFFFFF;
	p2 =	slt.u32 s8, $0xFFFFF086  }
0x1c: {  	p1 =	slt.u32 s9, $0xF7A;
	s5 =	simm.s32 @!p2 $0x0  }
0x1d: {  	s5 =	simm.s32 @p1 $0x1;
	p0 =	seq.s32 s7, s2  }
0x1e: {  	s7 =	smul.u32 @!p0 $0xF7A, s2;
	p2 =	seq.s32 @!p0 s5, $0x0  }
0x1f: {  	s9 =	smul.u32 $0xF7A, s1;
	s8 =	simm.s32 @!p0 $0x1BF5;
	p2 =	por !p2, p0  }
0x20: {  	[sflag:s8] =	ssyncset.s32 @!p0 $0xFFFFF086;
	s6 =	sadd.s32 @!p0 s3, s7;
	s7 =	simm.s32 @!p0 $0x108  }
0x21: {  	s3 =	sadd.s32 s3, s9;
	s6 =	sadd.s32 @!p0 $0x88, s6;
	s7 =	simm.s32 @p2 $0x1082  }
0x22: {  	[simem:s7], [sflag:s8] =	dma.local @!p0 [hbm:s6], $0xF7A  }
0x23: {  	s9 =	sor.u32 $0xD0000000, s2;
	s6 =	simm.s32 $0x108;
	_ =	swait.ge @!p0 [sflag:s8], $0x0  }
0x24: {  	s3 =	sadd.s32 $0x88, s3;
	s6 =	simm.s32 @!p1 $0x1082;
	[sflag:s4] =	ssyncset.s32 $0xFFFFF086  }
0x25: {  	[simem:s6], [sflag:s4] =	dma.local [hbm:s3], $0xF7A  }
0x26: {  	[smem:$0x3F96] =	sst s1;
	(tag) =	ssettag s2;
	_ =	strace s9  }
0x27: {  	s1 =	sld [smem:$0x3FA6]  }
0x28: {  	s2 =	sld [smem:$0x3FA7]  }
0x29: {  	s4 =	sld [smem:$0x3FA9]  }
0x2a: {  	p0 =	seq.s32 s5, $0x0;
	s5 =	sld [smem:$0x3FAA]  }
0x2b: {  	s6 =	sld [smem:$0x3FAB]  }
0x2c: {  	s7 =	sld [smem:$0x3FAC]  }
0x2d: {  	s3 =	simm.s32 $0x108;
	s8 =	sld [smem:$0x3FAD]  }
0x2e: {  	s3 =	simm.s32 @!p0 $0x1082;
	s9 =	sld [smem:$0x3FAE]  }
0x2f: {  	lr =	sadd.s32 s0, s3;
	s0 =	sld [smem:$0x3FA5]  }
0x30: {  	s3 =	sld [smem:$0x3FA8]  }
0x31: {  	[smem:$0x3FB1] =	sst s10  }
0x32: {  	s10 =	sld [smem:$0x3FAF];
	_ =	sdelay $0x3  }
0x33: {  	p0 =	seq.s32 s10, $0x1;
	s10 =	sld [smem:$0x3FB1];
	_ =	sdelay $0x3  }
0x34: {  	[smem:$0x3FB1] =	sst s10  }
0x35: {  	s10 =	sld [smem:$0x3FB0];
	_ =	sdelay $0x3  }
0x36: {  	p1 =	seq.s32 s10, $0x1;
	s10 =	sld [smem:$0x3FB1];
	_ =	sdelay $0x3  }
0x37: {  	[smem:$0x3FB1] =	sst s10  }
0x38: {  	s10 =	sld [smem:$0x3FB2]  }
0x39: {  	_ = 	snop;
	(pc) =	sbr.ind lr, $3  }
0x3a: {  	_ = 	snop  }
0x3b: {  	_ = 	snop  }
0x3c: {  	p2 =	seq.s32 s10, $0x1;
	s10 =	sld [smem:$0x3FB1]  }
0x3d: {  	_ =	shalt  }
0x3e: {  	_ =	shalt  }
0x3f: {  	_ =	shalt  }
0x40: {  	_ =	shalt  }
0x41: {  	_ =	shalt  }
0x42: {  	_ =	shalt  }
0x43: {  	_ =	shalt  }
0x44: {  	_ =	shalt  }
0x45: {  	_ =	shalt  }
0x46: {  	_ =	shalt  }
0x47: {  	_ =	shalt  }
0x48: {  	_ =	shalt  }
0x49: {  	_ =	shalt  }
0x4a: {  	_ =	shalt  }
0x4b: {  	_ =	shalt  }
0x4c: {  	_ =	shalt  }
0x4d: {  	_ =	shalt  }
0x4e: {  	_ =	shalt  }
0x4f: {  	_ =	shalt  }
0x50: {  	_ =	shalt  }
0x51: {  	_ =	shalt  }
0x52: {  	_ =	shalt  }
0x53: {  	_ =	shalt  }
0x54: {  	_ =	shalt  }
0x55: {  	_ =	shalt  }
0x56: {  	_ =	shalt  }
0x57: {  	_ =	shalt  }
0x58: {  	_ =	shalt  }
0x59: {  	_ =	shalt  }
0x5a: {  	_ =	shalt  }
0x5b: {  	_ =	shalt  }
0x5c: {  	_ =	shalt  }
0x5d: {  	_ =	shalt  }
0x5e: {  	_ =	shalt  }
0x5f: {  	_ =	shalt  }
0x60: {  	_ =	shalt  }
0x61: {  	_ =	shalt  }
0x62: {  	_ =	shalt  }
0x63: {  	_ =	shalt  }
0x64: {  	_ =	shalt  }
0x65: {  	_ =	shalt  }
0x66: {  	_ =	shalt  }
0x67: {  	_ =	shalt  }
0x68: {  	_ =	shalt  }
0x69: {  	_ =	shalt  }
0x6a: {  	_ =	shalt  }
0x6b: {  	_ =	shalt  }
0x6c: {  	_ =	shalt  }
0x6d: {  	_ =	shalt  }
0x6e: {  	_ =	shalt  }
0x6f: {  	_ =	shalt  }
0x70: {  	_ =	shalt  }
0x71: {  	_ =	shalt  }
0x72: {  	_ =	shalt  }
0x73: {  	_ =	shalt  }
0x74: {  	_ =	shalt  }
0x75: {  	_ =	shalt  }
0x76: {  	_ =	shalt  }
0x77: {  	_ =	shalt  }
0x78: {  	_ =	shalt  }
0x79: {  	_ =	shalt  }
0x7a: {  	_ =	shalt  }
0x7b: {  	_ =	shalt  }
0x7c: {  	_ =	shalt  }
0x7d: {  	_ =	shalt  }
0x7e: {  	_ =	shalt  }
0x7f: {  	_ =	shalt  }
0x80: {  	_ =	shalt  }
0x81: {  	_ =	shalt  }
0x82: {  	_ =	shalt  }
0x83: {  	_ =	shalt  }
0x84: {  	_ =	shalt  }
0x85: {  	_ =	shalt  }
0x86: {  	_ =	shalt  }
0x87: {  	_ =	shalt  }
.Lfunc_end0:
.L_simem_size_0:
called_computation.1_lowered:
.L_overlay_start_0:
0x88: {  	s2 =	sld [smem:$0x3FD9]  }
0x89: {  	s3 =	sld [smem:$0x3FFE];
	_ =	sdelay $0x1  }
0x8a: {  	s1 =	srdreg.scid  }
0x8b: {  	s0 =	sand.u32 $0x1, s1  }
0x8c: {  	s17 =	sshll.u32 s0, $0xA;
	s2 =	sadd.s32 s3, s2  }
0x8d: {  	s2 =	sadd.s32 s2, s17  }
0x8e: {  	[smem:$0x3FBD] =	sst s2  }
0x8f: {  	_ = 	snop  }
0x90: {  	s2 =	sld [smem:$0x3FD0];
	(tm) =	ssettm $0x1  }
0x91: {  	s18 =	sld [smem:$0x3FFB];
	_ =	sdelay $0x3  }
0x92: {  	_ =	strace s18  }
0x93: {  	s3 =	sld [smem:$0x3FFC];
	_ =	sdelay $0x3  }
0x94: {  	_ =	strace s3  }
0x95: {  	s3 =	sld [smem:$0x3FFD];
	_ =	sdelay $0x3  }
0x96: {  	_ =	strace s3  }
0x97: {  	_ =	strace $0x8FFFFFFF  }
0x98: {  	s19 =	sld [smem:$0x3FDB];
	_ =	sdelay $0x1  }
0x99: {  	s4 =	simm.s32 $_scs_section_size  }
0x9a: {  	s5 =	simm.s32 $_size__tile_overlayer_lowered;
	s6 =	simm.s32 $_tile_overlayer_lowered  }
0x9b: {  	s22 =	simm.s32 $0x1BFF;
	s21 =	sshll.u32 s6, $0x1;
	s3 =	sadd.s32 s4, s19  }
0x9c: {  	s7 =	simm.s32 $0x0;
	s20 =	sshll.u32 s5, $0x1;
	s5 =	sadd.s32 s21, s3  }
0x9d: {  	[timem:s7], [sflag:s22] =	dma.local [hbm:s5], s20  }
0x9e: {  	_ =	swait.ge [sflag:s22], s20  }
0x9f: {  	s4 =	ssub.s32 $0x0, s20;
	[sflag:s22] =	ssyncset.done $0x0  }
0xa0: {  	[sflag:s22] =	ssyncadd.s32 s4;
	_ =	sdelay $0x1  }
0xa1: {  	s23 =	simm.s32 $0x1B8B  }
0xa2: {  	_ =	swait.ge [sflag:s23], $0x1  }
0xa3: {  	[sflag:s23] =	ssyncset.done $0x0  }
0xa4: {  	s25 =	simm.s32 $0x1B8E;
	s24 =	sld [smem:$0x3FFE];
	[sflag:s23] =	ssyncadd.s32 $0xFFFFFFFF  }
0xa5: {  	s26 =	simm.s32 $execute0_lowered;
	[smem:$0x3FD2] =	sst s25  }
0xa6: {  	s5 =	sshll.u32 s26, $0x1;
	_ =	strace $0x80000049;
	[dreg:$0x1] =	wrdreg $0xFFFFFFFF  }
0xa7: {  	s28 =	simm.s32 $_size_execute0_lowered;
	s3 =	sadd.s32 s3, s5;
	[dreg:$0x0] =	wrdreg $0x0  }
0xa8: {  	s5 =	sshll.u32 s28, $0x1;
	[dreg:$0x2] =	wrdreg s3  }
0xa9: {  	[dreg:$0x3] =	wrdreg s5  }
0xaa: {  	[dreg:$0x4] =	wrdreg $0xC0  }
0xab: {  	_ =	task [dreg:s7], $0x5FFFF  }
0xac: {  	[dreg:$0x1] =	wrdreg $0xFFFFFFFF  }
0xad: {  	[dreg:$0x0] =	wrdreg $0x60  }
0xae: {  	[dreg:$0x2] =	wrdreg s24  }
0xaf: {  	[dreg:$0x3] =	wrdreg s2  }
0xb0: {  	[dreg:$0x4] =	wrdreg $0x9  }
0xb1: {  	_ =	task.clear_ibuf [dreg:s7], $0x5FFFF;
	_ =	strace $0x90000049  }
0xb2: {  	s29 =	simm.s32 $0x9;
	_ =	strace $0x8000004B  }
0xb3: {  	_ =	swait.ge [sflag:s29], $0x1  }
0xb4: {  	[sflag:s29] =	ssyncadd.s32 $0xFFFFFFFF  }
0xb5: {  	_ =	strace $0x9000004B  }
0xb6: {  	_ =	sfence  }
0xb7: {  	s30 =	sld [smem:$0x0];
	_ =	sdelay $0x2  }
0xb8: {  	s31 =	sshll.u32 s1, $0xD;
	s1 =	sshrl.u32 s1, $0x2  }
0xb9: {  	s3 =	sand.u32 $0x4000, s31;
	s1 =	sadd.s32 s1, s30  }
0xba: {  	s0 =	sor.u32 s3, s0;
	s1 =	sshll.u32 s1, $0x11  }
0xbb: {  	s0 =	sor.u32 s1, s0  }
0xbc: {  	s0 =	sadd.s32 $0x8F2B, s0  }
0xbd: {  	[sflag:s0] =	ssyncadd.remote.s32 $0x1  }
0xbe: {  	_ =	sfence.sel $0xFFFF  }
0xbf: {  	[dreg:$0x0] =	wrdreg $0xFFFFFFFF;
	(pc) =	sbr.abs _section_cstart, $3  }
0xc0: {  	[dreg:$0x1] =	wrdreg $0xFFFFFFFF  }
0xc1: {  	_ =	task.clear_ibuf [dreg:s7], $0x2FFFF;
	_ =	strace $0x9FFFFFFF  }
0xc2: {  	(tm) =	ssettm $0x7FFFFFFF  }
0xc3: {  	_ =	shalt  }
tec
execute0_lowered:
.L_overlay_start_1:
0x0: {  	(tag) =	ssettag $0x1  }
0x1: {  	s0 =	rddreg [dreg:$0x0]  }
0x2: {  	s1 =	rddreg [dreg:$0x1];
	s2 =	simm.s32 $0x0;
	s3 =	srdreg.scid  }
0x3: {  	s6 =	stileid.u32;
	[smem:$0x7FF] =	sst s2;
	s4 =	sadd.s32 $0xF4A200, s0  }
0x4: {  	s26 =	sadd.s32 $0xF50600, s0;
	s3 =	sand.u32 $0x1, s3;
	s28 =	sadd.s32 $0xF56A00, s0  }
0x5: {  	s7 =	sadd.s32 $0x127CE00, s0;
	s6 =	sshll.u32 s6, $0x1;
	s8 =	sadd.s32 $0x1280E00, s0  }
0x6: {  	s0 =	sadd.s32 $0x1800, s0;
	_ =	strace $0x8000004A;
	[dreg:$0x3] =	wrdreg s4  }
0x7: {  	[dreg:$0x4] =	wrdreg s26;
	s29 =	ssub.s32 $0x2, s3;
	s3 =	sor.u32 s3, s6  }
0x8: {  	[dreg:$0x5] =	wrdreg s28;
	s5 =	sshrl.u32 s29, $0x1;
	s30 =	smul.u32 $0x1900, s3  }
0x9: {  	s13 =	simm.s32 $0x80;
	[dreg:$0x6] =	wrdreg s0;
	s4 =	ssub.s32 s29, s5  }
0xa: {  	s14 =	simm.s32 $0x400;
	[dreg:$0x7] =	wrdreg s30;
	s31 =	smax.u32 s4, $0x1  }
0xb: {  	s6 =	simm.s32 $0x2;
	s3 =	simm.s32 $0x0;
	[dreg:$0x8] =	wrdreg s31  }
.LBB2_1:
0xc: {  	[dreg:$0x9] =	wrdreg s3;
	s0 =	simm.s32 $0x0  }
.LBB2_2:
0xd: {  	[dreg:$0xa] =	wrdreg s0;
	s15 =	smul.u32 $0x320, s0  }
0xe: {  	s3 =	rddreg [dreg:$0x7]  }
0xf: {  	s16 =	rddreg [dreg:$0x3];
	s0 =	sadd.s32 s3, s15  }
0x10: {  	[dreg:$0xb] =	wrdreg s0;
	s0 =	sshrl.u32 s0, $0x3  }
0x11: {  	s4 =	simm.s32 $0x0;
	s3 =	sadd.s32 s16, s0  }
0x12: {  	[tilespmem:s4], [sflag:$0x2] =	stream.linear.gather [hbm4b:s3+s4], $0x320, $0x38;
	[tilespmem:$0x19A80] =	vst v63  }
0x13: {  	_ =	swait.ge [sflag:s6], $0x320  }
0x14: {  	[sflag:s6] =	ssyncset.done $0x0;
	s17 =	rddreg [dreg:$0x4]  }
0x15: {  	s5 =	simm.s32 $0x380;
	[sflag:s6] =	ssyncadd.s32 $0xFFFFFCE0;
	s3 =	sadd.s32 s17, s0  }
0x16: {  	[tilespmem:s5], [sflag:$0x2] =	stream.linear.gather [hbm4b:s3+s4], $0x320, $0x38;
	[tilespmem:$0x19A80] =	vst v63  }
0x17: {  	_ =	swait.ge [sflag:s6], $0x320  }
0x18: {  	[sflag:s6] =	ssyncset.done $0x0;
	s18 =	rddreg [dreg:$0x5]  }
0x19: {  	s19 =	simm.s32 $0x700;
	[sflag:s6] =	ssyncadd.s32 $0xFFFFFCE0;
	s0 =	sadd.s32 s18, s0  }
0x1a: {  	[tilespmem:s19], [sflag:$0x2] =	stream.linear.gather [hbm4b:s0+s4], $0x320, $0x38;
	[tilespmem:$0x19A80] =	vst v63  }
0x1b: {  	_ =	swait.ge [sflag:s6], $0x320  }
0x1c: {  	[sflag:s6] =	ssyncset.done $0x0  }
0x1d: {  	[sflag:s6] =	ssyncadd.s32 $0xFFFFFCE0  }
0x1e: {  	v0 =	vld [tilespmem:s4+$0x0];
	_ =	sdelay $0x1  }
0x1f: {  	v1 =	vld [tilespmem:s5+$0x0];
	_ =	sdelay $0x2  }
0x20: {  	v2 =	vshll.u32 v0, $0x4  }
0x21: {  	v3 =	vld [tilespmem:s19+$0x0];
	(v2sf) =	vpush v2, $0x0  }
0x22: {  	v62 =	vshll.u32 v1, $0x4  }
0x23: {  	(v2sf) =	vpush v62, $0x0;
	_ =	sdelay $0x1  }
0x24: {  	(v2sf) =	vpush v2, $0x1  }
0x25: {  	v63 =	vshll.u32 v3, $0x4  }
0x26: {  	(v2sf) =	vpush v63, $0x0;
	_ =	sdelay $0x5  }
0x27: {  	(v2sf) =	vpush v2, $0x2;
	_ =	sdelay $0x1  }
0x28: {  	(v2sf) =	vpush v62, $0x1  }
0x29: {  	s20 =	spop (v2sf)  }
0x2a: {  	s0 =	sand.u32 $0x1FFFFFF0, s20  }
0x2b: {  	s22 =	simm.s32 $0xA80;
	s21 =	spop (v2sf);
	s0 =	sadd.s32 s7, s0  }
0x2c: {  	(v2sf) =	vpush v63, $0x1;
	[tilespmem:s22], [sflag:$0x1] =	stream.strided.gather [hbm4b:s0+s13], $0x0, s14, s13, $0x38;
	[tilespmem:$0x19A80] =	vst v63  }
0x2d: {  	s3 =	sand.u32 $0x1FFFFFF0, s21;
	s23 =	spop (v2sf)  }
0x2e: {  	[tilespmem:s22], [sflag:$0x1] =	stream.linear.gather [hbm4b:s0+s2], $0x20, $0x38;
	[tilespmem:$0x19A80] =	vst v63  }
0x2f: {  	s24 =	simm.s32 $0xAA0;
	s3 =	sadd.s32 s1, s3;
	s25 =	spop (v2sf)  }
0x30: {  	[tilespmem:s24], [sflag:$0x1] =	stream.strided.gather [hbm4b:s3+s13], $0x0, s14, s13, $0x38;
	[tilespmem:$0x19A80] =	vst v63  }
0x31: {  	s4 =	sand.u32 $0x1FFFFFF0, s25  }
0x32: {  	[tilespmem:s24], [sflag:$0x1] =	stream.linear.gather [hbm4b:s3+s2], $0x20, $0x38;
	[tilespmem:$0x19A80] =	vst v63  }
0x33: {  	s26 =	simm.s32 $0xAC0;
	s28 =	sadd.s32 s8, s4  }
0x34: {  	(v2sf) =	vpush v62, $0x2;
	[tilespmem:s26], [sflag:$0x1] =	stream.strided.gather [hbm4b:s28+s13], $0x0, s14, s13, $0x38;
	[tilespmem:$0x19A80] =	vst v63  }
0x35: {  	s29 =	sand.u32 $0x1FFFFFF0, s23;
	s30 =	spop (v2sf)  }
0x36: {  	(v2sf) =	vpush v63, $0x2;
	[tilespmem:s26], [sflag:$0x1] =	stream.linear.gather [hbm4b:s28+s2], $0x20, $0x38;
	[tilespmem:$0x19A80] =	vst v63  }
0x37: {  	s31 =	simm.s32 $0xB00;
	s6 =	spop (v2sf);
	s4 =	sadd.s32 s7, s29  }
0x38: {  	[tilespmem:s31], [sflag:$0x1] =	stream.strided.gather [hbm4b:s4+s13], $0x0, s14, s13, $0x38;
	[tilespmem:$0x19A80] =	vst v63  }
0x39: {  	s3 =	sand.u32 $0x1FFFFFF0, s6  }
0x3a: {  	(v2sf) =	vpush v2, $0x3;
	[tilespmem:s31], [sflag:$0x1] =	stream.linear.gather [hbm4b:s4+s2], $0x20, $0x38;
	[tilespmem:$0x19A80] =	vst v63  }
0x3b: {  	s10 =	simm.s32 $0xB20;
	s3 =	sadd.s32 s1, s3;
	s9 =	spop (v2sf)  }
0x3c: {  	(v2sf) =	vpush v62, $0x3;
	[tilespmem:s10], [sflag:$0x1] =	stream.strided.gather [hbm4b:s3+s13], $0x0, s14, s13, $0x38;
	[tilespmem:$0x19A80] =	vst v63  }
0x3d: {  	s0 =	sand.u32 $0x1FFFFFF0, s9  }
0x3e: {  	[tilespmem:s10], [sflag:$0x1] =	stream.linear.gather [hbm4b:s3+s2], $0x20, $0x38;
	[tilespmem:$0x19A80] =	vst v63  }
0x3f: {  	s11 =	simm.s32 $0xB40;
	s0 =	sadd.s32 s8, s0  }
0x40: {  	[tilespmem:s11], [sflag:$0x1] =	stream.strided.gather [hbm4b:s0+s13], $0x0, s14, s13, $0x38;
	[tilespmem:$0x19A80] =	vst v63  }
0x41: {  	s12 =	sand.u32 $0x1FFFFFF0, s30  }
0x42: {  	[tilespmem:s11], [sflag:$0x1] =	stream.linear.gather [hbm4b:s0+s2], $0x20, $0x38;
	[tilespmem:$0x19A80] =	vst v63  }
0x43: {  	s16 =	simm.s32 $0xB80;
	s15 =	spop (v2sf);
	s4 =	sadd.s32 s7, s12  }
0x44: {  	(v2sf) =	vpush v63, $0x3;
	[tilespmem:s16], [sflag:$0x1] =	stream.strided.gather [hbm4b:s4+s13], $0x0, s14, s13, $0x38;
	[tilespmem:$0x19A80] =	vst v63  }
0x45: {  	s17 =	spop (v2sf);
	s0 =	sand.u32 $0x1FFFFFF0, s15  }
0x46: {  	(v2sf) =	vpush v2, $0x4;
	[tilespmem:s16], [sflag:$0x1] =	stream.linear.gather [hbm4b:s4+s2], $0x20, $0x38;
	[tilespmem:$0x19A80] =	vst v63  }
0x47: {  	s18 =	simm.s32 $0xBA0;
	s0 =	sadd.s32 s1, s0  }
0x48: {  	(v2sf) =	vpush v62, $0x4;
	[tilespmem:s18], [sflag:$0x1] =	stream.strided.gather [hbm4b:s0+s13], $0x0, s14, s13, $0x38;
	[tilespmem:$0x19A80] =	vst v63  }
0x49: {  	s19 =	spop (v2sf);
	s3 =	sand.u32 $0x1FFFFFF0, s17  }
0x4a: {  	[tilespmem:s18], [sflag:$0x1] =	stream.linear.gather [hbm4b:s0+s2], $0x20, $0x38;
	[tilespmem:$0x19A80] =	vst v63  }
0x4b: {  	s20 =	simm.s32 $0xBC0;
	s21 =	spop (v2sf);
	s3 =	sadd.s32 s8, s3  }
0x4c: {  	(v2sf) =	vpush v63, $0x4;
	[tilespmem:s20], [sflag:$0x1] =	stream.strided.gather [hbm4b:s3+s13], $0x0, s14, s13, $0x38;
	[tilespmem:$0x19A80] =	vst v63  }
0x4d: {  	s0 =	sand.u32 $0x1FFFFFF0, s19  }
0x4e: {  	[tilespmem:s20], [sflag:$0x1] =	stream.linear.gather [hbm4b:s3+s2], $0x20, $0x38;
	[tilespmem:$0x19A80] =	vst v63  }
0x4f: {  	s22 =	simm.s32 $0xC00;
	s0 =	sadd.s32 s7, s0  }
0x50: {  	[tilespmem:s22], [sflag:$0x1] =	stream.strided.gather [hbm4b:s0+s13], $0x0, s14, s13, $0x38;
	[tilespmem:$0x19A80] =	vst v63  }
0x51: {  	s3 =	sand.u32 $0x1FFFFFF0, s21  }
0x52: {  	[tilespmem:s22], [sflag:$0x1] =	stream.linear.gather [hbm4b:s0+s2], $0x20, $0x38;
	[tilespmem:$0x19A80] =	vst v63  }
0x53: {  	s24 =	simm.s32 $0xC20;
	s23 =	spop (v2sf);
	s3 =	sadd.s32 s1, s3  }
0x54: {  	(v2sf) =	vpush v2, $0x5;
	[tilespmem:s24], [sflag:$0x1] =	stream.strided.gather [hbm4b:s3+s13], $0x0, s14, s13, $0x38;
	[tilespmem:$0x19A80] =	vst v63  }
0x55: {  	s25 =	spop (v2sf);
	s0 =	sand.u32 $0x1FFFFFF0, s23  }
0x56: {  	(v2sf) =	vpush v62, $0x5;
	[tilespmem:s24], [sflag:$0x1] =	stream.linear.gather [hbm4b:s3+s2], $0x20, $0x38;
	[tilespmem:$0x19A80] =	vst v63  }
0x57: {  	s26 =	simm.s32 $0xC40;
	s28 =	spop (v2sf);
	s0 =	sadd.s32 s8, s0  }
0x58: {  	(v2sf) =	vpush v63, $0x5;
	[tilespmem:s26], [sflag:$0x1] =	stream.strided.gather [hbm4b:s0+s13], $0x0, s14, s13, $0x38;
	[tilespmem:$0x19A80] =	vst v63  }
0x59: {  	s3 =	sand.u32 $0x1FFFFFF0, s25  }
0x5a: {  	[tilespmem:s26], [sflag:$0x1] =	stream.linear.gather [hbm4b:s0+s2], $0x20, $0x38;
	[tilespmem:$0x19A80] =	vst v63  }
0x5b: {  	s29 =	simm.s32 $0xC80;
	s30 =	spop (v2sf);
	s3 =	sadd.s32 s7, s3  }
0x5c: {  	(v2sf) =	vpush v2, $0x6;
	[tilespmem:s29], [sflag:$0x1] =	stream.strided.gather [hbm4b:s3+s13], $0x0, s14, s13, $0x38;
	[tilespmem:$0x19A80] =	vst v63  }
0x5d: {  	s0 =	sand.u32 $0x1FFFFFF0, s28  }
0x5e: {  	[tilespmem:s29], [sflag:$0x1] =	stream.linear.gather [hbm4b:s3+s2], $0x20, $0x38;
	[tilespmem:$0x19A80] =	vst v63  }
0x5f: {  	s31 =	simm.s32 $0xCA0;
	s0 =	sadd.s32 s1, s0  }
0x60: {  	[tilespmem:s31], [sflag:$0x1] =	stream.strided.gather [hbm4b:s0+s13], $0x0, s14, s13, $0x38;
	[tilespmem:$0x19A80] =	vst v63  }
0x61: {  	s3 =	sand.u32 $0x1FFFFFF0, s30  }
0x62: {  	[tilespmem:s31], [sflag:$0x1] =	stream.linear.gather [hbm4b:s0+s2], $0x20, $0x38;
	[tilespmem:$0x19A80] =	vst v63  }
0x63: {  	s6 =	simm.s32 $0xCC0;
	s5 =	spop (v2sf);
	s3 =	sadd.s32 s8, s3  }
0x64: {  	(v2sf) =	vpush v62, $0x6;
	[tilespmem:s6], [sflag:$0x1] =	stream.strided.gather [hbm4b:s3+s13], $0x0, s14, s13, $0x38;
	[tilespmem:$0x19A80] =	vst v63  }
0x65: {  	s9 =	spop (v2sf);
	s0 =	sand.u32 $0x1FFFFFF0, s5  }
0x66: {  	(v2sf) =	vpush v63, $0x6;
	[tilespmem:s6], [sflag:$0x1] =	stream.linear.gather [hbm4b:s3+s2], $0x20, $0x38;
	[tilespmem:$0x19A80] =	vst v63  }
0x67: {  	s10 =	simm.s32 $0xD00;
	s11 =	spop (v2sf);
	s0 =	sadd.s32 s7, s0  }
0x68: {  	(v2sf) =	vpush v2, $0x7;
	[tilespmem:s10], [sflag:$0x1] =	stream.strided.gather [hbm4b:s0+s13], $0x0, s14, s13, $0x38;
	[tilespmem:$0x19A80] =	vst v63  }
0x69: {  	s3 =	sand.u32 $0x1FFFFFF0, s9  }
0x6a: {  	[tilespmem:s10], [sflag:$0x1] =	stream.linear.gather [hbm4b:s0+s2], $0x20, $0x38;
	[tilespmem:$0x19A80] =	vst v63  }
0x6b: {  	s12 =	simm.s32 $0xD20;
	s15 =	spop (v2sf);
	s3 =	sadd.s32 s1, s3  }
0x6c: {  	(v2sf) =	vpush v62, $0x7;
	[tilespmem:s12], [sflag:$0x1] =	stream.strided.gather [hbm4b:s3+s13], $0x0, s14, s13, $0x38;
	[tilespmem:$0x19A80] =	vst v63  }
0x6d: {  	s0 =	sand.u32 $0x1FFFFFF0, s11  }
0x6e: {  	[tilespmem:s12], [sflag:$0x1] =	stream.linear.gather [hbm4b:s3+s2], $0x20, $0x38;
	[tilespmem:$0x19A80] =	vst v63  }
0x6f: {  	s16 =	simm.s32 $0xD40;
	s0 =	sadd.s32 s8, s0  }
0x70: {  	[tilespmem:s16], [sflag:$0x1] =	stream.strided.gather [hbm4b:s0+s13], $0x0, s14, s13, $0x38;
	[tilespmem:$0x19A80] =	vst v63  }
0x71: {  	s3 =	sand.u32 $0x1FFFFFF0, s15  }
0x72: {  	[tilespmem:s16], [sflag:$0x1] =	stream.linear.gather [hbm4b:s0+s2], $0x20, $0x38;
	[tilespmem:$0x19A80] =	vst v63  }
0x73: {  	s18 =	simm.s32 $0xD80;
	s17 =	spop (v2sf);
	s3 =	sadd.s32 s7, s3  }
0x74: {  	(v2sf) =	vpush v63, $0x7;
	[tilespmem:s18], [sflag:$0x1] =	stream.strided.gather [hbm4b:s3+s13], $0x0, s14, s13, $0x38;
	[tilespmem:$0x19A80] =	vst v63  }
0x75: {  	s19 =	spop (v2sf);
	s0 =	sand.u32 $0x1FFFFFF0, s17  }
0x76: {  	(v2sf) =	vpush v2, $0x8;
	[tilespmem:s18], [sflag:$0x1] =	stream.linear.gather [hbm4b:s3+s2], $0x20, $0x38;
	[tilespmem:$0x19A80] =	vst v63  }
0x77: {  	s20 =	simm.s32 $0xDA0;
	s21 =	spop (v2sf);
	s0 =	sadd.s32 s1, s0  }
0x78: {  	(v2sf) =	vpush v62, $0x8;
	[tilespmem:s20], [sflag:$0x1] =	stream.strided.gather [hbm4b:s0+s13], $0x0, s14, s13, $0x38;
	[tilespmem:$0x19A80] =	vst v63  }
0x79: {  	s3 =	sand.u32 $0x1FFFFFF0, s19  }
0x7a: {  	[tilespmem:s20], [sflag:$0x1] =	stream.linear.gather [hbm4b:s0+s2], $0x20, $0x38;
	[tilespmem:$0x19A80] =	vst v63  }
0x7b: {  	s22 =	simm.s32 $0xDC0;
	s23 =	spop (v2sf);
	s3 =	sadd.s32 s8, s3  }
0x7c: {  	(v2sf) =	vpush v63, $0x8;
	[tilespmem:s22], [sflag:$0x1] =	stream.strided.gather [hbm4b:s3+s13], $0x0, s14, s13, $0x38;
	[tilespmem:$0x19A80] =	vst v63  }
0x7d: {  	s0 =	sand.u32 $0x1FFFFFF0, s21  }
0x7e: {  	[tilespmem:s22], [sflag:$0x1] =	stream.linear.gather [hbm4b:s3+s2], $0x20, $0x38;
	[tilespmem:$0x19A80] =	vst v63  }
0x7f: {  	s24 =	simm.s32 $0xE00;
	s0 =	sadd.s32 s7, s0  }
0x80: {  	[tilespmem:s24], [sflag:$0x1] =	stream.strided.gather [hbm4b:s0+s13], $0x0, s14, s13, $0x38;
	[tilespmem:$0x19A80] =	vst v63  }
0x81: {  	s3 =	sand.u32 $0x1FFFFFF0, s23  }
0x82: {  	[tilespmem:s24], [sflag:$0x1] =	stream.linear.gather [hbm4b:s0+s2], $0x20, $0x38;
	[tilespmem:$0x19A80] =	vst v63  }
0x83: {  	s26 =	simm.s32 $0xE20;
	s25 =	spop (v2sf);
	s3 =	sadd.s32 s1, s3  }
0x84: {  	(v2sf) =	vpush v2, $0x9;
	[tilespmem:s26], [sflag:$0x1] =	stream.strided.gather [hbm4b:s3+s13], $0x0, s14, s13, $0x38;
	[tilespmem:$0x19A80] =	vst v63  }
0x85: {  	s28 =	spop (v2sf);
	s0 =	sand.u32 $0x1FFFFFF0, s25  }
0x86: {  	(v2sf) =	vpush v62, $0x9;
	[tilespmem:s26], [sflag:$0x1] =	stream.linear.gather [hbm4b:s3+s2], $0x20, $0x38;
	[tilespmem:$0x19A80] =	vst v63  }
0x87: {  	s29 =	simm.s32 $0xE40;
	s30 =	spop (v2sf);
	s0 =	sadd.s32 s8, s0  }
0x88: {  	(v2sf) =	vpush v63, $0x9;
	[tilespmem:s29], [sflag:$0x1] =	stream.strided.gather [hbm4b:s0+s13], $0x0, s14, s13, $0x38;
	[tilespmem:$0x19A80] =	vst v63  }
0x89: {  	s3 =	sand.u32 $0x1FFFFFF0, s28  }
0x8a: {  	[tilespmem:s29], [sflag:$0x1] =	stream.linear.gather [hbm4b:s0+s2], $0x20, $0x38;
	[tilespmem:$0x19A80] =	vst v63  }
0x8b: {  	s31 =	simm.s32 $0xE80;
	s5 =	spop (v2sf);
	s3 =	sadd.s32 s7, s3  }
0x8c: {  	(v2sf) =	vpush v2, $0xA;
	[tilespmem:s31], [sflag:$0x1] =	stream.strided.gather [hbm4b:s3+s13], $0x0, s14, s13, $0x38;
	[tilespmem:$0x19A80] =	vst v63  }
0x8d: {  	s0 =	sand.u32 $0x1FFFFFF0, s30  }
0x8e: {  	[tilespmem:s31], [sflag:$0x1] =	stream.linear.gather [hbm4b:s3+s2], $0x20, $0x38;
	[tilespmem:$0x19A80] =	vst v63  }
0x8f: {  	s6 =	simm.s32 $0xEA0;
	s0 =	sadd.s32 s1, s0  }
0x90: {  	[tilespmem:s6], [sflag:$0x1] =	stream.strided.gather [hbm4b:s0+s13], $0x0, s14, s13, $0x38;
	[tilespmem:$0x19A80] =	vst v63  }
0x91: {  	s3 =	sand.u32 $0x1FFFFFF0, s5  }
0x92: {  	[tilespmem:s6], [sflag:$0x1] =	stream.linear.gather [hbm4b:s0+s2], $0x20, $0x38;
	[tilespmem:$0x19A80] =	vst v63  }
0x93: {  	s10 =	simm.s32 $0xEC0;
	s9 =	spop (v2sf);
	s3 =	sadd.s32 s8, s3  }
0x94: {  	(v2sf) =	vpush v62, $0xA;
	[tilespmem:s10], [sflag:$0x1] =	stream.strided.gather [hbm4b:s3+s13], $0x0, s14, s13, $0x38;
	[tilespmem:$0x19A80] =	vst v63  }
0x95: {  	s11 =	spop (v2sf);
	s0 =	sand.u32 $0x1FFFFFF0, s9  }
0x96: {  	(v2sf) =	vpush v63, $0xA;
	[tilespmem:s10], [sflag:$0x1] =	stream.linear.gather [hbm4b:s3+s2], $0x20, $0x38;
	[tilespmem:$0x19A80] =	vst v63  }
0x97: {  	s12 =	simm.s32 $0xF00;
	s15 =	spop (v2sf);
	s0 =	sadd.s32 s7, s0  }
0x98: {  	(v2sf) =	vpush v2, $0xB;
	[tilespmem:s12], [sflag:$0x1] =	stream.strided.gather [hbm4b:s0+s13], $0x0, s14, s13, $0x38;
	[tilespmem:$0x19A80] =	vst v63  }
0x99: {  	s3 =	sand.u32 $0x1FFFFFF0, s11  }
0x9a: {  	[tilespmem:s12], [sflag:$0x1] =	stream.linear.gather [hbm4b:s0+s2], $0x20, $0x38;
	[tilespmem:$0x19A80] =	vst v63  }
0x9b: {  	s16 =	simm.s32 $0xF20;
	s17 =	spop (v2sf);
	s3 =	sadd.s32 s1, s3  }
0x9c: {  	(v2sf) =	vpush v62, $0xB;
	[tilespmem:s16], [sflag:$0x1] =	stream.strided.gather [hbm4b:s3+s13], $0x0, s14, s13, $0x38;
	[tilespmem:$0x19A80] =	vst v63  }
0x9d: {  	s0 =	sand.u32 $0x1FFFFFF0, s15  }
0x9e: {  	[tilespmem:s16], [sflag:$0x1] =	stream.linear.gather [hbm4b:s3+s2], $0x20, $0x38;
	[tilespmem:$0x19A80] =	vst v63  }
0x9f: {  	s18 =	simm.s32 $0xF40;
	s0 =	sadd.s32 s8, s0  }
0xa0: {  	[tilespmem:s18], [sflag:$0x1] =	stream.strided.gather [hbm4b:s0+s13], $0x0, s14, s13, $0x38;
	[tilespmem:$0x19A80] =	vst v63  }
0xa1: {  	s3 =	sand.u32 $0x1FFFFFF0, s17  }
0xa2: {  	[tilespmem:s18], [sflag:$0x1] =	stream.linear.gather [hbm4b:s0+s2], $0x20, $0x38;
	[tilespmem:$0x19A80] =	vst v63  }
0xa3: {  	s20 =	simm.s32 $0xF80;
	s19 =	spop (v2sf);
	s3 =	sadd.s32 s7, s3  }
0xa4: {  	(v2sf) =	vpush v63, $0xB;
	[tilespmem:s20], [sflag:$0x1] =	stream.strided.gather [hbm4b:s3+s13], $0x0, s14, s13, $0x38;
	[tilespmem:$0x19A80] =	vst v63  }
0xa5: {  	s21 =	spop (v2sf);
	s0 =	sand.u32 $0x1FFFFFF0, s19  }
0xa6: {  	(v2sf) =	vpush v2, $0xC;
	[tilespmem:s20], [sflag:$0x1] =	stream.linear.gather [hbm4b:s3+s2], $0x20, $0x38;
	[tilespmem:$0x19A80] =	vst v63  }
0xa7: {  	s22 =	simm.s32 $0xFA0;
	s23 =	spop (v2sf);
	s0 =	sadd.s32 s1, s0  }
0xa8: {  	(v2sf) =	vpush v62, $0xC;
	[tilespmem:s22], [sflag:$0x1] =	stream.strided.gather [hbm4b:s0+s13], $0x0, s14, s13, $0x38;
	[tilespmem:$0x19A80] =	vst v63  }
0xa9: {  	s3 =	sand.u32 $0x1FFFFFF0, s21  }
0xaa: {  	[tilespmem:s22], [sflag:$0x1] =	stream.linear.gather [hbm4b:s0+s2], $0x20, $0x38;
	[tilespmem:$0x19A80] =	vst v63  }
0xab: {  	s24 =	simm.s32 $0xFC0;
	s25 =	spop (v2sf);
	s3 =	sadd.s32 s8, s3  }
0xac: {  	(v2sf) =	vpush v63, $0xC;
	[tilespmem:s24], [sflag:$0x1] =	stream.strided.gather [hbm4b:s3+s13], $0x0, s14, s13, $0x38;
	[tilespmem:$0x19A80] =	vst v63  }
0xad: {  	s0 =	sand.u32 $0x1FFFFFF0, s23  }
0xae: {  	[tilespmem:s24], [sflag:$0x1] =	stream.linear.gather [hbm4b:s3+s2], $0x20, $0x38;
	[tilespmem:$0x19A80] =	vst v63  }
0xaf: {  	s26 =	simm.s32 $0x1000;
	s0 =	sadd.s32 s7, s0  }
0xb0: {  	[tilespmem:s26], [sflag:$0x1] =	stream.strided.gather [hbm4b:s0+s13], $0x0, s14, s13, $0x38;
	[tilespmem:$0x19A80] =	vst v63  }
0xb1: {  	s3 =	sand.u32 $0x1FFFFFF0, s25  }
0xb2: {  	[tilespmem:s26], [sflag:$0x1] =	stream.linear.gather [hbm4b:s0+s2], $0x20, $0x38;
	[tilespmem:$0x19A80] =	vst v63  }
0xb3: {  	s29 =	simm.s32 $0x1020;
	s28 =	spop (v2sf);
	s3 =	sadd.s32 s1, s3  }
0xb4: {  	(v2sf) =	vpush v2, $0xD;
	[tilespmem:s29], [sflag:$0x1] =	stream.strided.gather [hbm4b:s3+s13], $0x0, s14, s13, $0x38;
	[tilespmem:$0x19A80] =	vst v63  }
0xb5: {  	s30 =	spop (v2sf);
	s0 =	sand.u32 $0x1FFFFFF0, s28  }
0xb6: {  	(v2sf) =	vpush v62, $0xD;
	[tilespmem:s29], [sflag:$0x1] =	stream.linear.gather [hbm4b:s3+s2], $0x20, $0x38;
	[tilespmem:$0x19A80] =	vst v63  }
0xb7: {  	s31 =	simm.s32 $0x1040;
	s5 =	spop (v2sf);
	s0 =	sadd.s32 s8, s0  }
0xb8: {  	(v2sf) =	vpush v63, $0xD;
	[tilespmem:s31], [sflag:$0x1] =	stream.strided.gather [hbm4b:s0+s13], $0x0, s14, s13, $0x38;
	[tilespmem:$0x19A80] =	vst v63  }
0xb9: {  	s3 =	sand.u32 $0x1FFFFFF0, s30  }
0xba: {  	[tilespmem:s31], [sflag:$0x1] =	stream.linear.gather [hbm4b:s0+s2], $0x20, $0x38;
	[tilespmem:$0x19A80] =	vst v63  }
0xbb: {  	s6 =	simm.s32 $0x1080;
	s9 =	spop (v2sf);
	s3 =	sadd.s32 s7, s3  }
0xbc: {  	(v2sf) =	vpush v2, $0xE;
	[tilespmem:s6], [sflag:$0x1] =	stream.strided.gather [hbm4b:s3+s13], $0x0, s14, s13, $0x38;
	[tilespmem:$0x19A80] =	vst v63  }
0xbd: {  	s0 =	sand.u32 $0x1FFFFFF0, s5  }
0xbe: {  	[tilespmem:s6], [sflag:$0x1] =	stream.linear.gather [hbm4b:s3+s2], $0x20, $0x38;
	[tilespmem:$0x19A80] =	vst v63  }
0xbf: {  	s10 =	simm.s32 $0x10A0;
	s0 =	sadd.s32 s1, s0  }
0xc0: {  	[tilespmem:s10], [sflag:$0x1] =	stream.strided.gather [hbm4b:s0+s13], $0x0, s14, s13, $0x38;
	[tilespmem:$0x19A80] =	vst v63  }
0xc1: {  	s3 =	sand.u32 $0x1FFFFFF0, s9  }
0xc2: {  	[tilespmem:s10], [sflag:$0x1] =	stream.linear.gather [hbm4b:s0+s2], $0x20, $0x38;
	[tilespmem:$0x19A80] =	vst v63  }
0xc3: {  	s12 =	simm.s32 $0x10C0;
	s11 =	spop (v2sf);
	s3 =	sadd.s32 s8, s3  }
0xc4: {  	(v2sf) =	vpush v62, $0xE;
	[tilespmem:s12], [sflag:$0x1] =	stream.strided.gather [hbm4b:s3+s13], $0x0, s14, s13, $0x38;
	[tilespmem:$0x19A80] =	vst v63  }
0xc5: {  	s15 =	spop (v2sf);
	s0 =	sand.u32 $0x1FFFFFF0, s11  }
0xc6: {  	(v2sf) =	vpush v63, $0xE;
	[tilespmem:s12], [sflag:$0x1] =	stream.linear.gather [hbm4b:s3+s2], $0x20, $0x38;
	[tilespmem:$0x19A80] =	vst v63  }
0xc7: {  	s16 =	simm.s32 $0x1100;
	s17 =	spop (v2sf);
	s0 =	sadd.s32 s7, s0  }
0xc8: {  	(v2sf) =	vpush v2, $0xF;
	[tilespmem:s16], [sflag:$0x1] =	stream.strided.gather [hbm4b:s0+s13], $0x0, s14, s13, $0x38;
	[tilespmem:$0x19A80] =	vst v63  }
0xc9: {  	s3 =	sand.u32 $0x1FFFFFF0, s15  }
0xca: {  	(v2sf) =	vpush v62, $0xF;
	[tilespmem:s16], [sflag:$0x1] =	stream.linear.gather [hbm4b:s0+s2], $0x20, $0x38;
	[tilespmem:$0x19A80] =	vst v63  }
0xcb: {  	s18 =	simm.s32 $0x1120;
	s19 =	spop (v2sf);
	s3 =	sadd.s32 s1, s3  }
0xcc: {  	(v2sf) =	vpush v63, $0xF;
	[tilespmem:s18], [sflag:$0x1] =	stream.strided.gather [hbm4b:s3+s13], $0x0, s14, s13, $0x38;
	[tilespmem:$0x19A80] =	vst v63  }
0xcd: {  	s0 =	sand.u32 $0x1FFFFFF0, s17  }
0xce: {  	[tilespmem:s18], [sflag:$0x1] =	stream.linear.gather [hbm4b:s3+s2], $0x20, $0x38;
	[tilespmem:$0x19A80] =	vst v63  }
0xcf: {  	s20 =	simm.s32 $0x1140;
	s0 =	sadd.s32 s8, s0  }
0xd0: {  	[tilespmem:s20], [sflag:$0x1] =	stream.strided.gather [hbm4b:s0+s13], $0x0, s14, s13, $0x38;
	[tilespmem:$0x19A80] =	vst v63  }
0xd1: {  	s3 =	sand.u32 $0x1FFFFFF0, s19  }
0xd2: {  	[tilespmem:s20], [sflag:$0x1] =	stream.linear.gather [hbm4b:s0+s2], $0x20, $0x38;
	[tilespmem:$0x19A80] =	vst v63  }
0xd3: {  	s22 =	simm.s32 $0x1180;
	s21 =	spop (v2sf);
	s3 =	sadd.s32 s7, s3  }
0xd4: {  	[tilespmem:s22], [sflag:$0x1] =	stream.strided.gather [hbm4b:s3+s13], $0x0, s14, s13, $0x38;
	[tilespmem:$0x19A80] =	vst v63  }
0xd5: {  	s23 =	spop (v2sf);
	s0 =	sand.u32 $0x1FFFFFF0, s21  }
0xd6: {  	[tilespmem:s22], [sflag:$0x1] =	stream.linear.gather [hbm4b:s3+s2], $0x20, $0x38;
	[tilespmem:$0x19A80] =	vst v63  }
0xd7: {  	s24 =	simm.s32 $0x11A0;
	s25 =	spop (v2sf);
	s0 =	sadd.s32 s1, s0  }
0xd8: {  	[tilespmem:s24], [sflag:$0x1] =	stream.strided.gather [hbm4b:s0+s13], $0x0, s14, s13, $0x38;
	[tilespmem:$0x19A80] =	vst v63  }
0xd9: {  	s26 =	simm.s32 $0x11C0;
	s28 =	spop (v2sf);
	s3 =	sand.u32 $0x1FFFFFF0, s23  }
0xda: {  	[tilespmem:s24], [sflag:$0x1] =	stream.linear.gather [hbm4b:s0+s2], $0x20, $0x38;
	[tilespmem:$0x19A80] =	vst v63  }
0xdb: {  	s29 =	simm.s32 $0x1200;
	s30 =	spop (v2sf);
	s3 =	sadd.s32 s8, s3  }
0xdc: {  	[tilespmem:s26], [sflag:$0x1] =	stream.strided.gather [hbm4b:s3+s13], $0x0, s14, s13, $0x38;
	[tilespmem:$0x19A80] =	vst v63  }
0xdd: {  	s31 =	sand.u32 $0x1FFFFFF0, s30;
	s20 =	simm.s32 $0x2000;
	s0 =	sand.u32 $0x1FFFFFF0, s25  }
0xde: {  	[tilespmem:s26], [sflag:$0x1] =	stream.linear.gather [hbm4b:s3+s2], $0x20, $0x38;
	[tilespmem:$0x19A80] =	vst v63  }
0xdf: {  	s21 =	simm.s32 $0x10;
	s22 =	simm.s32 $0x390;
	s0 =	sadd.s32 s7, s0  }
0xe0: {  	[tilespmem:s29], [sflag:$0x1] =	stream.strided.gather [hbm4b:s0+s13], $0x0, s14, s13, $0x38;
	[tilespmem:$0x19A80] =	vst v63  }
0xe1: {  	s23 =	simm.s32 $0x710;
	s24 =	simm.s32 $0x1240;
	s3 =	sand.u32 $0x1FFFFFF0, s28  }
0xe2: {  	[tilespmem:s29], [sflag:$0x1] =	stream.linear.gather [hbm4b:s0+s2], $0x20, $0x38;
	[tilespmem:$0x19A80] =	vst v63  }
0xe3: {  	s26 =	sadd.s32 s8, s31;
	s3 =	sadd.s32 s1, s3;
	s0 =	simm.s32 $0x1220  }
0xe4: {  	[tilespmem:s0], [sflag:$0x1] =	stream.strided.gather [hbm4b:s3+s13], $0x0, s14, s13, $0x38;
	[tilespmem:$0x19A80] =	vst v63  }
.LBB2_3:
0xe5: {  	[tilespmem:s0], [sflag:$0x1] =	stream.linear.gather [hbm4b:s3+s2], $0x20, $0x38;
	[tilespmem:$0x19A80] =	vst v63  }
0xe6: {  	p0 =	sne.s32 s20, $0x62000;
	s0 =	smov.u32 s20;
	s20 =	sadd.s32 $0x2000, s20  }
0xe7: {  	[tilespmem:s24], [sflag:$0x1] =	stream.strided.gather [hbm4b:s26+s13], $0x0, s14, s13, $0x38;
	[tilespmem:$0x19A80] =	vst v63  }
0xe8: {  	_ = 	snop  }
0xe9: {  	[tilespmem:s24], [sflag:$0x1] =	stream.linear.gather [hbm4b:s26+s2], $0x20, $0x38;
	[tilespmem:$0x19A80] =	vst v63  }
0xea: {  	v0 =	vld [tilespmem:s21+$0x0]  }
0xeb: {  	v1 =	vld [tilespmem:s22+$0x0];
	_ =	sdelay $0x3  }
0xec: {  	v3 =	vld [tilespmem:s23+$0x0];
	v2 =	vshll.u32 v0, $0x4  }
0xed: {  	v1 =	vshll.u32 v1, $0x4;
	(v2sf) =	vpush v2, $0x0  }
0xee: {  	(v2sf) =	vpush v1, $0x0;
	_ =	sdelay $0x2  }
0xef: {  	v0 =	vshll.u32 v3, $0x4;
	(v2sf) =	vpush v2, $0x1;
	_ =	sdelay $0x1  }
0xf0: {  	(v2sf) =	vpush v0, $0x0;
	_ =	sdelay $0x1  }
0xf1: {  	(v2sf) =	vpush v2, $0x2  }
0xf2: {  	(v2sf) =	vpush v1, $0x1;
	_ =	sdelay $0x1  }
0xf3: {  	(v2sf) =	vpush v0, $0x1;
	_ =	sdelay $0x1  }
0xf4: {  	(v2sf) =	vpush v1, $0x2;
	_ =	sdelay $0x1  }
0xf5: {  	s25 =	sshra.s32 s0, $0x2;
	s0 =	spop (v2sf);
	(v2sf) =	vpush v0, $0x2  }
0xf6: {  	s3 =	sadd.s32 $0xB00, s25;
	s0 =	sand.u32 $0x1FFFFFF0, s0;
	s4 =	spop (v2sf)  }
0xf7: {  	s5 =	sadd.s32 $0xA80, s25;
	s0 =	sadd.s32 s7, s0;
	s4 =	sand.u32 $0x1FFFFFF0, s4;
	(v2sf) =	vpush v2, $0x3  }
0xf8: {  	[tilespmem:s5], [sflag:$0x1] =	stream.strided.gather [hbm4b:s0+s13], $0x0, s14, s13, $0x38;
	[tilespmem:$0x19A80] =	vst v63  }
0xf9: {  	s24 =	sadd.s32 $0x1240, s25;
	s6 =	spop (v2sf);
	(v2sf) =	vpush v1, $0x3  }
0xfa: {  	[tilespmem:s5], [sflag:$0x1] =	stream.linear.gather [hbm4b:s0+s2], $0x20, $0x38;
	[tilespmem:$0x19A80] =	vst v63  }
0xfb: {  	s4 =	sadd.s32 s1, s4;
	s0 =	sadd.s32 $0xAA0, s25;
	s5 =	spop (v2sf);
	(v2sf) =	vpush v0, $0x3  }
0xfc: {  	[tilespmem:s0], [sflag:$0x1] =	stream.strided.gather [hbm4b:s4+s13], $0x0, s14, s13, $0x38;
	[tilespmem:$0x19A80] =	vst v63  }
0xfd: {  	s6 =	sand.u32 $0x1FFFFFF0, s6;
	s5 =	sand.u32 $0x1FFFFFF0, s5;
	s9 =	spop (v2sf);
	(v2sf) =	vpush v2, $0x4  }
0xfe: {  	s10 =	sadd.s32 $0xAC0, s25;
	s5 =	sadd.s32 s8, s5;
	s11 =	spop (v2sf)  }
0xff: {  	[tilespmem:s0], [sflag:$0x1] =	stream.linear.gather [hbm4b:s4+s2], $0x20, $0x38;
	(v2sf) =	vpush v1, $0x4;
	[tilespmem:$0x19A80] =	vst v63  }
0x100: {  	s0 =	sand.u32 $0x1FFFFFF0, s11;
	s4 =	sand.u32 $0x1FFFFFF0, s9;
	s9 =	spop (v2sf)  }
0x101: {  	[tilespmem:s10], [sflag:$0x1] =	stream.strided.gather [hbm4b:s5+s13], $0x0, s14, s13, $0x38;
	(v2sf) =	vpush v0, $0x4;
	[tilespmem:$0x19A80] =	vst v63  }
0x102: {  	s9 =	sand.u32 $0x1FFFFFF0, s9;
	s11 =	spop (v2sf)  }
0x103: {  	[tilespmem:s10], [sflag:$0x1] =	stream.linear.gather [hbm4b:s5+s2], $0x20, $0x38;
	(v2sf) =	vpush v2, $0x5;
	[tilespmem:$0x19A80] =	vst v63  }
0x104: {  	s5 =	sadd.s32 s7, s6;
	s6 =	sand.u32 $0x1FFFFFF0, s11;
	s10 =	spop (v2sf)  }
0x105: {  	[tilespmem:s3], [sflag:$0x1] =	stream.strided.gather [hbm4b:s5+s13], $0x0, s14, s13, $0x38;
	(v2sf) =	vpush v1, $0x5;
	[tilespmem:$0x19A80] =	vst v63  }
0x106: {  	s11 =	sadd.s32 $0xB20, s25;
	s17 =	sand.u32 $0x1FFFFFF0, s10;
	s10 =	spop (v2sf)  }
0x107: {  	[tilespmem:s3], [sflag:$0x1] =	stream.linear.gather [hbm4b:s5+s2], $0x20, $0x38;
	(v2sf) =	vpush v0, $0x5;
	[tilespmem:$0x19A80] =	vst v63  }
0x108: {  	s0 =	sadd.s32 s1, s0;
	s26 =	sand.u32 $0x1FFFFFF0, s10;
	s3 =	spop (v2sf)  }
0x109: {  	[tilespmem:s11], [sflag:$0x1] =	stream.strided.gather [hbm4b:s0+s13], $0x0, s14, s13, $0x38;
	(v2sf) =	vpush v2, $0x6;
	[tilespmem:$0x19A80] =	vst v63  }
0x10a: {  	s10 =	sadd.s32 $0xB40, s25;
	s5 =	sand.u32 $0x1FFFFFF0, s3;
	s3 =	spop (v2sf)  }
0x10b: {  	[tilespmem:s11], [sflag:$0x1] =	stream.linear.gather [hbm4b:s0+s2], $0x20, $0x38;
	[tilespmem:$0x19A80] =	vst v63  }
0x10c: {  	s9 =	sadd.s32 s8, s9;
	s16 =	sand.u32 $0x1FFFFFF0, s3;
	s0 =	spop (v2sf)  }
0x10d: {  	[tilespmem:s10], [sflag:$0x1] =	stream.strided.gather [hbm4b:s9+s13], $0x0, s14, s13, $0x38;
	(v2sf) =	vpush v1, $0x6;
	[tilespmem:$0x19A80] =	vst v63  }
0x10e: {  	s3 =	sadd.s32 $0xB80, s25;
	s0 =	sand.u32 $0x1FFFFFF0, s0;
	s11 =	spop (v2sf)  }
0x10f: {  	[tilespmem:s10], [sflag:$0x1] =	stream.linear.gather [hbm4b:s9+s2], $0x20, $0x38;
	[tilespmem:$0x19A80] =	vst v63  }
0x110: {  	s9 =	sadd.s32 s7, s4;
	s4 =	sand.u32 $0x1FFFFFF0, s11;
	s10 =	spop (v2sf)  }
0x111: {  	[tilespmem:s3], [sflag:$0x1] =	stream.strided.gather [hbm4b:s9+s13], $0x0, s14, s13, $0x38;
	(v2sf) =	vpush v0, $0x6;
	[tilespmem:$0x19A80] =	vst v63  }
0x112: {  	s11 =	sadd.s32 $0xBA0, s25;
	s10 =	sand.u32 $0x1FFFFFF0, s10;
	s28 =	spop (v2sf)  }
0x113: {  	[tilespmem:s3], [sflag:$0x1] =	stream.linear.gather [hbm4b:s9+s2], $0x20, $0x38;
	[tilespmem:$0x19A80] =	vst v63  }
0x114: {  	s6 =	sadd.s32 s1, s6;
	s9 =	sand.u32 $0x1FFFFFF0, s28;
	s3 =	spop (v2sf)  }
0x115: {  	[tilespmem:s11], [sflag:$0x1] =	stream.strided.gather [hbm4b:s6+s13], $0x0, s14, s13, $0x38;
	(v2sf) =	vpush v2, $0x7;
	[tilespmem:$0x19A80] =	vst v63  }
0x116: {  	s28 =	sadd.s32 $0xBC0, s25;
	s3 =	sand.u32 $0x1FFFFFF0, s3;
	s29 =	spop (v2sf)  }
0x117: {  	[tilespmem:s11], [sflag:$0x1] =	stream.linear.gather [hbm4b:s6+s2], $0x20, $0x38;
	[tilespmem:$0x19A80] =	vst v63  }
0x118: {  	s17 =	sadd.s32 s8, s17;
	s6 =	sand.u32 $0x1FFFFFF0, s29;
	s11 =	spop (v2sf)  }
0x119: {  	[tilespmem:s28], [sflag:$0x1] =	stream.strided.gather [hbm4b:s17+s13], $0x0, s14, s13, $0x38;
	(v2sf) =	vpush v1, $0x7;
	[tilespmem:$0x19A80] =	vst v63  }
0x11a: {  	s26 =	sadd.s32 s7, s26;
	s29 =	sadd.s32 $0xC00, s25;
	s11 =	sand.u32 $0x1FFFFFF0, s11  }
0x11b: {  	[tilespmem:s28], [sflag:$0x1] =	stream.linear.gather [hbm4b:s17+s2], $0x20, $0x38;
	[tilespmem:$0x19A80] =	vst v63  }
0x11c: {  	s17 =	spop (v2sf)  }
0x11d: {  	[tilespmem:s29], [sflag:$0x1] =	stream.strided.gather [hbm4b:s26+s13], $0x0, s14, s13, $0x38;
	(v2sf) =	vpush v0, $0x7;
	[tilespmem:$0x19A80] =	vst v63  }
0x11e: {  	s30 =	sadd.s32 s1, s5;
	s28 =	sadd.s32 $0xC20, s25;
	s5 =	sand.u32 $0x1FFFFFF0, s17  }
0x11f: {  	[tilespmem:s29], [sflag:$0x1] =	stream.linear.gather [hbm4b:s26+s2], $0x20, $0x38;
	[tilespmem:$0x19A80] =	vst v63  }
0x120: {  	s17 =	spop (v2sf)  }
0x121: {  	[tilespmem:s28], [sflag:$0x1] =	stream.strided.gather [hbm4b:s30+s13], $0x0, s14, s13, $0x38;
	(v2sf) =	vpush v2, $0x8;
	[tilespmem:$0x19A80] =	vst v63  }
0x122: {  	s16 =	sadd.s32 s8, s16;
	s29 =	sadd.s32 $0xC40, s25;
	s26 =	sand.u32 $0x1FFFFFF0, s17  }
0x123: {  	[tilespmem:s28], [sflag:$0x1] =	stream.linear.gather [hbm4b:s30+s2], $0x20, $0x38;
	[tilespmem:$0x19A80] =	vst v63  }
0x124: {  	s17 =	spop (v2sf)  }
0x125: {  	[tilespmem:s29], [sflag:$0x1] =	stream.strided.gather [hbm4b:s16+s13], $0x0, s14, s13, $0x38;
	(v2sf) =	vpush v1, $0x8;
	[tilespmem:$0x19A80] =	vst v63  }
0x126: {  	s28 =	sadd.s32 $0xC80, s25;
	s30 =	sadd.s32 s7, s0;
	s0 =	sand.u32 $0x1FFFFFF0, s17  }
0x127: {  	[tilespmem:s29], [sflag:$0x1] =	stream.linear.gather [hbm4b:s16+s2], $0x20, $0x38;
	(v2sf) =	vpush v0, $0x8;
	[tilespmem:$0x19A80] =	vst v63  }
0x128: {  	s16 =	spop (v2sf)  }
0x129: {  	[tilespmem:s28], [sflag:$0x1] =	stream.strided.gather [hbm4b:s30+s13], $0x0, s14, s13, $0x38;
	(v2sf) =	vpush v2, $0x9;
	[tilespmem:$0x19A80] =	vst v63  }
0x12a: {  	s17 =	sadd.s32 $0xCA0, s25;
	s29 =	sadd.s32 s1, s4;
	s4 =	sand.u32 $0x1FFFFFF0, s16  }
0x12b: {  	[tilespmem:s28], [sflag:$0x1] =	stream.linear.gather [hbm4b:s30+s2], $0x20, $0x38;
	[tilespmem:$0x19A80] =	vst v63  }
0x12c: {  	s16 =	spop (v2sf)  }
0x12d: {  	[tilespmem:s17], [sflag:$0x1] =	stream.strided.gather [hbm4b:s29+s13], $0x0, s14, s13, $0x38;
	(v2sf) =	vpush v1, $0x9;
	[tilespmem:$0x19A80] =	vst v63  }
0x12e: {  	s10 =	sadd.s32 s8, s10;
	s28 =	sadd.s32 $0xCC0, s25;
	s16 =	sand.u32 $0x1FFFFFF0, s16  }
0x12f: {  	[tilespmem:s17], [sflag:$0x1] =	stream.linear.gather [hbm4b:s29+s2], $0x20, $0x38;
	(v2sf) =	vpush v0, $0x9;
	[tilespmem:$0x19A80] =	vst v63  }
0x130: {  	s17 =	spop (v2sf)  }
0x131: {  	[tilespmem:s28], [sflag:$0x1] =	stream.strided.gather [hbm4b:s10+s13], $0x0, s14, s13, $0x38;
	(v2sf) =	vpush v2, $0xA;
	[tilespmem:$0x19A80] =	vst v63  }
0x132: {  	s9 =	sadd.s32 s7, s9;
	s29 =	sadd.s32 $0xD00, s25;
	s17 =	sand.u32 $0x1FFFFFF0, s17  }
0x133: {  	[tilespmem:s28], [sflag:$0x1] =	stream.linear.gather [hbm4b:s10+s2], $0x20, $0x38;
	[tilespmem:$0x19A80] =	vst v63  }
0x134: {  	s10 =	spop (v2sf)  }
0x135: {  	[tilespmem:s29], [sflag:$0x1] =	stream.strided.gather [hbm4b:s9+s13], $0x0, s14, s13, $0x38;
	(v2sf) =	vpush v1, $0xA;
	[tilespmem:$0x19A80] =	vst v63  }
0x136: {  	s30 =	sadd.s32 s1, s3;
	s28 =	sadd.s32 $0xD20, s25;
	s3 =	spop (v2sf)  }
0x137: {  	[tilespmem:s29], [sflag:$0x1] =	stream.linear.gather [hbm4b:s9+s2], $0x20, $0x38;
	(v2sf) =	vpush v0, $0xA;
	[tilespmem:$0x19A80] =	vst v63  }
0x138: {  	s10 =	sand.u32 $0x1FFFFFF0, s10;
	s3 =	sand.u32 $0x1FFFFFF0, s3;
	s9 =	spop (v2sf)  }
0x139: {  	[tilespmem:s28], [sflag:$0x1] =	stream.strided.gather [hbm4b:s30+s13], $0x0, s14, s13, $0x38;
	(v2sf) =	vpush v2, $0xB;
	[tilespmem:$0x19A80] =	vst v63  }
0x13a: {  	s31 =	sadd.s32 s8, s6;
	s29 =	sadd.s32 $0xD40, s25;
	s9 =	sand.u32 $0x1FFFFFF0, s9  }
0x13b: {  	[tilespmem:s28], [sflag:$0x1] =	stream.linear.gather [hbm4b:s30+s2], $0x20, $0x38;
	[tilespmem:$0x19A80] =	vst v63  }
0x13c: {  	s6 =	spop (v2sf)  }
0x13d: {  	[tilespmem:s29], [sflag:$0x1] =	stream.strided.gather [hbm4b:s31+s13], $0x0, s14, s13, $0x38;
	(v2sf) =	vpush v1, $0xB;
	[tilespmem:$0x19A80] =	vst v63  }
0x13e: {  	s28 =	sadd.s32 $0xD80, s25;
	s30 =	sadd.s32 s7, s11;
	s11 =	spop (v2sf)  }
0x13f: {  	[tilespmem:s29], [sflag:$0x1] =	stream.linear.gather [hbm4b:s31+s2], $0x20, $0x38;
	[tilespmem:$0x19A80] =	vst v63  }
0x140: {  	s11 =	sand.u32 $0x1FFFFFF0, s11;
	s29 =	spop (v2sf)  }
0x141: {  	[tilespmem:s28], [sflag:$0x1] =	stream.strided.gather [hbm4b:s30+s13], $0x0, s14, s13, $0x38;
	(v2sf) =	vpush v0, $0xB;
	[tilespmem:$0x19A80] =	vst v63  }
0x142: {  	s15 =	sadd.s32 $0xDA0, s25;
	s5 =	sadd.s32 s1, s5;
	s31 =	sand.u32 $0x1FFFFFF0, s29  }
0x143: {  	[tilespmem:s28], [sflag:$0x1] =	stream.linear.gather [hbm4b:s30+s2], $0x20, $0x38;
	[tilespmem:$0x19A80] =	vst v63  }
0x144: {  	s28 =	spop (v2sf)  }
0x145: {  	[tilespmem:s15], [sflag:$0x1] =	stream.strided.gather [hbm4b:s5+s13], $0x0, s14, s13, $0x38;
	(v2sf) =	vpush v2, $0xC;
	[tilespmem:$0x19A80] =	vst v63  }
0x146: {  	s29 =	sadd.s32 $0xDC0, s25;
	s30 =	sadd.s32 s8, s26;
	s26 =	spop (v2sf)  }
0x147: {  	[tilespmem:s15], [sflag:$0x1] =	stream.linear.gather [hbm4b:s5+s2], $0x20, $0x38;
	[tilespmem:$0x19A80] =	vst v63  }
0x148: {  	s5 =	sand.u32 $0x1FFFFFF0, s28;
	s28 =	sand.u32 $0x1FFFFFF0, s26;
	s15 =	spop (v2sf)  }
0x149: {  	[tilespmem:s29], [sflag:$0x1] =	stream.strided.gather [hbm4b:s30+s13], $0x0, s14, s13, $0x38;
	(v2sf) =	vpush v1, $0xC;
	[tilespmem:$0x19A80] =	vst v63  }
0x14a: {  	s19 =	sadd.s32 $0xE00, s25;
	s0 =	sadd.s32 s7, s0;
	s26 =	sand.u32 $0x1FFFFFF0, s15  }
0x14b: {  	[tilespmem:s29], [sflag:$0x1] =	stream.linear.gather [hbm4b:s30+s2], $0x20, $0x38;
	(v2sf) =	vpush v0, $0xC;
	[tilespmem:$0x19A80] =	vst v63  }
0x14c: {  	s15 =	spop (v2sf)  }
0x14d: {  	[tilespmem:s19], [sflag:$0x1] =	stream.strided.gather [hbm4b:s0+s13], $0x0, s14, s13, $0x38;
	(v2sf) =	vpush v2, $0xD;
	[tilespmem:$0x19A80] =	vst v63  }
0x14e: {  	s12 =	sadd.s32 $0xE20, s25;
	s4 =	sadd.s32 s1, s4;
	s29 =	sand.u32 $0x1FFFFFF0, s15  }
0x14f: {  	[tilespmem:s19], [sflag:$0x1] =	stream.linear.gather [hbm4b:s0+s2], $0x20, $0x38;
	[tilespmem:$0x19A80] =	vst v63  }
0x150: {  	s0 =	spop (v2sf)  }
0x151: {  	[tilespmem:s12], [sflag:$0x1] =	stream.strided.gather [hbm4b:s4+s13], $0x0, s14, s13, $0x38;
	(v2sf) =	vpush v1, $0xD;
	[tilespmem:$0x19A80] =	vst v63  }
0x152: {  	s16 =	sadd.s32 s8, s16;
	s15 =	sadd.s32 $0xE40, s25;
	s30 =	sand.u32 $0x1FFFFFF0, s0  }
0x153: {  	[tilespmem:s12], [sflag:$0x1] =	stream.linear.gather [hbm4b:s4+s2], $0x20, $0x38;
	(v2sf) =	vpush v0, $0xD;
	[tilespmem:$0x19A80] =	vst v63  }
0x154: {  	s0 =	spop (v2sf)  }
0x155: {  	[tilespmem:s15], [sflag:$0x1] =	stream.strided.gather [hbm4b:s16+s13], $0x0, s14, s13, $0x38;
	[tilespmem:$0x19A80] =	vst v63  }
0x156: {  	s19 =	sadd.s32 s7, s17;
	s12 =	sadd.s32 $0xE80, s25;
	s17 =	sand.u32 $0x1FFFFFF0, s0  }
0x157: {  	[tilespmem:s15], [sflag:$0x1] =	stream.linear.gather [hbm4b:s16+s2], $0x20, $0x38;
	(v2sf) =	vpush v2, $0xE;
	[tilespmem:$0x19A80] =	vst v63  }
0x158: {  	s4 =	spop (v2sf)  }
0x159: {  	[tilespmem:s12], [sflag:$0x1] =	stream.strided.gather [hbm4b:s19+s13], $0x0, s14, s13, $0x38;
	(v2sf) =	vpush v1, $0xE;
	[tilespmem:$0x19A80] =	vst v63  }
0x15a: {  	s10 =	sadd.s32 s1, s10;
	s15 =	sadd.s32 $0xEA0, s25;
	s0 =	spop (v2sf)  }
0x15b: {  	[tilespmem:s12], [sflag:$0x1] =	stream.linear.gather [hbm4b:s19+s2], $0x20, $0x38;
	[tilespmem:$0x19A80] =	vst v63  }
0x15c: {  	s0 =	sand.u32 $0x1FFFFFF0, s0;
	s12 =	spop (v2sf)  }
0x15d: {  	[tilespmem:s15], [sflag:$0x1] =	stream.strided.gather [hbm4b:s10+s13], $0x0, s14, s13, $0x38;
	(v2sf) =	vpush v0, $0xE;
	[tilespmem:$0x19A80] =	vst v63  }
0x15e: {  	s16 =	sadd.s32 $0xEC0, s25;
	s19 =	sadd.s32 s8, s3;
	s3 =	sand.u32 $0x1FFFFFF0, s12  }
0x15f: {  	[tilespmem:s15], [sflag:$0x1] =	stream.linear.gather [hbm4b:s10+s2], $0x20, $0x38;
	[tilespmem:$0x19A80] =	vst v63  }
0x160: {  	s10 =	spop (v2sf)  }
0x161: {  	[tilespmem:s16], [sflag:$0x1] =	stream.strided.gather [hbm4b:s19+s13], $0x0, s14, s13, $0x38;
	(v2sf) =	vpush v2, $0xF;
	[tilespmem:$0x19A80] =	vst v63  }
0x162: {  	s12 =	sadd.s32 $0xF00, s25;
	s15 =	sadd.s32 s7, s9;
	s18 =	spop (v2sf)  }
0x163: {  	[tilespmem:s16], [sflag:$0x1] =	stream.linear.gather [hbm4b:s19+s2], $0x20, $0x38;
	[tilespmem:$0x19A80] =	vst v63  }
0x164: {  	s6 =	sand.u32 $0x1FFFFFF0, s6;
	s9 =	sand.u32 $0x1FFFFFF0, s10;
	s16 =	sand.u32 $0x1FFFFFF0, s18  }
0x165: {  	[tilespmem:s12], [sflag:$0x1] =	stream.strided.gather [hbm4b:s15+s13], $0x0, s14, s13, $0x38;
	(v2sf) =	vpush v1, $0xF;
	[tilespmem:$0x19A80] =	vst v63  }
0x166: {  	s10 =	sadd.s32 $0xF20, s25;
	s18 =	sadd.s32 s1, s6;
	s6 =	spop (v2sf)  }
0x167: {  	[tilespmem:s12], [sflag:$0x1] =	stream.linear.gather [hbm4b:s15+s2], $0x20, $0x38;
	[tilespmem:$0x19A80] =	vst v63  }
0x168: {  	s6 =	sand.u32 $0x1FFFFFF0, s6;
	s12 =	spop (v2sf)  }
0x169: {  	[tilespmem:s10], [sflag:$0x1] =	stream.strided.gather [hbm4b:s18+s13], $0x0, s14, s13, $0x38;
	(v2sf) =	vpush v0, $0xF;
	[tilespmem:$0x19A80] =	vst v63  }
0x16a: {  	s19 =	sadd.s32 s8, s11;
	s15 =	sadd.s32 $0xF40, s25;
	s11 =	sand.u32 $0x1FFFFFF0, s12  }
0x16b: {  	[tilespmem:s10], [sflag:$0x1] =	stream.linear.gather [hbm4b:s18+s2], $0x20, $0x38;
	[tilespmem:$0x19A80] =	vst v63  }
0x16c: {  	s10 =	spop (v2sf)  }
0x16d: {  	[tilespmem:s15], [sflag:$0x1] =	stream.strided.gather [hbm4b:s19+s13], $0x0, s14, s13, $0x38;
	[tilespmem:$0x19A80] =	vst v63  }
0x16e: {  	s12 =	sadd.s32 $0xF80, s25;
	s18 =	sadd.s32 s7, s31;
	s31 =	sand.u32 $0x1FFFFFF0, s10  }
0x16f: {  	[tilespmem:s15], [sflag:$0x1] =	stream.linear.gather [hbm4b:s19+s2], $0x20, $0x38;
	[tilespmem:$0x19A80] =	vst v63  }
0x170: {  	s10 =	spop (v2sf)  }
0x171: {  	[tilespmem:s12], [sflag:$0x1] =	stream.strided.gather [hbm4b:s18+s13], $0x0, s14, s13, $0x38;
	[tilespmem:$0x19A80] =	vst v63  }
0x172: {  	s15 =	sadd.s32 $0xFA0, s25;
	s19 =	sadd.s32 s1, s5;
	s5 =	sand.u32 $0x1FFFFFF0, s10  }
0x173: {  	[tilespmem:s12], [sflag:$0x1] =	stream.linear.gather [hbm4b:s18+s2], $0x20, $0x38;
	[tilespmem:$0x19A80] =	vst v63  }
0x174: {  	s10 =	spop (v2sf)  }
0x175: {  	[tilespmem:s15], [sflag:$0x1] =	stream.strided.gather [hbm4b:s19+s13], $0x0, s14, s13, $0x38;
	[tilespmem:$0x19A80] =	vst v63  }
0x176: {  	s12 =	sadd.s32 $0xFC0, s25;
	s18 =	sadd.s32 s8, s28;
	s28 =	sand.u32 $0x1FFFFFF0, s10  }
0x177: {  	[tilespmem:s15], [sflag:$0x1] =	stream.linear.gather [hbm4b:s19+s2], $0x20, $0x38;
	[tilespmem:$0x19A80] =	vst v63  }
0x178: {  	s10 =	spop (v2sf)  }
0x179: {  	[tilespmem:s12], [sflag:$0x1] =	stream.strided.gather [hbm4b:s18+s13], $0x0, s14, s13, $0x38;
	[tilespmem:$0x19A80] =	vst v63  }
0x17a: {  	s15 =	sadd.s32 $0x1000, s25;
	s19 =	sadd.s32 s7, s26;
	s10 =	sand.u32 $0x1FFFFFF0, s10  }
0x17b: {  	[tilespmem:s12], [sflag:$0x1] =	stream.linear.gather [hbm4b:s18+s2], $0x20, $0x38;
	[tilespmem:$0x19A80] =	vst v63  }
0x17c: {  	s26 =	sadd.s32 s8, s10  }
0x17d: {  	[tilespmem:s15], [sflag:$0x1] =	stream.strided.gather [hbm4b:s19+s13], $0x0, s14, s13, $0x38;
	[tilespmem:$0x19A80] =	vst v63  }
0x17e: {  	s10 =	sadd.s32 $0x1020, s25;
	s12 =	sadd.s32 s1, s29  }
0x17f: {  	[tilespmem:s15], [sflag:$0x1] =	stream.linear.gather [hbm4b:s19+s2], $0x20, $0x38;
	[tilespmem:$0x19A80] =	vst v63  }
0x180: {  	_ = 	snop  }
0x181: {  	[tilespmem:s10], [sflag:$0x1] =	stream.strided.gather [hbm4b:s12+s13], $0x0, s14, s13, $0x38;
	[tilespmem:$0x19A80] =	vst v63  }
0x182: {  	s18 =	sadd.s32 s8, s30;
	s15 =	sadd.s32 $0x1040, s25  }
0x183: {  	[tilespmem:s10], [sflag:$0x1] =	stream.linear.gather [hbm4b:s12+s2], $0x20, $0x38;
	[tilespmem:$0x19A80] =	vst v63  }
0x184: {  	_ = 	snop  }
0x185: {  	[tilespmem:s15], [sflag:$0x1] =	stream.strided.gather [hbm4b:s18+s13], $0x0, s14, s13, $0x38;
	[tilespmem:$0x19A80] =	vst v63  }
0x186: {  	s10 =	sadd.s32 $0x1080, s25;
	s12 =	sadd.s32 s7, s17  }
0x187: {  	[tilespmem:s15], [sflag:$0x1] =	stream.linear.gather [hbm4b:s18+s2], $0x20, $0x38;
	[tilespmem:$0x19A80] =	vst v63  }
0x188: {  	s4 =	sand.u32 $0x1FFFFFF0, s4  }
0x189: {  	[tilespmem:s10], [sflag:$0x1] =	stream.strided.gather [hbm4b:s12+s13], $0x0, s14, s13, $0x38;
	[tilespmem:$0x19A80] =	vst v63  }
0x18a: {  	s4 =	sadd.s32 s1, s4;
	s15 =	sadd.s32 $0x10A0, s25  }
0x18b: {  	[tilespmem:s10], [sflag:$0x1] =	stream.linear.gather [hbm4b:s12+s2], $0x20, $0x38;
	[tilespmem:$0x19A80] =	vst v63  }
0x18c: {  	_ = 	snop  }
0x18d: {  	[tilespmem:s15], [sflag:$0x1] =	stream.strided.gather [hbm4b:s4+s13], $0x0, s14, s13, $0x38;
	[tilespmem:$0x19A80] =	vst v63  }
0x18e: {  	s0 =	sadd.s32 s8, s0;
	s10 =	sadd.s32 $0x10C0, s25  }
0x18f: {  	[tilespmem:s15], [sflag:$0x1] =	stream.linear.gather [hbm4b:s4+s2], $0x20, $0x38;
	[tilespmem:$0x19A80] =	vst v63  }
0x190: {  	_ = 	snop  }
0x191: {  	[tilespmem:s10], [sflag:$0x1] =	stream.strided.gather [hbm4b:s0+s13], $0x0, s14, s13, $0x38;
	[tilespmem:$0x19A80] =	vst v63  }
0x192: {  	s3 =	sadd.s32 s7, s3;
	s4 =	sadd.s32 $0x1100, s25  }
0x193: {  	[tilespmem:s10], [sflag:$0x1] =	stream.linear.gather [hbm4b:s0+s2], $0x20, $0x38;
	[tilespmem:$0x19A80] =	vst v63  }
0x194: {  	_ = 	snop  }
0x195: {  	[tilespmem:s4], [sflag:$0x1] =	stream.strided.gather [hbm4b:s3+s13], $0x0, s14, s13, $0x38;
	[tilespmem:$0x19A80] =	vst v63  }
0x196: {  	s9 =	sadd.s32 s1, s9;
	s0 =	sadd.s32 $0x1120, s25  }
0x197: {  	[tilespmem:s4], [sflag:$0x1] =	stream.linear.gather [hbm4b:s3+s2], $0x20, $0x38;
	[tilespmem:$0x19A80] =	vst v63  }
0x198: {  	_ = 	snop  }
0x199: {  	[tilespmem:s0], [sflag:$0x1] =	stream.strided.gather [hbm4b:s9+s13], $0x0, s14, s13, $0x38;
	[tilespmem:$0x19A80] =	vst v63  }
0x19a: {  	s3 =	sadd.s32 $0x1140, s25;
	s4 =	sadd.s32 s8, s16  }
0x19b: {  	[tilespmem:s0], [sflag:$0x1] =	stream.linear.gather [hbm4b:s9+s2], $0x20, $0x38;
	[tilespmem:$0x19A80] =	vst v63  }
0x19c: {  	_ = 	snop  }
0x19d: {  	[tilespmem:s3], [sflag:$0x1] =	stream.strided.gather [hbm4b:s4+s13], $0x0, s14, s13, $0x38;
	[tilespmem:$0x19A80] =	vst v63  }
0x19e: {  	s6 =	sadd.s32 s7, s6;
	s0 =	sadd.s32 $0x1180, s25  }
0x19f: {  	[tilespmem:s3], [sflag:$0x1] =	stream.linear.gather [hbm4b:s4+s2], $0x20, $0x38;
	[tilespmem:$0x19A80] =	vst v63  }
0x1a0: {  	_ = 	snop  }
0x1a1: {  	[tilespmem:s0], [sflag:$0x1] =	stream.strided.gather [hbm4b:s6+s13], $0x0, s14, s13, $0x38;
	[tilespmem:$0x19A80] =	vst v63  }
0x1a2: {  	s3 =	sadd.s32 $0x11A0, s25;
	s4 =	sadd.s32 s1, s11  }
0x1a3: {  	[tilespmem:s0], [sflag:$0x1] =	stream.linear.gather [hbm4b:s6+s2], $0x20, $0x38;
	[tilespmem:$0x19A80] =	vst v63  }
0x1a4: {  	_ = 	snop  }
0x1a5: {  	[tilespmem:s3], [sflag:$0x1] =	stream.strided.gather [hbm4b:s4+s13], $0x0, s14, s13, $0x38;
	[tilespmem:$0x19A80] =	vst v63  }
0x1a6: {  	s0 =	sadd.s32 $0x11C0, s25;
	s6 =	sadd.s32 s8, s31  }
0x1a7: {  	[tilespmem:s3], [sflag:$0x1] =	stream.linear.gather [hbm4b:s4+s2], $0x20, $0x38;
	[tilespmem:$0x19A80] =	vst v63  }
0x1a8: {  	_ = 	snop  }
0x1a9: {  	[tilespmem:s0], [sflag:$0x1] =	stream.strided.gather [hbm4b:s6+s13], $0x0, s14, s13, $0x38;
	[tilespmem:$0x19A80] =	vst v63  }
0x1aa: {  	s5 =	sadd.s32 s7, s5;
	s4 =	sadd.s32 $0x1200, s25  }
0x1ab: {  	[tilespmem:s0], [sflag:$0x1] =	stream.linear.gather [hbm4b:s6+s2], $0x20, $0x38;
	[tilespmem:$0x19A80] =	vst v63  }
0x1ac: {  	_ = 	snop  }
0x1ad: {  	[tilespmem:s4], [sflag:$0x1] =	stream.strided.gather [hbm4b:s5+s13], $0x0, s14, s13, $0x38;
	[tilespmem:$0x19A80] =	vst v63  }
.Ltmp0:
0x1ae: {  	s3 =	sadd.s32 s1, s28;
	s0 =	sadd.s32 $0x1220, s25;
	(pc) =	sbr.rel @p0 .LBB2_3-.Ltmp0, $4  }
0x1af: {  	[tilespmem:s4], [sflag:$0x1] =	stream.linear.gather [hbm4b:s5+s2], $0x20, $0x38;
	[tilespmem:$0x19A80] =	vst v63  }
0x1b0: {  	_ = 	snop  }
0x1b1: {  	[tilespmem:s0], [sflag:$0x1] =	stream.strided.gather [hbm4b:s3+s13], $0x0, s14, s13, $0x38;
	[tilespmem:$0x19A80] =	vst v63  }
0x1b2: {  	s21 =	sadd.s32 $0x10, s21;
	s22 =	sadd.s32 $0x10, s22;
	s23 =	sadd.s32 $0x10, s23  }
0x1b3: {  	[tilespmem:s0], [sflag:$0x1] =	stream.linear.gather [hbm4b:s3+s2], $0x20, $0x38;
	[tilespmem:$0x19A80] =	vst v63  }
0x1b4: {  	_ = 	snop  }
0x1b5: {  	[tilespmem:s24], [sflag:$0x1] =	stream.strided.gather [hbm4b:s26+s13], $0x0, s14, s13, $0x38;
	[tilespmem:$0x19A80] =	vst v63  }
0x1b6: {  	_ = 	snop  }
0x1b7: {  	[tilespmem:s24], [sflag:$0x1] =	stream.linear.gather [hbm4b:s26+s2], $0x20, $0x38;
	[tilespmem:$0x19A80] =	vst v63  }
0x1b8: {  	s26 =	simm.s32 $0x1  }
0x1b9: {  	_ =	swait.ge [sflag:s26], $0x12C00  }
0x1ba: {  	s30 =	simm.s32 $0xA80;
	s28 =	rddreg [dreg:$0xb]  }
0x1bb: {  	[sflag:s26] =	ssyncset.done $0x0;
	s29 =	rddreg [dreg:$0x6];
	s0 =	sshll.u32 s28, $0x4  }
0x1bc: {  	s6 =	simm.s32 $0x2;
	[sflag:s26] =	ssyncadd.s32 $0xFFFED400;
	s0 =	sadd.s32 s29, s0  }
0x1bd: {  	[hbm4b:s0+s2] =	stream.linear.scatter [tilespmem:s30], [sflag:$0x2], $0x19000, $0x38;
	[tilespmem:$0x19A80] =	vst v63  }
0x1be: {  	_ =	swait.ge [sflag:s6], $0x19000  }
0x1bf: {  	s31 =	rddreg [dreg:$0xa]  }
0x1c0: {  	s0 =	sadd.s32 $0x1, s31  }
0x1c1: {  	p0 =	sne.s32 s0, $0x8  }
.Ltmp1:
0x1c2: {  	_ = 	snop;
	(pc) =	sbr.rel @p0 .LBB2_2-.Ltmp1, $3  }
0x1c3: {  	_ =	sdelay $0x1  }
0x1c4: {  	[sflag:s6] =	ssyncset.done $0x0  }
0x1c5: {  	[sflag:s6] =	ssyncadd.s32 $0xFFFE7000  }
0x1c6: {  	s3 =	rddreg [dreg:$0x9]  }
0x1c7: {  	s0 =	rddreg [dreg:$0x8];
	s3 =	sadd.s32 $0x1, s3  }
0x1c8: {  	p0 =	sne.s32 s3, s0  }
.Ltmp2:
0x1c9: {  	_ = 	snop;
	(pc) =	sbr.rel @p0 .LBB2_1-.Ltmp2, $1  }
0x1ca: {  	_ =	sdelay $0x3  }
0x1cb: {  	_ =	sfence.sel $0x180000  }
0x1cc: {  	[bflag:$0x0] =	sbarrier.arrive $0xFFFF  }
0x1cd: {  	_ =	strace $0x9000004A  }
0x1ce: {  	s0 =	stileid.u32;
	[bflag:$0x2] =	sbarrier.arrive $0xFFFF  }
0x1cf: {  	p0 =	sne.s32 s0, $0x0;
	s0 =	rddreg [dreg:$0x2]  }
0x1d0: {  	s0 =	sadd.s32 @!p0 $0x100000, s0  }
0x1d1: {  	[sflag:s0] =	ssyncadd.tile.s32 @!p0 $0x1;
	_ =	shalt  }
.Lfunc_end2:
_tile_overlayer_lowered:
.L_overlay_start_2:
0x1d2: {  	(tag) =	ssettag $0x2  }
0x1d3: {  	s0 =	rddreg [dreg:$0x0];
	s2 =	stileid.u32  }
0x1d4: {  	s1 =	rddreg [dreg:$0x1];
	p0 =	sne.s32 s2, $0x0  }
0x1d5: {  	s3 =	rddreg [dreg:$0x2];
	[bflag:$0x3] =	sbarrier.arrive $0xFFFF;
	s2 =	simm.s32 @!p0 $0x1C02  }
0x1d6: {  	[timem:s3], [sflag:s2] =	dma.local @!p0 [hbm:s0], s1  }
0x1d7: {  	s0 =	simm.s32 @!p0 $0x2  }
0x1d8: {  	_ =	swait.ge @!p0 [sflag:s0], s1  }
0x1d9: {  	s1 =	ssub.s32 @!p0 $0x0, s1;
	[sflag:s0] =	ssyncset.done @!p0 $0x0  }
0x1da: {  	[sflag:s0] =	ssyncadd.s32 @!p0 s1  }
0x1db: {  	[bflag:$0x3] =	sbarrier.arrive $0xFFFF  }
0x1dc: {  	_ =	shalt  }

</sc_bundles>
